<compile_context>
chip_gen: v7x
topology: tpu7x:2x2x1
jax: 0.10.2.dev20260603
libtpu: 0.0.44.dev20260713+nightly
codegen_flags: <defaults>
</compile_context>

<pallas_src>
import functools
import math

import jax
import jax.numpy as jnp
from jax import lax
from jax.experimental import pallas as pl
from jax.experimental.pallas import tpu as pltpu
from jax.experimental.pallas import tpu_sc as plsc

_PC = 4


def _make_emb_kernel(P, Q, D, NC, NS):
    NW = NC * NS
    QT = Q // 128
    assert QT == NW
    DT = D // 8
    tok_per_w = 128 * P
    row_out = DT * QT * 8 * 128
    run = 8 * 128
    NCH = P // _PC
    assert NCH % 2 == 0
    mesh = plsc.VectorSubcoreMesh(core_axis_name="c", subcore_axis_name="s")
    scale = math.sqrt(D)

    @functools.partial(
        pl.kernel,
        mesh=mesh,
        compiler_params=pltpu.CompilerParams(
            use_tc_tiling_on_sc=False,
            needs_layout_passes=False,
            disable_bounds_checks=True,
        ),
        out_type=jax.ShapeDtypeStruct((P, row_out), jnp.float32),
        scratch_types=[
            pltpu.VMEM((tok_per_w,), jnp.int32),
            pltpu.VMEM((2, _PC * 128), jnp.int32),
            pltpu.VMEM((2, _PC * 128, D), jnp.float32),
            pltpu.VMEM((2, _PC, D * 128), jnp.float32),
            [pltpu.SemaphoreType.DMA] * 2,
            [pltpu.SemaphoreType.DMA] * 2,
        ],
    )
    def emb(ids_hbm, table_hbm, out_hbm, idsb, idx_v, rows_v, tp_v, gsem, wsem):
        w = lax.axis_index("s") * NC + lax.axis_index("c")

        pltpu.sync_copy(ids_hbm.at[pl.ds(w * tok_per_w, tok_per_w)], idsb)

        iota = lax.iota(jnp.int32, 16)
        iotaP = iota * P
        iota128 = iota * 128

        def build_idx_and_gather(c, b):
            for h in range(_PC):
                for j in range(8):
                    vals = plsc.load_gather(
                        idsb, [iotaP + (16 * j * P + (_PC * c + h))]
                    )
                    idx_v[b, pl.ds(h * 128 + 16 * j, 16)] = vals
            pltpu.async_copy(table_hbm.at[idx_v.at[b]], rows_v.at[b], gsem[b])

        def wait_gather(b):
            pltpu.make_async_copy(
                table_hbm.at[idx_v.at[b]], rows_v.at[b], gsem[b]
            ).wait()

        def transpose_scale(b):
            for h in range(_PC):
                tpb = tp_v.at[b, h]

                @plsc.parallel_loop(0, 128, unroll=8, carry=iota128)
                def _(t, a0):
                    for j in range(2):
                        v = rows_v[b, h * 128 + t, pl.ds(16 * j, 16)] * scale
                        plsc.store_scatter(tpb, [a0 + (2048 * j)], v)
                    return a0 + 1

        def issue_writeback(c, b):
            for h in range(_PC):
                for r in range(DT):
                    pltpu.async_copy(
                        tp_v.at[b, h, pl.ds(r * run, run)],
                        out_hbm.at[
                            _PC * c + h, pl.ds(r * (QT * run) + w * run, run)
                        ],
                        wsem[b],
                    )

        def wait_writeback(b):
            pltpu.make_async_copy(
                tp_v.at[b], out_hbm.at[0, pl.ds(0, _PC * D * 128)], wsem[b]
            ).wait()

        build_idx_and_gather(0, 0)

        @pl.loop(0, NCH, step=2)
        def _(co):
            for b in range(2):
                c = co + b
                wait_gather(b)
                if b == 0:
                    build_idx_and_gather(c + 1, 1)
                else:

                    @pl.when(co < NCH - 2)
                    def _():
                        build_idx_and_gather(c + 1, 0)

                @pl.when(co > 0)
                def _():
                    wait_writeback(b)

                transpose_scale(b)
                issue_writeback(c, b)

        wait_writeback(0)
        wait_writeback(1)

    return emb


def kernel(token_ids, embedding_weight):
    Q, P = token_ids.shape
    V, D = embedding_weight.shape
    info = plsc.get_sparse_core_info()
    NC, NS = info.num_cores, info.num_subcores
    NW = NC * NS
    flat_ids = token_ids.reshape(Q * P).astype(jnp.int32)
    emb = _make_emb_kernel(P, Q, D, NC, NS)
    out2 = emb(flat_ids, embedding_weight)
    out5 = out2.reshape(P, D // 8, NW, 8, 128)
    return out5.transpose(2, 4, 0, 1, 3).reshape(Q, P, D)

# --- scband reference (transcript-rebuilt; emitter-appended) ---
"""Pipeline reference for scband-token-embedding-33105607917981 (READ-ONLY COPY).

The authoritative reference and input builder live on the scoring server;
editing this copy changes nothing except your own understanding.
"""

import jax, jax.numpy as jnp
import numpy as np
import math

VOCAB = 1000000
D_MODEL = 32

def setup_inputs(seed: int = 0) -> dict:
    key = jax.random.key(seed)
    k_idx, k_w = jax.random.split(key)
    token_ids = jax.random.randint(k_idx, (4096, 200), 0, VOCAB, dtype=jnp.int64 if jax.config.jax_enable_x64 else jnp.int32)
    # nn.init.normal_(weight, mean=0.0, std=1/sqrt(d_model))
    embedding_weight = jax.random.normal(k_w, (VOCAB, D_MODEL), dtype=jnp.float32) * (1.0 / math.sqrt(D_MODEL))
    return {"token_ids": token_ids, "embedding_weight": embedding_weight}

def reference(token_ids, embedding_weight):
    # embeddings = Embedding(token_ids); return embeddings * sqrt(d_model)
    emb = jnp.take(embedding_weight, token_ids, axis=0)
    return emb * math.sqrt(D_MODEL)

if __name__ == "__main__":
    import jax
    _d = setup_inputs()
    print(jax.jit(kernel)(*tuple(_d.values())))

</pallas_src>

<mosaic_0001>
#map = affine_map<(d0, d1) -> (0)>
#map1 = affine_map<(d0, d1) -> (0, 0)>
module attributes {stable_mosaic.version = 14 : i64} {
  func.func @emb(%arg0: i32, %arg1: i32, %arg2: memref<819200xi32, #tpu.memory_space<hbm>>, %arg3: memref<1000000x32xf32, #tpu.memory_space<hbm>>, %arg4: memref<200x131072xf32, #tpu.memory_space<hbm>>, %arg5: memref<25600xi32, #tpu.memory_space<vmem>>, %arg6: memref<2x512xi32, #tpu.memory_space<vmem>>, %arg7: memref<2x512x32xf32, #tpu.memory_space<vmem>>, %arg8: memref<2x4x4096xf32, #tpu.memory_space<vmem>>, %arg9: memref<!tpu.dma_semaphore, #tpu.memory_space<semaphore_mem>>, %arg10: memref<!tpu.dma_semaphore, #tpu.memory_space<semaphore_mem>>, %arg11: memref<!tpu.dma_semaphore, #tpu.memory_space<semaphore_mem>>, %arg12: memref<!tpu.dma_semaphore, #tpu.memory_space<semaphore_mem>>) attributes {dimension_semantics = [#tpu.dimension_semantics<core_parallel>, #tpu.dimension_semantics<subcore_parallel>], iteration_bounds = array<i64: 2, 16>, scalar_prefetch = 0 : i64, scratch_operands = 8 : i64, tpu.core_type = #tpu.core_type<sc_vector_subcore>, window_params = [{transform_indices = #map}, {transform_indices = #map1}, {transform_indices = #map1}]} {
    %mul3A = arith.constant 2 : i32
    %mul3A_0 = arith.muli %arg1, %mul3A : i32
    %add3A = arith.addi %mul3A_0, %arg0 : i32
    %mul3A_1 = arith.constant 25600 : i32
    %mul3A_2 = arith.muli %add3A, %mul3A_1 : i32
    "tpu.region"() ({
      %run_scoped3A = tpu.sem_alloc : memref<!tpu.dma_semaphore, #tpu.memory_space<semaphore_mem>>
      %dma_start3A_309 = tpu.memref_slice %arg2[%mul3A_2] : memref<819200xi32, #tpu.memory_space<hbm>> -> memref<25600xi32, #tpu.memory_space<hbm>>
      %dma_start3A_310 = tpu.memref_slice %arg2[%mul3A_2] : memref<819200xi32, #tpu.memory_space<hbm>> -> memref<25600xi32, #tpu.memory_space<hbm>>
      tpu.enqueue_dma source(%dma_start3A_310 : memref<25600xi32, #tpu.memory_space<hbm>>) target(%arg5 : memref<25600xi32, #tpu.memory_space<vmem>>) target_semaphore(%run_scoped3A : memref<!tpu.dma_semaphore, #tpu.memory_space<semaphore_mem>>)
      %dma_wait3A_311 = tpu.memref_slice %arg2[%mul3A_2] : memref<819200xi32, #tpu.memory_space<hbm>> -> memref<25600xi32, #tpu.memory_space<hbm>>
      %dma_wait3A_312 = tpu.memref_slice %arg2[%mul3A_2] : memref<819200xi32, #tpu.memory_space<hbm>> -> memref<25600xi32, #tpu.memory_space<hbm>>
      tpu.wait_dma2 semaphore(%run_scoped3A : memref<!tpu.dma_semaphore, #tpu.memory_space<semaphore_mem>>) src(%dma_wait3A_312 : memref<25600xi32, #tpu.memory_space<hbm>>) dst(%arg5 : memref<25600xi32, #tpu.memory_space<vmem>>)
      tpu.yield
    }) : () -> ()
    %iota3A = tpu.iota {dimensions = array<i32: 0>} : vector<16xi32>
    %mul3A_3 = arith.constant 200 : i32
    %mul3A_4 = vector.broadcast %mul3A_3 : i32 to vector<16xi32>
    %mul3A_5 = arith.muli %iota3A, %mul3A_4 : vector<16xi32>
    %mul3A_6 = arith.constant 128 : i32
    %mul3A_7 = vector.broadcast %mul3A_6 : i32 to vector<16xi32>
    %mul3A_8 = arith.muli %iota3A, %mul3A_7 : vector<16xi32>
    %add3A_9 = arith.constant 0 : i32
    %add3A_10 = vector.broadcast %add3A_9 : i32 to vector<16xi32>
    %add3A_11 = arith.addi %mul3A_5, %add3A_10 : vector<16xi32>
    %gather3A = tpu.vector_load_idx %arg5[%add3A_11] : memref<25600xi32, #tpu.memory_space<vmem>>[vector<16xi32>], vector<16xi32>,
    %swap3A = arith.constant 0 : i32
    %swap3A_12 = arith.index_cast %swap3A : i32 to index
    %swap3A_13 = arith.constant 0 : index
    %swap3A_14 = tpu.vector_load %arg6[%swap3A_12, %swap3A_13] {strides = array<i32>} : memref<2x512xi32, #tpu.memory_space<vmem>>, vector<16xi32>,
    tpu.vector_store %arg6[%swap3A_12, %swap3A_13], %gather3A {strides = array<i32>} : memref<2x512xi32, #tpu.memory_space<vmem>>, vector<16xi32>,
    %add3A_15 = arith.constant 3200 : i32
    %add3A_16 = vector.broadcast %add3A_15 : i32 to vector<16xi32>
    %add3A_17 = arith.addi %mul3A_5, %add3A_16 : vector<16xi32>
    %gather3A_18 = tpu.vector_load_idx %arg5[%add3A_17] : memref<25600xi32, #tpu.memory_space<vmem>>[vector<16xi32>], vector<16xi32>,
    %swap3A_19 = arith.constant 0 : i32
    %swap3A_20 = arith.index_cast %swap3A_19 : i32 to index
    %swap3A_21 = arith.constant 16 : index
    %swap3A_22 = tpu.vector_load %arg6[%swap3A_20, %swap3A_21] {strides = array<i32>} : memref<2x512xi32, #tpu.memory_space<vmem>>, vector<16xi32>,
    tpu.vector_store %arg6[%swap3A_20, %swap3A_21], %gather3A_18 {strides = array<i32>} : memref<2x512xi32, #tpu.memory_space<vmem>>, vector<16xi32>,
    %add3A_23 = arith.constant 6400 : i32
    %add3A_24 = vector.broadcast %add3A_23 : i32 to vector<16xi32>
    %add3A_25 = arith.addi %mul3A_5, %add3A_24 : vector<16xi32>
    %gather3A_26 = tpu.vector_load_idx %arg5[%add3A_25] : memref<25600xi32, #tpu.memory_space<vmem>>[vector<16xi32>], vector<16xi32>,
    %swap3A_27 = arith.constant 0 : i32
    %swap3A_28 = arith.index_cast %swap3A_27 : i32 to index
    %swap3A_29 = arith.constant 32 : index
    %swap3A_30 = tpu.vector_load %arg6[%swap3A_28, %swap3A_29] {strides = array<i32>} : memref<2x512xi32, #tpu.memory_space<vmem>>, vector<16xi32>,
    tpu.vector_store %arg6[%swap3A_28, %swap3A_29], %gather3A_26 {strides = array<i32>} : memref<2x512xi32, #tpu.memory_space<vmem>>, vector<16xi32>,
    %add3A_31 = arith.constant 9600 : i32
    %add3A_32 = vector.broadcast %add3A_31 : i32 to vector<16xi32>
    %add3A_33 = arith.addi %mul3A_5, %add3A_32 : vector<16xi32>
    %gather3A_34 = tpu.vector_load_idx %arg5[%add3A_33] : memref<25600xi32, #tpu.memory_space<vmem>>[vector<16xi32>], vector<16xi32>,
    %swap3A_35 = arith.constant 0 : i32
    %swap3A_36 = arith.index_cast %swap3A_35 : i32 to index
    %swap3A_37 = arith.constant 48 : index
    %swap3A_38 = tpu.vector_load %arg6[%swap3A_36, %swap3A_37] {strides = array<i32>} : memref<2x512xi32, #tpu.memory_space<vmem>>, vector<16xi32>,
    tpu.vector_store %arg6[%swap3A_36, %swap3A_37], %gather3A_34 {strides = array<i32>} : memref<2x512xi32, #tpu.memory_space<vmem>>, vector<16xi32>,
    %add3A_39 = arith.constant 12800 : i32
    %add3A_40 = vector.broadcast %add3A_39 : i32 to vector<16xi32>
    %add3A_41 = arith.addi %mul3A_5, %add3A_40 : vector<16xi32>
    %gather3A_42 = tpu.vector_load_idx %arg5[%add3A_41] : memref<25600xi32, #tpu.memory_space<vmem>>[vector<16xi32>], vector<16xi32>,
    %swap3A_43 = arith.constant 0 : i32
    %swap3A_44 = arith.index_cast %swap3A_43 : i32 to index
    %swap3A_45 = arith.constant 64 : index
    %swap3A_46 = tpu.vector_load %arg6[%swap3A_44, %swap3A_45] {strides = array<i32>} : memref<2x512xi32, #tpu.memory_space<vmem>>, vector<16xi32>,
    tpu.vector_store %arg6[%swap3A_44, %swap3A_45], %gather3A_42 {strides = array<i32>} : memref<2x512xi32, #tpu.memory_space<vmem>>, vector<16xi32>,
    %add3A_47 = arith.constant 16000 : i32
    %add3A_48 = vector.broadcast %add3A_47 : i32 to vector<16xi32>
    %add3A_49 = arith.addi %mul3A_5, %add3A_48 : vector<16xi32>
    %gather3A_50 = tpu.vector_load_idx %arg5[%add3A_49] : memref<25600xi32, #tpu.memory_space<vmem>>[vector<16xi32>], vector<16xi32>,
    %swap3A_51 = arith.constant 0 : i32
    %swap3A_52 = arith.index_cast %swap3A_51 : i32 to index
    %swap3A_53 = arith.constant 80 : index
    %swap3A_54 = tpu.vector_load %arg6[%swap3A_52, %swap3A_53] {strides = array<i32>} : memref<2x512xi32, #tpu.memory_space<vmem>>, vector<16xi32>,
    tpu.vector_store %arg6[%swap3A_52, %swap3A_53], %gather3A_50 {strides = array<i32>} : memref<2x512xi32, #tpu.memory_space<vmem>>, vector<16xi32>,
    %add3A_55 = arith.constant 19200 : i32
    %add3A_56 = vector.broadcast %add3A_55 : i32 to vector<16xi32>
    %add3A_57 = arith.addi %mul3A_5, %add3A_56 : vector<16xi32>
    %gather3A_58 = tpu.vector_load_idx %arg5[%add3A_57] : memref<25600xi32, #tpu.memory_space<vmem>>[vector<16xi32>], vector<16xi32>,
    %swap3A_59 = arith.constant 0 : i32
    %swap3A_60 = arith.index_cast %swap3A_59 : i32 to index
    %swap3A_61 = arith.constant 96 : index
    %swap3A_62 = tpu.vector_load %arg6[%swap3A_60, %swap3A_61] {strides = array<i32>} : memref<2x512xi32, #tpu.memory_space<vmem>>, vector<16xi32>,
    tpu.vector_store %arg6[%swap3A_60, %swap3A_61], %gather3A_58 {strides = array<i32>} : memref<2x512xi32, #tpu.memory_space<vmem>>, vector<16xi32>,
    %add3A_63 = arith.constant 22400 : i32
    %add3A_64 = vector.broadcast %add3A_63 : i32 to vector<16xi32>
    %add3A_65 = arith.addi %mul3A_5, %add3A_64 : vector<16xi32>
    %gather3A_66 = tpu.vector_load_idx %arg5[%add3A_65] : memref<25600xi32, #tpu.memory_space<vmem>>[vector<16xi32>], vector<16xi32>,
    %swap3A_67 = arith.constant 0 : i32
    %swap3A_68 = arith.index_cast %swap3A_67 : i32 to index
    %swap3A_69 = arith.constant 112 : index
    %swap3A_70 = tpu.vector_load %arg6[%swap3A_68, %swap3A_69] {strides = array<i32>} : memref<2x512xi32, #tpu.memory_space<vmem>>, vector<16xi32>,
    tpu.vector_store %arg6[%swap3A_68, %swap3A_69], %gather3A_66 {strides = array<i32>} : memref<2x512xi32, #tpu.memory_space<vmem>>, vector<16xi32>,
    %add3A_71 = arith.constant 1 : i32
    %add3A_72 = vector.broadcast %add3A_71 : i32 to vector<16xi32>
    %add3A_73 = arith.addi %mul3A_5, %add3A_72 : vector<16xi32>
    %gather3A_74 = tpu.vector_load_idx %arg5[%add3A_73] : memref<25600xi32, #tpu.memory_space<vmem>>[vector<16xi32>], vector<16xi32>,
    %swap3A_75 = arith.constant 0 : i32
    %swap3A_76 = arith.index_cast %swap3A_75 : i32 to index
    %swap3A_77 = arith.constant 128 : index
    %swap3A_78 = tpu.vector_load %arg6[%swap3A_76, %swap3A_77] {strides = array<i32>} : memref<2x512xi32, #tpu.memory_space<vmem>>, vector<16xi32>,
    tpu.vector_store %arg6[%swap3A_76, %swap3A_77], %gather3A_74 {strides = array<i32>} : memref<2x512xi32, #tpu.memory_space<vmem>>, vector<16xi32>,
    %add3A_79 = arith.constant 3201 : i32
    %add3A_80 = vector.broadcast %add3A_79 : i32 to vector<16xi32>
    %add3A_81 = arith.addi %mul3A_5, %add3A_80 : vector<16xi32>
    %gather3A_82 = tpu.vector_load_idx %arg5[%add3A_81] : memref<25600xi32, #tpu.memory_space<vmem>>[vector<16xi32>], vector<16xi32>,
    %swap3A_83 = arith.constant 0 : i32
    %swap3A_84 = arith.index_cast %swap3A_83 : i32 to index
    %swap3A_85 = arith.constant 144 : index
    %swap3A_86 = tpu.vector_load %arg6[%swap3A_84, %swap3A_85] {strides = array<i32>} : memref<2x512xi32, #tpu.memory_space<vmem>>, vector<16xi32>,
    tpu.vector_store %arg6[%swap3A_84, %swap3A_85], %gather3A_82 {strides = array<i32>} : memref<2x512xi32, #tpu.memory_space<vmem>>, vector<16xi32>,
    %add3A_87 = arith.constant 6401 : i32
    %add3A_88 = vector.broadcast %add3A_87 : i32 to vector<16xi32>
    %add3A_89 = arith.addi %mul3A_5, %add3A_88 : vector<16xi32>
    %gather3A_90 = tpu.vector_load_idx %arg5[%add3A_89] : memref<25600xi32, #tpu.memory_space<vmem>>[vector<16xi32>], vector<16xi32>,
    %swap3A_91 = arith.constant 0 : i32
    %swap3A_92 = arith.index_cast %swap3A_91 : i32 to index
    %swap3A_93 = arith.constant 160 : index
    %swap3A_94 = tpu.vector_load %arg6[%swap3A_92, %swap3A_93] {strides = array<i32>} : memref<2x512xi32, #tpu.memory_space<vmem>>, vector<16xi32>,
    tpu.vector_store %arg6[%swap3A_92, %swap3A_93], %gather3A_90 {strides = array<i32>} : memref<2x512xi32, #tpu.memory_space<vmem>>, vector<16xi32>,
    %add3A_95 = arith.constant 9601 : i32
    %add3A_96 = vector.broadcast %add3A_95 : i32 to vector<16xi32>
    %add3A_97 = arith.addi %mul3A_5, %add3A_96 : vector<16xi32>
    %gather3A_98 = tpu.vector_load_idx %arg5[%add3A_97] : memref<25600xi32, #tpu.memory_space<vmem>>[vector<16xi32>], vector<16xi32>,
    %swap3A_99 = arith.constant 0 : i32
    %swap3A_100 = arith.index_cast %swap3A_99 : i32 to index
    %swap3A_101 = arith.constant 176 : index
    %swap3A_102 = tpu.vector_load %arg6[%swap3A_100, %swap3A_101] {strides = array<i32>} : memref<2x512xi32, #tpu.memory_space<vmem>>, vector<16xi32>,
    tpu.vector_store %arg6[%swap3A_100, %swap3A_101], %gather3A_98 {strides = array<i32>} : memref<2x512xi32, #tpu.memory_space<vmem>>, vector<16xi32>,
    %add3A_103 = arith.constant 12801 : i32
    %add3A_104 = vector.broadcast %add3A_103 : i32 to vector<16xi32>
    %add3A_105 = arith.addi %mul3A_5, %add3A_104 : vector<16xi32>
    %gather3A_106 = tpu.vector_load_idx %arg5[%add3A_105] : memref<25600xi32, #tpu.memory_space<vmem>>[vector<16xi32>], vector<16xi32>,
    %swap3A_107 = arith.constant 0 : i32
    %swap3A_108 = arith.index_cast %swap3A_107 : i32 to index
    %swap3A_109 = arith.constant 192 : index
    %swap3A_110 = tpu.vector_load %arg6[%swap3A_108, %swap3A_109] {strides = array<i32>} : memref<2x512xi32, #tpu.memory_space<vmem>>, vector<16xi32>,
    tpu.vector_store %arg6[%swap3A_108, %swap3A_109], %gather3A_106 {strides = array<i32>} : memref<2x512xi32, #tpu.memory_space<vmem>>, vector<16xi32>,
    %add3A_111 = arith.constant 16001 : i32
    %add3A_112 = vector.broadcast %add3A_111 : i32 to vector<16xi32>
    %add3A_113 = arith.addi %mul3A_5, %add3A_112 : vector<16xi32>
    %gather3A_114 = tpu.vector_load_idx %arg5[%add3A_113] : memref<25600xi32, #tpu.memory_space<vmem>>[vector<16xi32>], vector<16xi32>,
    %swap3A_115 = arith.constant 0 : i32
    %swap3A_116 = arith.index_cast %swap3A_115 : i32 to index
    %swap3A_117 = arith.constant 208 : index
    %swap3A_118 = tpu.vector_load %arg6[%swap3A_116, %swap3A_117] {strides = array<i32>} : memref<2x512xi32, #tpu.memory_space<vmem>>, vector<16xi32>,
    tpu.vector_store %arg6[%swap3A_116, %swap3A_117], %gather3A_114 {strides = array<i32>} : memref<2x512xi32, #tpu.memory_space<vmem>>, vector<16xi32>,
    %add3A_119 = arith.constant 19201 : i32
    %add3A_120 = vector.broadcast %add3A_119 : i32 to vector<16xi32>
    %add3A_121 = arith.addi %mul3A_5, %add3A_120 : vector<16xi32>
    %gather3A_122 = tpu.vector_load_idx %arg5[%add3A_121] : memref<25600xi32, #tpu.memory_space<vmem>>[vector<16xi32>], vector<16xi32>,
    %swap3A_123 = arith.constant 0 : i32
    %swap3A_124 = arith.index_cast %swap3A_123 : i32 to index
    %swap3A_125 = arith.constant 224 : index
    %swap3A_126 = tpu.vector_load %arg6[%swap3A_124, %swap3A_125] {strides = array<i32>} : memref<2x512xi32, #tpu.memory_space<vmem>>, vector<16xi32>,
    tpu.vector_store %arg6[%swap3A_124, %swap3A_125], %gather3A_122 {strides = array<i32>} : memref<2x512xi32, #tpu.memory_space<vmem>>, vector<16xi32>,
    %add3A_127 = arith.constant 22401 : i32
    %add3A_128 = vector.broadcast %add3A_127 : i32 to vector<16xi32>
    %add3A_129 = arith.addi %mul3A_5, %add3A_128 : vector<16xi32>
    %gather3A_130 = tpu.vector_load_idx %arg5[%add3A_129] : memref<25600xi32, #tpu.memory_space<vmem>>[vector<16xi32>], vector<16xi32>,
    %swap3A_131 = arith.constant 0 : i32
    %swap3A_132 = arith.index_cast %swap3A_131 : i32 to index
    %swap3A_133 = arith.constant 240 : index
    %swap3A_134 = tpu.vector_load %arg6[%swap3A_132, %swap3A_133] {strides = array<i32>} : memref<2x512xi32, #tpu.memory_space<vmem>>, vector<16xi32>,
    tpu.vector_store %arg6[%swap3A_132, %swap3A_133], %gather3A_130 {strides = array<i32>} : memref<2x512xi32, #tpu.memory_space<vmem>>, vector<16xi32>,
    %add3A_135 = arith.constant 2 : i32
    %add3A_136 = vector.broadcast %add3A_135 : i32 to vector<16xi32>
    %add3A_137 = arith.addi %mul3A_5, %add3A_136 : vector<16xi32>
    %gather3A_138 = tpu.vector_load_idx %arg5[%add3A_137] : memref<25600xi32, #tpu.memory_space<vmem>>[vector<16xi32>], vector<16xi32>,
    %swap3A_139 = arith.constant 0 : i32
    %swap3A_140 = arith.index_cast %swap3A_139 : i32 to index
    %swap3A_141 = arith.constant 256 : index
    %swap3A_142 = tpu.vector_load %arg6[%swap3A_140, %swap3A_141] {strides = array<i32>} : memref<2x512xi32, #tpu.memory_space<vmem>>, vector<16xi32>,
    tpu.vector_store %arg6[%swap3A_140, %swap3A_141], %gather3A_138 {strides = array<i32>} : memref<2x512xi32, #tpu.memory_space<vmem>>, vector<16xi32>,
    %add3A_143 = arith.constant 3202 : i32
    %add3A_144 = vector.broadcast %add3A_143 : i32 to vector<16xi32>
    %add3A_145 = arith.addi %mul3A_5, %add3A_144 : vector<16xi32>
    %gather3A_146 = tpu.vector_load_idx %arg5[%add3A_145] : memref<25600xi32, #tpu.memory_space<vmem>>[vector<16xi32>], vector<16xi32>,
    %swap3A_147 = arith.constant 0 : i32
    %swap3A_148 = arith.index_cast %swap3A_147 : i32 to index
    %swap3A_149 = arith.constant 272 : index
    %swap3A_150 = tpu.vector_load %arg6[%swap3A_148, %swap3A_149] {strides = array<i32>} : memref<2x512xi32, #tpu.memory_space<vmem>>, vector<16xi32>,
    tpu.vector_store %arg6[%swap3A_148, %swap3A_149], %gather3A_146 {strides = array<i32>} : memref<2x512xi32, #tpu.memory_space<vmem>>, vector<16xi32>,
    %add3A_151 = arith.constant 6402 : i32
    %add3A_152 = vector.broadcast %add3A_151 : i32 to vector<16xi32>
    %add3A_153 = arith.addi %mul3A_5, %add3A_152 : vector<16xi32>
    %gather3A_154 = tpu.vector_load_idx %arg5[%add3A_153] : memref<25600xi32, #tpu.memory_space<vmem>>[vector<16xi32>], vector<16xi32>,
    %swap3A_155 = arith.constant 0 : i32
    %swap3A_156 = arith.index_cast %swap3A_155 : i32 to index
    %swap3A_157 = arith.constant 288 : index
    %swap3A_158 = tpu.vector_load %arg6[%swap3A_156, %swap3A_157] {strides = array<i32>} : memref<2x512xi32, #tpu.memory_space<vmem>>, vector<16xi32>,
    tpu.vector_store %arg6[%swap3A_156, %swap3A_157], %gather3A_154 {strides = array<i32>} : memref<2x512xi32, #tpu.memory_space<vmem>>, vector<16xi32>,
    %add3A_159 = arith.constant 9602 : i32
    %add3A_160 = vector.broadcast %add3A_159 : i32 to vector<16xi32>
    %add3A_161 = arith.addi %mul3A_5, %add3A_160 : vector<16xi32>
    %gather3A_162 = tpu.vector_load_idx %arg5[%add3A_161] : memref<25600xi32, #tpu.memory_space<vmem>>[vector<16xi32>], vector<16xi32>,
    %swap3A_163 = arith.constant 0 : i32
    %swap3A_164 = arith.index_cast %swap3A_163 : i32 to index
    %swap3A_165 = arith.constant 304 : index
    %swap3A_166 = tpu.vector_load %arg6[%swap3A_164, %swap3A_165] {strides = array<i32>} : memref<2x512xi32, #tpu.memory_space<vmem>>, vector<16xi32>,
    tpu.vector_store %arg6[%swap3A_164, %swap3A_165], %gather3A_162 {strides = array<i32>} : memref<2x512xi32, #tpu.memory_space<vmem>>, vector<16xi32>,
    %add3A_167 = arith.constant 12802 : i32
    %add3A_168 = vector.broadcast %add3A_167 : i32 to vector<16xi32>
    %add3A_169 = arith.addi %mul3A_5, %add3A_168 : vector<16xi32>
    %gather3A_170 = tpu.vector_load_idx %arg5[%add3A_169] : memref<25600xi32, #tpu.memory_space<vmem>>[vector<16xi32>], vector<16xi32>,
    %swap3A_171 = arith.constant 0 : i32
    %swap3A_172 = arith.index_cast %swap3A_171 : i32 to index
    %swap3A_173 = arith.constant 320 : index
    %swap3A_174 = tpu.vector_load %arg6[%swap3A_172, %swap3A_173] {strides = array<i32>} : memref<2x512xi32, #tpu.memory_space<vmem>>, vector<16xi32>,
    tpu.vector_store %arg6[%swap3A_172, %swap3A_173], %gather3A_170 {strides = array<i32>} : memref<2x512xi32, #tpu.memory_space<vmem>>, vector<16xi32>,
    %add3A_175 = arith.constant 16002 : i32
    %add3A_176 = vector.broadcast %add3A_175 : i32 to vector<16xi32>
    %add3A_177 = arith.addi %mul3A_5, %add3A_176 : vector<16xi32>
    %gather3A_178 = tpu.vector_load_idx %arg5[%add3A_177] : memref<25600xi32, #tpu.memory_space<vmem>>[vector<16xi32>], vector<16xi32>,
    %swap3A_179 = arith.constant 0 : i32
    %swap3A_180 = arith.index_cast %swap3A_179 : i32 to index
    %swap3A_181 = arith.constant 336 : index
    %swap3A_182 = tpu.vector_load %arg6[%swap3A_180, %swap3A_181] {strides = array<i32>} : memref<2x512xi32, #tpu.memory_space<vmem>>, vector<16xi32>,
    tpu.vector_store %arg6[%swap3A_180, %swap3A_181], %gather3A_178 {strides = array<i32>} : memref<2x512xi32, #tpu.memory_space<vmem>>, vector<16xi32>,
    %add3A_183 = arith.constant 19202 : i32
    %add3A_184 = vector.broadcast %add3A_183 : i32 to vector<16xi32>
    %add3A_185 = arith.addi %mul3A_5, %add3A_184 : vector<16xi32>
    %gather3A_186 = tpu.vector_load_idx %arg5[%add3A_185] : memref<25600xi32, #tpu.memory_space<vmem>>[vector<16xi32>], vector<16xi32>,
    %swap3A_187 = arith.constant 0 : i32
    %swap3A_188 = arith.index_cast %swap3A_187 : i32 to index
    %swap3A_189 = arith.constant 352 : index
    %swap3A_190 = tpu.vector_load %arg6[%swap3A_188, %swap3A_189] {strides = array<i32>} : memref<2x512xi32, #tpu.memory_space<vmem>>, vector<16xi32>,
    tpu.vector_store %arg6[%swap3A_188, %swap3A_189], %gather3A_186 {strides = array<i32>} : memref<2x512xi32, #tpu.memory_space<vmem>>, vector<16xi32>,
    %add3A_191 = arith.constant 22402 : i32
    %add3A_192 = vector.broadcast %add3A_191 : i32 to vector<16xi32>
    %add3A_193 = arith.addi %mul3A_5, %add3A_192 : vector<16xi32>
    %gather3A_194 = tpu.vector_load_idx %arg5[%add3A_193] : memref<25600xi32, #tpu.memory_space<vmem>>[vector<16xi32>], vector<16xi32>,
    %swap3A_195 = arith.constant 0 : i32
    %swap3A_196 = arith.index_cast %swap3A_195 : i32 to index
    %swap3A_197 = arith.constant 368 : index
    %swap3A_198 = tpu.vector_load %arg6[%swap3A_196, %swap3A_197] {strides = array<i32>} : memref<2x512xi32, #tpu.memory_space<vmem>>, vector<16xi32>,
    tpu.vector_store %arg6[%swap3A_196, %swap3A_197], %gather3A_194 {strides = array<i32>} : memref<2x512xi32, #tpu.memory_space<vmem>>, vector<16xi32>,
    %add3A_199 = arith.constant 3 : i32
    %add3A_200 = vector.broadcast %add3A_199 : i32 to vector<16xi32>
    %add3A_201 = arith.addi %mul3A_5, %add3A_200 : vector<16xi32>
    %gather3A_202 = tpu.vector_load_idx %arg5[%add3A_201] : memref<25600xi32, #tpu.memory_space<vmem>>[vector<16xi32>], vector<16xi32>,
    %swap3A_203 = arith.constant 0 : i32
    %swap3A_204 = arith.index_cast %swap3A_203 : i32 to index
    %swap3A_205 = arith.constant 384 : index
    %swap3A_206 = tpu.vector_load %arg6[%swap3A_204, %swap3A_205] {strides = array<i32>} : memref<2x512xi32, #tpu.memory_space<vmem>>, vector<16xi32>,
    tpu.vector_store %arg6[%swap3A_204, %swap3A_205], %gather3A_202 {strides = array<i32>} : memref<2x512xi32, #tpu.memory_space<vmem>>, vector<16xi32>,
    %add3A_207 = arith.constant 3203 : i32
    %add3A_208 = vector.broadcast %add3A_207 : i32 to vector<16xi32>
    %add3A_209 = arith.addi %mul3A_5, %add3A_208 : vector<16xi32>
    %gather3A_210 = tpu.vector_load_idx %arg5[%add3A_209] : memref<25600xi32, #tpu.memory_space<vmem>>[vector<16xi32>], vector<16xi32>,
    %swap3A_211 = arith.constant 0 : i32
    %swap3A_212 = arith.index_cast %swap3A_211 : i32 to index
    %swap3A_213 = arith.constant 400 : index
    %swap3A_214 = tpu.vector_load %arg6[%swap3A_212, %swap3A_213] {strides = array<i32>} : memref<2x512xi32, #tpu.memory_space<vmem>>, vector<16xi32>,
    tpu.vector_store %arg6[%swap3A_212, %swap3A_213], %gather3A_210 {strides = array<i32>} : memref<2x512xi32, #tpu.memory_space<vmem>>, vector<16xi32>,
    %add3A_215 = arith.constant 6403 : i32
    %add3A_216 = vector.broadcast %add3A_215 : i32 to vector<16xi32>
    %add3A_217 = arith.addi %mul3A_5, %add3A_216 : vector<16xi32>
    %gather3A_218 = tpu.vector_load_idx %arg5[%add3A_217] : memref<25600xi32, #tpu.memory_space<vmem>>[vector<16xi32>], vector<16xi32>,
    %swap3A_219 = arith.constant 0 : i32
    %swap3A_220 = arith.index_cast %swap3A_219 : i32 to index
    %swap3A_221 = arith.constant 416 : index
    %swap3A_222 = tpu.vector_load %arg6[%swap3A_220, %swap3A_221] {strides = array<i32>} : memref<2x512xi32, #tpu.memory_space<vmem>>, vector<16xi32>,
    tpu.vector_store %arg6[%swap3A_220, %swap3A_221], %gather3A_218 {strides = array<i32>} : memref<2x512xi32, #tpu.memory_space<vmem>>, vector<16xi32>,
    %add3A_223 = arith.constant 9603 : i32
    %add3A_224 = vector.broadcast %add3A_223 : i32 to vector<16xi32>
    %add3A_225 = arith.addi %mul3A_5, %add3A_224 : vector<16xi32>
    %gather3A_226 = tpu.vector_load_idx %arg5[%add3A_225] : memref<25600xi32, #tpu.memory_space<vmem>>[vector<16xi32>], vector<16xi32>,
    %swap3A_227 = arith.constant 0 : i32
    %swap3A_228 = arith.index_cast %swap3A_227 : i32 to index
    %swap3A_229 = arith.constant 432 : index
    %swap3A_230 = tpu.vector_load %arg6[%swap3A_228, %swap3A_229] {strides = array<i32>} : memref<2x512xi32, #tpu.memory_space<vmem>>, vector<16xi32>,
    tpu.vector_store %arg6[%swap3A_228, %swap3A_229], %gather3A_226 {strides = array<i32>} : memref<2x512xi32, #tpu.memory_space<vmem>>, vector<16xi32>,
    %add3A_231 = arith.constant 12803 : i32
    %add3A_232 = vector.broadcast %add3A_231 : i32 to vector<16xi32>
    %add3A_233 = arith.addi %mul3A_5, %add3A_232 : vector<16xi32>
    %gather3A_234 = tpu.vector_load_idx %arg5[%add3A_233] : memref<25600xi32, #tpu.memory_space<vmem>>[vector<16xi32>], vector<16xi32>,
    %swap3A_235 = arith.constant 0 : i32
    %swap3A_236 = arith.index_cast %swap3A_235 : i32 to index
    %swap3A_237 = arith.constant 448 : index
    %swap3A_238 = tpu.vector_load %arg6[%swap3A_236, %swap3A_237] {strides = array<i32>} : memref<2x512xi32, #tpu.memory_space<vmem>>, vector<16xi32>,
    tpu.vector_store %arg6[%swap3A_236, %swap3A_237], %gather3A_234 {strides = array<i32>} : memref<2x512xi32, #tpu.memory_space<vmem>>, vector<16xi32>,
    %add3A_239 = arith.constant 16003 : i32
    %add3A_240 = vector.broadcast %add3A_239 : i32 to vector<16xi32>
    %add3A_241 = arith.addi %mul3A_5, %add3A_240 : vector<16xi32>
    %gather3A_242 = tpu.vector_load_idx %arg5[%add3A_241] : memref<25600xi32, #tpu.memory_space<vmem>>[vector<16xi32>], vector<16xi32>,
    %swap3A_243 = arith.constant 0 : i32
    %swap3A_244 = arith.index_cast %swap3A_243 : i32 to index
    %swap3A_245 = arith.constant 464 : index
    %swap3A_246 = tpu.vector_load %arg6[%swap3A_244, %swap3A_245] {strides = array<i32>} : memref<2x512xi32, #tpu.memory_space<vmem>>, vector<16xi32>,
    tpu.vector_store %arg6[%swap3A_244, %swap3A_245], %gather3A_242 {strides = array<i32>} : memref<2x512xi32, #tpu.memory_space<vmem>>, vector<16xi32>,
    %add3A_247 = arith.constant 19203 : i32
    %add3A_248 = vector.broadcast %add3A_247 : i32 to vector<16xi32>
    %add3A_249 = arith.addi %mul3A_5, %add3A_248 : vector<16xi32>
    %gather3A_250 = tpu.vector_load_idx %arg5[%add3A_249] : memref<25600xi32, #tpu.memory_space<vmem>>[vector<16xi32>], vector<16xi32>,
    %swap3A_251 = arith.constant 0 : i32
    %swap3A_252 = arith.index_cast %swap3A_251 : i32 to index
    %swap3A_253 = arith.constant 480 : index
    %swap3A_254 = tpu.vector_load %arg6[%swap3A_252, %swap3A_253] {strides = array<i32>} : memref<2x512xi32, #tpu.memory_space<vmem>>, vector<16xi32>,
    tpu.vector_store %arg6[%swap3A_252, %swap3A_253], %gather3A_250 {strides = array<i32>} : memref<2x512xi32, #tpu.memory_space<vmem>>, vector<16xi32>,
    %add3A_255 = arith.constant 22403 : i32
    %add3A_256 = vector.broadcast %add3A_255 : i32 to vector<16xi32>
    %add3A_257 = arith.addi %mul3A_5, %add3A_256 : vector<16xi32>
    %gather3A_258 = tpu.vector_load_idx %arg5[%add3A_257] : memref<25600xi32, #tpu.memory_space<vmem>>[vector<16xi32>], vector<16xi32>,
    %swap3A_259 = arith.constant 0 : i32
    %swap3A_260 = arith.index_cast %swap3A_259 : i32 to index
    %swap3A_261 = arith.constant 496 : index
    %swap3A_262 = tpu.vector_load %arg6[%swap3A_260, %swap3A_261] {strides = array<i32>} : memref<2x512xi32, #tpu.memory_space<vmem>>, vector<16xi32>,
    tpu.vector_store %arg6[%swap3A_260, %swap3A_261], %gather3A_258 {strides = array<i32>} : memref<2x512xi32, #tpu.memory_space<vmem>>, vector<16xi32>,
    %dma_start3A = arith.constant 0 : i32
    %dma_start3A_263 = arith.constant 0 : i32
    %dma_start3A_264 = arith.constant 0 : i32
    %dma_start3A_265 = arith.constant 0 : i32
    %dma_start3A_266 = tpu.memref_slice %arg7[%dma_start3A_263, %dma_start3A_264, %dma_start3A_265] : memref<2x512x32xf32, #tpu.memory_space<vmem>> -> memref<1x512x32xf32, #tpu.memory_space<vmem>>
    %dma_start3A_267 = tpu.memref_squeeze %dma_start3A_266 : memref<1x512x32xf32, #tpu.memory_space<vmem>> -> memref<512x32xf32, #tpu.memory_space<vmem>>
    %dma_start3A_268 = arith.constant 0 : i32
    %dma_start3A_269 = tpu.memref_slice %arg6[%dma_start3A, %dma_start3A_268] : memref<2x512xi32, #tpu.memory_space<vmem>> -> memref<1x512xi32, #tpu.memory_space<vmem>>
    %dma_start3A_270 = tpu.memref_squeeze %dma_start3A_269 : memref<1x512xi32, #tpu.memory_space<vmem>> -> memref<512xi32, #tpu.memory_space<vmem>>
    %dma_start3A_271 = arith.constant 0 : i32
    %dma_start3A_272 = arith.constant 0 : i32
    %dma_start3A_273 = tpu.memref_slice %arg3[%dma_start3A_271, %dma_start3A_272] : memref<1000000x32xf32, #tpu.memory_space<hbm>> -> memref<1000000x32xf32, #tpu.memory_space<hbm>>
    tpu.enqueue_indirect_dma source(%dma_start3A_273 : memref<1000000x32xf32, #tpu.memory_space<hbm>>) target(%dma_start3A_267 : memref<512x32xf32, #tpu.memory_space<vmem>>) offsets(%dma_start3A_270 : memref<512xi32, #tpu.memory_space<vmem>>) semaphore(%arg9 : memref<!tpu.dma_semaphore, #tpu.memory_space<semaphore_mem>>)
    %scan3A = arith.constant 0 : i32
    %scan3A_274 = arith.constant 25 : i32
    %scan3A_275 = arith.addi %scan3A, %scan3A_274 : i32
    %scan3A_276 = arith.constant 1 : i32
    scf.for %scan3A_309 = %scan3A to %scan3A_275 step %scan3A_276  : i32 {
      %mul3A_310 = arith.constant 2 : i32
      %mul3A_311 = arith.muli %scan3A_309, %mul3A_310 : i32
      %add3A_312 = arith.constant 0 : i32
      %add3A_313 = arith.addi %add3A_312, %mul3A_311 : i32
      %add3A_314 = arith.constant 0 : i32
      %add3A_315 = arith.addi %add3A_313, %add3A_314 : i32
      %dma_wait3A_316 = arith.constant 0 : i32
      %dma_wait3A_317 = arith.constant 0 : i32
      %dma_wait3A_318 = arith.constant 0 : i32
      %dma_wait3A_319 = arith.constant 0 : i32
      %dma_wait3A_320 = tpu.memref_slice %arg7[%dma_wait3A_317, %dma_wait3A_318, %dma_wait3A_319] : memref<2x512x32xf32, #tpu.memory_space<vmem>> -> memref<1x512x32xf32, #tpu.memory_space<vmem>>
      %dma_wait3A_321 = tpu.memref_squeeze %dma_wait3A_320 : memref<1x512x32xf32, #tpu.memory_space<vmem>> -> memref<512x32xf32, #tpu.memory_space<vmem>>
      %dma_wait3A_322 = arith.constant 0 : i32
      %dma_wait3A_323 = tpu.memref_slice %arg6[%dma_wait3A_316, %dma_wait3A_322] : memref<2x512xi32, #tpu.memory_space<vmem>> -> memref<1x512xi32, #tpu.memory_space<vmem>>
      %dma_wait3A_324 = tpu.memref_squeeze %dma_wait3A_323 : memref<1x512xi32, #tpu.memory_space<vmem>> -> memref<512xi32, #tpu.memory_space<vmem>>
      %dma_wait3A_325 = arith.constant 0 : i32
      %dma_wait3A_326 = arith.constant 0 : i32
      %dma_wait3A_327 = tpu.memref_slice %arg3[%dma_wait3A_325, %dma_wait3A_326] : memref<1000000x32xf32, #tpu.memory_space<hbm>> -> memref<1000000x32xf32, #tpu.memory_space<hbm>>
      tpu.wait_indirect_dma semaphore(%arg9 : memref<!tpu.dma_semaphore, #tpu.memory_space<semaphore_mem>>) src(%dma_wait3A_327 : memref<1000000x32xf32, #tpu.memory_space<hbm>>) dst(%dma_wait3A_321 : memref<512x32xf32, #tpu.memory_space<vmem>>)
      %add3A_328 = arith.constant 1 : i32
      %add3A_329 = arith.addi %add3A_315, %add3A_328 : i32
      %mul3A_330 = arith.constant 4 : i32
      %mul3A_331 = arith.muli %mul3A_330, %add3A_329 : i32
      %add3A_332 = arith.constant 0 : i32
      %add3A_333 = arith.addi %mul3A_331, %add3A_332 : i32
      %add3A_334 = arith.constant 0 : i32
      %add3A_335 = arith.addi %add3A_334, %add3A_333 : i32
      %add3A_336 = vector.broadcast %add3A_335 : i32 to vector<16xi32>
      %add3A_337 = arith.addi %mul3A_5, %add3A_336 : vector<16xi32>
      %gather3A_338 = tpu.vector_load_idx %arg5[%add3A_337] : memref<25600xi32, #tpu.memory_space<vmem>>[vector<16xi32>], vector<16xi32>,
      %swap3A_339 = arith.constant 1 : i32
      %swap3A_340 = arith.index_cast %swap3A_339 : i32 to index
      %swap3A_341 = arith.constant 0 : index
      %swap3A_342 = tpu.vector_load %arg6[%swap3A_340, %swap3A_341] {strides = array<i32>} : memref<2x512xi32, #tpu.memory_space<vmem>>, vector<16xi32>,
      tpu.vector_store %arg6[%swap3A_340, %swap3A_341], %gather3A_338 {strides = array<i32>} : memref<2x512xi32, #tpu.memory_space<vmem>>, vector<16xi32>,
      %mul3A_343 = arith.constant 4 : i32
      %mul3A_344 = arith.muli %mul3A_343, %add3A_329 : i32
      %add3A_345 = arith.constant 0 : i32
      %add3A_346 = arith.addi %mul3A_344, %add3A_345 : i32
      %add3A_347 = arith.constant 3200 : i32
      %add3A_348 = arith.addi %add3A_347, %add3A_346 : i32
      %add3A_349 = vector.broadcast %add3A_348 : i32 to vector<16xi32>
      %add3A_350 = arith.addi %mul3A_5, %add3A_349 : vector<16xi32>
      %gather3A_351 = tpu.vector_load_idx %arg5[%add3A_350] : memref<25600xi32, #tpu.memory_space<vmem>>[vector<16xi32>], vector<16xi32>,
      %swap3A_352 = arith.constant 1 : i32
      %swap3A_353 = arith.index_cast %swap3A_352 : i32 to index
      %swap3A_354 = arith.constant 16 : index
      %swap3A_355 = tpu.vector_load %arg6[%swap3A_353, %swap3A_354] {strides = array<i32>} : memref<2x512xi32, #tpu.memory_space<vmem>>, vector<16xi32>,
      tpu.vector_store %arg6[%swap3A_353, %swap3A_354], %gather3A_351 {strides = array<i32>} : memref<2x512xi32, #tpu.memory_space<vmem>>, vector<16xi32>,
      %mul3A_356 = arith.constant 4 : i32
      %mul3A_357 = arith.muli %mul3A_356, %add3A_329 : i32
      %add3A_358 = arith.constant 0 : i32
      %add3A_359 = arith.addi %mul3A_357, %add3A_358 : i32
      %add3A_360 = arith.constant 6400 : i32
      %add3A_361 = arith.addi %add3A_360, %add3A_359 : i32
      %add3A_362 = vector.broadcast %add3A_361 : i32 to vector<16xi32>
      %add3A_363 = arith.addi %mul3A_5, %add3A_362 : vector<16xi32>
      %gather3A_364 = tpu.vector_load_idx %arg5[%add3A_363] : memref<25600xi32, #tpu.memory_space<vmem>>[vector<16xi32>], vector<16xi32>,
      %swap3A_365 = arith.constant 1 : i32
      %swap3A_366 = arith.index_cast %swap3A_365 : i32 to index
      %swap3A_367 = arith.constant 32 : index
      %swap3A_368 = tpu.vector_load %arg6[%swap3A_366, %swap3A_367] {strides = array<i32>} : memref<2x512xi32, #tpu.memory_space<vmem>>, vector<16xi32>,
      tpu.vector_store %arg6[%swap3A_366, %swap3A_367], %gather3A_364 {strides = array<i32>} : memref<2x512xi32, #tpu.memory_space<vmem>>, vector<16xi32>,
      %mul3A_369 = arith.constant 4 : i32
      %mul3A_370 = arith.muli %mul3A_369, %add3A_329 : i32
      %add3A_371 = arith.constant 0 : i32
      %add3A_372 = arith.addi %mul3A_370, %add3A_371 : i32
      %add3A_373 = arith.constant 9600 : i32
      %add3A_374 = arith.addi %add3A_373, %add3A_372 : i32
      %add3A_375 = vector.broadcast %add3A_374 : i32 to vector<16xi32>
      %add3A_376 = arith.addi %mul3A_5, %add3A_375 : vector<16xi32>
      %gather3A_377 = tpu.vector_load_idx %arg5[%add3A_376] : memref<25600xi32, #tpu.memory_space<vmem>>[vector<16xi32>], vector<16xi32>,
      %swap3A_378 = arith.constant 1 : i32
      %swap3A_379 = arith.index_cast %swap3A_378 : i32 to index
      %swap3A_380 = arith.constant 48 : index
      %swap3A_381 = tpu.vector_load %arg6[%swap3A_379, %swap3A_380] {strides = array<i32>} : memref<2x512xi32, #tpu.memory_space<vmem>>, vector<16xi32>,
      tpu.vector_store %arg6[%swap3A_379, %swap3A_380], %gather3A_377 {strides = array<i32>} : memref<2x512xi32, #tpu.memory_space<vmem>>, vector<16xi32>,
      %mul3A_382 = arith.constant 4 : i32
      %mul3A_383 = arith.muli %mul3A_382, %add3A_329 : i32
      %add3A_384 = arith.constant 0 : i32
      %add3A_385 = arith.addi %mul3A_383, %add3A_384 : i32
      %add3A_386 = arith.constant 12800 : i32
      %add3A_387 = arith.addi %add3A_386, %add3A_385 : i32
      %add3A_388 = vector.broadcast %add3A_387 : i32 to vector<16xi32>
      %add3A_389 = arith.addi %mul3A_5, %add3A_388 : vector<16xi32>
      %gather3A_390 = tpu.vector_load_idx %arg5[%add3A_389] : memref<25600xi32, #tpu.memory_space<vmem>>[vector<16xi32>], vector<16xi32>,
      %swap3A_391 = arith.constant 1 : i32
      %swap3A_392 = arith.index_cast %swap3A_391 : i32 to index
      %swap3A_393 = arith.constant 64 : index
      %swap3A_394 = tpu.vector_load %arg6[%swap3A_392, %swap3A_393] {strides = array<i32>} : memref<2x512xi32, #tpu.memory_space<vmem>>, vector<16xi32>,
      tpu.vector_store %arg6[%swap3A_392, %swap3A_393], %gather3A_390 {strides = array<i32>} : memref<2x512xi32, #tpu.memory_space<vmem>>, vector<16xi32>,
      %mul3A_395 = arith.constant 4 : i32
      %mul3A_396 = arith.muli %mul3A_395, %add3A_329 : i32
      %add3A_397 = arith.constant 0 : i32
      %add3A_398 = arith.addi %mul3A_396, %add3A_397 : i32
      %add3A_399 = arith.constant 16000 : i32
      %add3A_400 = arith.addi %add3A_399, %add3A_398 : i32
      %add3A_401 = vector.broadcast %add3A_400 : i32 to vector<16xi32>
      %add3A_402 = arith.addi %mul3A_5, %add3A_401 : vector<16xi32>
      %gather3A_403 = tpu.vector_load_idx %arg5[%add3A_402] : memref<25600xi32, #tpu.memory_space<vmem>>[vector<16xi32>], vector<16xi32>,
      %swap3A_404 = arith.constant 1 : i32
      %swap3A_405 = arith.index_cast %swap3A_404 : i32 to index
      %swap3A_406 = arith.constant 80 : index
      %swap3A_407 = tpu.vector_load %arg6[%swap3A_405, %swap3A_406] {strides = array<i32>} : memref<2x512xi32, #tpu.memory_space<vmem>>, vector<16xi32>,
      tpu.vector_store %arg6[%swap3A_405, %swap3A_406], %gather3A_403 {strides = array<i32>} : memref<2x512xi32, #tpu.memory_space<vmem>>, vector<16xi32>,
      %mul3A_408 = arith.constant 4 : i32
      %mul3A_409 = arith.muli %mul3A_408, %add3A_329 : i32
      %add3A_410 = arith.constant 0 : i32
      %add3A_411 = arith.addi %mul3A_409, %add3A_410 : i32
      %add3A_412 = arith.constant 19200 : i32
      %add3A_413 = arith.addi %add3A_412, %add3A_411 : i32
      %add3A_414 = vector.broadcast %add3A_413 : i32 to vector<16xi32>
      %add3A_415 = arith.addi %mul3A_5, %add3A_414 : vector<16xi32>
      %gather3A_416 = tpu.vector_load_idx %arg5[%add3A_415] : memref<25600xi32, #tpu.memory_space<vmem>>[vector<16xi32>], vector<16xi32>,
      %swap3A_417 = arith.constant 1 : i32
      %swap3A_418 = arith.index_cast %swap3A_417 : i32 to index
      %swap3A_419 = arith.constant 96 : index
      %swap3A_420 = tpu.vector_load %arg6[%swap3A_418, %swap3A_419] {strides = array<i32>} : memref<2x512xi32, #tpu.memory_space<vmem>>, vector<16xi32>,
      tpu.vector_store %arg6[%swap3A_418, %swap3A_419], %gather3A_416 {strides = array<i32>} : memref<2x512xi32, #tpu.memory_space<vmem>>, vector<16xi32>,
      %mul3A_421 = arith.constant 4 : i32
      %mul3A_422 = arith.muli %mul3A_421, %add3A_329 : i32
      %add3A_423 = arith.constant 0 : i32
      %add3A_424 = arith.addi %mul3A_422, %add3A_423 : i32
      %add3A_425 = arith.constant 22400 : i32
      %add3A_426 = arith.addi %add3A_425, %add3A_424 : i32
      %add3A_427 = vector.broadcast %add3A_426 : i32 to vector<16xi32>
      %add3A_428 = arith.addi %mul3A_5, %add3A_427 : vector<16xi32>
      %gather3A_429 = tpu.vector_load_idx %arg5[%add3A_428] : memref<25600xi32, #tpu.memory_space<vmem>>[vector<16xi32>], vector<16xi32>,
      %swap3A_430 = arith.constant 1 : i32
      %swap3A_431 = arith.index_cast %swap3A_430 : i32 to index
      %swap3A_432 = arith.constant 112 : index
      %swap3A_433 = tpu.vector_load %arg6[%swap3A_431, %swap3A_432] {strides = array<i32>} : memref<2x512xi32, #tpu.memory_space<vmem>>, vector<16xi32>,
      tpu.vector_store %arg6[%swap3A_431, %swap3A_432], %gather3A_429 {strides = array<i32>} : memref<2x512xi32, #tpu.memory_space<vmem>>, vector<16xi32>,
      %mul3A_434 = arith.constant 4 : i32
      %mul3A_435 = arith.muli %mul3A_434, %add3A_329 : i32
      %add3A_436 = arith.constant 1 : i32
      %add3A_437 = arith.addi %mul3A_435, %add3A_436 : i32
      %add3A_438 = arith.constant 0 : i32
      %add3A_439 = arith.addi %add3A_438, %add3A_437 : i32
      %add3A_440 = vector.broadcast %add3A_439 : i32 to vector<16xi32>
      %add3A_441 = arith.addi %mul3A_5, %add3A_440 : vector<16xi32>
      %gather3A_442 = tpu.vector_load_idx %arg5[%add3A_441] : memref<25600xi32, #tpu.memory_space<vmem>>[vector<16xi32>], vector<16xi32>,
      %swap3A_443 = arith.constant 1 : i32
      %swap3A_444 = arith.index_cast %swap3A_443 : i32 to index
      %swap3A_445 = arith.constant 128 : index
      %swap3A_446 = tpu.vector_load %arg6[%swap3A_444, %swap3A_445] {strides = array<i32>} : memref<2x512xi32, #tpu.memory_space<vmem>>, vector<16xi32>,
      tpu.vector_store %arg6[%swap3A_444, %swap3A_445], %gather3A_442 {strides = array<i32>} : memref<2x512xi32, #tpu.memory_space<vmem>>, vector<16xi32>,
      %mul3A_447 = arith.constant 4 : i32
      %mul3A_448 = arith.muli %mul3A_447, %add3A_329 : i32
      %add3A_449 = arith.constant 1 : i32
      %add3A_450 = arith.addi %mul3A_448, %add3A_449 : i32
      %add3A_451 = arith.constant 3200 : i32
      %add3A_452 = arith.addi %add3A_451, %add3A_450 : i32
      %add3A_453 = vector.broadcast %add3A_452 : i32 to vector<16xi32>
      %add3A_454 = arith.addi %mul3A_5, %add3A_453 : vector<16xi32>
      %gather3A_455 = tpu.vector_load_idx %arg5[%add3A_454] : memref<25600xi32, #tpu.memory_space<vmem>>[vector<16xi32>], vector<16xi32>,
      %swap3A_456 = arith.constant 1 : i32
      %swap3A_457 = arith.index_cast %swap3A_456 : i32 to index
      %swap3A_458 = arith.constant 144 : index
      %swap3A_459 = tpu.vector_load %arg6[%swap3A_457, %swap3A_458] {strides = array<i32>} : memref<2x512xi32, #tpu.memory_space<vmem>>, vector<16xi32>,
      tpu.vector_store %arg6[%swap3A_457, %swap3A_458], %gather3A_455 {strides = array<i32>} : memref<2x512xi32, #tpu.memory_space<vmem>>, vector<16xi32>,
      %mul3A_460 = arith.constant 4 : i32
      %mul3A_461 = arith.muli %mul3A_460, %add3A_329 : i32
      %add3A_462 = arith.constant 1 : i32
      %add3A_463 = arith.addi %mul3A_461, %add3A_462 : i32
      %add3A_464 = arith.constant 6400 : i32
      %add3A_465 = arith.addi %add3A_464, %add3A_463 : i32
      %add3A_466 = vector.broadcast %add3A_465 : i32 to vector<16xi32>
      %add3A_467 = arith.addi %mul3A_5, %add3A_466 : vector<16xi32>
      %gather3A_468 = tpu.vector_load_idx %arg5[%add3A_467] : memref<25600xi32, #tpu.memory_space<vmem>>[vector<16xi32>], vector<16xi32>,
      %swap3A_469 = arith.constant 1 : i32
      %swap3A_470 = arith.index_cast %swap3A_469 : i32 to index
      %swap3A_471 = arith.constant 160 : index
      %swap3A_472 = tpu.vector_load %arg6[%swap3A_470, %swap3A_471] {strides = array<i32>} : memref<2x512xi32, #tpu.memory_space<vmem>>, vector<16xi32>,
      tpu.vector_store %arg6[%swap3A_470, %swap3A_471], %gather3A_468 {strides = array<i32>} : memref<2x512xi32, #tpu.memory_space<vmem>>, vector<16xi32>,
      %mul3A_473 = arith.constant 4 : i32
      %mul3A_474 = arith.muli %mul3A_473, %add3A_329 : i32
      %add3A_475 = arith.constant 1 : i32
      %add3A_476 = arith.addi %mul3A_474, %add3A_475 : i32
      %add3A_477 = arith.constant 9600 : i32
      %add3A_478 = arith.addi %add3A_477, %add3A_476 : i32
      %add3A_479 = vector.broadcast %add3A_478 : i32 to vector<16xi32>
      %add3A_480 = arith.addi %mul3A_5, %add3A_479 : vector<16xi32>
      %gather3A_481 = tpu.vector_load_idx %arg5[%add3A_480] : memref<25600xi32, #tpu.memory_space<vmem>>[vector<16xi32>], vector<16xi32>,
      %swap3A_482 = arith.constant 1 : i32
      %swap3A_483 = arith.index_cast %swap3A_482 : i32 to index
      %swap3A_484 = arith.constant 176 : index
      %swap3A_485 = tpu.vector_load %arg6[%swap3A_483, %swap3A_484] {strides = array<i32>} : memref<2x512xi32, #tpu.memory_space<vmem>>, vector<16xi32>,
      tpu.vector_store %arg6[%swap3A_483, %swap3A_484], %gather3A_481 {strides = array<i32>} : memref<2x512xi32, #tpu.memory_space<vmem>>, vector<16xi32>,
      %mul3A_486 = arith.constant 4 : i32
      %mul3A_487 = arith.muli %mul3A_486, %add3A_329 : i32
      %add3A_488 = arith.constant 1 : i32
      %add3A_489 = arith.addi %mul3A_487, %add3A_488 : i32
      %add3A_490 = arith.constant 12800 : i32
      %add3A_491 = arith.addi %add3A_490, %add3A_489 : i32
      %add3A_492 = vector.broadcast %add3A_491 : i32 to vector<16xi32>
      %add3A_493 = arith.addi %mul3A_5, %add3A_492 : vector<16xi32>
      %gather3A_494 = tpu.vector_load_idx %arg5[%add3A_493] : memref<25600xi32, #tpu.memory_space<vmem>>[vector<16xi32>], vector<16xi32>,
      %swap3A_495 = arith.constant 1 : i32
      %swap3A_496 = arith.index_cast %swap3A_495 : i32 to index
      %swap3A_497 = arith.constant 192 : index
      %swap3A_498 = tpu.vector_load %arg6[%swap3A_496, %swap3A_497] {strides = array<i32>} : memref<2x512xi32, #tpu.memory_space<vmem>>, vector<16xi32>,
      tpu.vector_store %arg6[%swap3A_496, %swap3A_497], %gather3A_494 {strides = array<i32>} : memref<2x512xi32, #tpu.memory_space<vmem>>, vector<16xi32>,
      %mul3A_499 = arith.constant 4 : i32
      %mul3A_500 = arith.muli %mul3A_499, %add3A_329 : i32
      %add3A_501 = arith.constant 1 : i32
      %add3A_502 = arith.addi %mul3A_500, %add3A_501 : i32
      %add3A_503 = arith.constant 16000 : i32
      %add3A_504 = arith.addi %add3A_503, %add3A_502 : i32
      %add3A_505 = vector.broadcast %add3A_504 : i32 to vector<16xi32>
      %add3A_506 = arith.addi %mul3A_5, %add3A_505 : vector<16xi32>
      %gather3A_507 = tpu.vector_load_idx %arg5[%add3A_506] : memref<25600xi32, #tpu.memory_space<vmem>>[vector<16xi32>], vector<16xi32>,
      %swap3A_508 = arith.constant 1 : i32
      %swap3A_509 = arith.index_cast %swap3A_508 : i32 to index
      %swap3A_510 = arith.constant 208 : index
      %swap3A_511 = tpu.vector_load %arg6[%swap3A_509, %swap3A_510] {strides = array<i32>} : memref<2x512xi32, #tpu.memory_space<vmem>>, vector<16xi32>,
      tpu.vector_store %arg6[%swap3A_509, %swap3A_510], %gather3A_507 {strides = array<i32>} : memref<2x512xi32, #tpu.memory_space<vmem>>, vector<16xi32>,
      %mul3A_512 = arith.constant 4 : i32
      %mul3A_513 = arith.muli %mul3A_512, %add3A_329 : i32
      %add3A_514 = arith.constant 1 : i32
      %add3A_515 = arith.addi %mul3A_513, %add3A_514 : i32
      %add3A_516 = arith.constant 19200 : i32
      %add3A_517 = arith.addi %add3A_516, %add3A_515 : i32
      %add3A_518 = vector.broadcast %add3A_517 : i32 to vector<16xi32>
      %add3A_519 = arith.addi %mul3A_5, %add3A_518 : vector<16xi32>
      %gather3A_520 = tpu.vector_load_idx %arg5[%add3A_519] : memref<25600xi32, #tpu.memory_space<vmem>>[vector<16xi32>], vector<16xi32>,
      %swap3A_521 = arith.constant 1 : i32
      %swap3A_522 = arith.index_cast %swap3A_521 : i32 to index
      %swap3A_523 = arith.constant 224 : index
      %swap3A_524 = tpu.vector_load %arg6[%swap3A_522, %swap3A_523] {strides = array<i32>} : memref<2x512xi32, #tpu.memory_space<vmem>>, vector<16xi32>,
      tpu.vector_store %arg6[%swap3A_522, %swap3A_523], %gather3A_520 {strides = array<i32>} : memref<2x512xi32, #tpu.memory_space<vmem>>, vector<16xi32>,
      %mul3A_525 = arith.constant 4 : i32
      %mul3A_526 = arith.muli %mul3A_525, %add3A_329 : i32
      %add3A_527 = arith.constant 1 : i32
      %add3A_528 = arith.addi %mul3A_526, %add3A_527 : i32
      %add3A_529 = arith.constant 22400 : i32
      %add3A_530 = arith.addi %add3A_529, %add3A_528 : i32
      %add3A_531 = vector.broadcast %add3A_530 : i32 to vector<16xi32>
      %add3A_532 = arith.addi %mul3A_5, %add3A_531 : vector<16xi32>
      %gather3A_533 = tpu.vector_load_idx %arg5[%add3A_532] : memref<25600xi32, #tpu.memory_space<vmem>>[vector<16xi32>], vector<16xi32>,
      %swap3A_534 = arith.constant 1 : i32
      %swap3A_535 = arith.index_cast %swap3A_534 : i32 to index
      %swap3A_536 = arith.constant 240 : index
      %swap3A_537 = tpu.vector_load %arg6[%swap3A_535, %swap3A_536] {strides = array<i32>} : memref<2x512xi32, #tpu.memory_space<vmem>>, vector<16xi32>,
      tpu.vector_store %arg6[%swap3A_535, %swap3A_536], %gather3A_533 {strides = array<i32>} : memref<2x512xi32, #tpu.memory_space<vmem>>, vector<16xi32>,
      %mul3A_538 = arith.constant 4 : i32
      %mul3A_539 = arith.muli %mul3A_538, %add3A_329 : i32
      %add3A_540 = arith.constant 2 : i32
      %add3A_541 = arith.addi %mul3A_539, %add3A_540 : i32
      %add3A_542 = arith.constant 0 : i32
      %add3A_543 = arith.addi %add3A_542, %add3A_541 : i32
      %add3A_544 = vector.broadcast %add3A_543 : i32 to vector<16xi32>
      %add3A_545 = arith.addi %mul3A_5, %add3A_544 : vector<16xi32>
      %gather3A_546 = tpu.vector_load_idx %arg5[%add3A_545] : memref<25600xi32, #tpu.memory_space<vmem>>[vector<16xi32>], vector<16xi32>,
      %swap3A_547 = arith.constant 1 : i32
      %swap3A_548 = arith.index_cast %swap3A_547 : i32 to index
      %swap3A_549 = arith.constant 256 : index
      %swap3A_550 = tpu.vector_load %arg6[%swap3A_548, %swap3A_549] {strides = array<i32>} : memref<2x512xi32, #tpu.memory_space<vmem>>, vector<16xi32>,
      tpu.vector_store %arg6[%swap3A_548, %swap3A_549], %gather3A_546 {strides = array<i32>} : memref<2x512xi32, #tpu.memory_space<vmem>>, vector<16xi32>,
      %mul3A_551 = arith.constant 4 : i32
      %mul3A_552 = arith.muli %mul3A_551, %add3A_329 : i32
      %add3A_553 = arith.constant 2 : i32
      %add3A_554 = arith.addi %mul3A_552, %add3A_553 : i32
      %add3A_555 = arith.constant 3200 : i32
      %add3A_556 = arith.addi %add3A_555, %add3A_554 : i32
      %add3A_557 = vector.broadcast %add3A_556 : i32 to vector<16xi32>
      %add3A_558 = arith.addi %mul3A_5, %add3A_557 : vector<16xi32>
      %gather3A_559 = tpu.vector_load_idx %arg5[%add3A_558] : memref<25600xi32, #tpu.memory_space<vmem>>[vector<16xi32>], vector<16xi32>,
      %swap3A_560 = arith.constant 1 : i32
      %swap3A_561 = arith.index_cast %swap3A_560 : i32 to index
      %swap3A_562 = arith.constant 272 : index
      %swap3A_563 = tpu.vector_load %arg6[%swap3A_561, %swap3A_562] {strides = array<i32>} : memref<2x512xi32, #tpu.memory_space<vmem>>, vector<16xi32>,
      tpu.vector_store %arg6[%swap3A_561, %swap3A_562], %gather3A_559 {strides = array<i32>} : memref<2x512xi32, #tpu.memory_space<vmem>>, vector<16xi32>,
      %mul3A_564 = arith.constant 4 : i32
      %mul3A_565 = arith.muli %mul3A_564, %add3A_329 : i32
      %add3A_566 = arith.constant 2 : i32
      %add3A_567 = arith.addi %mul3A_565, %add3A_566 : i32
      %add3A_568 = arith.constant 6400 : i32
      %add3A_569 = arith.addi %add3A_568, %add3A_567 : i32
      %add3A_570 = vector.broadcast %add3A_569 : i32 to vector<16xi32>
      %add3A_571 = arith.addi %mul3A_5, %add3A_570 : vector<16xi32>
      %gather3A_572 = tpu.vector_load_idx %arg5[%add3A_571] : memref<25600xi32, #tpu.memory_space<vmem>>[vector<16xi32>], vector<16xi32>,
      %swap3A_573 = arith.constant 1 : i32
      %swap3A_574 = arith.index_cast %swap3A_573 : i32 to index
      %swap3A_575 = arith.constant 288 : index
      %swap3A_576 = tpu.vector_load %arg6[%swap3A_574, %swap3A_575] {strides = array<i32>} : memref<2x512xi32, #tpu.memory_space<vmem>>, vector<16xi32>,
      tpu.vector_store %arg6[%swap3A_574, %swap3A_575], %gather3A_572 {strides = array<i32>} : memref<2x512xi32, #tpu.memory_space<vmem>>, vector<16xi32>,
      %mul3A_577 = arith.constant 4 : i32
      %mul3A_578 = arith.muli %mul3A_577, %add3A_329 : i32
      %add3A_579 = arith.constant 2 : i32
      %add3A_580 = arith.addi %mul3A_578, %add3A_579 : i32
      %add3A_581 = arith.constant 9600 : i32
      %add3A_582 = arith.addi %add3A_581, %add3A_580 : i32
      %add3A_583 = vector.broadcast %add3A_582 : i32 to vector<16xi32>
      %add3A_584 = arith.addi %mul3A_5, %add3A_583 : vector<16xi32>
      %gather3A_585 = tpu.vector_load_idx %arg5[%add3A_584] : memref<25600xi32, #tpu.memory_space<vmem>>[vector<16xi32>], vector<16xi32>,
      %swap3A_586 = arith.constant 1 : i32
      %swap3A_587 = arith.index_cast %swap3A_586 : i32 to index
      %swap3A_588 = arith.constant 304 : index
      %swap3A_589 = tpu.vector_load %arg6[%swap3A_587, %swap3A_588] {strides = array<i32>} : memref<2x512xi32, #tpu.memory_space<vmem>>, vector<16xi32>,
      tpu.vector_store %arg6[%swap3A_587, %swap3A_588], %gather3A_585 {strides = array<i32>} : memref<2x512xi32, #tpu.memory_space<vmem>>, vector<16xi32>,
      %mul3A_590 = arith.constant 4 : i32
      %mul3A_591 = arith.muli %mul3A_590, %add3A_329 : i32
      %add3A_592 = arith.constant 2 : i32
      %add3A_593 = arith.addi %mul3A_591, %add3A_592 : i32
      %add3A_594 = arith.constant 12800 : i32
      %add3A_595 = arith.addi %add3A_594, %add3A_593 : i32
      %add3A_596 = vector.broadcast %add3A_595 : i32 to vector<16xi32>
      %add3A_597 = arith.addi %mul3A_5, %add3A_596 : vector<16xi32>
      %gather3A_598 = tpu.vector_load_idx %arg5[%add3A_597] : memref<25600xi32, #tpu.memory_space<vmem>>[vector<16xi32>], vector<16xi32>,
      %swap3A_599 = arith.constant 1 : i32
      %swap3A_600 = arith.index_cast %swap3A_599 : i32 to index
      %swap3A_601 = arith.constant 320 : index
      %swap3A_602 = tpu.vector_load %arg6[%swap3A_600, %swap3A_601] {strides = array<i32>} : memref<2x512xi32, #tpu.memory_space<vmem>>, vector<16xi32>,
      tpu.vector_store %arg6[%swap3A_600, %swap3A_601], %gather3A_598 {strides = array<i32>} : memref<2x512xi32, #tpu.memory_space<vmem>>, vector<16xi32>,
      %mul3A_603 = arith.constant 4 : i32
      %mul3A_604 = arith.muli %mul3A_603, %add3A_329 : i32
      %add3A_605 = arith.constant 2 : i32
      %add3A_606 = arith.addi %mul3A_604, %add3A_605 : i32
      %add3A_607 = arith.constant 16000 : i32
      %add3A_608 = arith.addi %add3A_607, %add3A_606 : i32
      %add3A_609 = vector.broadcast %add3A_608 : i32 to vector<16xi32>
      %add3A_610 = arith.addi %mul3A_5, %add3A_609 : vector<16xi32>
      %gather3A_611 = tpu.vector_load_idx %arg5[%add3A_610] : memref<25600xi32, #tpu.memory_space<vmem>>[vector<16xi32>], vector<16xi32>,
      %swap3A_612 = arith.constant 1 : i32
      %swap3A_613 = arith.index_cast %swap3A_612 : i32 to index
      %swap3A_614 = arith.constant 336 : index
      %swap3A_615 = tpu.vector_load %arg6[%swap3A_613, %swap3A_614] {strides = array<i32>} : memref<2x512xi32, #tpu.memory_space<vmem>>, vector<16xi32>,
      tpu.vector_store %arg6[%swap3A_613, %swap3A_614], %gather3A_611 {strides = array<i32>} : memref<2x512xi32, #tpu.memory_space<vmem>>, vector<16xi32>,
      %mul3A_616 = arith.constant 4 : i32
      %mul3A_617 = arith.muli %mul3A_616, %add3A_329 : i32
      %add3A_618 = arith.constant 2 : i32
      %add3A_619 = arith.addi %mul3A_617, %add3A_618 : i32
      %add3A_620 = arith.constant 19200 : i32
      %add3A_621 = arith.addi %add3A_620, %add3A_619 : i32
      %add3A_622 = vector.broadcast %add3A_621 : i32 to vector<16xi32>
      %add3A_623 = arith.addi %mul3A_5, %add3A_622 : vector<16xi32>
      %gather3A_624 = tpu.vector_load_idx %arg5[%add3A_623] : memref<25600xi32, #tpu.memory_space<vmem>>[vector<16xi32>], vector<16xi32>,
      %swap3A_625 = arith.constant 1 : i32
      %swap3A_626 = arith.index_cast %swap3A_625 : i32 to index
      %swap3A_627 = arith.constant 352 : index
      %swap3A_628 = tpu.vector_load %arg6[%swap3A_626, %swap3A_627] {strides = array<i32>} : memref<2x512xi32, #tpu.memory_space<vmem>>, vector<16xi32>,
      tpu.vector_store %arg6[%swap3A_626, %swap3A_627], %gather3A_624 {strides = array<i32>} : memref<2x512xi32, #tpu.memory_space<vmem>>, vector<16xi32>,
      %mul3A_629 = arith.constant 4 : i32
      %mul3A_630 = arith.muli %mul3A_629, %add3A_329 : i32
      %add3A_631 = arith.constant 2 : i32
      %add3A_632 = arith.addi %mul3A_630, %add3A_631 : i32
      %add3A_633 = arith.constant 22400 : i32
      %add3A_634 = arith.addi %add3A_633, %add3A_632 : i32
      %add3A_635 = vector.broadcast %add3A_634 : i32 to vector<16xi32>
      %add3A_636 = arith.addi %mul3A_5, %add3A_635 : vector<16xi32>
      %gather3A_637 = tpu.vector_load_idx %arg5[%add3A_636] : memref<25600xi32, #tpu.memory_space<vmem>>[vector<16xi32>], vector<16xi32>,
      %swap3A_638 = arith.constant 1 : i32
      %swap3A_639 = arith.index_cast %swap3A_638 : i32 to index
      %swap3A_640 = arith.constant 368 : index
      %swap3A_641 = tpu.vector_load %arg6[%swap3A_639, %swap3A_640] {strides = array<i32>} : memref<2x512xi32, #tpu.memory_space<vmem>>, vector<16xi32>,
      tpu.vector_store %arg6[%swap3A_639, %swap3A_640], %gather3A_637 {strides = array<i32>} : memref<2x512xi32, #tpu.memory_space<vmem>>, vector<16xi32>,
      %mul3A_642 = arith.constant 4 : i32
      %mul3A_643 = arith.muli %mul3A_642, %add3A_329 : i32
      %add3A_644 = arith.constant 3 : i32
      %add3A_645 = arith.addi %mul3A_643, %add3A_644 : i32
      %add3A_646 = arith.constant 0 : i32
      %add3A_647 = arith.addi %add3A_646, %add3A_645 : i32
      %add3A_648 = vector.broadcast %add3A_647 : i32 to vector<16xi32>
      %add3A_649 = arith.addi %mul3A_5, %add3A_648 : vector<16xi32>
      %gather3A_650 = tpu.vector_load_idx %arg5[%add3A_649] : memref<25600xi32, #tpu.memory_space<vmem>>[vector<16xi32>], vector<16xi32>,
      %swap3A_651 = arith.constant 1 : i32
      %swap3A_652 = arith.index_cast %swap3A_651 : i32 to index
      %swap3A_653 = arith.constant 384 : index
      %swap3A_654 = tpu.vector_load %arg6[%swap3A_652, %swap3A_653] {strides = array<i32>} : memref<2x512xi32, #tpu.memory_space<vmem>>, vector<16xi32>,
      tpu.vector_store %arg6[%swap3A_652, %swap3A_653], %gather3A_650 {strides = array<i32>} : memref<2x512xi32, #tpu.memory_space<vmem>>, vector<16xi32>,
      %mul3A_655 = arith.constant 4 : i32
      %mul3A_656 = arith.muli %mul3A_655, %add3A_329 : i32
      %add3A_657 = arith.constant 3 : i32
      %add3A_658 = arith.addi %mul3A_656, %add3A_657 : i32
      %add3A_659 = arith.constant 3200 : i32
      %add3A_660 = arith.addi %add3A_659, %add3A_658 : i32
      %add3A_661 = vector.broadcast %add3A_660 : i32 to vector<16xi32>
      %add3A_662 = arith.addi %mul3A_5, %add3A_661 : vector<16xi32>
      %gather3A_663 = tpu.vector_load_idx %arg5[%add3A_662] : memref<25600xi32, #tpu.memory_space<vmem>>[vector<16xi32>], vector<16xi32>,
      %swap3A_664 = arith.constant 1 : i32
      %swap3A_665 = arith.index_cast %swap3A_664 : i32 to index
      %swap3A_666 = arith.constant 400 : index
      %swap3A_667 = tpu.vector_load %arg6[%swap3A_665, %swap3A_666] {strides = array<i32>} : memref<2x512xi32, #tpu.memory_space<vmem>>, vector<16xi32>,
      tpu.vector_store %arg6[%swap3A_665, %swap3A_666], %gather3A_663 {strides = array<i32>} : memref<2x512xi32, #tpu.memory_space<vmem>>, vector<16xi32>,
      %mul3A_668 = arith.constant 4 : i32
      %mul3A_669 = arith.muli %mul3A_668, %add3A_329 : i32
      %add3A_670 = arith.constant 3 : i32
      %add3A_671 = arith.addi %mul3A_669, %add3A_670 : i32
      %add3A_672 = arith.constant 6400 : i32
      %add3A_673 = arith.addi %add3A_672, %add3A_671 : i32
      %add3A_674 = vector.broadcast %add3A_673 : i32 to vector<16xi32>
      %add3A_675 = arith.addi %mul3A_5, %add3A_674 : vector<16xi32>
      %gather3A_676 = tpu.vector_load_idx %arg5[%add3A_675] : memref<25600xi32, #tpu.memory_space<vmem>>[vector<16xi32>], vector<16xi32>,
      %swap3A_677 = arith.constant 1 : i32
      %swap3A_678 = arith.index_cast %swap3A_677 : i32 to index
      %swap3A_679 = arith.constant 416 : index
      %swap3A_680 = tpu.vector_load %arg6[%swap3A_678, %swap3A_679] {strides = array<i32>} : memref<2x512xi32, #tpu.memory_space<vmem>>, vector<16xi32>,
      tpu.vector_store %arg6[%swap3A_678, %swap3A_679], %gather3A_676 {strides = array<i32>} : memref<2x512xi32, #tpu.memory_space<vmem>>, vector<16xi32>,
      %mul3A_681 = arith.constant 4 : i32
      %mul3A_682 = arith.muli %mul3A_681, %add3A_329 : i32
      %add3A_683 = arith.constant 3 : i32
      %add3A_684 = arith.addi %mul3A_682, %add3A_683 : i32
      %add3A_685 = arith.constant 9600 : i32
      %add3A_686 = arith.addi %add3A_685, %add3A_684 : i32
      %add3A_687 = vector.broadcast %add3A_686 : i32 to vector<16xi32>
      %add3A_688 = arith.addi %mul3A_5, %add3A_687 : vector<16xi32>
      %gather3A_689 = tpu.vector_load_idx %arg5[%add3A_688] : memref<25600xi32, #tpu.memory_space<vmem>>[vector<16xi32>], vector<16xi32>,
      %swap3A_690 = arith.constant 1 : i32
      %swap3A_691 = arith.index_cast %swap3A_690 : i32 to index
      %swap3A_692 = arith.constant 432 : index
      %swap3A_693 = tpu.vector_load %arg6[%swap3A_691, %swap3A_692] {strides = array<i32>} : memref<2x512xi32, #tpu.memory_space<vmem>>, vector<16xi32>,
      tpu.vector_store %arg6[%swap3A_691, %swap3A_692], %gather3A_689 {strides = array<i32>} : memref<2x512xi32, #tpu.memory_space<vmem>>, vector<16xi32>,
      %mul3A_694 = arith.constant 4 : i32
      %mul3A_695 = arith.muli %mul3A_694, %add3A_329 : i32
      %add3A_696 = arith.constant 3 : i32
      %add3A_697 = arith.addi %mul3A_695, %add3A_696 : i32
      %add3A_698 = arith.constant 12800 : i32
      %add3A_699 = arith.addi %add3A_698, %add3A_697 : i32
      %add3A_700 = vector.broadcast %add3A_699 : i32 to vector<16xi32>
      %add3A_701 = arith.addi %mul3A_5, %add3A_700 : vector<16xi32>
      %gather3A_702 = tpu.vector_load_idx %arg5[%add3A_701] : memref<25600xi32, #tpu.memory_space<vmem>>[vector<16xi32>], vector<16xi32>,
      %swap3A_703 = arith.constant 1 : i32
      %swap3A_704 = arith.index_cast %swap3A_703 : i32 to index
      %swap3A_705 = arith.constant 448 : index
      %swap3A_706 = tpu.vector_load %arg6[%swap3A_704, %swap3A_705] {strides = array<i32>} : memref<2x512xi32, #tpu.memory_space<vmem>>, vector<16xi32>,
      tpu.vector_store %arg6[%swap3A_704, %swap3A_705], %gather3A_702 {strides = array<i32>} : memref<2x512xi32, #tpu.memory_space<vmem>>, vector<16xi32>,
      %mul3A_707 = arith.constant 4 : i32
      %mul3A_708 = arith.muli %mul3A_707, %add3A_329 : i32
      %add3A_709 = arith.constant 3 : i32
      %add3A_710 = arith.addi %mul3A_708, %add3A_709 : i32
      %add3A_711 = arith.constant 16000 : i32
      %add3A_712 = arith.addi %add3A_711, %add3A_710 : i32
      %add3A_713 = vector.broadcast %add3A_712 : i32 to vector<16xi32>
      %add3A_714 = arith.addi %mul3A_5, %add3A_713 : vector<16xi32>
      %gather3A_715 = tpu.vector_load_idx %arg5[%add3A_714] : memref<25600xi32, #tpu.memory_space<vmem>>[vector<16xi32>], vector<16xi32>,
      %swap3A_716 = arith.constant 1 : i32
      %swap3A_717 = arith.index_cast %swap3A_716 : i32 to index
      %swap3A_718 = arith.constant 464 : index
      %swap3A_719 = tpu.vector_load %arg6[%swap3A_717, %swap3A_718] {strides = array<i32>} : memref<2x512xi32, #tpu.memory_space<vmem>>, vector<16xi32>,
      tpu.vector_store %arg6[%swap3A_717, %swap3A_718], %gather3A_715 {strides = array<i32>} : memref<2x512xi32, #tpu.memory_space<vmem>>, vector<16xi32>,
      %mul3A_720 = arith.constant 4 : i32
      %mul3A_721 = arith.muli %mul3A_720, %add3A_329 : i32
      %add3A_722 = arith.constant 3 : i32
      %add3A_723 = arith.addi %mul3A_721, %add3A_722 : i32
      %add3A_724 = arith.constant 19200 : i32
      %add3A_725 = arith.addi %add3A_724, %add3A_723 : i32
      %add3A_726 = vector.broadcast %add3A_725 : i32 to vector<16xi32>
      %add3A_727 = arith.addi %mul3A_5, %add3A_726 : vector<16xi32>
      %gather3A_728 = tpu.vector_load_idx %arg5[%add3A_727] : memref<25600xi32, #tpu.memory_space<vmem>>[vector<16xi32>], vector<16xi32>,
      %swap3A_729 = arith.constant 1 : i32
      %swap3A_730 = arith.index_cast %swap3A_729 : i32 to index
      %swap3A_731 = arith.constant 480 : index
      %swap3A_732 = tpu.vector_load %arg6[%swap3A_730, %swap3A_731] {strides = array<i32>} : memref<2x512xi32, #tpu.memory_space<vmem>>, vector<16xi32>,
      tpu.vector_store %arg6[%swap3A_730, %swap3A_731], %gather3A_728 {strides = array<i32>} : memref<2x512xi32, #tpu.memory_space<vmem>>, vector<16xi32>,
      %mul3A_733 = arith.constant 4 : i32
      %mul3A_734 = arith.muli %mul3A_733, %add3A_329 : i32
      %add3A_735 = arith.constant 3 : i32
      %add3A_736 = arith.addi %mul3A_734, %add3A_735 : i32
      %add3A_737 = arith.constant 22400 : i32
      %add3A_738 = arith.addi %add3A_737, %add3A_736 : i32
      %add3A_739 = vector.broadcast %add3A_738 : i32 to vector<16xi32>
      %add3A_740 = arith.addi %mul3A_5, %add3A_739 : vector<16xi32>
      %gather3A_741 = tpu.vector_load_idx %arg5[%add3A_740] : memref<25600xi32, #tpu.memory_space<vmem>>[vector<16xi32>], vector<16xi32>,
      %swap3A_742 = arith.constant 1 : i32
      %swap3A_743 = arith.index_cast %swap3A_742 : i32 to index
      %swap3A_744 = arith.constant 496 : index
      %swap3A_745 = tpu.vector_load %arg6[%swap3A_743, %swap3A_744] {strides = array<i32>} : memref<2x512xi32, #tpu.memory_space<vmem>>, vector<16xi32>,
      tpu.vector_store %arg6[%swap3A_743, %swap3A_744], %gather3A_741 {strides = array<i32>} : memref<2x512xi32, #tpu.memory_space<vmem>>, vector<16xi32>,
      %dma_start3A_746 = arith.constant 1 : i32
      %dma_start3A_747 = arith.constant 1 : i32
      %dma_start3A_748 = arith.constant 0 : i32
      %dma_start3A_749 = arith.constant 0 : i32
      %dma_start3A_750 = tpu.memref_slice %arg7[%dma_start3A_747, %dma_start3A_748, %dma_start3A_749] : memref<2x512x32xf32, #tpu.memory_space<vmem>> -> memref<1x512x32xf32, #tpu.memory_space<vmem>>
      %dma_start3A_751 = tpu.memref_squeeze %dma_start3A_750 : memref<1x512x32xf32, #tpu.memory_space<vmem>> -> memref<512x32xf32, #tpu.memory_space<vmem>>
      %dma_start3A_752 = arith.constant 0 : i32
      %dma_start3A_753 = tpu.memref_slice %arg6[%dma_start3A_746, %dma_start3A_752] : memref<2x512xi32, #tpu.memory_space<vmem>> -> memref<1x512xi32, #tpu.memory_space<vmem>>
      %dma_start3A_754 = tpu.memref_squeeze %dma_start3A_753 : memref<1x512xi32, #tpu.memory_space<vmem>> -> memref<512xi32, #tpu.memory_space<vmem>>
      %dma_start3A_755 = arith.constant 0 : i32
      %dma_start3A_756 = arith.constant 0 : i32
      %dma_start3A_757 = tpu.memref_slice %arg3[%dma_start3A_755, %dma_start3A_756] : memref<1000000x32xf32, #tpu.memory_space<hbm>> -> memref<1000000x32xf32, #tpu.memory_space<hbm>>
      tpu.enqueue_indirect_dma source(%dma_start3A_757 : memref<1000000x32xf32, #tpu.memory_space<hbm>>) target(%dma_start3A_751 : memref<512x32xf32, #tpu.memory_space<vmem>>) offsets(%dma_start3A_754 : memref<512xi32, #tpu.memory_space<vmem>>) semaphore(%arg10 : memref<!tpu.dma_semaphore, #tpu.memory_space<semaphore_mem>>)
      %gt3A = arith.constant 0 : i32
      %gt3A_758 = arith.cmpi sgt, %add3A_313, %gt3A : i32
      %convert_element_type3A = arith.extui %gt3A_758 : i1 to i32
      %cond3A = arith.constant 0 : i32
      %cond3A_759 = arith.cmpi ne, %convert_element_type3A, %cond3A : i32
      scf.if %cond3A_759 {
        %dma_wait3A_1470 = arith.constant 0 : i32
        %dma_wait3A_1471 = arith.constant 0 : i32
        %dma_wait3A_1472 = arith.constant 0 : i32
        %dma_wait3A_1473 = arith.constant 0 : i32
        %dma_wait3A_1474 = tpu.memref_slice %arg8[%dma_wait3A_1470, %dma_wait3A_1472, %dma_wait3A_1473] : memref<2x4x4096xf32, #tpu.memory_space<vmem>> -> memref<1x4x4096xf32, #tpu.memory_space<vmem>>
        %dma_wait3A_1475 = tpu.memref_squeeze %dma_wait3A_1474 : memref<1x4x4096xf32, #tpu.memory_space<vmem>> -> memref<4x4096xf32, #tpu.memory_space<vmem>>
        %dma_wait3A_1476 = arith.constant 0 : i32
        %dma_wait3A_1477 = tpu.memref_slice %arg4[%dma_wait3A_1471, %dma_wait3A_1476] : memref<200x131072xf32, #tpu.memory_space<hbm>> -> memref<1x16384xf32, #tpu.memory_space<hbm>>
        %dma_wait3A_1478 = tpu.memref_squeeze %dma_wait3A_1477 : memref<1x16384xf32, #tpu.memory_space<hbm>> -> memref<16384xf32, #tpu.memory_space<hbm>>
        %dma_wait3A_1479 = arith.constant 0 : i32
        %dma_wait3A_1480 = tpu.memref_slice %arg4[%dma_wait3A_1471, %dma_wait3A_1479] : memref<200x131072xf32, #tpu.memory_space<hbm>> -> memref<1x16384xf32, #tpu.memory_space<hbm>>
        %dma_wait3A_1481 = tpu.memref_squeeze %dma_wait3A_1480 : memref<1x16384xf32, #tpu.memory_space<hbm>> -> memref<16384xf32, #tpu.memory_space<hbm>>
        %dma_wait3A_1482 = arith.constant 0 : i32
        %dma_wait3A_1483 = arith.constant 0 : i32
        %dma_wait3A_1484 = tpu.memref_slice %arg8[%dma_wait3A_1470, %dma_wait3A_1482, %dma_wait3A_1483] : memref<2x4x4096xf32, #tpu.memory_space<vmem>> -> memref<1x4x4096xf32, #tpu.memory_space<vmem>>
        %dma_wait3A_1485 = tpu.memref_squeeze %dma_wait3A_1484 : memref<1x4x4096xf32, #tpu.memory_space<vmem>> -> memref<4x4096xf32, #tpu.memory_space<vmem>>
        tpu.wait_dma2 semaphore(%arg11 : memref<!tpu.dma_semaphore, #tpu.memory_space<semaphore_mem>>) src(%dma_wait3A_1485 : memref<4x4096xf32, #tpu.memory_space<vmem>>) dst(%dma_wait3A_1481 : memref<16384xf32, #tpu.memory_space<hbm>>)
      } else {
      }
      %parallel_loop3A = arith.constant 0 : i32
      %parallel_loop3A_760 = arith.constant 128 : i32
      %parallel_loop3A_761 = arith.constant 1 : i32
      %parallel_loop3A_762 = arith.constant 0 : i32
      %parallel_loop3A_763 = arith.constant 0 : i32
      %parallel_loop3A_764 = scf.for %parallel_loop3A_1470 = %parallel_loop3A to %parallel_loop3A_760 step %parallel_loop3A_761 iter_args(%parallel_loop3A_1471 = %mul3A_8) -> (vector<16xi32>)  : i32 {
        %parallel_loop3A_1472 = arith.constant 0 : i32
        %parallel_loop3A_1473 = arith.addi %parallel_loop3A_1472, %parallel_loop3A_1470 : i32
        %parallel_loop3A_1474 = arith.constant 0 : i32
        %parallel_loop3A_1475 = arith.index_cast %parallel_loop3A_1474 : i32 to index
        %parallel_loop3A_1476 = arith.index_cast %parallel_loop3A_1473 : i32 to index
        %parallel_loop3A_1477 = arith.constant 0 : index
        %parallel_loop3A_1478 = tpu.vector_load %arg7[%parallel_loop3A_1475, %parallel_loop3A_1476, %parallel_loop3A_1477] {strides = array<i32>} : memref<2x512x32xf32, #tpu.memory_space<vmem>>, vector<16xf32>,
        %parallel_loop3A_1479 = arith.constant 5.65685415 : f32
        %parallel_loop3A_1480 = vector.broadcast %parallel_loop3A_1479 : f32 to vector<16xf32>
        %parallel_loop3A_1481 = arith.mulf %parallel_loop3A_1478, %parallel_loop3A_1480 : vector<16xf32>
        %parallel_loop3A_1482 = arith.constant 0 : i32
        %parallel_loop3A_1483 = vector.broadcast %parallel_loop3A_1482 : i32 to vector<16xi32>
        %parallel_loop3A_1484 = arith.addi %parallel_loop3A_1471, %parallel_loop3A_1483 : vector<16xi32>
        %parallel_loop3A_1485 = arith.constant 0 : i32
        %parallel_loop3A_1486 = tpu.memref_slice %arg8[%parallel_loop3A_762, %parallel_loop3A_763, %parallel_loop3A_1485] : memref<2x4x4096xf32, #tpu.memory_space<vmem>> -> memref<1x1x4096xf32, #tpu.memory_space<vmem>>
        %parallel_loop3A_1487 = tpu.memref_squeeze %parallel_loop3A_1486 : memref<1x1x4096xf32, #tpu.memory_space<vmem>> -> memref<4096xf32, #tpu.memory_space<vmem>>
        tpu.vector_store_idx %parallel_loop3A_1487[%parallel_loop3A_1484], %parallel_loop3A_1481 : memref<4096xf32, #tpu.memory_space<vmem>>[vector<16xi32>], vector<16xf32>,
        %parallel_loop3A_1488 = arith.constant 0 : i32
        %parallel_loop3A_1489 = arith.addi %parallel_loop3A_1488, %parallel_loop3A_1470 : i32
        %parallel_loop3A_1490 = arith.constant 0 : i32
        %parallel_loop3A_1491 = arith.index_cast %parallel_loop3A_1490 : i32 to index
        %parallel_loop3A_1492 = arith.index_cast %parallel_loop3A_1489 : i32 to index
        %parallel_loop3A_1493 = arith.constant 16 : index
        %parallel_loop3A_1494 = tpu.vector_load %arg7[%parallel_loop3A_1491, %parallel_loop3A_1492, %parallel_loop3A_1493] {strides = array<i32>} : memref<2x512x32xf32, #tpu.memory_space<vmem>>, vector<16xf32>,
        %parallel_loop3A_1495 = arith.constant 5.65685415 : f32
        %parallel_loop3A_1496 = vector.broadcast %parallel_loop3A_1495 : f32 to vector<16xf32>
        %parallel_loop3A_1497 = arith.mulf %parallel_loop3A_1494, %parallel_loop3A_1496 : vector<16xf32>
        %parallel_loop3A_1498 = arith.constant 2048 : i32
        %parallel_loop3A_1499 = vector.broadcast %parallel_loop3A_1498 : i32 to vector<16xi32>
        %parallel_loop3A_1500 = arith.addi %parallel_loop3A_1471, %parallel_loop3A_1499 : vector<16xi32>
        %parallel_loop3A_1501 = arith.constant 0 : i32
        %parallel_loop3A_1502 = tpu.memref_slice %arg8[%parallel_loop3A_762, %parallel_loop3A_763, %parallel_loop3A_1501] : memref<2x4x4096xf32, #tpu.memory_space<vmem>> -> memref<1x1x4096xf32, #tpu.memory_space<vmem>>
        %parallel_loop3A_1503 = tpu.memref_squeeze %parallel_loop3A_1502 : memref<1x1x4096xf32, #tpu.memory_space<vmem>> -> memref<4096xf32, #tpu.memory_space<vmem>>
        tpu.vector_store_idx %parallel_loop3A_1503[%parallel_loop3A_1500], %parallel_loop3A_1497 : memref<4096xf32, #tpu.memory_space<vmem>>[vector<16xi32>], vector<16xf32>,
        %parallel_loop3A_1504 = arith.constant 1 : i32
        %parallel_loop3A_1505 = vector.broadcast %parallel_loop3A_1504 : i32 to vector<16xi32>
        %parallel_loop3A_1506 = arith.addi %parallel_loop3A_1471, %parallel_loop3A_1505 : vector<16xi32>
        scf.yield %parallel_loop3A_1506 : vector<16xi32>
      } {sc.loop_unroll_factor = 8 : i64, sc.parallel_access}
      %parallel_loop3A_765 = arith.constant 0 : i32
      %parallel_loop3A_766 = arith.constant 128 : i32
      %parallel_loop3A_767 = arith.constant 1 : i32
      %parallel_loop3A_768 = arith.constant 0 : i32
      %parallel_loop3A_769 = arith.constant 1 : i32
      %parallel_loop3A_770 = scf.for %parallel_loop3A_1470 = %parallel_loop3A_765 to %parallel_loop3A_766 step %parallel_loop3A_767 iter_args(%parallel_loop3A_1471 = %mul3A_8) -> (vector<16xi32>)  : i32 {
        %parallel_loop3A_1472 = arith.constant 128 : i32
        %parallel_loop3A_1473 = arith.addi %parallel_loop3A_1472, %parallel_loop3A_1470 : i32
        %parallel_loop3A_1474 = arith.constant 0 : i32
        %parallel_loop3A_1475 = arith.index_cast %parallel_loop3A_1474 : i32 to index
        %parallel_loop3A_1476 = arith.index_cast %parallel_loop3A_1473 : i32 to index
        %parallel_loop3A_1477 = arith.constant 0 : index
        %parallel_loop3A_1478 = tpu.vector_load %arg7[%parallel_loop3A_1475, %parallel_loop3A_1476, %parallel_loop3A_1477] {strides = array<i32>} : memref<2x512x32xf32, #tpu.memory_space<vmem>>, vector<16xf32>,
        %parallel_loop3A_1479 = arith.constant 5.65685415 : f32
        %parallel_loop3A_1480 = vector.broadcast %parallel_loop3A_1479 : f32 to vector<16xf32>
        %parallel_loop3A_1481 = arith.mulf %parallel_loop3A_1478, %parallel_loop3A_1480 : vector<16xf32>
        %parallel_loop3A_1482 = arith.constant 0 : i32
        %parallel_loop3A_1483 = vector.broadcast %parallel_loop3A_1482 : i32 to vector<16xi32>
        %parallel_loop3A_1484 = arith.addi %parallel_loop3A_1471, %parallel_loop3A_1483 : vector<16xi32>
        %parallel_loop3A_1485 = arith.constant 0 : i32
        %parallel_loop3A_1486 = tpu.memref_slice %arg8[%parallel_loop3A_768, %parallel_loop3A_769, %parallel_loop3A_1485] : memref<2x4x4096xf32, #tpu.memory_space<vmem>> -> memref<1x1x4096xf32, #tpu.memory_space<vmem>>
        %parallel_loop3A_1487 = tpu.memref_squeeze %parallel_loop3A_1486 : memref<1x1x4096xf32, #tpu.memory_space<vmem>> -> memref<4096xf32, #tpu.memory_space<vmem>>
        tpu.vector_store_idx %parallel_loop3A_1487[%parallel_loop3A_1484], %parallel_loop3A_1481 : memref<4096xf32, #tpu.memory_space<vmem>>[vector<16xi32>], vector<16xf32>,
        %parallel_loop3A_1488 = arith.constant 128 : i32
        %parallel_loop3A_1489 = arith.addi %parallel_loop3A_1488, %parallel_loop3A_1470 : i32
        %parallel_loop3A_1490 = arith.constant 0 : i32
        %parallel_loop3A_1491 = arith.index_cast %parallel_loop3A_1490 : i32 to index
        %parallel_loop3A_1492 = arith.index_cast %parallel_loop3A_1489 : i32 to index
        %parallel_loop3A_1493 = arith.constant 16 : index
        %parallel_loop3A_1494 = tpu.vector_load %arg7[%parallel_loop3A_1491, %parallel_loop3A_1492, %parallel_loop3A_1493] {strides = array<i32>} : memref<2x512x32xf32, #tpu.memory_space<vmem>>, vector<16xf32>,
        %parallel_loop3A_1495 = arith.constant 5.65685415 : f32
        %parallel_loop3A_1496 = vector.broadcast %parallel_loop3A_1495 : f32 to vector<16xf32>
        %parallel_loop3A_1497 = arith.mulf %parallel_loop3A_1494, %parallel_loop3A_1496 : vector<16xf32>
        %parallel_loop3A_1498 = arith.constant 2048 : i32
        %parallel_loop3A_1499 = vector.broadcast %parallel_loop3A_1498 : i32 to vector<16xi32>
        %parallel_loop3A_1500 = arith.addi %parallel_loop3A_1471, %parallel_loop3A_1499 : vector<16xi32>
        %parallel_loop3A_1501 = arith.constant 0 : i32
        %parallel_loop3A_1502 = tpu.memref_slice %arg8[%parallel_loop3A_768, %parallel_loop3A_769, %parallel_loop3A_1501] : memref<2x4x4096xf32, #tpu.memory_space<vmem>> -> memref<1x1x4096xf32, #tpu.memory_space<vmem>>
        %parallel_loop3A_1503 = tpu.memref_squeeze %parallel_loop3A_1502 : memref<1x1x4096xf32, #tpu.memory_space<vmem>> -> memref<4096xf32, #tpu.memory_space<vmem>>
        tpu.vector_store_idx %parallel_loop3A_1503[%parallel_loop3A_1500], %parallel_loop3A_1497 : memref<4096xf32, #tpu.memory_space<vmem>>[vector<16xi32>], vector<16xf32>,
        %parallel_loop3A_1504 = arith.constant 1 : i32
        %parallel_loop3A_1505 = vector.broadcast %parallel_loop3A_1504 : i32 to vector<16xi32>
        %parallel_loop3A_1506 = arith.addi %parallel_loop3A_1471, %parallel_loop3A_1505 : vector<16xi32>
        scf.yield %parallel_loop3A_1506 : vector<16xi32>
      } {sc.loop_unroll_factor = 8 : i64, sc.parallel_access}
      %parallel_loop3A_771 = arith.constant 0 : i32
      %parallel_loop3A_772 = arith.constant 128 : i32
      %parallel_loop3A_773 = arith.constant 1 : i32
      %parallel_loop3A_774 = arith.constant 0 : i32
      %parallel_loop3A_775 = arith.constant 2 : i32
      %parallel_loop3A_776 = scf.for %parallel_loop3A_1470 = %parallel_loop3A_771 to %parallel_loop3A_772 step %parallel_loop3A_773 iter_args(%parallel_loop3A_1471 = %mul3A_8) -> (vector<16xi32>)  : i32 {
        %parallel_loop3A_1472 = arith.constant 256 : i32
        %parallel_loop3A_1473 = arith.addi %parallel_loop3A_1472, %parallel_loop3A_1470 : i32
        %parallel_loop3A_1474 = arith.constant 0 : i32
        %parallel_loop3A_1475 = arith.index_cast %parallel_loop3A_1474 : i32 to index
        %parallel_loop3A_1476 = arith.index_cast %parallel_loop3A_1473 : i32 to index
        %parallel_loop3A_1477 = arith.constant 0 : index
        %parallel_loop3A_1478 = tpu.vector_load %arg7[%parallel_loop3A_1475, %parallel_loop3A_1476, %parallel_loop3A_1477] {strides = array<i32>} : memref<2x512x32xf32, #tpu.memory_space<vmem>>, vector<16xf32>,
        %parallel_loop3A_1479 = arith.constant 5.65685415 : f32
        %parallel_loop3A_1480 = vector.broadcast %parallel_loop3A_1479 : f32 to vector<16xf32>
        %parallel_loop3A_1481 = arith.mulf %parallel_loop3A_1478, %parallel_loop3A_1480 : vector<16xf32>
        %parallel_loop3A_1482 = arith.constant 0 : i32
        %parallel_loop3A_1483 = vector.broadcast %parallel_loop3A_1482 : i32 to vector<16xi32>
        %parallel_loop3A_1484 = arith.addi %parallel_loop3A_1471, %parallel_loop3A_1483 : vector<16xi32>
        %parallel_loop3A_1485 = arith.constant 0 : i32
        %parallel_loop3A_1486 = tpu.memref_slice %arg8[%parallel_loop3A_774, %parallel_loop3A_775, %parallel_loop3A_1485] : memref<2x4x4096xf32, #tpu.memory_space<vmem>> -> memref<1x1x4096xf32, #tpu.memory_space<vmem>>
        %parallel_loop3A_1487 = tpu.memref_squeeze %parallel_loop3A_1486 : memref<1x1x4096xf32, #tpu.memory_space<vmem>> -> memref<4096xf32, #tpu.memory_space<vmem>>
        tpu.vector_store_idx %parallel_loop3A_1487[%parallel_loop3A_1484], %parallel_loop3A_1481 : memref<4096xf32, #tpu.memory_space<vmem>>[vector<16xi32>], vector<16xf32>,
        %parallel_loop3A_1488 = arith.constant 256 : i32
        %parallel_loop3A_1489 = arith.addi %parallel_loop3A_1488, %parallel_loop3A_1470 : i32
        %parallel_loop3A_1490 = arith.constant 0 : i32
        %parallel_loop3A_1491 = arith.index_cast %parallel_loop3A_1490 : i32 to index
        %parallel_loop3A_1492 = arith.index_cast %parallel_loop3A_1489 : i32 to index
        %parallel_loop3A_1493 = arith.constant 16 : index
        %parallel_loop3A_1494 = tpu.vector_load %arg7[%parallel_loop3A_1491, %parallel_loop3A_1492, %parallel_loop3A_1493] {strides = array<i32>} : memref<2x512x32xf32, #tpu.memory_space<vmem>>, vector<16xf32>,
        %parallel_loop3A_1495 = arith.constant 5.65685415 : f32
        %parallel_loop3A_1496 = vector.broadcast %parallel_loop3A_1495 : f32 to vector<16xf32>
        %parallel_loop3A_1497 = arith.mulf %parallel_loop3A_1494, %parallel_loop3A_1496 : vector<16xf32>
        %parallel_loop3A_1498 = arith.constant 2048 : i32
        %parallel_loop3A_1499 = vector.broadcast %parallel_loop3A_1498 : i32 to vector<16xi32>
        %parallel_loop3A_1500 = arith.addi %parallel_loop3A_1471, %parallel_loop3A_1499 : vector<16xi32>
        %parallel_loop3A_1501 = arith.constant 0 : i32
        %parallel_loop3A_1502 = tpu.memref_slice %arg8[%parallel_loop3A_774, %parallel_loop3A_775, %parallel_loop3A_1501] : memref<2x4x4096xf32, #tpu.memory_space<vmem>> -> memref<1x1x4096xf32, #tpu.memory_space<vmem>>
        %parallel_loop3A_1503 = tpu.memref_squeeze %parallel_loop3A_1502 : memref<1x1x4096xf32, #tpu.memory_space<vmem>> -> memref<4096xf32, #tpu.memory_space<vmem>>
        tpu.vector_store_idx %parallel_loop3A_1503[%parallel_loop3A_1500], %parallel_loop3A_1497 : memref<4096xf32, #tpu.memory_space<vmem>>[vector<16xi32>], vector<16xf32>,
        %parallel_loop3A_1504 = arith.constant 1 : i32
        %parallel_loop3A_1505 = vector.broadcast %parallel_loop3A_1504 : i32 to vector<16xi32>
        %parallel_loop3A_1506 = arith.addi %parallel_loop3A_1471, %parallel_loop3A_1505 : vector<16xi32>
        scf.yield %parallel_loop3A_1506 : vector<16xi32>
      } {sc.loop_unroll_factor = 8 : i64, sc.parallel_access}
      %parallel_loop3A_777 = arith.constant 0 : i32
      %parallel_loop3A_778 = arith.constant 128 : i32
      %parallel_loop3A_779 = arith.constant 1 : i32
      %parallel_loop3A_780 = arith.constant 0 : i32
      %parallel_loop3A_781 = arith.constant 3 : i32
      %parallel_loop3A_782 = scf.for %parallel_loop3A_1470 = %parallel_loop3A_777 to %parallel_loop3A_778 step %parallel_loop3A_779 iter_args(%parallel_loop3A_1471 = %mul3A_8) -> (vector<16xi32>)  : i32 {
        %parallel_loop3A_1472 = arith.constant 384 : i32
        %parallel_loop3A_1473 = arith.addi %parallel_loop3A_1472, %parallel_loop3A_1470 : i32
        %parallel_loop3A_1474 = arith.constant 0 : i32
        %parallel_loop3A_1475 = arith.index_cast %parallel_loop3A_1474 : i32 to index
        %parallel_loop3A_1476 = arith.index_cast %parallel_loop3A_1473 : i32 to index
        %parallel_loop3A_1477 = arith.constant 0 : index
        %parallel_loop3A_1478 = tpu.vector_load %arg7[%parallel_loop3A_1475, %parallel_loop3A_1476, %parallel_loop3A_1477] {strides = array<i32>} : memref<2x512x32xf32, #tpu.memory_space<vmem>>, vector<16xf32>,
        %parallel_loop3A_1479 = arith.constant 5.65685415 : f32
        %parallel_loop3A_1480 = vector.broadcast %parallel_loop3A_1479 : f32 to vector<16xf32>
        %parallel_loop3A_1481 = arith.mulf %parallel_loop3A_1478, %parallel_loop3A_1480 : vector<16xf32>
        %parallel_loop3A_1482 = arith.constant 0 : i32
        %parallel_loop3A_1483 = vector.broadcast %parallel_loop3A_1482 : i32 to vector<16xi32>
        %parallel_loop3A_1484 = arith.addi %parallel_loop3A_1471, %parallel_loop3A_1483 : vector<16xi32>
        %parallel_loop3A_1485 = arith.constant 0 : i32
        %parallel_loop3A_1486 = tpu.memref_slice %arg8[%parallel_loop3A_780, %parallel_loop3A_781, %parallel_loop3A_1485] : memref<2x4x4096xf32, #tpu.memory_space<vmem>> -> memref<1x1x4096xf32, #tpu.memory_space<vmem>>
        %parallel_loop3A_1487 = tpu.memref_squeeze %parallel_loop3A_1486 : memref<1x1x4096xf32, #tpu.memory_space<vmem>> -> memref<4096xf32, #tpu.memory_space<vmem>>
        tpu.vector_store_idx %parallel_loop3A_1487[%parallel_loop3A_1484], %parallel_loop3A_1481 : memref<4096xf32, #tpu.memory_space<vmem>>[vector<16xi32>], vector<16xf32>,
        %parallel_loop3A_1488 = arith.constant 384 : i32
        %parallel_loop3A_1489 = arith.addi %parallel_loop3A_1488, %parallel_loop3A_1470 : i32
        %parallel_loop3A_1490 = arith.constant 0 : i32
        %parallel_loop3A_1491 = arith.index_cast %parallel_loop3A_1490 : i32 to index
        %parallel_loop3A_1492 = arith.index_cast %parallel_loop3A_1489 : i32 to index
        %parallel_loop3A_1493 = arith.constant 16 : index
        %parallel_loop3A_1494 = tpu.vector_load %arg7[%parallel_loop3A_1491, %parallel_loop3A_1492, %parallel_loop3A_1493] {strides = array<i32>} : memref<2x512x32xf32, #tpu.memory_space<vmem>>, vector<16xf32>,
        %parallel_loop3A_1495 = arith.constant 5.65685415 : f32
        %parallel_loop3A_1496 = vector.broadcast %parallel_loop3A_1495 : f32 to vector<16xf32>
        %parallel_loop3A_1497 = arith.mulf %parallel_loop3A_1494, %parallel_loop3A_1496 : vector<16xf32>
        %parallel_loop3A_1498 = arith.constant 2048 : i32
        %parallel_loop3A_1499 = vector.broadcast %parallel_loop3A_1498 : i32 to vector<16xi32>
        %parallel_loop3A_1500 = arith.addi %parallel_loop3A_1471, %parallel_loop3A_1499 : vector<16xi32>
        %parallel_loop3A_1501 = arith.constant 0 : i32
        %parallel_loop3A_1502 = tpu.memref_slice %arg8[%parallel_loop3A_780, %parallel_loop3A_781, %parallel_loop3A_1501] : memref<2x4x4096xf32, #tpu.memory_space<vmem>> -> memref<1x1x4096xf32, #tpu.memory_space<vmem>>
        %parallel_loop3A_1503 = tpu.memref_squeeze %parallel_loop3A_1502 : memref<1x1x4096xf32, #tpu.memory_space<vmem>> -> memref<4096xf32, #tpu.memory_space<vmem>>
        tpu.vector_store_idx %parallel_loop3A_1503[%parallel_loop3A_1500], %parallel_loop3A_1497 : memref<4096xf32, #tpu.memory_space<vmem>>[vector<16xi32>], vector<16xf32>,
        %parallel_loop3A_1504 = arith.constant 1 : i32
        %parallel_loop3A_1505 = vector.broadcast %parallel_loop3A_1504 : i32 to vector<16xi32>
        %parallel_loop3A_1506 = arith.addi %parallel_loop3A_1471, %parallel_loop3A_1505 : vector<16xi32>
        scf.yield %parallel_loop3A_1506 : vector<16xi32>
      } {sc.loop_unroll_factor = 8 : i64, sc.parallel_access}
      %mul3A_783 = arith.constant 4 : i32
      %mul3A_784 = arith.muli %mul3A_783, %add3A_315 : i32
      %add3A_785 = arith.constant 0 : i32
      %add3A_786 = arith.addi %mul3A_784, %add3A_785 : i32
      %mul3A_787 = arith.constant 1024 : i32
      %mul3A_788 = arith.muli %add3A, %mul3A_787 : i32
      %add3A_789 = arith.constant 0 : i32
      %add3A_790 = arith.addi %add3A_789, %mul3A_788 : i32
      %dma_start3A_791 = arith.constant 0 : i32
      %dma_start3A_792 = arith.constant 0 : i32
      %dma_start3A_793 = arith.constant 0 : i32
      %dma_start3A_794 = tpu.memref_slice %arg8[%dma_start3A_791, %dma_start3A_792, %dma_start3A_793] : memref<2x4x4096xf32, #tpu.memory_space<vmem>> -> memref<1x1x1024xf32, #tpu.memory_space<vmem>>
      %dma_start3A_795 = tpu.memref_squeeze %dma_start3A_794 : memref<1x1x1024xf32, #tpu.memory_space<vmem>> -> memref<1024xf32, #tpu.memory_space<vmem>>
      %dma_start3A_796 = tpu.memref_slice %arg4[%add3A_786, %add3A_790] : memref<200x131072xf32, #tpu.memory_space<hbm>> -> memref<1x1024xf32, #tpu.memory_space<hbm>>
      %dma_start3A_797 = tpu.memref_squeeze %dma_start3A_796 : memref<1x1024xf32, #tpu.memory_space<hbm>> -> memref<1024xf32, #tpu.memory_space<hbm>>
      %dma_start3A_798 = tpu.memref_slice %arg4[%add3A_786, %add3A_790] : memref<200x131072xf32, #tpu.memory_space<hbm>> -> memref<1x1024xf32, #tpu.memory_space<hbm>>
      %dma_start3A_799 = tpu.memref_squeeze %dma_start3A_798 : memref<1x1024xf32, #tpu.memory_space<hbm>> -> memref<1024xf32, #tpu.memory_space<hbm>>
      %dma_start3A_800 = arith.constant 0 : i32
      %dma_start3A_801 = tpu.memref_slice %arg8[%dma_start3A_791, %dma_start3A_792, %dma_start3A_800] : memref<2x4x4096xf32, #tpu.memory_space<vmem>> -> memref<1x1x1024xf32, #tpu.memory_space<vmem>>
      %dma_start3A_802 = tpu.memref_squeeze %dma_start3A_801 : memref<1x1x1024xf32, #tpu.memory_space<vmem>> -> memref<1024xf32, #tpu.memory_space<vmem>>
      tpu.enqueue_dma source(%dma_start3A_802 : memref<1024xf32, #tpu.memory_space<vmem>>) target(%dma_start3A_799 : memref<1024xf32, #tpu.memory_space<hbm>>) target_semaphore(%arg11 : memref<!tpu.dma_semaphore, #tpu.memory_space<semaphore_mem>>)
      %mul3A_803 = arith.constant 4 : i32
      %mul3A_804 = arith.muli %mul3A_803, %add3A_315 : i32
      %add3A_805 = arith.constant 0 : i32
      %add3A_806 = arith.addi %mul3A_804, %add3A_805 : i32
      %mul3A_807 = arith.constant 1024 : i32
      %mul3A_808 = arith.muli %add3A, %mul3A_807 : i32
      %add3A_809 = arith.constant 32768 : i32
      %add3A_810 = arith.addi %add3A_809, %mul3A_808 : i32
      %dma_start3A_811 = arith.constant 0 : i32
      %dma_start3A_812 = arith.constant 0 : i32
      %dma_start3A_813 = arith.constant 1024 : i32
      %dma_start3A_814 = tpu.memref_slice %arg8[%dma_start3A_811, %dma_start3A_812, %dma_start3A_813] : memref<2x4x4096xf32, #tpu.memory_space<vmem>> -> memref<1x1x1024xf32, #tpu.memory_space<vmem>>
      %dma_start3A_815 = tpu.memref_squeeze %dma_start3A_814 : memref<1x1x1024xf32, #tpu.memory_space<vmem>> -> memref<1024xf32, #tpu.memory_space<vmem>>
      %dma_start3A_816 = tpu.memref_slice %arg4[%add3A_806, %add3A_810] : memref<200x131072xf32, #tpu.memory_space<hbm>> -> memref<1x1024xf32, #tpu.memory_space<hbm>>
      %dma_start3A_817 = tpu.memref_squeeze %dma_start3A_816 : memref<1x1024xf32, #tpu.memory_space<hbm>> -> memref<1024xf32, #tpu.memory_space<hbm>>
      %dma_start3A_818 = tpu.memref_slice %arg4[%add3A_806, %add3A_810] : memref<200x131072xf32, #tpu.memory_space<hbm>> -> memref<1x1024xf32, #tpu.memory_space<hbm>>
      %dma_start3A_819 = tpu.memref_squeeze %dma_start3A_818 : memref<1x1024xf32, #tpu.memory_space<hbm>> -> memref<1024xf32, #tpu.memory_space<hbm>>
      %dma_start3A_820 = arith.constant 1024 : i32
      %dma_start3A_821 = tpu.memref_slice %arg8[%dma_start3A_811, %dma_start3A_812, %dma_start3A_820] : memref<2x4x4096xf32, #tpu.memory_space<vmem>> -> memref<1x1x1024xf32, #tpu.memory_space<vmem>>
      %dma_start3A_822 = tpu.memref_squeeze %dma_start3A_821 : memref<1x1x1024xf32, #tpu.memory_space<vmem>> -> memref<1024xf32, #tpu.memory_space<vmem>>
      tpu.enqueue_dma source(%dma_start3A_822 : memref<1024xf32, #tpu.memory_space<vmem>>) target(%dma_start3A_819 : memref<1024xf32, #tpu.memory_space<hbm>>) target_semaphore(%arg11 : memref<!tpu.dma_semaphore, #tpu.memory_space<semaphore_mem>>)
      %mul3A_823 = arith.constant 4 : i32
      %mul3A_824 = arith.muli %mul3A_823, %add3A_315 : i32
      %add3A_825 = arith.constant 0 : i32
      %add3A_826 = arith.addi %mul3A_824, %add3A_825 : i32
      %mul3A_827 = arith.constant 1024 : i32
      %mul3A_828 = arith.muli %add3A, %mul3A_827 : i32
      %add3A_829 = arith.constant 65536 : i32
      %add3A_830 = arith.addi %add3A_829, %mul3A_828 : i32
      %dma_start3A_831 = arith.constant 0 : i32
      %dma_start3A_832 = arith.constant 0 : i32
      %dma_start3A_833 = arith.constant 2048 : i32
      %dma_start3A_834 = tpu.memref_slice %arg8[%dma_start3A_831, %dma_start3A_832, %dma_start3A_833] : memref<2x4x4096xf32, #tpu.memory_space<vmem>> -> memref<1x1x1024xf32, #tpu.memory_space<vmem>>
      %dma_start3A_835 = tpu.memref_squeeze %dma_start3A_834 : memref<1x1x1024xf32, #tpu.memory_space<vmem>> -> memref<1024xf32, #tpu.memory_space<vmem>>
      %dma_start3A_836 = tpu.memref_slice %arg4[%add3A_826, %add3A_830] : memref<200x131072xf32, #tpu.memory_space<hbm>> -> memref<1x1024xf32, #tpu.memory_space<hbm>>
      %dma_start3A_837 = tpu.memref_squeeze %dma_start3A_836 : memref<1x1024xf32, #tpu.memory_space<hbm>> -> memref<1024xf32, #tpu.memory_space<hbm>>
      %dma_start3A_838 = tpu.memref_slice %arg4[%add3A_826, %add3A_830] : memref<200x131072xf32, #tpu.memory_space<hbm>> -> memref<1x1024xf32, #tpu.memory_space<hbm>>
      %dma_start3A_839 = tpu.memref_squeeze %dma_start3A_838 : memref<1x1024xf32, #tpu.memory_space<hbm>> -> memref<1024xf32, #tpu.memory_space<hbm>>
      %dma_start3A_840 = arith.constant 2048 : i32
      %dma_start3A_841 = tpu.memref_slice %arg8[%dma_start3A_831, %dma_start3A_832, %dma_start3A_840] : memref<2x4x4096xf32, #tpu.memory_space<vmem>> -> memref<1x1x1024xf32, #tpu.memory_space<vmem>>
      %dma_start3A_842 = tpu.memref_squeeze %dma_start3A_841 : memref<1x1x1024xf32, #tpu.memory_space<vmem>> -> memref<1024xf32, #tpu.memory_space<vmem>>
      tpu.enqueue_dma source(%dma_start3A_842 : memref<1024xf32, #tpu.memory_space<vmem>>) target(%dma_start3A_839 : memref<1024xf32, #tpu.memory_space<hbm>>) target_semaphore(%arg11 : memref<!tpu.dma_semaphore, #tpu.memory_space<semaphore_mem>>)
      %mul3A_843 = arith.constant 4 : i32
      %mul3A_844 = arith.muli %mul3A_843, %add3A_315 : i32
      %add3A_845 = arith.constant 0 : i32
      %add3A_846 = arith.addi %mul3A_844, %add3A_845 : i32
      %mul3A_847 = arith.constant 1024 : i32
      %mul3A_848 = arith.muli %add3A, %mul3A_847 : i32
      %add3A_849 = arith.constant 98304 : i32
      %add3A_850 = arith.addi %add3A_849, %mul3A_848 : i32
      %dma_start3A_851 = arith.constant 0 : i32
      %dma_start3A_852 = arith.constant 0 : i32
      %dma_start3A_853 = arith.constant 3072 : i32
      %dma_start3A_854 = tpu.memref_slice %arg8[%dma_start3A_851, %dma_start3A_852, %dma_start3A_853] : memref<2x4x4096xf32, #tpu.memory_space<vmem>> -> memref<1x1x1024xf32, #tpu.memory_space<vmem>>
      %dma_start3A_855 = tpu.memref_squeeze %dma_start3A_854 : memref<1x1x1024xf32, #tpu.memory_space<vmem>> -> memref<1024xf32, #tpu.memory_space<vmem>>
      %dma_start3A_856 = tpu.memref_slice %arg4[%add3A_846, %add3A_850] : memref<200x131072xf32, #tpu.memory_space<hbm>> -> memref<1x1024xf32, #tpu.memory_space<hbm>>
      %dma_start3A_857 = tpu.memref_squeeze %dma_start3A_856 : memref<1x1024xf32, #tpu.memory_space<hbm>> -> memref<1024xf32, #tpu.memory_space<hbm>>
      %dma_start3A_858 = tpu.memref_slice %arg4[%add3A_846, %add3A_850] : memref<200x131072xf32, #tpu.memory_space<hbm>> -> memref<1x1024xf32, #tpu.memory_space<hbm>>
      %dma_start3A_859 = tpu.memref_squeeze %dma_start3A_858 : memref<1x1024xf32, #tpu.memory_space<hbm>> -> memref<1024xf32, #tpu.memory_space<hbm>>
      %dma_start3A_860 = arith.constant 3072 : i32
      %dma_start3A_861 = tpu.memref_slice %arg8[%dma_start3A_851, %dma_start3A_852, %dma_start3A_860] : memref<2x4x4096xf32, #tpu.memory_space<vmem>> -> memref<1x1x1024xf32, #tpu.memory_space<vmem>>
      %dma_start3A_862 = tpu.memref_squeeze %dma_start3A_861 : memref<1x1x1024xf32, #tpu.memory_space<vmem>> -> memref<1024xf32, #tpu.memory_space<vmem>>
      tpu.enqueue_dma source(%dma_start3A_862 : memref<1024xf32, #tpu.memory_space<vmem>>) target(%dma_start3A_859 : memref<1024xf32, #tpu.memory_space<hbm>>) target_semaphore(%arg11 : memref<!tpu.dma_semaphore, #tpu.memory_space<semaphore_mem>>)
      %mul3A_863 = arith.constant 4 : i32
      %mul3A_864 = arith.muli %mul3A_863, %add3A_315 : i32
      %add3A_865 = arith.constant 1 : i32
      %add3A_866 = arith.addi %mul3A_864, %add3A_865 : i32
      %mul3A_867 = arith.constant 1024 : i32
      %mul3A_868 = arith.muli %add3A, %mul3A_867 : i32
      %add3A_869 = arith.constant 0 : i32
      %add3A_870 = arith.addi %add3A_869, %mul3A_868 : i32
      %dma_start3A_871 = arith.constant 0 : i32
      %dma_start3A_872 = arith.constant 1 : i32
      %dma_start3A_873 = arith.constant 0 : i32
      %dma_start3A_874 = tpu.memref_slice %arg8[%dma_start3A_871, %dma_start3A_872, %dma_start3A_873] : memref<2x4x4096xf32, #tpu.memory_space<vmem>> -> memref<1x1x1024xf32, #tpu.memory_space<vmem>>
      %dma_start3A_875 = tpu.memref_squeeze %dma_start3A_874 : memref<1x1x1024xf32, #tpu.memory_space<vmem>> -> memref<1024xf32, #tpu.memory_space<vmem>>
      %dma_start3A_876 = tpu.memref_slice %arg4[%add3A_866, %add3A_870] : memref<200x131072xf32, #tpu.memory_space<hbm>> -> memref<1x1024xf32, #tpu.memory_space<hbm>>
      %dma_start3A_877 = tpu.memref_squeeze %dma_start3A_876 : memref<1x1024xf32, #tpu.memory_space<hbm>> -> memref<1024xf32, #tpu.memory_space<hbm>>
      %dma_start3A_878 = tpu.memref_slice %arg4[%add3A_866, %add3A_870] : memref<200x131072xf32, #tpu.memory_space<hbm>> -> memref<1x1024xf32, #tpu.memory_space<hbm>>
      %dma_start3A_879 = tpu.memref_squeeze %dma_start3A_878 : memref<1x1024xf32, #tpu.memory_space<hbm>> -> memref<1024xf32, #tpu.memory_space<hbm>>
      %dma_start3A_880 = arith.constant 0 : i32
      %dma_start3A_881 = tpu.memref_slice %arg8[%dma_start3A_871, %dma_start3A_872, %dma_start3A_880] : memref<2x4x4096xf32, #tpu.memory_space<vmem>> -> memref<1x1x1024xf32, #tpu.memory_space<vmem>>
      %dma_start3A_882 = tpu.memref_squeeze %dma_start3A_881 : memref<1x1x1024xf32, #tpu.memory_space<vmem>> -> memref<1024xf32, #tpu.memory_space<vmem>>
      tpu.enqueue_dma source(%dma_start3A_882 : memref<1024xf32, #tpu.memory_space<vmem>>) target(%dma_start3A_879 : memref<1024xf32, #tpu.memory_space<hbm>>) target_semaphore(%arg11 : memref<!tpu.dma_semaphore, #tpu.memory_space<semaphore_mem>>)
      %mul3A_883 = arith.constant 4 : i32
      %mul3A_884 = arith.muli %mul3A_883, %add3A_315 : i32
      %add3A_885 = arith.constant 1 : i32
      %add3A_886 = arith.addi %mul3A_884, %add3A_885 : i32
      %mul3A_887 = arith.constant 1024 : i32
      %mul3A_888 = arith.muli %add3A, %mul3A_887 : i32
      %add3A_889 = arith.constant 32768 : i32
      %add3A_890 = arith.addi %add3A_889, %mul3A_888 : i32
      %dma_start3A_891 = arith.constant 0 : i32
      %dma_start3A_892 = arith.constant 1 : i32
      %dma_start3A_893 = arith.constant 1024 : i32
      %dma_start3A_894 = tpu.memref_slice %arg8[%dma_start3A_891, %dma_start3A_892, %dma_start3A_893] : memref<2x4x4096xf32, #tpu.memory_space<vmem>> -> memref<1x1x1024xf32, #tpu.memory_space<vmem>>
      %dma_start3A_895 = tpu.memref_squeeze %dma_start3A_894 : memref<1x1x1024xf32, #tpu.memory_space<vmem>> -> memref<1024xf32, #tpu.memory_space<vmem>>
      %dma_start3A_896 = tpu.memref_slice %arg4[%add3A_886, %add3A_890] : memref<200x131072xf32, #tpu.memory_space<hbm>> -> memref<1x1024xf32, #tpu.memory_space<hbm>>
      %dma_start3A_897 = tpu.memref_squeeze %dma_start3A_896 : memref<1x1024xf32, #tpu.memory_space<hbm>> -> memref<1024xf32, #tpu.memory_space<hbm>>
      %dma_start3A_898 = tpu.memref_slice %arg4[%add3A_886, %add3A_890] : memref<200x131072xf32, #tpu.memory_space<hbm>> -> memref<1x1024xf32, #tpu.memory_space<hbm>>
      %dma_start3A_899 = tpu.memref_squeeze %dma_start3A_898 : memref<1x1024xf32, #tpu.memory_space<hbm>> -> memref<1024xf32, #tpu.memory_space<hbm>>
      %dma_start3A_900 = arith.constant 1024 : i32
      %dma_start3A_901 = tpu.memref_slice %arg8[%dma_start3A_891, %dma_start3A_892, %dma_start3A_900] : memref<2x4x4096xf32, #tpu.memory_space<vmem>> -> memref<1x1x1024xf32, #tpu.memory_space<vmem>>
      %dma_start3A_902 = tpu.memref_squeeze %dma_start3A_901 : memref<1x1x1024xf32, #tpu.memory_space<vmem>> -> memref<1024xf32, #tpu.memory_space<vmem>>
      tpu.enqueue_dma source(%dma_start3A_902 : memref<1024xf32, #tpu.memory_space<vmem>>) target(%dma_start3A_899 : memref<1024xf32, #tpu.memory_space<hbm>>) target_semaphore(%arg11 : memref<!tpu.dma_semaphore, #tpu.memory_space<semaphore_mem>>)
      %mul3A_903 = arith.constant 4 : i32
      %mul3A_904 = arith.muli %mul3A_903, %add3A_315 : i32
      %add3A_905 = arith.constant 1 : i32
      %add3A_906 = arith.addi %mul3A_904, %add3A_905 : i32
      %mul3A_907 = arith.constant 1024 : i32
      %mul3A_908 = arith.muli %add3A, %mul3A_907 : i32
      %add3A_909 = arith.constant 65536 : i32
      %add3A_910 = arith.addi %add3A_909, %mul3A_908 : i32
      %dma_start3A_911 = arith.constant 0 : i32
      %dma_start3A_912 = arith.constant 1 : i32
      %dma_start3A_913 = arith.constant 2048 : i32
      %dma_start3A_914 = tpu.memref_slice %arg8[%dma_start3A_911, %dma_start3A_912, %dma_start3A_913] : memref<2x4x4096xf32, #tpu.memory_space<vmem>> -> memref<1x1x1024xf32, #tpu.memory_space<vmem>>
      %dma_start3A_915 = tpu.memref_squeeze %dma_start3A_914 : memref<1x1x1024xf32, #tpu.memory_space<vmem>> -> memref<1024xf32, #tpu.memory_space<vmem>>
      %dma_start3A_916 = tpu.memref_slice %arg4[%add3A_906, %add3A_910] : memref<200x131072xf32, #tpu.memory_space<hbm>> -> memref<1x1024xf32, #tpu.memory_space<hbm>>
      %dma_start3A_917 = tpu.memref_squeeze %dma_start3A_916 : memref<1x1024xf32, #tpu.memory_space<hbm>> -> memref<1024xf32, #tpu.memory_space<hbm>>
      %dma_start3A_918 = tpu.memref_slice %arg4[%add3A_906, %add3A_910] : memref<200x131072xf32, #tpu.memory_space<hbm>> -> memref<1x1024xf32, #tpu.memory_space<hbm>>
      %dma_start3A_919 = tpu.memref_squeeze %dma_start3A_918 : memref<1x1024xf32, #tpu.memory_space<hbm>> -> memref<1024xf32, #tpu.memory_space<hbm>>
      %dma_start3A_920 = arith.constant 2048 : i32
      %dma_start3A_921 = tpu.memref_slice %arg8[%dma_start3A_911, %dma_start3A_912, %dma_start3A_920] : memref<2x4x4096xf32, #tpu.memory_space<vmem>> -> memref<1x1x1024xf32, #tpu.memory_space<vmem>>
      %dma_start3A_922 = tpu.memref_squeeze %dma_start3A_921 : memref<1x1x1024xf32, #tpu.memory_space<vmem>> -> memref<1024xf32, #tpu.memory_space<vmem>>
      tpu.enqueue_dma source(%dma_start3A_922 : memref<1024xf32, #tpu.memory_space<vmem>>) target(%dma_start3A_919 : memref<1024xf32, #tpu.memory_space<hbm>>) target_semaphore(%arg11 : memref<!tpu.dma_semaphore, #tpu.memory_space<semaphore_mem>>)
      %mul3A_923 = arith.constant 4 : i32
      %mul3A_924 = arith.muli %mul3A_923, %add3A_315 : i32
      %add3A_925 = arith.constant 1 : i32
      %add3A_926 = arith.addi %mul3A_924, %add3A_925 : i32
      %mul3A_927 = arith.constant 1024 : i32
      %mul3A_928 = arith.muli %add3A, %mul3A_927 : i32
      %add3A_929 = arith.constant 98304 : i32
      %add3A_930 = arith.addi %add3A_929, %mul3A_928 : i32
      %dma_start3A_931 = arith.constant 0 : i32
      %dma_start3A_932 = arith.constant 1 : i32
      %dma_start3A_933 = arith.constant 3072 : i32
      %dma_start3A_934 = tpu.memref_slice %arg8[%dma_start3A_931, %dma_start3A_932, %dma_start3A_933] : memref<2x4x4096xf32, #tpu.memory_space<vmem>> -> memref<1x1x1024xf32, #tpu.memory_space<vmem>>
      %dma_start3A_935 = tpu.memref_squeeze %dma_start3A_934 : memref<1x1x1024xf32, #tpu.memory_space<vmem>> -> memref<1024xf32, #tpu.memory_space<vmem>>
      %dma_start3A_936 = tpu.memref_slice %arg4[%add3A_926, %add3A_930] : memref<200x131072xf32, #tpu.memory_space<hbm>> -> memref<1x1024xf32, #tpu.memory_space<hbm>>
      %dma_start3A_937 = tpu.memref_squeeze %dma_start3A_936 : memref<1x1024xf32, #tpu.memory_space<hbm>> -> memref<1024xf32, #tpu.memory_space<hbm>>
      %dma_start3A_938 = tpu.memref_slice %arg4[%add3A_926, %add3A_930] : memref<200x131072xf32, #tpu.memory_space<hbm>> -> memref<1x1024xf32, #tpu.memory_space<hbm>>
      %dma_start3A_939 = tpu.memref_squeeze %dma_start3A_938 : memref<1x1024xf32, #tpu.memory_space<hbm>> -> memref<1024xf32, #tpu.memory_space<hbm>>
      %dma_start3A_940 = arith.constant 3072 : i32
      %dma_start3A_941 = tpu.memref_slice %arg8[%dma_start3A_931, %dma_start3A_932, %dma_start3A_940] : memref<2x4x4096xf32, #tpu.memory_space<vmem>> -> memref<1x1x1024xf32, #tpu.memory_space<vmem>>
      %dma_start3A_942 = tpu.memref_squeeze %dma_start3A_941 : memref<1x1x1024xf32, #tpu.memory_space<vmem>> -> memref<1024xf32, #tpu.memory_space<vmem>>
      tpu.enqueue_dma source(%dma_start3A_942 : memref<1024xf32, #tpu.memory_space<vmem>>) target(%dma_start3A_939 : memref<1024xf32, #tpu.memory_space<hbm>>) target_semaphore(%arg11 : memref<!tpu.dma_semaphore, #tpu.memory_space<semaphore_mem>>)
      %mul3A_943 = arith.constant 4 : i32
      %mul3A_944 = arith.muli %mul3A_943, %add3A_315 : i32
      %add3A_945 = arith.constant 2 : i32
      %add3A_946 = arith.addi %mul3A_944, %add3A_945 : i32
      %mul3A_947 = arith.constant 1024 : i32
      %mul3A_948 = arith.muli %add3A, %mul3A_947 : i32
      %add3A_949 = arith.constant 0 : i32
      %add3A_950 = arith.addi %add3A_949, %mul3A_948 : i32
      %dma_start3A_951 = arith.constant 0 : i32
      %dma_start3A_952 = arith.constant 2 : i32
      %dma_start3A_953 = arith.constant 0 : i32
      %dma_start3A_954 = tpu.memref_slice %arg8[%dma_start3A_951, %dma_start3A_952, %dma_start3A_953] : memref<2x4x4096xf32, #tpu.memory_space<vmem>> -> memref<1x1x1024xf32, #tpu.memory_space<vmem>>
      %dma_start3A_955 = tpu.memref_squeeze %dma_start3A_954 : memref<1x1x1024xf32, #tpu.memory_space<vmem>> -> memref<1024xf32, #tpu.memory_space<vmem>>
      %dma_start3A_956 = tpu.memref_slice %arg4[%add3A_946, %add3A_950] : memref<200x131072xf32, #tpu.memory_space<hbm>> -> memref<1x1024xf32, #tpu.memory_space<hbm>>
      %dma_start3A_957 = tpu.memref_squeeze %dma_start3A_956 : memref<1x1024xf32, #tpu.memory_space<hbm>> -> memref<1024xf32, #tpu.memory_space<hbm>>
      %dma_start3A_958 = tpu.memref_slice %arg4[%add3A_946, %add3A_950] : memref<200x131072xf32, #tpu.memory_space<hbm>> -> memref<1x1024xf32, #tpu.memory_space<hbm>>
      %dma_start3A_959 = tpu.memref_squeeze %dma_start3A_958 : memref<1x1024xf32, #tpu.memory_space<hbm>> -> memref<1024xf32, #tpu.memory_space<hbm>>
      %dma_start3A_960 = arith.constant 0 : i32
      %dma_start3A_961 = tpu.memref_slice %arg8[%dma_start3A_951, %dma_start3A_952, %dma_start3A_960] : memref<2x4x4096xf32, #tpu.memory_space<vmem>> -> memref<1x1x1024xf32, #tpu.memory_space<vmem>>
      %dma_start3A_962 = tpu.memref_squeeze %dma_start3A_961 : memref<1x1x1024xf32, #tpu.memory_space<vmem>> -> memref<1024xf32, #tpu.memory_space<vmem>>
      tpu.enqueue_dma source(%dma_start3A_962 : memref<1024xf32, #tpu.memory_space<vmem>>) target(%dma_start3A_959 : memref<1024xf32, #tpu.memory_space<hbm>>) target_semaphore(%arg11 : memref<!tpu.dma_semaphore, #tpu.memory_space<semaphore_mem>>)
      %mul3A_963 = arith.constant 4 : i32
      %mul3A_964 = arith.muli %mul3A_963, %add3A_315 : i32
      %add3A_965 = arith.constant 2 : i32
      %add3A_966 = arith.addi %mul3A_964, %add3A_965 : i32
      %mul3A_967 = arith.constant 1024 : i32
      %mul3A_968 = arith.muli %add3A, %mul3A_967 : i32
      %add3A_969 = arith.constant 32768 : i32
      %add3A_970 = arith.addi %add3A_969, %mul3A_968 : i32
      %dma_start3A_971 = arith.constant 0 : i32
      %dma_start3A_972 = arith.constant 2 : i32
      %dma_start3A_973 = arith.constant 1024 : i32
      %dma_start3A_974 = tpu.memref_slice %arg8[%dma_start3A_971, %dma_start3A_972, %dma_start3A_973] : memref<2x4x4096xf32, #tpu.memory_space<vmem>> -> memref<1x1x1024xf32, #tpu.memory_space<vmem>>
      %dma_start3A_975 = tpu.memref_squeeze %dma_start3A_974 : memref<1x1x1024xf32, #tpu.memory_space<vmem>> -> memref<1024xf32, #tpu.memory_space<vmem>>
      %dma_start3A_976 = tpu.memref_slice %arg4[%add3A_966, %add3A_970] : memref<200x131072xf32, #tpu.memory_space<hbm>> -> memref<1x1024xf32, #tpu.memory_space<hbm>>
      %dma_start3A_977 = tpu.memref_squeeze %dma_start3A_976 : memref<1x1024xf32, #tpu.memory_space<hbm>> -> memref<1024xf32, #tpu.memory_space<hbm>>
      %dma_start3A_978 = tpu.memref_slice %arg4[%add3A_966, %add3A_970] : memref<200x131072xf32, #tpu.memory_space<hbm>> -> memref<1x1024xf32, #tpu.memory_space<hbm>>
      %dma_start3A_979 = tpu.memref_squeeze %dma_start3A_978 : memref<1x1024xf32, #tpu.memory_space<hbm>> -> memref<1024xf32, #tpu.memory_space<hbm>>
      %dma_start3A_980 = arith.constant 1024 : i32
      %dma_start3A_981 = tpu.memref_slice %arg8[%dma_start3A_971, %dma_start3A_972, %dma_start3A_980] : memref<2x4x4096xf32, #tpu.memory_space<vmem>> -> memref<1x1x1024xf32, #tpu.memory_space<vmem>>
      %dma_start3A_982 = tpu.memref_squeeze %dma_start3A_981 : memref<1x1x1024xf32, #tpu.memory_space<vmem>> -> memref<1024xf32, #tpu.memory_space<vmem>>
      tpu.enqueue_dma source(%dma_start3A_982 : memref<1024xf32, #tpu.memory_space<vmem>>) target(%dma_start3A_979 : memref<1024xf32, #tpu.memory_space<hbm>>) target_semaphore(%arg11 : memref<!tpu.dma_semaphore, #tpu.memory_space<semaphore_mem>>)
      %mul3A_983 = arith.constant 4 : i32
      %mul3A_984 = arith.muli %mul3A_983, %add3A_315 : i32
      %add3A_985 = arith.constant 2 : i32
      %add3A_986 = arith.addi %mul3A_984, %add3A_985 : i32
      %mul3A_987 = arith.constant 1024 : i32
      %mul3A_988 = arith.muli %add3A, %mul3A_987 : i32
      %add3A_989 = arith.constant 65536 : i32
      %add3A_990 = arith.addi %add3A_989, %mul3A_988 : i32
      %dma_start3A_991 = arith.constant 0 : i32
      %dma_start3A_992 = arith.constant 2 : i32
      %dma_start3A_993 = arith.constant 2048 : i32
      %dma_start3A_994 = tpu.memref_slice %arg8[%dma_start3A_991, %dma_start3A_992, %dma_start3A_993] : memref<2x4x4096xf32, #tpu.memory_space<vmem>> -> memref<1x1x1024xf32, #tpu.memory_space<vmem>>
      %dma_start3A_995 = tpu.memref_squeeze %dma_start3A_994 : memref<1x1x1024xf32, #tpu.memory_space<vmem>> -> memref<1024xf32, #tpu.memory_space<vmem>>
      %dma_start3A_996 = tpu.memref_slice %arg4[%add3A_986, %add3A_990] : memref<200x131072xf32, #tpu.memory_space<hbm>> -> memref<1x1024xf32, #tpu.memory_space<hbm>>
      %dma_start3A_997 = tpu.memref_squeeze %dma_start3A_996 : memref<1x1024xf32, #tpu.memory_space<hbm>> -> memref<1024xf32, #tpu.memory_space<hbm>>
      %dma_start3A_998 = tpu.memref_slice %arg4[%add3A_986, %add3A_990] : memref<200x131072xf32, #tpu.memory_space<hbm>> -> memref<1x1024xf32, #tpu.memory_space<hbm>>
      %dma_start3A_999 = tpu.memref_squeeze %dma_start3A_998 : memref<1x1024xf32, #tpu.memory_space<hbm>> -> memref<1024xf32, #tpu.memory_space<hbm>>
      %dma_start3A_1000 = arith.constant 2048 : i32
      %dma_start3A_1001 = tpu.memref_slice %arg8[%dma_start3A_991, %dma_start3A_992, %dma_start3A_1000] : memref<2x4x4096xf32, #tpu.memory_space<vmem>> -> memref<1x1x1024xf32, #tpu.memory_space<vmem>>
      %dma_start3A_1002 = tpu.memref_squeeze %dma_start3A_1001 : memref<1x1x1024xf32, #tpu.memory_space<vmem>> -> memref<1024xf32, #tpu.memory_space<vmem>>
      tpu.enqueue_dma source(%dma_start3A_1002 : memref<1024xf32, #tpu.memory_space<vmem>>) target(%dma_start3A_999 : memref<1024xf32, #tpu.memory_space<hbm>>) target_semaphore(%arg11 : memref<!tpu.dma_semaphore, #tpu.memory_space<semaphore_mem>>)
      %mul3A_1003 = arith.constant 4 : i32
      %mul3A_1004 = arith.muli %mul3A_1003, %add3A_315 : i32
      %add3A_1005 = arith.constant 2 : i32
      %add3A_1006 = arith.addi %mul3A_1004, %add3A_1005 : i32
      %mul3A_1007 = arith.constant 1024 : i32
      %mul3A_1008 = arith.muli %add3A, %mul3A_1007 : i32
      %add3A_1009 = arith.constant 98304 : i32
      %add3A_1010 = arith.addi %add3A_1009, %mul3A_1008 : i32
      %dma_start3A_1011 = arith.constant 0 : i32
      %dma_start3A_1012 = arith.constant 2 : i32
      %dma_start3A_1013 = arith.constant 3072 : i32
      %dma_start3A_1014 = tpu.memref_slice %arg8[%dma_start3A_1011, %dma_start3A_1012, %dma_start3A_1013] : memref<2x4x4096xf32, #tpu.memory_space<vmem>> -> memref<1x1x1024xf32, #tpu.memory_space<vmem>>
      %dma_start3A_1015 = tpu.memref_squeeze %dma_start3A_1014 : memref<1x1x1024xf32, #tpu.memory_space<vmem>> -> memref<1024xf32, #tpu.memory_space<vmem>>
      %dma_start3A_1016 = tpu.memref_slice %arg4[%add3A_1006, %add3A_1010] : memref<200x131072xf32, #tpu.memory_space<hbm>> -> memref<1x1024xf32, #tpu.memory_space<hbm>>
      %dma_start3A_1017 = tpu.memref_squeeze %dma_start3A_1016 : memref<1x1024xf32, #tpu.memory_space<hbm>> -> memref<1024xf32, #tpu.memory_space<hbm>>
      %dma_start3A_1018 = tpu.memref_slice %arg4[%add3A_1006, %add3A_1010] : memref<200x131072xf32, #tpu.memory_space<hbm>> -> memref<1x1024xf32, #tpu.memory_space<hbm>>
      %dma_start3A_1019 = tpu.memref_squeeze %dma_start3A_1018 : memref<1x1024xf32, #tpu.memory_space<hbm>> -> memref<1024xf32, #tpu.memory_space<hbm>>
      %dma_start3A_1020 = arith.constant 3072 : i32
      %dma_start3A_1021 = tpu.memref_slice %arg8[%dma_start3A_1011, %dma_start3A_1012, %dma_start3A_1020] : memref<2x4x4096xf32, #tpu.memory_space<vmem>> -> memref<1x1x1024xf32, #tpu.memory_space<vmem>>
      %dma_start3A_1022 = tpu.memref_squeeze %dma_start3A_1021 : memref<1x1x1024xf32, #tpu.memory_space<vmem>> -> memref<1024xf32, #tpu.memory_space<vmem>>
      tpu.enqueue_dma source(%dma_start3A_1022 : memref<1024xf32, #tpu.memory_space<vmem>>) target(%dma_start3A_1019 : memref<1024xf32, #tpu.memory_space<hbm>>) target_semaphore(%arg11 : memref<!tpu.dma_semaphore, #tpu.memory_space<semaphore_mem>>)
      %mul3A_1023 = arith.constant 4 : i32
      %mul3A_1024 = arith.muli %mul3A_1023, %add3A_315 : i32
      %add3A_1025 = arith.constant 3 : i32
      %add3A_1026 = arith.addi %mul3A_1024, %add3A_1025 : i32
      %mul3A_1027 = arith.constant 1024 : i32
      %mul3A_1028 = arith.muli %add3A, %mul3A_1027 : i32
      %add3A_1029 = arith.constant 0 : i32
      %add3A_1030 = arith.addi %add3A_1029, %mul3A_1028 : i32
      %dma_start3A_1031 = arith.constant 0 : i32
      %dma_start3A_1032 = arith.constant 3 : i32
      %dma_start3A_1033 = arith.constant 0 : i32
      %dma_start3A_1034 = tpu.memref_slice %arg8[%dma_start3A_1031, %dma_start3A_1032, %dma_start3A_1033] : memref<2x4x4096xf32, #tpu.memory_space<vmem>> -> memref<1x1x1024xf32, #tpu.memory_space<vmem>>
      %dma_start3A_1035 = tpu.memref_squeeze %dma_start3A_1034 : memref<1x1x1024xf32, #tpu.memory_space<vmem>> -> memref<1024xf32, #tpu.memory_space<vmem>>
      %dma_start3A_1036 = tpu.memref_slice %arg4[%add3A_1026, %add3A_1030] : memref<200x131072xf32, #tpu.memory_space<hbm>> -> memref<1x1024xf32, #tpu.memory_space<hbm>>
      %dma_start3A_1037 = tpu.memref_squeeze %dma_start3A_1036 : memref<1x1024xf32, #tpu.memory_space<hbm>> -> memref<1024xf32, #tpu.memory_space<hbm>>
      %dma_start3A_1038 = tpu.memref_slice %arg4[%add3A_1026, %add3A_1030] : memref<200x131072xf32, #tpu.memory_space<hbm>> -> memref<1x1024xf32, #tpu.memory_space<hbm>>
      %dma_start3A_1039 = tpu.memref_squeeze %dma_start3A_1038 : memref<1x1024xf32, #tpu.memory_space<hbm>> -> memref<1024xf32, #tpu.memory_space<hbm>>
      %dma_start3A_1040 = arith.constant 0 : i32
      %dma_start3A_1041 = tpu.memref_slice %arg8[%dma_start3A_1031, %dma_start3A_1032, %dma_start3A_1040] : memref<2x4x4096xf32, #tpu.memory_space<vmem>> -> memref<1x1x1024xf32, #tpu.memory_space<vmem>>
      %dma_start3A_1042 = tpu.memref_squeeze %dma_start3A_1041 : memref<1x1x1024xf32, #tpu.memory_space<vmem>> -> memref<1024xf32, #tpu.memory_space<vmem>>
      tpu.enqueue_dma source(%dma_start3A_1042 : memref<1024xf32, #tpu.memory_space<vmem>>) target(%dma_start3A_1039 : memref<1024xf32, #tpu.memory_space<hbm>>) target_semaphore(%arg11 : memref<!tpu.dma_semaphore, #tpu.memory_space<semaphore_mem>>)
      %mul3A_1043 = arith.constant 4 : i32
      %mul3A_1044 = arith.muli %mul3A_1043, %add3A_315 : i32
      %add3A_1045 = arith.constant 3 : i32
      %add3A_1046 = arith.addi %mul3A_1044, %add3A_1045 : i32
      %mul3A_1047 = arith.constant 1024 : i32
      %mul3A_1048 = arith.muli %add3A, %mul3A_1047 : i32
      %add3A_1049 = arith.constant 32768 : i32
      %add3A_1050 = arith.addi %add3A_1049, %mul3A_1048 : i32
      %dma_start3A_1051 = arith.constant 0 : i32
      %dma_start3A_1052 = arith.constant 3 : i32
      %dma_start3A_1053 = arith.constant 1024 : i32
      %dma_start3A_1054 = tpu.memref_slice %arg8[%dma_start3A_1051, %dma_start3A_1052, %dma_start3A_1053] : memref<2x4x4096xf32, #tpu.memory_space<vmem>> -> memref<1x1x1024xf32, #tpu.memory_space<vmem>>
      %dma_start3A_1055 = tpu.memref_squeeze %dma_start3A_1054 : memref<1x1x1024xf32, #tpu.memory_space<vmem>> -> memref<1024xf32, #tpu.memory_space<vmem>>
      %dma_start3A_1056 = tpu.memref_slice %arg4[%add3A_1046, %add3A_1050] : memref<200x131072xf32, #tpu.memory_space<hbm>> -> memref<1x1024xf32, #tpu.memory_space<hbm>>
      %dma_start3A_1057 = tpu.memref_squeeze %dma_start3A_1056 : memref<1x1024xf32, #tpu.memory_space<hbm>> -> memref<1024xf32, #tpu.memory_space<hbm>>
      %dma_start3A_1058 = tpu.memref_slice %arg4[%add3A_1046, %add3A_1050] : memref<200x131072xf32, #tpu.memory_space<hbm>> -> memref<1x1024xf32, #tpu.memory_space<hbm>>
      %dma_start3A_1059 = tpu.memref_squeeze %dma_start3A_1058 : memref<1x1024xf32, #tpu.memory_space<hbm>> -> memref<1024xf32, #tpu.memory_space<hbm>>
      %dma_start3A_1060 = arith.constant 1024 : i32
      %dma_start3A_1061 = tpu.memref_slice %arg8[%dma_start3A_1051, %dma_start3A_1052, %dma_start3A_1060] : memref<2x4x4096xf32, #tpu.memory_space<vmem>> -> memref<1x1x1024xf32, #tpu.memory_space<vmem>>
      %dma_start3A_1062 = tpu.memref_squeeze %dma_start3A_1061 : memref<1x1x1024xf32, #tpu.memory_space<vmem>> -> memref<1024xf32, #tpu.memory_space<vmem>>
      tpu.enqueue_dma source(%dma_start3A_1062 : memref<1024xf32, #tpu.memory_space<vmem>>) target(%dma_start3A_1059 : memref<1024xf32, #tpu.memory_space<hbm>>) target_semaphore(%arg11 : memref<!tpu.dma_semaphore, #tpu.memory_space<semaphore_mem>>)
      %mul3A_1063 = arith.constant 4 : i32
      %mul3A_1064 = arith.muli %mul3A_1063, %add3A_315 : i32
      %add3A_1065 = arith.constant 3 : i32
      %add3A_1066 = arith.addi %mul3A_1064, %add3A_1065 : i32
      %mul3A_1067 = arith.constant 1024 : i32
      %mul3A_1068 = arith.muli %add3A, %mul3A_1067 : i32
      %add3A_1069 = arith.constant 65536 : i32
      %add3A_1070 = arith.addi %add3A_1069, %mul3A_1068 : i32
      %dma_start3A_1071 = arith.constant 0 : i32
      %dma_start3A_1072 = arith.constant 3 : i32
      %dma_start3A_1073 = arith.constant 2048 : i32
      %dma_start3A_1074 = tpu.memref_slice %arg8[%dma_start3A_1071, %dma_start3A_1072, %dma_start3A_1073] : memref<2x4x4096xf32, #tpu.memory_space<vmem>> -> memref<1x1x1024xf32, #tpu.memory_space<vmem>>
      %dma_start3A_1075 = tpu.memref_squeeze %dma_start3A_1074 : memref<1x1x1024xf32, #tpu.memory_space<vmem>> -> memref<1024xf32, #tpu.memory_space<vmem>>
      %dma_start3A_1076 = tpu.memref_slice %arg4[%add3A_1066, %add3A_1070] : memref<200x131072xf32, #tpu.memory_space<hbm>> -> memref<1x1024xf32, #tpu.memory_space<hbm>>
      %dma_start3A_1077 = tpu.memref_squeeze %dma_start3A_1076 : memref<1x1024xf32, #tpu.memory_space<hbm>> -> memref<1024xf32, #tpu.memory_space<hbm>>
      %dma_start3A_1078 = tpu.memref_slice %arg4[%add3A_1066, %add3A_1070] : memref<200x131072xf32, #tpu.memory_space<hbm>> -> memref<1x1024xf32, #tpu.memory_space<hbm>>
      %dma_start3A_1079 = tpu.memref_squeeze %dma_start3A_1078 : memref<1x1024xf32, #tpu.memory_space<hbm>> -> memref<1024xf32, #tpu.memory_space<hbm>>
      %dma_start3A_1080 = arith.constant 2048 : i32
      %dma_start3A_1081 = tpu.memref_slice %arg8[%dma_start3A_1071, %dma_start3A_1072, %dma_start3A_1080] : memref<2x4x4096xf32, #tpu.memory_space<vmem>> -> memref<1x1x1024xf32, #tpu.memory_space<vmem>>
      %dma_start3A_1082 = tpu.memref_squeeze %dma_start3A_1081 : memref<1x1x1024xf32, #tpu.memory_space<vmem>> -> memref<1024xf32, #tpu.memory_space<vmem>>
      tpu.enqueue_dma source(%dma_start3A_1082 : memref<1024xf32, #tpu.memory_space<vmem>>) target(%dma_start3A_1079 : memref<1024xf32, #tpu.memory_space<hbm>>) target_semaphore(%arg11 : memref<!tpu.dma_semaphore, #tpu.memory_space<semaphore_mem>>)
      %mul3A_1083 = arith.constant 4 : i32
      %mul3A_1084 = arith.muli %mul3A_1083, %add3A_315 : i32
      %add3A_1085 = arith.constant 3 : i32
      %add3A_1086 = arith.addi %mul3A_1084, %add3A_1085 : i32
      %mul3A_1087 = arith.constant 1024 : i32
      %mul3A_1088 = arith.muli %add3A, %mul3A_1087 : i32
      %add3A_1089 = arith.constant 98304 : i32
      %add3A_1090 = arith.addi %add3A_1089, %mul3A_1088 : i32
      %dma_start3A_1091 = arith.constant 0 : i32
      %dma_start3A_1092 = arith.constant 3 : i32
      %dma_start3A_1093 = arith.constant 3072 : i32
      %dma_start3A_1094 = tpu.memref_slice %arg8[%dma_start3A_1091, %dma_start3A_1092, %dma_start3A_1093] : memref<2x4x4096xf32, #tpu.memory_space<vmem>> -> memref<1x1x1024xf32, #tpu.memory_space<vmem>>
      %dma_start3A_1095 = tpu.memref_squeeze %dma_start3A_1094 : memref<1x1x1024xf32, #tpu.memory_space<vmem>> -> memref<1024xf32, #tpu.memory_space<vmem>>
      %dma_start3A_1096 = tpu.memref_slice %arg4[%add3A_1086, %add3A_1090] : memref<200x131072xf32, #tpu.memory_space<hbm>> -> memref<1x1024xf32, #tpu.memory_space<hbm>>
      %dma_start3A_1097 = tpu.memref_squeeze %dma_start3A_1096 : memref<1x1024xf32, #tpu.memory_space<hbm>> -> memref<1024xf32, #tpu.memory_space<hbm>>
      %dma_start3A_1098 = tpu.memref_slice %arg4[%add3A_1086, %add3A_1090] : memref<200x131072xf32, #tpu.memory_space<hbm>> -> memref<1x1024xf32, #tpu.memory_space<hbm>>
      %dma_start3A_1099 = tpu.memref_squeeze %dma_start3A_1098 : memref<1x1024xf32, #tpu.memory_space<hbm>> -> memref<1024xf32, #tpu.memory_space<hbm>>
      %dma_start3A_1100 = arith.constant 3072 : i32
      %dma_start3A_1101 = tpu.memref_slice %arg8[%dma_start3A_1091, %dma_start3A_1092, %dma_start3A_1100] : memref<2x4x4096xf32, #tpu.memory_space<vmem>> -> memref<1x1x1024xf32, #tpu.memory_space<vmem>>
      %dma_start3A_1102 = tpu.memref_squeeze %dma_start3A_1101 : memref<1x1x1024xf32, #tpu.memory_space<vmem>> -> memref<1024xf32, #tpu.memory_space<vmem>>
      tpu.enqueue_dma source(%dma_start3A_1102 : memref<1024xf32, #tpu.memory_space<vmem>>) target(%dma_start3A_1099 : memref<1024xf32, #tpu.memory_space<hbm>>) target_semaphore(%arg11 : memref<!tpu.dma_semaphore, #tpu.memory_space<semaphore_mem>>)
      %add3A_1103 = arith.constant 1 : i32
      %add3A_1104 = arith.addi %add3A_313, %add3A_1103 : i32
      %dma_wait3A_1105 = arith.constant 1 : i32
      %dma_wait3A_1106 = arith.constant 1 : i32
      %dma_wait3A_1107 = arith.constant 0 : i32
      %dma_wait3A_1108 = arith.constant 0 : i32
      %dma_wait3A_1109 = tpu.memref_slice %arg7[%dma_wait3A_1106, %dma_wait3A_1107, %dma_wait3A_1108] : memref<2x512x32xf32, #tpu.memory_space<vmem>> -> memref<1x512x32xf32, #tpu.memory_space<vmem>>
      %dma_wait3A_1110 = tpu.memref_squeeze %dma_wait3A_1109 : memref<1x512x32xf32, #tpu.memory_space<vmem>> -> memref<512x32xf32, #tpu.memory_space<vmem>>
      %dma_wait3A_1111 = arith.constant 0 : i32
      %dma_wait3A_1112 = tpu.memref_slice %arg6[%dma_wait3A_1105, %dma_wait3A_1111] : memref<2x512xi32, #tpu.memory_space<vmem>> -> memref<1x512xi32, #tpu.memory_space<vmem>>
      %dma_wait3A_1113 = tpu.memref_squeeze %dma_wait3A_1112 : memref<1x512xi32, #tpu.memory_space<vmem>> -> memref<512xi32, #tpu.memory_space<vmem>>
      %dma_wait3A_1114 = arith.constant 0 : i32
      %dma_wait3A_1115 = arith.constant 0 : i32
      %dma_wait3A_1116 = tpu.memref_slice %arg3[%dma_wait3A_1114, %dma_wait3A_1115] : memref<1000000x32xf32, #tpu.memory_space<hbm>> -> memref<1000000x32xf32, #tpu.memory_space<hbm>>
      tpu.wait_indirect_dma semaphore(%arg10 : memref<!tpu.dma_semaphore, #tpu.memory_space<semaphore_mem>>) src(%dma_wait3A_1116 : memref<1000000x32xf32, #tpu.memory_space<hbm>>) dst(%dma_wait3A_1110 : memref<512x32xf32, #tpu.memory_space<vmem>>)
      %lt3A = arith.constant 48 : i32
      %lt3A_1117 = arith.cmpi slt, %add3A_313, %lt3A : i32
      %convert_element_type3A_1118 = arith.extui %lt3A_1117 : i1 to i32
      %cond3A_1119 = arith.constant 0 : i32
      %cond3A_1120 = arith.cmpi ne, %convert_element_type3A_1118, %cond3A_1119 : i32
      scf.if %cond3A_1120 {
        %add3A_1470 = arith.constant 1 : i32
        %add3A_1471 = arith.addi %add3A_1104, %add3A_1470 : i32
        %mul3A_1472 = arith.constant 4 : i32
        %mul3A_1473 = arith.muli %mul3A_1472, %add3A_1471 : i32
        %add3A_1474 = arith.constant 0 : i32
        %add3A_1475 = arith.addi %mul3A_1473, %add3A_1474 : i32
        %add3A_1476 = arith.constant 0 : i32
        %add3A_1477 = arith.addi %add3A_1476, %add3A_1475 : i32
        %add3A_1478 = vector.broadcast %add3A_1477 : i32 to vector<16xi32>
        %add3A_1479 = arith.addi %mul3A_5, %add3A_1478 : vector<16xi32>
        %gather3A_1480 = tpu.vector_load_idx %arg5[%add3A_1479] : memref<25600xi32, #tpu.memory_space<vmem>>[vector<16xi32>], vector<16xi32>,
        %swap3A_1481 = arith.constant 0 : i32
        %swap3A_1482 = arith.index_cast %swap3A_1481 : i32 to index
        %swap3A_1483 = arith.constant 0 : index
        %swap3A_1484 = tpu.vector_load %arg6[%swap3A_1482, %swap3A_1483] {strides = array<i32>} : memref<2x512xi32, #tpu.memory_space<vmem>>, vector<16xi32>,
        tpu.vector_store %arg6[%swap3A_1482, %swap3A_1483], %gather3A_1480 {strides = array<i32>} : memref<2x512xi32, #tpu.memory_space<vmem>>, vector<16xi32>,
        %mul3A_1485 = arith.constant 4 : i32
        %mul3A_1486 = arith.muli %mul3A_1485, %add3A_1471 : i32
        %add3A_1487 = arith.constant 0 : i32
        %add3A_1488 = arith.addi %mul3A_1486, %add3A_1487 : i32
        %add3A_1489 = arith.constant 3200 : i32
        %add3A_1490 = arith.addi %add3A_1489, %add3A_1488 : i32
        %add3A_1491 = vector.broadcast %add3A_1490 : i32 to vector<16xi32>
        %add3A_1492 = arith.addi %mul3A_5, %add3A_1491 : vector<16xi32>
        %gather3A_1493 = tpu.vector_load_idx %arg5[%add3A_1492] : memref<25600xi32, #tpu.memory_space<vmem>>[vector<16xi32>], vector<16xi32>,
        %swap3A_1494 = arith.constant 0 : i32
        %swap3A_1495 = arith.index_cast %swap3A_1494 : i32 to index
        %swap3A_1496 = arith.constant 16 : index
        %swap3A_1497 = tpu.vector_load %arg6[%swap3A_1495, %swap3A_1496] {strides = array<i32>} : memref<2x512xi32, #tpu.memory_space<vmem>>, vector<16xi32>,
        tpu.vector_store %arg6[%swap3A_1495, %swap3A_1496], %gather3A_1493 {strides = array<i32>} : memref<2x512xi32, #tpu.memory_space<vmem>>, vector<16xi32>,
        %mul3A_1498 = arith.constant 4 : i32
        %mul3A_1499 = arith.muli %mul3A_1498, %add3A_1471 : i32
        %add3A_1500 = arith.constant 0 : i32
        %add3A_1501 = arith.addi %mul3A_1499, %add3A_1500 : i32
        %add3A_1502 = arith.constant 6400 : i32
        %add3A_1503 = arith.addi %add3A_1502, %add3A_1501 : i32
        %add3A_1504 = vector.broadcast %add3A_1503 : i32 to vector<16xi32>
        %add3A_1505 = arith.addi %mul3A_5, %add3A_1504 : vector<16xi32>
        %gather3A_1506 = tpu.vector_load_idx %arg5[%add3A_1505] : memref<25600xi32, #tpu.memory_space<vmem>>[vector<16xi32>], vector<16xi32>,
        %swap3A_1507 = arith.constant 0 : i32
        %swap3A_1508 = arith.index_cast %swap3A_1507 : i32 to index
        %swap3A_1509 = arith.constant 32 : index
        %swap3A_1510 = tpu.vector_load %arg6[%swap3A_1508, %swap3A_1509] {strides = array<i32>} : memref<2x512xi32, #tpu.memory_space<vmem>>, vector<16xi32>,
        tpu.vector_store %arg6[%swap3A_1508, %swap3A_1509], %gather3A_1506 {strides = array<i32>} : memref<2x512xi32, #tpu.memory_space<vmem>>, vector<16xi32>,
        %mul3A_1511 = arith.constant 4 : i32
        %mul3A_1512 = arith.muli %mul3A_1511, %add3A_1471 : i32
        %add3A_1513 = arith.constant 0 : i32
        %add3A_1514 = arith.addi %mul3A_1512, %add3A_1513 : i32
        %add3A_1515 = arith.constant 9600 : i32
        %add3A_1516 = arith.addi %add3A_1515, %add3A_1514 : i32
        %add3A_1517 = vector.broadcast %add3A_1516 : i32 to vector<16xi32>
        %add3A_1518 = arith.addi %mul3A_5, %add3A_1517 : vector<16xi32>
        %gather3A_1519 = tpu.vector_load_idx %arg5[%add3A_1518] : memref<25600xi32, #tpu.memory_space<vmem>>[vector<16xi32>], vector<16xi32>,
        %swap3A_1520 = arith.constant 0 : i32
        %swap3A_1521 = arith.index_cast %swap3A_1520 : i32 to index
        %swap3A_1522 = arith.constant 48 : index
        %swap3A_1523 = tpu.vector_load %arg6[%swap3A_1521, %swap3A_1522] {strides = array<i32>} : memref<2x512xi32, #tpu.memory_space<vmem>>, vector<16xi32>,
        tpu.vector_store %arg6[%swap3A_1521, %swap3A_1522], %gather3A_1519 {strides = array<i32>} : memref<2x512xi32, #tpu.memory_space<vmem>>, vector<16xi32>,
        %mul3A_1524 = arith.constant 4 : i32
        %mul3A_1525 = arith.muli %mul3A_1524, %add3A_1471 : i32
        %add3A_1526 = arith.constant 0 : i32
        %add3A_1527 = arith.addi %mul3A_1525, %add3A_1526 : i32
        %add3A_1528 = arith.constant 12800 : i32
        %add3A_1529 = arith.addi %add3A_1528, %add3A_1527 : i32
        %add3A_1530 = vector.broadcast %add3A_1529 : i32 to vector<16xi32>
        %add3A_1531 = arith.addi %mul3A_5, %add3A_1530 : vector<16xi32>
        %gather3A_1532 = tpu.vector_load_idx %arg5[%add3A_1531] : memref<25600xi32, #tpu.memory_space<vmem>>[vector<16xi32>], vector<16xi32>,
        %swap3A_1533 = arith.constant 0 : i32
        %swap3A_1534 = arith.index_cast %swap3A_1533 : i32 to index
        %swap3A_1535 = arith.constant 64 : index
        %swap3A_1536 = tpu.vector_load %arg6[%swap3A_1534, %swap3A_1535] {strides = array<i32>} : memref<2x512xi32, #tpu.memory_space<vmem>>, vector<16xi32>,
        tpu.vector_store %arg6[%swap3A_1534, %swap3A_1535], %gather3A_1532 {strides = array<i32>} : memref<2x512xi32, #tpu.memory_space<vmem>>, vector<16xi32>,
        %mul3A_1537 = arith.constant 4 : i32
        %mul3A_1538 = arith.muli %mul3A_1537, %add3A_1471 : i32
        %add3A_1539 = arith.constant 0 : i32
        %add3A_1540 = arith.addi %mul3A_1538, %add3A_1539 : i32
        %add3A_1541 = arith.constant 16000 : i32
        %add3A_1542 = arith.addi %add3A_1541, %add3A_1540 : i32
        %add3A_1543 = vector.broadcast %add3A_1542 : i32 to vector<16xi32>
        %add3A_1544 = arith.addi %mul3A_5, %add3A_1543 : vector<16xi32>
        %gather3A_1545 = tpu.vector_load_idx %arg5[%add3A_1544] : memref<25600xi32, #tpu.memory_space<vmem>>[vector<16xi32>], vector<16xi32>,
        %swap3A_1546 = arith.constant 0 : i32
        %swap3A_1547 = arith.index_cast %swap3A_1546 : i32 to index
        %swap3A_1548 = arith.constant 80 : index
        %swap3A_1549 = tpu.vector_load %arg6[%swap3A_1547, %swap3A_1548] {strides = array<i32>} : memref<2x512xi32, #tpu.memory_space<vmem>>, vector<16xi32>,
        tpu.vector_store %arg6[%swap3A_1547, %swap3A_1548], %gather3A_1545 {strides = array<i32>} : memref<2x512xi32, #tpu.memory_space<vmem>>, vector<16xi32>,
        %mul3A_1550 = arith.constant 4 : i32
        %mul3A_1551 = arith.muli %mul3A_1550, %add3A_1471 : i32
        %add3A_1552 = arith.constant 0 : i32
        %add3A_1553 = arith.addi %mul3A_1551, %add3A_1552 : i32
        %add3A_1554 = arith.constant 19200 : i32
        %add3A_1555 = arith.addi %add3A_1554, %add3A_1553 : i32
        %add3A_1556 = vector.broadcast %add3A_1555 : i32 to vector<16xi32>
        %add3A_1557 = arith.addi %mul3A_5, %add3A_1556 : vector<16xi32>
        %gather3A_1558 = tpu.vector_load_idx %arg5[%add3A_1557] : memref<25600xi32, #tpu.memory_space<vmem>>[vector<16xi32>], vector<16xi32>,
        %swap3A_1559 = arith.constant 0 : i32
        %swap3A_1560 = arith.index_cast %swap3A_1559 : i32 to index
        %swap3A_1561 = arith.constant 96 : index
        %swap3A_1562 = tpu.vector_load %arg6[%swap3A_1560, %swap3A_1561] {strides = array<i32>} : memref<2x512xi32, #tpu.memory_space<vmem>>, vector<16xi32>,
        tpu.vector_store %arg6[%swap3A_1560, %swap3A_1561], %gather3A_1558 {strides = array<i32>} : memref<2x512xi32, #tpu.memory_space<vmem>>, vector<16xi32>,
        %mul3A_1563 = arith.constant 4 : i32
        %mul3A_1564 = arith.muli %mul3A_1563, %add3A_1471 : i32
        %add3A_1565 = arith.constant 0 : i32
        %add3A_1566 = arith.addi %mul3A_1564, %add3A_1565 : i32
        %add3A_1567 = arith.constant 22400 : i32
        %add3A_1568 = arith.addi %add3A_1567, %add3A_1566 : i32
        %add3A_1569 = vector.broadcast %add3A_1568 : i32 to vector<16xi32>
        %add3A_1570 = arith.addi %mul3A_5, %add3A_1569 : vector<16xi32>
        %gather3A_1571 = tpu.vector_load_idx %arg5[%add3A_1570] : memref<25600xi32, #tpu.memory_space<vmem>>[vector<16xi32>], vector<16xi32>,
        %swap3A_1572 = arith.constant 0 : i32
        %swap3A_1573 = arith.index_cast %swap3A_1572 : i32 to index
        %swap3A_1574 = arith.constant 112 : index
        %swap3A_1575 = tpu.vector_load %arg6[%swap3A_1573, %swap3A_1574] {strides = array<i32>} : memref<2x512xi32, #tpu.memory_space<vmem>>, vector<16xi32>,
        tpu.vector_store %arg6[%swap3A_1573, %swap3A_1574], %gather3A_1571 {strides = array<i32>} : memref<2x512xi32, #tpu.memory_space<vmem>>, vector<16xi32>,
        %mul3A_1576 = arith.constant 4 : i32
        %mul3A_1577 = arith.muli %mul3A_1576, %add3A_1471 : i32
        %add3A_1578 = arith.constant 1 : i32
        %add3A_1579 = arith.addi %mul3A_1577, %add3A_1578 : i32
        %add3A_1580 = arith.constant 0 : i32
        %add3A_1581 = arith.addi %add3A_1580, %add3A_1579 : i32
        %add3A_1582 = vector.broadcast %add3A_1581 : i32 to vector<16xi32>
        %add3A_1583 = arith.addi %mul3A_5, %add3A_1582 : vector<16xi32>
        %gather3A_1584 = tpu.vector_load_idx %arg5[%add3A_1583] : memref<25600xi32, #tpu.memory_space<vmem>>[vector<16xi32>], vector<16xi32>,
        %swap3A_1585 = arith.constant 0 : i32
        %swap3A_1586 = arith.index_cast %swap3A_1585 : i32 to index
        %swap3A_1587 = arith.constant 128 : index
        %swap3A_1588 = tpu.vector_load %arg6[%swap3A_1586, %swap3A_1587] {strides = array<i32>} : memref<2x512xi32, #tpu.memory_space<vmem>>, vector<16xi32>,
        tpu.vector_store %arg6[%swap3A_1586, %swap3A_1587], %gather3A_1584 {strides = array<i32>} : memref<2x512xi32, #tpu.memory_space<vmem>>, vector<16xi32>,
        %mul3A_1589 = arith.constant 4 : i32
        %mul3A_1590 = arith.muli %mul3A_1589, %add3A_1471 : i32
        %add3A_1591 = arith.constant 1 : i32
        %add3A_1592 = arith.addi %mul3A_1590, %add3A_1591 : i32
        %add3A_1593 = arith.constant 3200 : i32
        %add3A_1594 = arith.addi %add3A_1593, %add3A_1592 : i32
        %add3A_1595 = vector.broadcast %add3A_1594 : i32 to vector<16xi32>
        %add3A_1596 = arith.addi %mul3A_5, %add3A_1595 : vector<16xi32>
        %gather3A_1597 = tpu.vector_load_idx %arg5[%add3A_1596] : memref<25600xi32, #tpu.memory_space<vmem>>[vector<16xi32>], vector<16xi32>,
        %swap3A_1598 = arith.constant 0 : i32
        %swap3A_1599 = arith.index_cast %swap3A_1598 : i32 to index
        %swap3A_1600 = arith.constant 144 : index
        %swap3A_1601 = tpu.vector_load %arg6[%swap3A_1599, %swap3A_1600] {strides = array<i32>} : memref<2x512xi32, #tpu.memory_space<vmem>>, vector<16xi32>,
        tpu.vector_store %arg6[%swap3A_1599, %swap3A_1600], %gather3A_1597 {strides = array<i32>} : memref<2x512xi32, #tpu.memory_space<vmem>>, vector<16xi32>,
        %mul3A_1602 = arith.constant 4 : i32
        %mul3A_1603 = arith.muli %mul3A_1602, %add3A_1471 : i32
        %add3A_1604 = arith.constant 1 : i32
        %add3A_1605 = arith.addi %mul3A_1603, %add3A_1604 : i32
        %add3A_1606 = arith.constant 6400 : i32
        %add3A_1607 = arith.addi %add3A_1606, %add3A_1605 : i32
        %add3A_1608 = vector.broadcast %add3A_1607 : i32 to vector<16xi32>
        %add3A_1609 = arith.addi %mul3A_5, %add3A_1608 : vector<16xi32>
        %gather3A_1610 = tpu.vector_load_idx %arg5[%add3A_1609] : memref<25600xi32, #tpu.memory_space<vmem>>[vector<16xi32>], vector<16xi32>,
        %swap3A_1611 = arith.constant 0 : i32
        %swap3A_1612 = arith.index_cast %swap3A_1611 : i32 to index
        %swap3A_1613 = arith.constant 160 : index
        %swap3A_1614 = tpu.vector_load %arg6[%swap3A_1612, %swap3A_1613] {strides = array<i32>} : memref<2x512xi32, #tpu.memory_space<vmem>>, vector<16xi32>,
        tpu.vector_store %arg6[%swap3A_1612, %swap3A_1613], %gather3A_1610 {strides = array<i32>} : memref<2x512xi32, #tpu.memory_space<vmem>>, vector<16xi32>,
        %mul3A_1615 = arith.constant 4 : i32
        %mul3A_1616 = arith.muli %mul3A_1615, %add3A_1471 : i32
        %add3A_1617 = arith.constant 1 : i32
        %add3A_1618 = arith.addi %mul3A_1616, %add3A_1617 : i32
        %add3A_1619 = arith.constant 9600 : i32
        %add3A_1620 = arith.addi %add3A_1619, %add3A_1618 : i32
        %add3A_1621 = vector.broadcast %add3A_1620 : i32 to vector<16xi32>
        %add3A_1622 = arith.addi %mul3A_5, %add3A_1621 : vector<16xi32>
        %gather3A_1623 = tpu.vector_load_idx %arg5[%add3A_1622] : memref<25600xi32, #tpu.memory_space<vmem>>[vector<16xi32>], vector<16xi32>,
        %swap3A_1624 = arith.constant 0 : i32
        %swap3A_1625 = arith.index_cast %swap3A_1624 : i32 to index
        %swap3A_1626 = arith.constant 176 : index
        %swap3A_1627 = tpu.vector_load %arg6[%swap3A_1625, %swap3A_1626] {strides = array<i32>} : memref<2x512xi32, #tpu.memory_space<vmem>>, vector<16xi32>,
        tpu.vector_store %arg6[%swap3A_1625, %swap3A_1626], %gather3A_1623 {strides = array<i32>} : memref<2x512xi32, #tpu.memory_space<vmem>>, vector<16xi32>,
        %mul3A_1628 = arith.constant 4 : i32
        %mul3A_1629 = arith.muli %mul3A_1628, %add3A_1471 : i32
        %add3A_1630 = arith.constant 1 : i32
        %add3A_1631 = arith.addi %mul3A_1629, %add3A_1630 : i32
        %add3A_1632 = arith.constant 12800 : i32
        %add3A_1633 = arith.addi %add3A_1632, %add3A_1631 : i32
        %add3A_1634 = vector.broadcast %add3A_1633 : i32 to vector<16xi32>
        %add3A_1635 = arith.addi %mul3A_5, %add3A_1634 : vector<16xi32>
        %gather3A_1636 = tpu.vector_load_idx %arg5[%add3A_1635] : memref<25600xi32, #tpu.memory_space<vmem>>[vector<16xi32>], vector<16xi32>,
        %swap3A_1637 = arith.constant 0 : i32
        %swap3A_1638 = arith.index_cast %swap3A_1637 : i32 to index
        %swap3A_1639 = arith.constant 192 : index
        %swap3A_1640 = tpu.vector_load %arg6[%swap3A_1638, %swap3A_1639] {strides = array<i32>} : memref<2x512xi32, #tpu.memory_space<vmem>>, vector<16xi32>,
        tpu.vector_store %arg6[%swap3A_1638, %swap3A_1639], %gather3A_1636 {strides = array<i32>} : memref<2x512xi32, #tpu.memory_space<vmem>>, vector<16xi32>,
        %mul3A_1641 = arith.constant 4 : i32
        %mul3A_1642 = arith.muli %mul3A_1641, %add3A_1471 : i32
        %add3A_1643 = arith.constant 1 : i32
        %add3A_1644 = arith.addi %mul3A_1642, %add3A_1643 : i32
        %add3A_1645 = arith.constant 16000 : i32
        %add3A_1646 = arith.addi %add3A_1645, %add3A_1644 : i32
        %add3A_1647 = vector.broadcast %add3A_1646 : i32 to vector<16xi32>
        %add3A_1648 = arith.addi %mul3A_5, %add3A_1647 : vector<16xi32>
        %gather3A_1649 = tpu.vector_load_idx %arg5[%add3A_1648] : memref<25600xi32, #tpu.memory_space<vmem>>[vector<16xi32>], vector<16xi32>,
        %swap3A_1650 = arith.constant 0 : i32
        %swap3A_1651 = arith.index_cast %swap3A_1650 : i32 to index
        %swap3A_1652 = arith.constant 208 : index
        %swap3A_1653 = tpu.vector_load %arg6[%swap3A_1651, %swap3A_1652] {strides = array<i32>} : memref<2x512xi32, #tpu.memory_space<vmem>>, vector<16xi32>,
        tpu.vector_store %arg6[%swap3A_1651, %swap3A_1652], %gather3A_1649 {strides = array<i32>} : memref<2x512xi32, #tpu.memory_space<vmem>>, vector<16xi32>,
        %mul3A_1654 = arith.constant 4 : i32
        %mul3A_1655 = arith.muli %mul3A_1654, %add3A_1471 : i32
        %add3A_1656 = arith.constant 1 : i32
        %add3A_1657 = arith.addi %mul3A_1655, %add3A_1656 : i32
        %add3A_1658 = arith.constant 19200 : i32
        %add3A_1659 = arith.addi %add3A_1658, %add3A_1657 : i32
        %add3A_1660 = vector.broadcast %add3A_1659 : i32 to vector<16xi32>
        %add3A_1661 = arith.addi %mul3A_5, %add3A_1660 : vector<16xi32>
        %gather3A_1662 = tpu.vector_load_idx %arg5[%add3A_1661] : memref<25600xi32, #tpu.memory_space<vmem>>[vector<16xi32>], vector<16xi32>,
        %swap3A_1663 = arith.constant 0 : i32
        %swap3A_1664 = arith.index_cast %swap3A_1663 : i32 to index
        %swap3A_1665 = arith.constant 224 : index
        %swap3A_1666 = tpu.vector_load %arg6[%swap3A_1664, %swap3A_1665] {strides = array<i32>} : memref<2x512xi32, #tpu.memory_space<vmem>>, vector<16xi32>,
        tpu.vector_store %arg6[%swap3A_1664, %swap3A_1665], %gather3A_1662 {strides = array<i32>} : memref<2x512xi32, #tpu.memory_space<vmem>>, vector<16xi32>,
        %mul3A_1667 = arith.constant 4 : i32
        %mul3A_1668 = arith.muli %mul3A_1667, %add3A_1471 : i32
        %add3A_1669 = arith.constant 1 : i32
        %add3A_1670 = arith.addi %mul3A_1668, %add3A_1669 : i32
        %add3A_1671 = arith.constant 22400 : i32
        %add3A_1672 = arith.addi %add3A_1671, %add3A_1670 : i32
        %add3A_1673 = vector.broadcast %add3A_1672 : i32 to vector<16xi32>
        %add3A_1674 = arith.addi %mul3A_5, %add3A_1673 : vector<16xi32>
        %gather3A_1675 = tpu.vector_load_idx %arg5[%add3A_1674] : memref<25600xi32, #tpu.memory_space<vmem>>[vector<16xi32>], vector<16xi32>,
        %swap3A_1676 = arith.constant 0 : i32
        %swap3A_1677 = arith.index_cast %swap3A_1676 : i32 to index
        %swap3A_1678 = arith.constant 240 : index
        %swap3A_1679 = tpu.vector_load %arg6[%swap3A_1677, %swap3A_1678] {strides = array<i32>} : memref<2x512xi32, #tpu.memory_space<vmem>>, vector<16xi32>,
        tpu.vector_store %arg6[%swap3A_1677, %swap3A_1678], %gather3A_1675 {strides = array<i32>} : memref<2x512xi32, #tpu.memory_space<vmem>>, vector<16xi32>,
        %mul3A_1680 = arith.constant 4 : i32
        %mul3A_1681 = arith.muli %mul3A_1680, %add3A_1471 : i32
        %add3A_1682 = arith.constant 2 : i32
        %add3A_1683 = arith.addi %mul3A_1681, %add3A_1682 : i32
        %add3A_1684 = arith.constant 0 : i32
        %add3A_1685 = arith.addi %add3A_1684, %add3A_1683 : i32
        %add3A_1686 = vector.broadcast %add3A_1685 : i32 to vector<16xi32>
        %add3A_1687 = arith.addi %mul3A_5, %add3A_1686 : vector<16xi32>
        %gather3A_1688 = tpu.vector_load_idx %arg5[%add3A_1687] : memref<25600xi32, #tpu.memory_space<vmem>>[vector<16xi32>], vector<16xi32>,
        %swap3A_1689 = arith.constant 0 : i32
        %swap3A_1690 = arith.index_cast %swap3A_1689 : i32 to index
        %swap3A_1691 = arith.constant 256 : index
        %swap3A_1692 = tpu.vector_load %arg6[%swap3A_1690, %swap3A_1691] {strides = array<i32>} : memref<2x512xi32, #tpu.memory_space<vmem>>, vector<16xi32>,
        tpu.vector_store %arg6[%swap3A_1690, %swap3A_1691], %gather3A_1688 {strides = array<i32>} : memref<2x512xi32, #tpu.memory_space<vmem>>, vector<16xi32>,
        %mul3A_1693 = arith.constant 4 : i32
        %mul3A_1694 = arith.muli %mul3A_1693, %add3A_1471 : i32
        %add3A_1695 = arith.constant 2 : i32
        %add3A_1696 = arith.addi %mul3A_1694, %add3A_1695 : i32
        %add3A_1697 = arith.constant 3200 : i32
        %add3A_1698 = arith.addi %add3A_1697, %add3A_1696 : i32
        %add3A_1699 = vector.broadcast %add3A_1698 : i32 to vector<16xi32>
        %add3A_1700 = arith.addi %mul3A_5, %add3A_1699 : vector<16xi32>
        %gather3A_1701 = tpu.vector_load_idx %arg5[%add3A_1700] : memref<25600xi32, #tpu.memory_space<vmem>>[vector<16xi32>], vector<16xi32>,
        %swap3A_1702 = arith.constant 0 : i32
        %swap3A_1703 = arith.index_cast %swap3A_1702 : i32 to index
        %swap3A_1704 = arith.constant 272 : index
        %swap3A_1705 = tpu.vector_load %arg6[%swap3A_1703, %swap3A_1704] {strides = array<i32>} : memref<2x512xi32, #tpu.memory_space<vmem>>, vector<16xi32>,
        tpu.vector_store %arg6[%swap3A_1703, %swap3A_1704], %gather3A_1701 {strides = array<i32>} : memref<2x512xi32, #tpu.memory_space<vmem>>, vector<16xi32>,
        %mul3A_1706 = arith.constant 4 : i32
        %mul3A_1707 = arith.muli %mul3A_1706, %add3A_1471 : i32
        %add3A_1708 = arith.constant 2 : i32
        %add3A_1709 = arith.addi %mul3A_1707, %add3A_1708 : i32
        %add3A_1710 = arith.constant 6400 : i32
        %add3A_1711 = arith.addi %add3A_1710, %add3A_1709 : i32
        %add3A_1712 = vector.broadcast %add3A_1711 : i32 to vector<16xi32>
        %add3A_1713 = arith.addi %mul3A_5, %add3A_1712 : vector<16xi32>
        %gather3A_1714 = tpu.vector_load_idx %arg5[%add3A_1713] : memref<25600xi32, #tpu.memory_space<vmem>>[vector<16xi32>], vector<16xi32>,
        %swap3A_1715 = arith.constant 0 : i32
        %swap3A_1716 = arith.index_cast %swap3A_1715 : i32 to index
        %swap3A_1717 = arith.constant 288 : index
        %swap3A_1718 = tpu.vector_load %arg6[%swap3A_1716, %swap3A_1717] {strides = array<i32>} : memref<2x512xi32, #tpu.memory_space<vmem>>, vector<16xi32>,
        tpu.vector_store %arg6[%swap3A_1716, %swap3A_1717], %gather3A_1714 {strides = array<i32>} : memref<2x512xi32, #tpu.memory_space<vmem>>, vector<16xi32>,
        %mul3A_1719 = arith.constant 4 : i32
        %mul3A_1720 = arith.muli %mul3A_1719, %add3A_1471 : i32
        %add3A_1721 = arith.constant 2 : i32
        %add3A_1722 = arith.addi %mul3A_1720, %add3A_1721 : i32
        %add3A_1723 = arith.constant 9600 : i32
        %add3A_1724 = arith.addi %add3A_1723, %add3A_1722 : i32
        %add3A_1725 = vector.broadcast %add3A_1724 : i32 to vector<16xi32>
        %add3A_1726 = arith.addi %mul3A_5, %add3A_1725 : vector<16xi32>
        %gather3A_1727 = tpu.vector_load_idx %arg5[%add3A_1726] : memref<25600xi32, #tpu.memory_space<vmem>>[vector<16xi32>], vector<16xi32>,
        %swap3A_1728 = arith.constant 0 : i32
        %swap3A_1729 = arith.index_cast %swap3A_1728 : i32 to index
        %swap3A_1730 = arith.constant 304 : index
        %swap3A_1731 = tpu.vector_load %arg6[%swap3A_1729, %swap3A_1730] {strides = array<i32>} : memref<2x512xi32, #tpu.memory_space<vmem>>, vector<16xi32>,
        tpu.vector_store %arg6[%swap3A_1729, %swap3A_1730], %gather3A_1727 {strides = array<i32>} : memref<2x512xi32, #tpu.memory_space<vmem>>, vector<16xi32>,
        %mul3A_1732 = arith.constant 4 : i32
        %mul3A_1733 = arith.muli %mul3A_1732, %add3A_1471 : i32
        %add3A_1734 = arith.constant 2 : i32
        %add3A_1735 = arith.addi %mul3A_1733, %add3A_1734 : i32
        %add3A_1736 = arith.constant 12800 : i32
        %add3A_1737 = arith.addi %add3A_1736, %add3A_1735 : i32
        %add3A_1738 = vector.broadcast %add3A_1737 : i32 to vector<16xi32>
        %add3A_1739 = arith.addi %mul3A_5, %add3A_1738 : vector<16xi32>
        %gather3A_1740 = tpu.vector_load_idx %arg5[%add3A_1739] : memref<25600xi32, #tpu.memory_space<vmem>>[vector<16xi32>], vector<16xi32>,
        %swap3A_1741 = arith.constant 0 : i32
        %swap3A_1742 = arith.index_cast %swap3A_1741 : i32 to index
        %swap3A_1743 = arith.constant 320 : index
        %swap3A_1744 = tpu.vector_load %arg6[%swap3A_1742, %swap3A_1743] {strides = array<i32>} : memref<2x512xi32, #tpu.memory_space<vmem>>, vector<16xi32>,
        tpu.vector_store %arg6[%swap3A_1742, %swap3A_1743], %gather3A_1740 {strides = array<i32>} : memref<2x512xi32, #tpu.memory_space<vmem>>, vector<16xi32>,
        %mul3A_1745 = arith.constant 4 : i32
        %mul3A_1746 = arith.muli %mul3A_1745, %add3A_1471 : i32
        %add3A_1747 = arith.constant 2 : i32
        %add3A_1748 = arith.addi %mul3A_1746, %add3A_1747 : i32
        %add3A_1749 = arith.constant 16000 : i32
        %add3A_1750 = arith.addi %add3A_1749, %add3A_1748 : i32
        %add3A_1751 = vector.broadcast %add3A_1750 : i32 to vector<16xi32>
        %add3A_1752 = arith.addi %mul3A_5, %add3A_1751 : vector<16xi32>
        %gather3A_1753 = tpu.vector_load_idx %arg5[%add3A_1752] : memref<25600xi32, #tpu.memory_space<vmem>>[vector<16xi32>], vector<16xi32>,
        %swap3A_1754 = arith.constant 0 : i32
        %swap3A_1755 = arith.index_cast %swap3A_1754 : i32 to index
        %swap3A_1756 = arith.constant 336 : index
        %swap3A_1757 = tpu.vector_load %arg6[%swap3A_1755, %swap3A_1756] {strides = array<i32>} : memref<2x512xi32, #tpu.memory_space<vmem>>, vector<16xi32>,
        tpu.vector_store %arg6[%swap3A_1755, %swap3A_1756], %gather3A_1753 {strides = array<i32>} : memref<2x512xi32, #tpu.memory_space<vmem>>, vector<16xi32>,
        %mul3A_1758 = arith.constant 4 : i32
        %mul3A_1759 = arith.muli %mul3A_1758, %add3A_1471 : i32
        %add3A_1760 = arith.constant 2 : i32
        %add3A_1761 = arith.addi %mul3A_1759, %add3A_1760 : i32
        %add3A_1762 = arith.constant 19200 : i32
        %add3A_1763 = arith.addi %add3A_1762, %add3A_1761 : i32
        %add3A_1764 = vector.broadcast %add3A_1763 : i32 to vector<16xi32>
        %add3A_1765 = arith.addi %mul3A_5, %add3A_1764 : vector<16xi32>
        %gather3A_1766 = tpu.vector_load_idx %arg5[%add3A_1765] : memref<25600xi32, #tpu.memory_space<vmem>>[vector<16xi32>], vector<16xi32>,
        %swap3A_1767 = arith.constant 0 : i32
        %swap3A_1768 = arith.index_cast %swap3A_1767 : i32 to index
        %swap3A_1769 = arith.constant 352 : index
        %swap3A_1770 = tpu.vector_load %arg6[%swap3A_1768, %swap3A_1769] {strides = array<i32>} : memref<2x512xi32, #tpu.memory_space<vmem>>, vector<16xi32>,
        tpu.vector_store %arg6[%swap3A_1768, %swap3A_1769], %gather3A_1766 {strides = array<i32>} : memref<2x512xi32, #tpu.memory_space<vmem>>, vector<16xi32>,
        %mul3A_1771 = arith.constant 4 : i32
        %mul3A_1772 = arith.muli %mul3A_1771, %add3A_1471 : i32
        %add3A_1773 = arith.constant 2 : i32
        %add3A_1774 = arith.addi %mul3A_1772, %add3A_1773 : i32
        %add3A_1775 = arith.constant 22400 : i32
        %add3A_1776 = arith.addi %add3A_1775, %add3A_1774 : i32
        %add3A_1777 = vector.broadcast %add3A_1776 : i32 to vector<16xi32>
        %add3A_1778 = arith.addi %mul3A_5, %add3A_1777 : vector<16xi32>
        %gather3A_1779 = tpu.vector_load_idx %arg5[%add3A_1778] : memref<25600xi32, #tpu.memory_space<vmem>>[vector<16xi32>], vector<16xi32>,
        %swap3A_1780 = arith.constant 0 : i32
        %swap3A_1781 = arith.index_cast %swap3A_1780 : i32 to index
        %swap3A_1782 = arith.constant 368 : index
        %swap3A_1783 = tpu.vector_load %arg6[%swap3A_1781, %swap3A_1782] {strides = array<i32>} : memref<2x512xi32, #tpu.memory_space<vmem>>, vector<16xi32>,
        tpu.vector_store %arg6[%swap3A_1781, %swap3A_1782], %gather3A_1779 {strides = array<i32>} : memref<2x512xi32, #tpu.memory_space<vmem>>, vector<16xi32>,
        %mul3A_1784 = arith.constant 4 : i32
        %mul3A_1785 = arith.muli %mul3A_1784, %add3A_1471 : i32
        %add3A_1786 = arith.constant 3 : i32
        %add3A_1787 = arith.addi %mul3A_1785, %add3A_1786 : i32
        %add3A_1788 = arith.constant 0 : i32
        %add3A_1789 = arith.addi %add3A_1788, %add3A_1787 : i32
        %add3A_1790 = vector.broadcast %add3A_1789 : i32 to vector<16xi32>
        %add3A_1791 = arith.addi %mul3A_5, %add3A_1790 : vector<16xi32>
        %gather3A_1792 = tpu.vector_load_idx %arg5[%add3A_1791] : memref<25600xi32, #tpu.memory_space<vmem>>[vector<16xi32>], vector<16xi32>,
        %swap3A_1793 = arith.constant 0 : i32
        %swap3A_1794 = arith.index_cast %swap3A_1793 : i32 to index
        %swap3A_1795 = arith.constant 384 : index
        %swap3A_1796 = tpu.vector_load %arg6[%swap3A_1794, %swap3A_1795] {strides = array<i32>} : memref<2x512xi32, #tpu.memory_space<vmem>>, vector<16xi32>,
        tpu.vector_store %arg6[%swap3A_1794, %swap3A_1795], %gather3A_1792 {strides = array<i32>} : memref<2x512xi32, #tpu.memory_space<vmem>>, vector<16xi32>,
        %mul3A_1797 = arith.constant 4 : i32
        %mul3A_1798 = arith.muli %mul3A_1797, %add3A_1471 : i32
        %add3A_1799 = arith.constant 3 : i32
        %add3A_1800 = arith.addi %mul3A_1798, %add3A_1799 : i32
        %add3A_1801 = arith.constant 3200 : i32
        %add3A_1802 = arith.addi %add3A_1801, %add3A_1800 : i32
        %add3A_1803 = vector.broadcast %add3A_1802 : i32 to vector<16xi32>
        %add3A_1804 = arith.addi %mul3A_5, %add3A_1803 : vector<16xi32>
        %gather3A_1805 = tpu.vector_load_idx %arg5[%add3A_1804] : memref<25600xi32, #tpu.memory_space<vmem>>[vector<16xi32>], vector<16xi32>,
        %swap3A_1806 = arith.constant 0 : i32
        %swap3A_1807 = arith.index_cast %swap3A_1806 : i32 to index
        %swap3A_1808 = arith.constant 400 : index
        %swap3A_1809 = tpu.vector_load %arg6[%swap3A_1807, %swap3A_1808] {strides = array<i32>} : memref<2x512xi32, #tpu.memory_space<vmem>>, vector<16xi32>,
        tpu.vector_store %arg6[%swap3A_1807, %swap3A_1808], %gather3A_1805 {strides = array<i32>} : memref<2x512xi32, #tpu.memory_space<vmem>>, vector<16xi32>,
        %mul3A_1810 = arith.constant 4 : i32
        %mul3A_1811 = arith.muli %mul3A_1810, %add3A_1471 : i32
        %add3A_1812 = arith.constant 3 : i32
        %add3A_1813 = arith.addi %mul3A_1811, %add3A_1812 : i32
        %add3A_1814 = arith.constant 6400 : i32
        %add3A_1815 = arith.addi %add3A_1814, %add3A_1813 : i32
        %add3A_1816 = vector.broadcast %add3A_1815 : i32 to vector<16xi32>
        %add3A_1817 = arith.addi %mul3A_5, %add3A_1816 : vector<16xi32>
        %gather3A_1818 = tpu.vector_load_idx %arg5[%add3A_1817] : memref<25600xi32, #tpu.memory_space<vmem>>[vector<16xi32>], vector<16xi32>,
        %swap3A_1819 = arith.constant 0 : i32
        %swap3A_1820 = arith.index_cast %swap3A_1819 : i32 to index
        %swap3A_1821 = arith.constant 416 : index
        %swap3A_1822 = tpu.vector_load %arg6[%swap3A_1820, %swap3A_1821] {strides = array<i32>} : memref<2x512xi32, #tpu.memory_space<vmem>>, vector<16xi32>,
        tpu.vector_store %arg6[%swap3A_1820, %swap3A_1821], %gather3A_1818 {strides = array<i32>} : memref<2x512xi32, #tpu.memory_space<vmem>>, vector<16xi32>,
        %mul3A_1823 = arith.constant 4 : i32
        %mul3A_1824 = arith.muli %mul3A_1823, %add3A_1471 : i32
        %add3A_1825 = arith.constant 3 : i32
        %add3A_1826 = arith.addi %mul3A_1824, %add3A_1825 : i32
        %add3A_1827 = arith.constant 9600 : i32
        %add3A_1828 = arith.addi %add3A_1827, %add3A_1826 : i32
        %add3A_1829 = vector.broadcast %add3A_1828 : i32 to vector<16xi32>
        %add3A_1830 = arith.addi %mul3A_5, %add3A_1829 : vector<16xi32>
        %gather3A_1831 = tpu.vector_load_idx %arg5[%add3A_1830] : memref<25600xi32, #tpu.memory_space<vmem>>[vector<16xi32>], vector<16xi32>,
        %swap3A_1832 = arith.constant 0 : i32
        %swap3A_1833 = arith.index_cast %swap3A_1832 : i32 to index
        %swap3A_1834 = arith.constant 432 : index
        %swap3A_1835 = tpu.vector_load %arg6[%swap3A_1833, %swap3A_1834] {strides = array<i32>} : memref<2x512xi32, #tpu.memory_space<vmem>>, vector<16xi32>,
        tpu.vector_store %arg6[%swap3A_1833, %swap3A_1834], %gather3A_1831 {strides = array<i32>} : memref<2x512xi32, #tpu.memory_space<vmem>>, vector<16xi32>,
        %mul3A_1836 = arith.constant 4 : i32
        %mul3A_1837 = arith.muli %mul3A_1836, %add3A_1471 : i32
        %add3A_1838 = arith.constant 3 : i32
        %add3A_1839 = arith.addi %mul3A_1837, %add3A_1838 : i32
        %add3A_1840 = arith.constant 12800 : i32
        %add3A_1841 = arith.addi %add3A_1840, %add3A_1839 : i32
        %add3A_1842 = vector.broadcast %add3A_1841 : i32 to vector<16xi32>
        %add3A_1843 = arith.addi %mul3A_5, %add3A_1842 : vector<16xi32>
        %gather3A_1844 = tpu.vector_load_idx %arg5[%add3A_1843] : memref<25600xi32, #tpu.memory_space<vmem>>[vector<16xi32>], vector<16xi32>,
        %swap3A_1845 = arith.constant 0 : i32
        %swap3A_1846 = arith.index_cast %swap3A_1845 : i32 to index
        %swap3A_1847 = arith.constant 448 : index
        %swap3A_1848 = tpu.vector_load %arg6[%swap3A_1846, %swap3A_1847] {strides = array<i32>} : memref<2x512xi32, #tpu.memory_space<vmem>>, vector<16xi32>,
        tpu.vector_store %arg6[%swap3A_1846, %swap3A_1847], %gather3A_1844 {strides = array<i32>} : memref<2x512xi32, #tpu.memory_space<vmem>>, vector<16xi32>,
        %mul3A_1849 = arith.constant 4 : i32
        %mul3A_1850 = arith.muli %mul3A_1849, %add3A_1471 : i32
        %add3A_1851 = arith.constant 3 : i32
        %add3A_1852 = arith.addi %mul3A_1850, %add3A_1851 : i32
        %add3A_1853 = arith.constant 16000 : i32
        %add3A_1854 = arith.addi %add3A_1853, %add3A_1852 : i32
        %add3A_1855 = vector.broadcast %add3A_1854 : i32 to vector<16xi32>
        %add3A_1856 = arith.addi %mul3A_5, %add3A_1855 : vector<16xi32>
        %gather3A_1857 = tpu.vector_load_idx %arg5[%add3A_1856] : memref<25600xi32, #tpu.memory_space<vmem>>[vector<16xi32>], vector<16xi32>,
        %swap3A_1858 = arith.constant 0 : i32
        %swap3A_1859 = arith.index_cast %swap3A_1858 : i32 to index
        %swap3A_1860 = arith.constant 464 : index
        %swap3A_1861 = tpu.vector_load %arg6[%swap3A_1859, %swap3A_1860] {strides = array<i32>} : memref<2x512xi32, #tpu.memory_space<vmem>>, vector<16xi32>,
        tpu.vector_store %arg6[%swap3A_1859, %swap3A_1860], %gather3A_1857 {strides = array<i32>} : memref<2x512xi32, #tpu.memory_space<vmem>>, vector<16xi32>,
        %mul3A_1862 = arith.constant 4 : i32
        %mul3A_1863 = arith.muli %mul3A_1862, %add3A_1471 : i32
        %add3A_1864 = arith.constant 3 : i32
        %add3A_1865 = arith.addi %mul3A_1863, %add3A_1864 : i32
        %add3A_1866 = arith.constant 19200 : i32
        %add3A_1867 = arith.addi %add3A_1866, %add3A_1865 : i32
        %add3A_1868 = vector.broadcast %add3A_1867 : i32 to vector<16xi32>
        %add3A_1869 = arith.addi %mul3A_5, %add3A_1868 : vector<16xi32>
        %gather3A_1870 = tpu.vector_load_idx %arg5[%add3A_1869] : memref<25600xi32, #tpu.memory_space<vmem>>[vector<16xi32>], vector<16xi32>,
        %swap3A_1871 = arith.constant 0 : i32
        %swap3A_1872 = arith.index_cast %swap3A_1871 : i32 to index
        %swap3A_1873 = arith.constant 480 : index
        %swap3A_1874 = tpu.vector_load %arg6[%swap3A_1872, %swap3A_1873] {strides = array<i32>} : memref<2x512xi32, #tpu.memory_space<vmem>>, vector<16xi32>,
        tpu.vector_store %arg6[%swap3A_1872, %swap3A_1873], %gather3A_1870 {strides = array<i32>} : memref<2x512xi32, #tpu.memory_space<vmem>>, vector<16xi32>,
        %mul3A_1875 = arith.constant 4 : i32
        %mul3A_1876 = arith.muli %mul3A_1875, %add3A_1471 : i32
        %add3A_1877 = arith.constant 3 : i32
        %add3A_1878 = arith.addi %mul3A_1876, %add3A_1877 : i32
        %add3A_1879 = arith.constant 22400 : i32
        %add3A_1880 = arith.addi %add3A_1879, %add3A_1878 : i32
        %add3A_1881 = vector.broadcast %add3A_1880 : i32 to vector<16xi32>
        %add3A_1882 = arith.addi %mul3A_5, %add3A_1881 : vector<16xi32>
        %gather3A_1883 = tpu.vector_load_idx %arg5[%add3A_1882] : memref<25600xi32, #tpu.memory_space<vmem>>[vector<16xi32>], vector<16xi32>,
        %swap3A_1884 = arith.constant 0 : i32
        %swap3A_1885 = arith.index_cast %swap3A_1884 : i32 to index
        %swap3A_1886 = arith.constant 496 : index
        %swap3A_1887 = tpu.vector_load %arg6[%swap3A_1885, %swap3A_1886] {strides = array<i32>} : memref<2x512xi32, #tpu.memory_space<vmem>>, vector<16xi32>,
        tpu.vector_store %arg6[%swap3A_1885, %swap3A_1886], %gather3A_1883 {strides = array<i32>} : memref<2x512xi32, #tpu.memory_space<vmem>>, vector<16xi32>,
        %dma_start3A_1888 = arith.constant 0 : i32
        %dma_start3A_1889 = arith.constant 0 : i32
        %dma_start3A_1890 = arith.constant 0 : i32
        %dma_start3A_1891 = arith.constant 0 : i32
        %dma_start3A_1892 = tpu.memref_slice %arg7[%dma_start3A_1889, %dma_start3A_1890, %dma_start3A_1891] : memref<2x512x32xf32, #tpu.memory_space<vmem>> -> memref<1x512x32xf32, #tpu.memory_space<vmem>>
        %dma_start3A_1893 = tpu.memref_squeeze %dma_start3A_1892 : memref<1x512x32xf32, #tpu.memory_space<vmem>> -> memref<512x32xf32, #tpu.memory_space<vmem>>
        %dma_start3A_1894 = arith.constant 0 : i32
        %dma_start3A_1895 = tpu.memref_slice %arg6[%dma_start3A_1888, %dma_start3A_1894] : memref<2x512xi32, #tpu.memory_space<vmem>> -> memref<1x512xi32, #tpu.memory_space<vmem>>
        %dma_start3A_1896 = tpu.memref_squeeze %dma_start3A_1895 : memref<1x512xi32, #tpu.memory_space<vmem>> -> memref<512xi32, #tpu.memory_space<vmem>>
        %dma_start3A_1897 = arith.constant 0 : i32
        %dma_start3A_1898 = arith.constant 0 : i32
        %dma_start3A_1899 = tpu.memref_slice %arg3[%dma_start3A_1897, %dma_start3A_1898] : memref<1000000x32xf32, #tpu.memory_space<hbm>> -> memref<1000000x32xf32, #tpu.memory_space<hbm>>
        tpu.enqueue_indirect_dma source(%dma_start3A_1899 : memref<1000000x32xf32, #tpu.memory_space<hbm>>) target(%dma_start3A_1893 : memref<512x32xf32, #tpu.memory_space<vmem>>) offsets(%dma_start3A_1896 : memref<512xi32, #tpu.memory_space<vmem>>) semaphore(%arg9 : memref<!tpu.dma_semaphore, #tpu.memory_space<semaphore_mem>>)
      } else {
      }
      %gt3A_1121 = arith.constant 0 : i32
      %gt3A_1122 = arith.cmpi sgt, %add3A_313, %gt3A_1121 : i32
      %convert_element_type3A_1123 = arith.extui %gt3A_1122 : i1 to i32
      %cond3A_1124 = arith.constant 0 : i32
      %cond3A_1125 = arith.cmpi ne, %convert_element_type3A_1123, %cond3A_1124 : i32
      scf.if %cond3A_1125 {
        %dma_wait3A_1470 = arith.constant 1 : i32
        %dma_wait3A_1471 = arith.constant 0 : i32
        %dma_wait3A_1472 = arith.constant 0 : i32
        %dma_wait3A_1473 = arith.constant 0 : i32
        %dma_wait3A_1474 = tpu.memref_slice %arg8[%dma_wait3A_1470, %dma_wait3A_1472, %dma_wait3A_1473] : memref<2x4x4096xf32, #tpu.memory_space<vmem>> -> memref<1x4x4096xf32, #tpu.memory_space<vmem>>
        %dma_wait3A_1475 = tpu.memref_squeeze %dma_wait3A_1474 : memref<1x4x4096xf32, #tpu.memory_space<vmem>> -> memref<4x4096xf32, #tpu.memory_space<vmem>>
        %dma_wait3A_1476 = arith.constant 0 : i32
        %dma_wait3A_1477 = tpu.memref_slice %arg4[%dma_wait3A_1471, %dma_wait3A_1476] : memref<200x131072xf32, #tpu.memory_space<hbm>> -> memref<1x16384xf32, #tpu.memory_space<hbm>>
        %dma_wait3A_1478 = tpu.memref_squeeze %dma_wait3A_1477 : memref<1x16384xf32, #tpu.memory_space<hbm>> -> memref<16384xf32, #tpu.memory_space<hbm>>
        %dma_wait3A_1479 = arith.constant 0 : i32
        %dma_wait3A_1480 = tpu.memref_slice %arg4[%dma_wait3A_1471, %dma_wait3A_1479] : memref<200x131072xf32, #tpu.memory_space<hbm>> -> memref<1x16384xf32, #tpu.memory_space<hbm>>
        %dma_wait3A_1481 = tpu.memref_squeeze %dma_wait3A_1480 : memref<1x16384xf32, #tpu.memory_space<hbm>> -> memref<16384xf32, #tpu.memory_space<hbm>>
        %dma_wait3A_1482 = arith.constant 0 : i32
        %dma_wait3A_1483 = arith.constant 0 : i32
        %dma_wait3A_1484 = tpu.memref_slice %arg8[%dma_wait3A_1470, %dma_wait3A_1482, %dma_wait3A_1483] : memref<2x4x4096xf32, #tpu.memory_space<vmem>> -> memref<1x4x4096xf32, #tpu.memory_space<vmem>>
        %dma_wait3A_1485 = tpu.memref_squeeze %dma_wait3A_1484 : memref<1x4x4096xf32, #tpu.memory_space<vmem>> -> memref<4x4096xf32, #tpu.memory_space<vmem>>
        tpu.wait_dma2 semaphore(%arg12 : memref<!tpu.dma_semaphore, #tpu.memory_space<semaphore_mem>>) src(%dma_wait3A_1485 : memref<4x4096xf32, #tpu.memory_space<vmem>>) dst(%dma_wait3A_1481 : memref<16384xf32, #tpu.memory_space<hbm>>)
      } else {
      }
      %parallel_loop3A_1126 = arith.constant 0 : i32
      %parallel_loop3A_1127 = arith.constant 128 : i32
      %parallel_loop3A_1128 = arith.constant 1 : i32
      %parallel_loop3A_1129 = arith.constant 1 : i32
      %parallel_loop3A_1130 = arith.constant 0 : i32
      %parallel_loop3A_1131 = scf.for %parallel_loop3A_1470 = %parallel_loop3A_1126 to %parallel_loop3A_1127 step %parallel_loop3A_1128 iter_args(%parallel_loop3A_1471 = %mul3A_8) -> (vector<16xi32>)  : i32 {
        %parallel_loop3A_1472 = arith.constant 0 : i32
        %parallel_loop3A_1473 = arith.addi %parallel_loop3A_1472, %parallel_loop3A_1470 : i32
        %parallel_loop3A_1474 = arith.constant 1 : i32
        %parallel_loop3A_1475 = arith.index_cast %parallel_loop3A_1474 : i32 to index
        %parallel_loop3A_1476 = arith.index_cast %parallel_loop3A_1473 : i32 to index
        %parallel_loop3A_1477 = arith.constant 0 : index
        %parallel_loop3A_1478 = tpu.vector_load %arg7[%parallel_loop3A_1475, %parallel_loop3A_1476, %parallel_loop3A_1477] {strides = array<i32>} : memref<2x512x32xf32, #tpu.memory_space<vmem>>, vector<16xf32>,
        %parallel_loop3A_1479 = arith.constant 5.65685415 : f32
        %parallel_loop3A_1480 = vector.broadcast %parallel_loop3A_1479 : f32 to vector<16xf32>
        %parallel_loop3A_1481 = arith.mulf %parallel_loop3A_1478, %parallel_loop3A_1480 : vector<16xf32>
        %parallel_loop3A_1482 = arith.constant 0 : i32
        %parallel_loop3A_1483 = vector.broadcast %parallel_loop3A_1482 : i32 to vector<16xi32>
        %parallel_loop3A_1484 = arith.addi %parallel_loop3A_1471, %parallel_loop3A_1483 : vector<16xi32>
        %parallel_loop3A_1485 = arith.constant 0 : i32
        %parallel_loop3A_1486 = tpu.memref_slice %arg8[%parallel_loop3A_1129, %parallel_loop3A_1130, %parallel_loop3A_1485] : memref<2x4x4096xf32, #tpu.memory_space<vmem>> -> memref<1x1x4096xf32, #tpu.memory_space<vmem>>
        %parallel_loop3A_1487 = tpu.memref_squeeze %parallel_loop3A_1486 : memref<1x1x4096xf32, #tpu.memory_space<vmem>> -> memref<4096xf32, #tpu.memory_space<vmem>>
        tpu.vector_store_idx %parallel_loop3A_1487[%parallel_loop3A_1484], %parallel_loop3A_1481 : memref<4096xf32, #tpu.memory_space<vmem>>[vector<16xi32>], vector<16xf32>,
        %parallel_loop3A_1488 = arith.constant 0 : i32
        %parallel_loop3A_1489 = arith.addi %parallel_loop3A_1488, %parallel_loop3A_1470 : i32
        %parallel_loop3A_1490 = arith.constant 1 : i32
        %parallel_loop3A_1491 = arith.index_cast %parallel_loop3A_1490 : i32 to index
        %parallel_loop3A_1492 = arith.index_cast %parallel_loop3A_1489 : i32 to index
        %parallel_loop3A_1493 = arith.constant 16 : index
        %parallel_loop3A_1494 = tpu.vector_load %arg7[%parallel_loop3A_1491, %parallel_loop3A_1492, %parallel_loop3A_1493] {strides = array<i32>} : memref<2x512x32xf32, #tpu.memory_space<vmem>>, vector<16xf32>,
        %parallel_loop3A_1495 = arith.constant 5.65685415 : f32
        %parallel_loop3A_1496 = vector.broadcast %parallel_loop3A_1495 : f32 to vector<16xf32>
        %parallel_loop3A_1497 = arith.mulf %parallel_loop3A_1494, %parallel_loop3A_1496 : vector<16xf32>
        %parallel_loop3A_1498 = arith.constant 2048 : i32
        %parallel_loop3A_1499 = vector.broadcast %parallel_loop3A_1498 : i32 to vector<16xi32>
        %parallel_loop3A_1500 = arith.addi %parallel_loop3A_1471, %parallel_loop3A_1499 : vector<16xi32>
        %parallel_loop3A_1501 = arith.constant 0 : i32
        %parallel_loop3A_1502 = tpu.memref_slice %arg8[%parallel_loop3A_1129, %parallel_loop3A_1130, %parallel_loop3A_1501] : memref<2x4x4096xf32, #tpu.memory_space<vmem>> -> memref<1x1x4096xf32, #tpu.memory_space<vmem>>
        %parallel_loop3A_1503 = tpu.memref_squeeze %parallel_loop3A_1502 : memref<1x1x4096xf32, #tpu.memory_space<vmem>> -> memref<4096xf32, #tpu.memory_space<vmem>>
        tpu.vector_store_idx %parallel_loop3A_1503[%parallel_loop3A_1500], %parallel_loop3A_1497 : memref<4096xf32, #tpu.memory_space<vmem>>[vector<16xi32>], vector<16xf32>,
        %parallel_loop3A_1504 = arith.constant 1 : i32
        %parallel_loop3A_1505 = vector.broadcast %parallel_loop3A_1504 : i32 to vector<16xi32>
        %parallel_loop3A_1506 = arith.addi %parallel_loop3A_1471, %parallel_loop3A_1505 : vector<16xi32>
        scf.yield %parallel_loop3A_1506 : vector<16xi32>
      } {sc.loop_unroll_factor = 8 : i64, sc.parallel_access}
      %parallel_loop3A_1132 = arith.constant 0 : i32
      %parallel_loop3A_1133 = arith.constant 128 : i32
      %parallel_loop3A_1134 = arith.constant 1 : i32
      %parallel_loop3A_1135 = arith.constant 1 : i32
      %parallel_loop3A_1136 = arith.constant 1 : i32
      %parallel_loop3A_1137 = scf.for %parallel_loop3A_1470 = %parallel_loop3A_1132 to %parallel_loop3A_1133 step %parallel_loop3A_1134 iter_args(%parallel_loop3A_1471 = %mul3A_8) -> (vector<16xi32>)  : i32 {
        %parallel_loop3A_1472 = arith.constant 128 : i32
        %parallel_loop3A_1473 = arith.addi %parallel_loop3A_1472, %parallel_loop3A_1470 : i32
        %parallel_loop3A_1474 = arith.constant 1 : i32
        %parallel_loop3A_1475 = arith.index_cast %parallel_loop3A_1474 : i32 to index
        %parallel_loop3A_1476 = arith.index_cast %parallel_loop3A_1473 : i32 to index
        %parallel_loop3A_1477 = arith.constant 0 : index
        %parallel_loop3A_1478 = tpu.vector_load %arg7[%parallel_loop3A_1475, %parallel_loop3A_1476, %parallel_loop3A_1477] {strides = array<i32>} : memref<2x512x32xf32, #tpu.memory_space<vmem>>, vector<16xf32>,
        %parallel_loop3A_1479 = arith.constant 5.65685415 : f32
        %parallel_loop3A_1480 = vector.broadcast %parallel_loop3A_1479 : f32 to vector<16xf32>
        %parallel_loop3A_1481 = arith.mulf %parallel_loop3A_1478, %parallel_loop3A_1480 : vector<16xf32>
        %parallel_loop3A_1482 = arith.constant 0 : i32
        %parallel_loop3A_1483 = vector.broadcast %parallel_loop3A_1482 : i32 to vector<16xi32>
        %parallel_loop3A_1484 = arith.addi %parallel_loop3A_1471, %parallel_loop3A_1483 : vector<16xi32>
        %parallel_loop3A_1485 = arith.constant 0 : i32
        %parallel_loop3A_1486 = tpu.memref_slice %arg8[%parallel_loop3A_1135, %parallel_loop3A_1136, %parallel_loop3A_1485] : memref<2x4x4096xf32, #tpu.memory_space<vmem>> -> memref<1x1x4096xf32, #tpu.memory_space<vmem>>
        %parallel_loop3A_1487 = tpu.memref_squeeze %parallel_loop3A_1486 : memref<1x1x4096xf32, #tpu.memory_space<vmem>> -> memref<4096xf32, #tpu.memory_space<vmem>>
        tpu.vector_store_idx %parallel_loop3A_1487[%parallel_loop3A_1484], %parallel_loop3A_1481 : memref<4096xf32, #tpu.memory_space<vmem>>[vector<16xi32>], vector<16xf32>,
        %parallel_loop3A_1488 = arith.constant 128 : i32
        %parallel_loop3A_1489 = arith.addi %parallel_loop3A_1488, %parallel_loop3A_1470 : i32
        %parallel_loop3A_1490 = arith.constant 1 : i32
        %parallel_loop3A_1491 = arith.index_cast %parallel_loop3A_1490 : i32 to index
        %parallel_loop3A_1492 = arith.index_cast %parallel_loop3A_1489 : i32 to index
        %parallel_loop3A_1493 = arith.constant 16 : index
        %parallel_loop3A_1494 = tpu.vector_load %arg7[%parallel_loop3A_1491, %parallel_loop3A_1492, %parallel_loop3A_1493] {strides = array<i32>} : memref<2x512x32xf32, #tpu.memory_space<vmem>>, vector<16xf32>,
        %parallel_loop3A_1495 = arith.constant 5.65685415 : f32
        %parallel_loop3A_1496 = vector.broadcast %parallel_loop3A_1495 : f32 to vector<16xf32>
        %parallel_loop3A_1497 = arith.mulf %parallel_loop3A_1494, %parallel_loop3A_1496 : vector<16xf32>
        %parallel_loop3A_1498 = arith.constant 2048 : i32
        %parallel_loop3A_1499 = vector.broadcast %parallel_loop3A_1498 : i32 to vector<16xi32>
        %parallel_loop3A_1500 = arith.addi %parallel_loop3A_1471, %parallel_loop3A_1499 : vector<16xi32>
        %parallel_loop3A_1501 = arith.constant 0 : i32
        %parallel_loop3A_1502 = tpu.memref_slice %arg8[%parallel_loop3A_1135, %parallel_loop3A_1136, %parallel_loop3A_1501] : memref<2x4x4096xf32, #tpu.memory_space<vmem>> -> memref<1x1x4096xf32, #tpu.memory_space<vmem>>
        %parallel_loop3A_1503 = tpu.memref_squeeze %parallel_loop3A_1502 : memref<1x1x4096xf32, #tpu.memory_space<vmem>> -> memref<4096xf32, #tpu.memory_space<vmem>>
        tpu.vector_store_idx %parallel_loop3A_1503[%parallel_loop3A_1500], %parallel_loop3A_1497 : memref<4096xf32, #tpu.memory_space<vmem>>[vector<16xi32>], vector<16xf32>,
        %parallel_loop3A_1504 = arith.constant 1 : i32
        %parallel_loop3A_1505 = vector.broadcast %parallel_loop3A_1504 : i32 to vector<16xi32>
        %parallel_loop3A_1506 = arith.addi %parallel_loop3A_1471, %parallel_loop3A_1505 : vector<16xi32>
        scf.yield %parallel_loop3A_1506 : vector<16xi32>
      } {sc.loop_unroll_factor = 8 : i64, sc.parallel_access}
      %parallel_loop3A_1138 = arith.constant 0 : i32
      %parallel_loop3A_1139 = arith.constant 128 : i32
      %parallel_loop3A_1140 = arith.constant 1 : i32
      %parallel_loop3A_1141 = arith.constant 1 : i32
      %parallel_loop3A_1142 = arith.constant 2 : i32
      %parallel_loop3A_1143 = scf.for %parallel_loop3A_1470 = %parallel_loop3A_1138 to %parallel_loop3A_1139 step %parallel_loop3A_1140 iter_args(%parallel_loop3A_1471 = %mul3A_8) -> (vector<16xi32>)  : i32 {
        %parallel_loop3A_1472 = arith.constant 256 : i32
        %parallel_loop3A_1473 = arith.addi %parallel_loop3A_1472, %parallel_loop3A_1470 : i32
        %parallel_loop3A_1474 = arith.constant 1 : i32
        %parallel_loop3A_1475 = arith.index_cast %parallel_loop3A_1474 : i32 to index
        %parallel_loop3A_1476 = arith.index_cast %parallel_loop3A_1473 : i32 to index
        %parallel_loop3A_1477 = arith.constant 0 : index
        %parallel_loop3A_1478 = tpu.vector_load %arg7[%parallel_loop3A_1475, %parallel_loop3A_1476, %parallel_loop3A_1477] {strides = array<i32>} : memref<2x512x32xf32, #tpu.memory_space<vmem>>, vector<16xf32>,
        %parallel_loop3A_1479 = arith.constant 5.65685415 : f32
        %parallel_loop3A_1480 = vector.broadcast %parallel_loop3A_1479 : f32 to vector<16xf32>
        %parallel_loop3A_1481 = arith.mulf %parallel_loop3A_1478, %parallel_loop3A_1480 : vector<16xf32>
        %parallel_loop3A_1482 = arith.constant 0 : i32
        %parallel_loop3A_1483 = vector.broadcast %parallel_loop3A_1482 : i32 to vector<16xi32>
        %parallel_loop3A_1484 = arith.addi %parallel_loop3A_1471, %parallel_loop3A_1483 : vector<16xi32>
        %parallel_loop3A_1485 = arith.constant 0 : i32
        %parallel_loop3A_1486 = tpu.memref_slice %arg8[%parallel_loop3A_1141, %parallel_loop3A_1142, %parallel_loop3A_1485] : memref<2x4x4096xf32, #tpu.memory_space<vmem>> -> memref<1x1x4096xf32, #tpu.memory_space<vmem>>
        %parallel_loop3A_1487 = tpu.memref_squeeze %parallel_loop3A_1486 : memref<1x1x4096xf32, #tpu.memory_space<vmem>> -> memref<4096xf32, #tpu.memory_space<vmem>>
        tpu.vector_store_idx %parallel_loop3A_1487[%parallel_loop3A_1484], %parallel_loop3A_1481 : memref<4096xf32, #tpu.memory_space<vmem>>[vector<16xi32>], vector<16xf32>,
        %parallel_loop3A_1488 = arith.constant 256 : i32
        %parallel_loop3A_1489 = arith.addi %parallel_loop3A_1488, %parallel_loop3A_1470 : i32
        %parallel_loop3A_1490 = arith.constant 1 : i32
        %parallel_loop3A_1491 = arith.index_cast %parallel_loop3A_1490 : i32 to index
        %parallel_loop3A_1492 = arith.index_cast %parallel_loop3A_1489 : i32 to index
        %parallel_loop3A_1493 = arith.constant 16 : index
        %parallel_loop3A_1494 = tpu.vector_load %arg7[%parallel_loop3A_1491, %parallel_loop3A_1492, %parallel_loop3A_1493] {strides = array<i32>} : memref<2x512x32xf32, #tpu.memory_space<vmem>>, vector<16xf32>,
        %parallel_loop3A_1495 = arith.constant 5.65685415 : f32
        %parallel_loop3A_1496 = vector.broadcast %parallel_loop3A_1495 : f32 to vector<16xf32>
        %parallel_loop3A_1497 = arith.mulf %parallel_loop3A_1494, %parallel_loop3A_1496 : vector<16xf32>
        %parallel_loop3A_1498 = arith.constant 2048 : i32
        %parallel_loop3A_1499 = vector.broadcast %parallel_loop3A_1498 : i32 to vector<16xi32>
        %parallel_loop3A_1500 = arith.addi %parallel_loop3A_1471, %parallel_loop3A_1499 : vector<16xi32>
        %parallel_loop3A_1501 = arith.constant 0 : i32
        %parallel_loop3A_1502 = tpu.memref_slice %arg8[%parallel_loop3A_1141, %parallel_loop3A_1142, %parallel_loop3A_1501] : memref<2x4x4096xf32, #tpu.memory_space<vmem>> -> memref<1x1x4096xf32, #tpu.memory_space<vmem>>
        %parallel_loop3A_1503 = tpu.memref_squeeze %parallel_loop3A_1502 : memref<1x1x4096xf32, #tpu.memory_space<vmem>> -> memref<4096xf32, #tpu.memory_space<vmem>>
        tpu.vector_store_idx %parallel_loop3A_1503[%parallel_loop3A_1500], %parallel_loop3A_1497 : memref<4096xf32, #tpu.memory_space<vmem>>[vector<16xi32>], vector<16xf32>,
        %parallel_loop3A_1504 = arith.constant 1 : i32
        %parallel_loop3A_1505 = vector.broadcast %parallel_loop3A_1504 : i32 to vector<16xi32>
        %parallel_loop3A_1506 = arith.addi %parallel_loop3A_1471, %parallel_loop3A_1505 : vector<16xi32>
        scf.yield %parallel_loop3A_1506 : vector<16xi32>
      } {sc.loop_unroll_factor = 8 : i64, sc.parallel_access}
      %parallel_loop3A_1144 = arith.constant 0 : i32
      %parallel_loop3A_1145 = arith.constant 128 : i32
      %parallel_loop3A_1146 = arith.constant 1 : i32
      %parallel_loop3A_1147 = arith.constant 1 : i32
      %parallel_loop3A_1148 = arith.constant 3 : i32
      %parallel_loop3A_1149 = scf.for %parallel_loop3A_1470 = %parallel_loop3A_1144 to %parallel_loop3A_1145 step %parallel_loop3A_1146 iter_args(%parallel_loop3A_1471 = %mul3A_8) -> (vector<16xi32>)  : i32 {
        %parallel_loop3A_1472 = arith.constant 384 : i32
        %parallel_loop3A_1473 = arith.addi %parallel_loop3A_1472, %parallel_loop3A_1470 : i32
        %parallel_loop3A_1474 = arith.constant 1 : i32
        %parallel_loop3A_1475 = arith.index_cast %parallel_loop3A_1474 : i32 to index
        %parallel_loop3A_1476 = arith.index_cast %parallel_loop3A_1473 : i32 to index
        %parallel_loop3A_1477 = arith.constant 0 : index
        %parallel_loop3A_1478 = tpu.vector_load %arg7[%parallel_loop3A_1475, %parallel_loop3A_1476, %parallel_loop3A_1477] {strides = array<i32>} : memref<2x512x32xf32, #tpu.memory_space<vmem>>, vector<16xf32>,
        %parallel_loop3A_1479 = arith.constant 5.65685415 : f32
        %parallel_loop3A_1480 = vector.broadcast %parallel_loop3A_1479 : f32 to vector<16xf32>
        %parallel_loop3A_1481 = arith.mulf %parallel_loop3A_1478, %parallel_loop3A_1480 : vector<16xf32>
        %parallel_loop3A_1482 = arith.constant 0 : i32
        %parallel_loop3A_1483 = vector.broadcast %parallel_loop3A_1482 : i32 to vector<16xi32>
        %parallel_loop3A_1484 = arith.addi %parallel_loop3A_1471, %parallel_loop3A_1483 : vector<16xi32>
        %parallel_loop3A_1485 = arith.constant 0 : i32
        %parallel_loop3A_1486 = tpu.memref_slice %arg8[%parallel_loop3A_1147, %parallel_loop3A_1148, %parallel_loop3A_1485] : memref<2x4x4096xf32, #tpu.memory_space<vmem>> -> memref<1x1x4096xf32, #tpu.memory_space<vmem>>
        %parallel_loop3A_1487 = tpu.memref_squeeze %parallel_loop3A_1486 : memref<1x1x4096xf32, #tpu.memory_space<vmem>> -> memref<4096xf32, #tpu.memory_space<vmem>>
        tpu.vector_store_idx %parallel_loop3A_1487[%parallel_loop3A_1484], %parallel_loop3A_1481 : memref<4096xf32, #tpu.memory_space<vmem>>[vector<16xi32>], vector<16xf32>,
        %parallel_loop3A_1488 = arith.constant 384 : i32
        %parallel_loop3A_1489 = arith.addi %parallel_loop3A_1488, %parallel_loop3A_1470 : i32
        %parallel_loop3A_1490 = arith.constant 1 : i32
        %parallel_loop3A_1491 = arith.index_cast %parallel_loop3A_1490 : i32 to index
        %parallel_loop3A_1492 = arith.index_cast %parallel_loop3A_1489 : i32 to index
        %parallel_loop3A_1493 = arith.constant 16 : index
        %parallel_loop3A_1494 = tpu.vector_load %arg7[%parallel_loop3A_1491, %parallel_loop3A_1492, %parallel_loop3A_1493] {strides = array<i32>} : memref<2x512x32xf32, #tpu.memory_space<vmem>>, vector<16xf32>,
        %parallel_loop3A_1495 = arith.constant 5.65685415 : f32
        %parallel_loop3A_1496 = vector.broadcast %parallel_loop3A_1495 : f32 to vector<16xf32>
        %parallel_loop3A_1497 = arith.mulf %parallel_loop3A_1494, %parallel_loop3A_1496 : vector<16xf32>
        %parallel_loop3A_1498 = arith.constant 2048 : i32
        %parallel_loop3A_1499 = vector.broadcast %parallel_loop3A_1498 : i32 to vector<16xi32>
        %parallel_loop3A_1500 = arith.addi %parallel_loop3A_1471, %parallel_loop3A_1499 : vector<16xi32>
        %parallel_loop3A_1501 = arith.constant 0 : i32
        %parallel_loop3A_1502 = tpu.memref_slice %arg8[%parallel_loop3A_1147, %parallel_loop3A_1148, %parallel_loop3A_1501] : memref<2x4x4096xf32, #tpu.memory_space<vmem>> -> memref<1x1x4096xf32, #tpu.memory_space<vmem>>
        %parallel_loop3A_1503 = tpu.memref_squeeze %parallel_loop3A_1502 : memref<1x1x4096xf32, #tpu.memory_space<vmem>> -> memref<4096xf32, #tpu.memory_space<vmem>>
        tpu.vector_store_idx %parallel_loop3A_1503[%parallel_loop3A_1500], %parallel_loop3A_1497 : memref<4096xf32, #tpu.memory_space<vmem>>[vector<16xi32>], vector<16xf32>,
        %parallel_loop3A_1504 = arith.constant 1 : i32
        %parallel_loop3A_1505 = vector.broadcast %parallel_loop3A_1504 : i32 to vector<16xi32>
        %parallel_loop3A_1506 = arith.addi %parallel_loop3A_1471, %parallel_loop3A_1505 : vector<16xi32>
        scf.yield %parallel_loop3A_1506 : vector<16xi32>
      } {sc.loop_unroll_factor = 8 : i64, sc.parallel_access}
      %mul3A_1150 = arith.constant 4 : i32
      %mul3A_1151 = arith.muli %mul3A_1150, %add3A_1104 : i32
      %add3A_1152 = arith.constant 0 : i32
      %add3A_1153 = arith.addi %mul3A_1151, %add3A_1152 : i32
      %mul3A_1154 = arith.constant 1024 : i32
      %mul3A_1155 = arith.muli %add3A, %mul3A_1154 : i32
      %add3A_1156 = arith.constant 0 : i32
      %add3A_1157 = arith.addi %add3A_1156, %mul3A_1155 : i32
      %dma_start3A_1158 = arith.constant 1 : i32
      %dma_start3A_1159 = arith.constant 0 : i32
      %dma_start3A_1160 = arith.constant 0 : i32
      %dma_start3A_1161 = tpu.memref_slice %arg8[%dma_start3A_1158, %dma_start3A_1159, %dma_start3A_1160] : memref<2x4x4096xf32, #tpu.memory_space<vmem>> -> memref<1x1x1024xf32, #tpu.memory_space<vmem>>
      %dma_start3A_1162 = tpu.memref_squeeze %dma_start3A_1161 : memref<1x1x1024xf32, #tpu.memory_space<vmem>> -> memref<1024xf32, #tpu.memory_space<vmem>>
      %dma_start3A_1163 = tpu.memref_slice %arg4[%add3A_1153, %add3A_1157] : memref<200x131072xf32, #tpu.memory_space<hbm>> -> memref<1x1024xf32, #tpu.memory_space<hbm>>
      %dma_start3A_1164 = tpu.memref_squeeze %dma_start3A_1163 : memref<1x1024xf32, #tpu.memory_space<hbm>> -> memref<1024xf32, #tpu.memory_space<hbm>>
      %dma_start3A_1165 = tpu.memref_slice %arg4[%add3A_1153, %add3A_1157] : memref<200x131072xf32, #tpu.memory_space<hbm>> -> memref<1x1024xf32, #tpu.memory_space<hbm>>
      %dma_start3A_1166 = tpu.memref_squeeze %dma_start3A_1165 : memref<1x1024xf32, #tpu.memory_space<hbm>> -> memref<1024xf32, #tpu.memory_space<hbm>>
      %dma_start3A_1167 = arith.constant 0 : i32
      %dma_start3A_1168 = tpu.memref_slice %arg8[%dma_start3A_1158, %dma_start3A_1159, %dma_start3A_1167] : memref<2x4x4096xf32, #tpu.memory_space<vmem>> -> memref<1x1x1024xf32, #tpu.memory_space<vmem>>
      %dma_start3A_1169 = tpu.memref_squeeze %dma_start3A_1168 : memref<1x1x1024xf32, #tpu.memory_space<vmem>> -> memref<1024xf32, #tpu.memory_space<vmem>>
      tpu.enqueue_dma source(%dma_start3A_1169 : memref<1024xf32, #tpu.memory_space<vmem>>) target(%dma_start3A_1166 : memref<1024xf32, #tpu.memory_space<hbm>>) target_semaphore(%arg12 : memref<!tpu.dma_semaphore, #tpu.memory_space<semaphore_mem>>)
      %mul3A_1170 = arith.constant 4 : i32
      %mul3A_1171 = arith.muli %mul3A_1170, %add3A_1104 : i32
      %add3A_1172 = arith.constant 0 : i32
      %add3A_1173 = arith.addi %mul3A_1171, %add3A_1172 : i32
      %mul3A_1174 = arith.constant 1024 : i32
      %mul3A_1175 = arith.muli %add3A, %mul3A_1174 : i32
      %add3A_1176 = arith.constant 32768 : i32
      %add3A_1177 = arith.addi %add3A_1176, %mul3A_1175 : i32
      %dma_start3A_1178 = arith.constant 1 : i32
      %dma_start3A_1179 = arith.constant 0 : i32
      %dma_start3A_1180 = arith.constant 1024 : i32
      %dma_start3A_1181 = tpu.memref_slice %arg8[%dma_start3A_1178, %dma_start3A_1179, %dma_start3A_1180] : memref<2x4x4096xf32, #tpu.memory_space<vmem>> -> memref<1x1x1024xf32, #tpu.memory_space<vmem>>
      %dma_start3A_1182 = tpu.memref_squeeze %dma_start3A_1181 : memref<1x1x1024xf32, #tpu.memory_space<vmem>> -> memref<1024xf32, #tpu.memory_space<vmem>>
      %dma_start3A_1183 = tpu.memref_slice %arg4[%add3A_1173, %add3A_1177] : memref<200x131072xf32, #tpu.memory_space<hbm>> -> memref<1x1024xf32, #tpu.memory_space<hbm>>
      %dma_start3A_1184 = tpu.memref_squeeze %dma_start3A_1183 : memref<1x1024xf32, #tpu.memory_space<hbm>> -> memref<1024xf32, #tpu.memory_space<hbm>>
      %dma_start3A_1185 = tpu.memref_slice %arg4[%add3A_1173, %add3A_1177] : memref<200x131072xf32, #tpu.memory_space<hbm>> -> memref<1x1024xf32, #tpu.memory_space<hbm>>
      %dma_start3A_1186 = tpu.memref_squeeze %dma_start3A_1185 : memref<1x1024xf32, #tpu.memory_space<hbm>> -> memref<1024xf32, #tpu.memory_space<hbm>>
      %dma_start3A_1187 = arith.constant 1024 : i32
      %dma_start3A_1188 = tpu.memref_slice %arg8[%dma_start3A_1178, %dma_start3A_1179, %dma_start3A_1187] : memref<2x4x4096xf32, #tpu.memory_space<vmem>> -> memref<1x1x1024xf32, #tpu.memory_space<vmem>>
      %dma_start3A_1189 = tpu.memref_squeeze %dma_start3A_1188 : memref<1x1x1024xf32, #tpu.memory_space<vmem>> -> memref<1024xf32, #tpu.memory_space<vmem>>
      tpu.enqueue_dma source(%dma_start3A_1189 : memref<1024xf32, #tpu.memory_space<vmem>>) target(%dma_start3A_1186 : memref<1024xf32, #tpu.memory_space<hbm>>) target_semaphore(%arg12 : memref<!tpu.dma_semaphore, #tpu.memory_space<semaphore_mem>>)
      %mul3A_1190 = arith.constant 4 : i32
      %mul3A_1191 = arith.muli %mul3A_1190, %add3A_1104 : i32
      %add3A_1192 = arith.constant 0 : i32
      %add3A_1193 = arith.addi %mul3A_1191, %add3A_1192 : i32
      %mul3A_1194 = arith.constant 1024 : i32
      %mul3A_1195 = arith.muli %add3A, %mul3A_1194 : i32
      %add3A_1196 = arith.constant 65536 : i32
      %add3A_1197 = arith.addi %add3A_1196, %mul3A_1195 : i32
      %dma_start3A_1198 = arith.constant 1 : i32
      %dma_start3A_1199 = arith.constant 0 : i32
      %dma_start3A_1200 = arith.constant 2048 : i32
      %dma_start3A_1201 = tpu.memref_slice %arg8[%dma_start3A_1198, %dma_start3A_1199, %dma_start3A_1200] : memref<2x4x4096xf32, #tpu.memory_space<vmem>> -> memref<1x1x1024xf32, #tpu.memory_space<vmem>>
      %dma_start3A_1202 = tpu.memref_squeeze %dma_start3A_1201 : memref<1x1x1024xf32, #tpu.memory_space<vmem>> -> memref<1024xf32, #tpu.memory_space<vmem>>
      %dma_start3A_1203 = tpu.memref_slice %arg4[%add3A_1193, %add3A_1197] : memref<200x131072xf32, #tpu.memory_space<hbm>> -> memref<1x1024xf32, #tpu.memory_space<hbm>>
      %dma_start3A_1204 = tpu.memref_squeeze %dma_start3A_1203 : memref<1x1024xf32, #tpu.memory_space<hbm>> -> memref<1024xf32, #tpu.memory_space<hbm>>
      %dma_start3A_1205 = tpu.memref_slice %arg4[%add3A_1193, %add3A_1197] : memref<200x131072xf32, #tpu.memory_space<hbm>> -> memref<1x1024xf32, #tpu.memory_space<hbm>>
      %dma_start3A_1206 = tpu.memref_squeeze %dma_start3A_1205 : memref<1x1024xf32, #tpu.memory_space<hbm>> -> memref<1024xf32, #tpu.memory_space<hbm>>
      %dma_start3A_1207 = arith.constant 2048 : i32
      %dma_start3A_1208 = tpu.memref_slice %arg8[%dma_start3A_1198, %dma_start3A_1199, %dma_start3A_1207] : memref<2x4x4096xf32, #tpu.memory_space<vmem>> -> memref<1x1x1024xf32, #tpu.memory_space<vmem>>
      %dma_start3A_1209 = tpu.memref_squeeze %dma_start3A_1208 : memref<1x1x1024xf32, #tpu.memory_space<vmem>> -> memref<1024xf32, #tpu.memory_space<vmem>>
      tpu.enqueue_dma source(%dma_start3A_1209 : memref<1024xf32, #tpu.memory_space<vmem>>) target(%dma_start3A_1206 : memref<1024xf32, #tpu.memory_space<hbm>>) target_semaphore(%arg12 : memref<!tpu.dma_semaphore, #tpu.memory_space<semaphore_mem>>)
      %mul3A_1210 = arith.constant 4 : i32
      %mul3A_1211 = arith.muli %mul3A_1210, %add3A_1104 : i32
      %add3A_1212 = arith.constant 0 : i32
      %add3A_1213 = arith.addi %mul3A_1211, %add3A_1212 : i32
      %mul3A_1214 = arith.constant 1024 : i32
      %mul3A_1215 = arith.muli %add3A, %mul3A_1214 : i32
      %add3A_1216 = arith.constant 98304 : i32
      %add3A_1217 = arith.addi %add3A_1216, %mul3A_1215 : i32
      %dma_start3A_1218 = arith.constant 1 : i32
      %dma_start3A_1219 = arith.constant 0 : i32
      %dma_start3A_1220 = arith.constant 3072 : i32
      %dma_start3A_1221 = tpu.memref_slice %arg8[%dma_start3A_1218, %dma_start3A_1219, %dma_start3A_1220] : memref<2x4x4096xf32, #tpu.memory_space<vmem>> -> memref<1x1x1024xf32, #tpu.memory_space<vmem>>
      %dma_start3A_1222 = tpu.memref_squeeze %dma_start3A_1221 : memref<1x1x1024xf32, #tpu.memory_space<vmem>> -> memref<1024xf32, #tpu.memory_space<vmem>>
      %dma_start3A_1223 = tpu.memref_slice %arg4[%add3A_1213, %add3A_1217] : memref<200x131072xf32, #tpu.memory_space<hbm>> -> memref<1x1024xf32, #tpu.memory_space<hbm>>
      %dma_start3A_1224 = tpu.memref_squeeze %dma_start3A_1223 : memref<1x1024xf32, #tpu.memory_space<hbm>> -> memref<1024xf32, #tpu.memory_space<hbm>>
      %dma_start3A_1225 = tpu.memref_slice %arg4[%add3A_1213, %add3A_1217] : memref<200x131072xf32, #tpu.memory_space<hbm>> -> memref<1x1024xf32, #tpu.memory_space<hbm>>
      %dma_start3A_1226 = tpu.memref_squeeze %dma_start3A_1225 : memref<1x1024xf32, #tpu.memory_space<hbm>> -> memref<1024xf32, #tpu.memory_space<hbm>>
      %dma_start3A_1227 = arith.constant 3072 : i32
      %dma_start3A_1228 = tpu.memref_slice %arg8[%dma_start3A_1218, %dma_start3A_1219, %dma_start3A_1227] : memref<2x4x4096xf32, #tpu.memory_space<vmem>> -> memref<1x1x1024xf32, #tpu.memory_space<vmem>>
      %dma_start3A_1229 = tpu.memref_squeeze %dma_start3A_1228 : memref<1x1x1024xf32, #tpu.memory_space<vmem>> -> memref<1024xf32, #tpu.memory_space<vmem>>
      tpu.enqueue_dma source(%dma_start3A_1229 : memref<1024xf32, #tpu.memory_space<vmem>>) target(%dma_start3A_1226 : memref<1024xf32, #tpu.memory_space<hbm>>) target_semaphore(%arg12 : memref<!tpu.dma_semaphore, #tpu.memory_space<semaphore_mem>>)
      %mul3A_1230 = arith.constant 4 : i32
      %mul3A_1231 = arith.muli %mul3A_1230, %add3A_1104 : i32
      %add3A_1232 = arith.constant 1 : i32
      %add3A_1233 = arith.addi %mul3A_1231, %add3A_1232 : i32
      %mul3A_1234 = arith.constant 1024 : i32
      %mul3A_1235 = arith.muli %add3A, %mul3A_1234 : i32
      %add3A_1236 = arith.constant 0 : i32
      %add3A_1237 = arith.addi %add3A_1236, %mul3A_1235 : i32
      %dma_start3A_1238 = arith.constant 1 : i32
      %dma_start3A_1239 = arith.constant 1 : i32
      %dma_start3A_1240 = arith.constant 0 : i32
      %dma_start3A_1241 = tpu.memref_slice %arg8[%dma_start3A_1238, %dma_start3A_1239, %dma_start3A_1240] : memref<2x4x4096xf32, #tpu.memory_space<vmem>> -> memref<1x1x1024xf32, #tpu.memory_space<vmem>>
      %dma_start3A_1242 = tpu.memref_squeeze %dma_start3A_1241 : memref<1x1x1024xf32, #tpu.memory_space<vmem>> -> memref<1024xf32, #tpu.memory_space<vmem>>
      %dma_start3A_1243 = tpu.memref_slice %arg4[%add3A_1233, %add3A_1237] : memref<200x131072xf32, #tpu.memory_space<hbm>> -> memref<1x1024xf32, #tpu.memory_space<hbm>>
      %dma_start3A_1244 = tpu.memref_squeeze %dma_start3A_1243 : memref<1x1024xf32, #tpu.memory_space<hbm>> -> memref<1024xf32, #tpu.memory_space<hbm>>
      %dma_start3A_1245 = tpu.memref_slice %arg4[%add3A_1233, %add3A_1237] : memref<200x131072xf32, #tpu.memory_space<hbm>> -> memref<1x1024xf32, #tpu.memory_space<hbm>>
      %dma_start3A_1246 = tpu.memref_squeeze %dma_start3A_1245 : memref<1x1024xf32, #tpu.memory_space<hbm>> -> memref<1024xf32, #tpu.memory_space<hbm>>
      %dma_start3A_1247 = arith.constant 0 : i32
      %dma_start3A_1248 = tpu.memref_slice %arg8[%dma_start3A_1238, %dma_start3A_1239, %dma_start3A_1247] : memref<2x4x4096xf32, #tpu.memory_space<vmem>> -> memref<1x1x1024xf32, #tpu.memory_space<vmem>>
      %dma_start3A_1249 = tpu.memref_squeeze %dma_start3A_1248 : memref<1x1x1024xf32, #tpu.memory_space<vmem>> -> memref<1024xf32, #tpu.memory_space<vmem>>
      tpu.enqueue_dma source(%dma_start3A_1249 : memref<1024xf32, #tpu.memory_space<vmem>>) target(%dma_start3A_1246 : memref<1024xf32, #tpu.memory_space<hbm>>) target_semaphore(%arg12 : memref<!tpu.dma_semaphore, #tpu.memory_space<semaphore_mem>>)
      %mul3A_1250 = arith.constant 4 : i32
      %mul3A_1251 = arith.muli %mul3A_1250, %add3A_1104 : i32
      %add3A_1252 = arith.constant 1 : i32
      %add3A_1253 = arith.addi %mul3A_1251, %add3A_1252 : i32
      %mul3A_1254 = arith.constant 1024 : i32
      %mul3A_1255 = arith.muli %add3A, %mul3A_1254 : i32
      %add3A_1256 = arith.constant 32768 : i32
      %add3A_1257 = arith.addi %add3A_1256, %mul3A_1255 : i32
      %dma_start3A_1258 = arith.constant 1 : i32
      %dma_start3A_1259 = arith.constant 1 : i32
      %dma_start3A_1260 = arith.constant 1024 : i32
      %dma_start3A_1261 = tpu.memref_slice %arg8[%dma_start3A_1258, %dma_start3A_1259, %dma_start3A_1260] : memref<2x4x4096xf32, #tpu.memory_space<vmem>> -> memref<1x1x1024xf32, #tpu.memory_space<vmem>>
      %dma_start3A_1262 = tpu.memref_squeeze %dma_start3A_1261 : memref<1x1x1024xf32, #tpu.memory_space<vmem>> -> memref<1024xf32, #tpu.memory_space<vmem>>
      %dma_start3A_1263 = tpu.memref_slice %arg4[%add3A_1253, %add3A_1257] : memref<200x131072xf32, #tpu.memory_space<hbm>> -> memref<1x1024xf32, #tpu.memory_space<hbm>>
      %dma_start3A_1264 = tpu.memref_squeeze %dma_start3A_1263 : memref<1x1024xf32, #tpu.memory_space<hbm>> -> memref<1024xf32, #tpu.memory_space<hbm>>
      %dma_start3A_1265 = tpu.memref_slice %arg4[%add3A_1253, %add3A_1257] : memref<200x131072xf32, #tpu.memory_space<hbm>> -> memref<1x1024xf32, #tpu.memory_space<hbm>>
      %dma_start3A_1266 = tpu.memref_squeeze %dma_start3A_1265 : memref<1x1024xf32, #tpu.memory_space<hbm>> -> memref<1024xf32, #tpu.memory_space<hbm>>
      %dma_start3A_1267 = arith.constant 1024 : i32
      %dma_start3A_1268 = tpu.memref_slice %arg8[%dma_start3A_1258, %dma_start3A_1259, %dma_start3A_1267] : memref<2x4x4096xf32, #tpu.memory_space<vmem>> -> memref<1x1x1024xf32, #tpu.memory_space<vmem>>
      %dma_start3A_1269 = tpu.memref_squeeze %dma_start3A_1268 : memref<1x1x1024xf32, #tpu.memory_space<vmem>> -> memref<1024xf32, #tpu.memory_space<vmem>>
      tpu.enqueue_dma source(%dma_start3A_1269 : memref<1024xf32, #tpu.memory_space<vmem>>) target(%dma_start3A_1266 : memref<1024xf32, #tpu.memory_space<hbm>>) target_semaphore(%arg12 : memref<!tpu.dma_semaphore, #tpu.memory_space<semaphore_mem>>)
      %mul3A_1270 = arith.constant 4 : i32
      %mul3A_1271 = arith.muli %mul3A_1270, %add3A_1104 : i32
      %add3A_1272 = arith.constant 1 : i32
      %add3A_1273 = arith.addi %mul3A_1271, %add3A_1272 : i32
      %mul3A_1274 = arith.constant 1024 : i32
      %mul3A_1275 = arith.muli %add3A, %mul3A_1274 : i32
      %add3A_1276 = arith.constant 65536 : i32
      %add3A_1277 = arith.addi %add3A_1276, %mul3A_1275 : i32
      %dma_start3A_1278 = arith.constant 1 : i32
      %dma_start3A_1279 = arith.constant 1 : i32
      %dma_start3A_1280 = arith.constant 2048 : i32
      %dma_start3A_1281 = tpu.memref_slice %arg8[%dma_start3A_1278, %dma_start3A_1279, %dma_start3A_1280] : memref<2x4x4096xf32, #tpu.memory_space<vmem>> -> memref<1x1x1024xf32, #tpu.memory_space<vmem>>
      %dma_start3A_1282 = tpu.memref_squeeze %dma_start3A_1281 : memref<1x1x1024xf32, #tpu.memory_space<vmem>> -> memref<1024xf32, #tpu.memory_space<vmem>>
      %dma_start3A_1283 = tpu.memref_slice %arg4[%add3A_1273, %add3A_1277] : memref<200x131072xf32, #tpu.memory_space<hbm>> -> memref<1x1024xf32, #tpu.memory_space<hbm>>
      %dma_start3A_1284 = tpu.memref_squeeze %dma_start3A_1283 : memref<1x1024xf32, #tpu.memory_space<hbm>> -> memref<1024xf32, #tpu.memory_space<hbm>>
      %dma_start3A_1285 = tpu.memref_slice %arg4[%add3A_1273, %add3A_1277] : memref<200x131072xf32, #tpu.memory_space<hbm>> -> memref<1x1024xf32, #tpu.memory_space<hbm>>
      %dma_start3A_1286 = tpu.memref_squeeze %dma_start3A_1285 : memref<1x1024xf32, #tpu.memory_space<hbm>> -> memref<1024xf32, #tpu.memory_space<hbm>>
      %dma_start3A_1287 = arith.constant 2048 : i32
      %dma_start3A_1288 = tpu.memref_slice %arg8[%dma_start3A_1278, %dma_start3A_1279, %dma_start3A_1287] : memref<2x4x4096xf32, #tpu.memory_space<vmem>> -> memref<1x1x1024xf32, #tpu.memory_space<vmem>>
      %dma_start3A_1289 = tpu.memref_squeeze %dma_start3A_1288 : memref<1x1x1024xf32, #tpu.memory_space<vmem>> -> memref<1024xf32, #tpu.memory_space<vmem>>
      tpu.enqueue_dma source(%dma_start3A_1289 : memref<1024xf32, #tpu.memory_space<vmem>>) target(%dma_start3A_1286 : memref<1024xf32, #tpu.memory_space<hbm>>) target_semaphore(%arg12 : memref<!tpu.dma_semaphore, #tpu.memory_space<semaphore_mem>>)
      %mul3A_1290 = arith.constant 4 : i32
      %mul3A_1291 = arith.muli %mul3A_1290, %add3A_1104 : i32
      %add3A_1292 = arith.constant 1 : i32
      %add3A_1293 = arith.addi %mul3A_1291, %add3A_1292 : i32
      %mul3A_1294 = arith.constant 1024 : i32
      %mul3A_1295 = arith.muli %add3A, %mul3A_1294 : i32
      %add3A_1296 = arith.constant 98304 : i32
      %add3A_1297 = arith.addi %add3A_1296, %mul3A_1295 : i32
      %dma_start3A_1298 = arith.constant 1 : i32
      %dma_start3A_1299 = arith.constant 1 : i32
      %dma_start3A_1300 = arith.constant 3072 : i32
      %dma_start3A_1301 = tpu.memref_slice %arg8[%dma_start3A_1298, %dma_start3A_1299, %dma_start3A_1300] : memref<2x4x4096xf32, #tpu.memory_space<vmem>> -> memref<1x1x1024xf32, #tpu.memory_space<vmem>>
      %dma_start3A_1302 = tpu.memref_squeeze %dma_start3A_1301 : memref<1x1x1024xf32, #tpu.memory_space<vmem>> -> memref<1024xf32, #tpu.memory_space<vmem>>
      %dma_start3A_1303 = tpu.memref_slice %arg4[%add3A_1293, %add3A_1297] : memref<200x131072xf32, #tpu.memory_space<hbm>> -> memref<1x1024xf32, #tpu.memory_space<hbm>>
      %dma_start3A_1304 = tpu.memref_squeeze %dma_start3A_1303 : memref<1x1024xf32, #tpu.memory_space<hbm>> -> memref<1024xf32, #tpu.memory_space<hbm>>
      %dma_start3A_1305 = tpu.memref_slice %arg4[%add3A_1293, %add3A_1297] : memref<200x131072xf32, #tpu.memory_space<hbm>> -> memref<1x1024xf32, #tpu.memory_space<hbm>>
      %dma_start3A_1306 = tpu.memref_squeeze %dma_start3A_1305 : memref<1x1024xf32, #tpu.memory_space<hbm>> -> memref<1024xf32, #tpu.memory_space<hbm>>
      %dma_start3A_1307 = arith.constant 3072 : i32
      %dma_start3A_1308 = tpu.memref_slice %arg8[%dma_start3A_1298, %dma_start3A_1299, %dma_start3A_1307] : memref<2x4x4096xf32, #tpu.memory_space<vmem>> -> memref<1x1x1024xf32, #tpu.memory_space<vmem>>
      %dma_start3A_1309 = tpu.memref_squeeze %dma_start3A_1308 : memref<1x1x1024xf32, #tpu.memory_space<vmem>> -> memref<1024xf32, #tpu.memory_space<vmem>>
      tpu.enqueue_dma source(%dma_start3A_1309 : memref<1024xf32, #tpu.memory_space<vmem>>) target(%dma_start3A_1306 : memref<1024xf32, #tpu.memory_space<hbm>>) target_semaphore(%arg12 : memref<!tpu.dma_semaphore, #tpu.memory_space<semaphore_mem>>)
      %mul3A_1310 = arith.constant 4 : i32
      %mul3A_1311 = arith.muli %mul3A_1310, %add3A_1104 : i32
      %add3A_1312 = arith.constant 2 : i32
      %add3A_1313 = arith.addi %mul3A_1311, %add3A_1312 : i32
      %mul3A_1314 = arith.constant 1024 : i32
      %mul3A_1315 = arith.muli %add3A, %mul3A_1314 : i32
      %add3A_1316 = arith.constant 0 : i32
      %add3A_1317 = arith.addi %add3A_1316, %mul3A_1315 : i32
      %dma_start3A_1318 = arith.constant 1 : i32
      %dma_start3A_1319 = arith.constant 2 : i32
      %dma_start3A_1320 = arith.constant 0 : i32
      %dma_start3A_1321 = tpu.memref_slice %arg8[%dma_start3A_1318, %dma_start3A_1319, %dma_start3A_1320] : memref<2x4x4096xf32, #tpu.memory_space<vmem>> -> memref<1x1x1024xf32, #tpu.memory_space<vmem>>
      %dma_start3A_1322 = tpu.memref_squeeze %dma_start3A_1321 : memref<1x1x1024xf32, #tpu.memory_space<vmem>> -> memref<1024xf32, #tpu.memory_space<vmem>>
      %dma_start3A_1323 = tpu.memref_slice %arg4[%add3A_1313, %add3A_1317] : memref<200x131072xf32, #tpu.memory_space<hbm>> -> memref<1x1024xf32, #tpu.memory_space<hbm>>
      %dma_start3A_1324 = tpu.memref_squeeze %dma_start3A_1323 : memref<1x1024xf32, #tpu.memory_space<hbm>> -> memref<1024xf32, #tpu.memory_space<hbm>>
      %dma_start3A_1325 = tpu.memref_slice %arg4[%add3A_1313, %add3A_1317] : memref<200x131072xf32, #tpu.memory_space<hbm>> -> memref<1x1024xf32, #tpu.memory_space<hbm>>
      %dma_start3A_1326 = tpu.memref_squeeze %dma_start3A_1325 : memref<1x1024xf32, #tpu.memory_space<hbm>> -> memref<1024xf32, #tpu.memory_space<hbm>>
      %dma_start3A_1327 = arith.constant 0 : i32
      %dma_start3A_1328 = tpu.memref_slice %arg8[%dma_start3A_1318, %dma_start3A_1319, %dma_start3A_1327] : memref<2x4x4096xf32, #tpu.memory_space<vmem>> -> memref<1x1x1024xf32, #tpu.memory_space<vmem>>
      %dma_start3A_1329 = tpu.memref_squeeze %dma_start3A_1328 : memref<1x1x1024xf32, #tpu.memory_space<vmem>> -> memref<1024xf32, #tpu.memory_space<vmem>>
      tpu.enqueue_dma source(%dma_start3A_1329 : memref<1024xf32, #tpu.memory_space<vmem>>) target(%dma_start3A_1326 : memref<1024xf32, #tpu.memory_space<hbm>>) target_semaphore(%arg12 : memref<!tpu.dma_semaphore, #tpu.memory_space<semaphore_mem>>)
      %mul3A_1330 = arith.constant 4 : i32
      %mul3A_1331 = arith.muli %mul3A_1330, %add3A_1104 : i32
      %add3A_1332 = arith.constant 2 : i32
      %add3A_1333 = arith.addi %mul3A_1331, %add3A_1332 : i32
      %mul3A_1334 = arith.constant 1024 : i32
      %mul3A_1335 = arith.muli %add3A, %mul3A_1334 : i32
      %add3A_1336 = arith.constant 32768 : i32
      %add3A_1337 = arith.addi %add3A_1336, %mul3A_1335 : i32
      %dma_start3A_1338 = arith.constant 1 : i32
      %dma_start3A_1339 = arith.constant 2 : i32
      %dma_start3A_1340 = arith.constant 1024 : i32
      %dma_start3A_1341 = tpu.memref_slice %arg8[%dma_start3A_1338, %dma_start3A_1339, %dma_start3A_1340] : memref<2x4x4096xf32, #tpu.memory_space<vmem>> -> memref<1x1x1024xf32, #tpu.memory_space<vmem>>
      %dma_start3A_1342 = tpu.memref_squeeze %dma_start3A_1341 : memref<1x1x1024xf32, #tpu.memory_space<vmem>> -> memref<1024xf32, #tpu.memory_space<vmem>>
      %dma_start3A_1343 = tpu.memref_slice %arg4[%add3A_1333, %add3A_1337] : memref<200x131072xf32, #tpu.memory_space<hbm>> -> memref<1x1024xf32, #tpu.memory_space<hbm>>
      %dma_start3A_1344 = tpu.memref_squeeze %dma_start3A_1343 : memref<1x1024xf32, #tpu.memory_space<hbm>> -> memref<1024xf32, #tpu.memory_space<hbm>>
      %dma_start3A_1345 = tpu.memref_slice %arg4[%add3A_1333, %add3A_1337] : memref<200x131072xf32, #tpu.memory_space<hbm>> -> memref<1x1024xf32, #tpu.memory_space<hbm>>
      %dma_start3A_1346 = tpu.memref_squeeze %dma_start3A_1345 : memref<1x1024xf32, #tpu.memory_space<hbm>> -> memref<1024xf32, #tpu.memory_space<hbm>>
      %dma_start3A_1347 = arith.constant 1024 : i32
      %dma_start3A_1348 = tpu.memref_slice %arg8[%dma_start3A_1338, %dma_start3A_1339, %dma_start3A_1347] : memref<2x4x4096xf32, #tpu.memory_space<vmem>> -> memref<1x1x1024xf32, #tpu.memory_space<vmem>>
      %dma_start3A_1349 = tpu.memref_squeeze %dma_start3A_1348 : memref<1x1x1024xf32, #tpu.memory_space<vmem>> -> memref<1024xf32, #tpu.memory_space<vmem>>
      tpu.enqueue_dma source(%dma_start3A_1349 : memref<1024xf32, #tpu.memory_space<vmem>>) target(%dma_start3A_1346 : memref<1024xf32, #tpu.memory_space<hbm>>) target_semaphore(%arg12 : memref<!tpu.dma_semaphore, #tpu.memory_space<semaphore_mem>>)
      %mul3A_1350 = arith.constant 4 : i32
      %mul3A_1351 = arith.muli %mul3A_1350, %add3A_1104 : i32
      %add3A_1352 = arith.constant 2 : i32
      %add3A_1353 = arith.addi %mul3A_1351, %add3A_1352 : i32
      %mul3A_1354 = arith.constant 1024 : i32
      %mul3A_1355 = arith.muli %add3A, %mul3A_1354 : i32
      %add3A_1356 = arith.constant 65536 : i32
      %add3A_1357 = arith.addi %add3A_1356, %mul3A_1355 : i32
      %dma_start3A_1358 = arith.constant 1 : i32
      %dma_start3A_1359 = arith.constant 2 : i32
      %dma_start3A_1360 = arith.constant 2048 : i32
      %dma_start3A_1361 = tpu.memref_slice %arg8[%dma_start3A_1358, %dma_start3A_1359, %dma_start3A_1360] : memref<2x4x4096xf32, #tpu.memory_space<vmem>> -> memref<1x1x1024xf32, #tpu.memory_space<vmem>>
      %dma_start3A_1362 = tpu.memref_squeeze %dma_start3A_1361 : memref<1x1x1024xf32, #tpu.memory_space<vmem>> -> memref<1024xf32, #tpu.memory_space<vmem>>
      %dma_start3A_1363 = tpu.memref_slice %arg4[%add3A_1353, %add3A_1357] : memref<200x131072xf32, #tpu.memory_space<hbm>> -> memref<1x1024xf32, #tpu.memory_space<hbm>>
      %dma_start3A_1364 = tpu.memref_squeeze %dma_start3A_1363 : memref<1x1024xf32, #tpu.memory_space<hbm>> -> memref<1024xf32, #tpu.memory_space<hbm>>
      %dma_start3A_1365 = tpu.memref_slice %arg4[%add3A_1353, %add3A_1357] : memref<200x131072xf32, #tpu.memory_space<hbm>> -> memref<1x1024xf32, #tpu.memory_space<hbm>>
      %dma_start3A_1366 = tpu.memref_squeeze %dma_start3A_1365 : memref<1x1024xf32, #tpu.memory_space<hbm>> -> memref<1024xf32, #tpu.memory_space<hbm>>
      %dma_start3A_1367 = arith.constant 2048 : i32
      %dma_start3A_1368 = tpu.memref_slice %arg8[%dma_start3A_1358, %dma_start3A_1359, %dma_start3A_1367] : memref<2x4x4096xf32, #tpu.memory_space<vmem>> -> memref<1x1x1024xf32, #tpu.memory_space<vmem>>
      %dma_start3A_1369 = tpu.memref_squeeze %dma_start3A_1368 : memref<1x1x1024xf32, #tpu.memory_space<vmem>> -> memref<1024xf32, #tpu.memory_space<vmem>>
      tpu.enqueue_dma source(%dma_start3A_1369 : memref<1024xf32, #tpu.memory_space<vmem>>) target(%dma_start3A_1366 : memref<1024xf32, #tpu.memory_space<hbm>>) target_semaphore(%arg12 : memref<!tpu.dma_semaphore, #tpu.memory_space<semaphore_mem>>)
      %mul3A_1370 = arith.constant 4 : i32
      %mul3A_1371 = arith.muli %mul3A_1370, %add3A_1104 : i32
      %add3A_1372 = arith.constant 2 : i32
      %add3A_1373 = arith.addi %mul3A_1371, %add3A_1372 : i32
      %mul3A_1374 = arith.constant 1024 : i32
      %mul3A_1375 = arith.muli %add3A, %mul3A_1374 : i32
      %add3A_1376 = arith.constant 98304 : i32
      %add3A_1377 = arith.addi %add3A_1376, %mul3A_1375 : i32
      %dma_start3A_1378 = arith.constant 1 : i32
      %dma_start3A_1379 = arith.constant 2 : i32
      %dma_start3A_1380 = arith.constant 3072 : i32
      %dma_start3A_1381 = tpu.memref_slice %arg8[%dma_start3A_1378, %dma_start3A_1379, %dma_start3A_1380] : memref<2x4x4096xf32, #tpu.memory_space<vmem>> -> memref<1x1x1024xf32, #tpu.memory_space<vmem>>
      %dma_start3A_1382 = tpu.memref_squeeze %dma_start3A_1381 : memref<1x1x1024xf32, #tpu.memory_space<vmem>> -> memref<1024xf32, #tpu.memory_space<vmem>>
      %dma_start3A_1383 = tpu.memref_slice %arg4[%add3A_1373, %add3A_1377] : memref<200x131072xf32, #tpu.memory_space<hbm>> -> memref<1x1024xf32, #tpu.memory_space<hbm>>
      %dma_start3A_1384 = tpu.memref_squeeze %dma_start3A_1383 : memref<1x1024xf32, #tpu.memory_space<hbm>> -> memref<1024xf32, #tpu.memory_space<hbm>>
      %dma_start3A_1385 = tpu.memref_slice %arg4[%add3A_1373, %add3A_1377] : memref<200x131072xf32, #tpu.memory_space<hbm>> -> memref<1x1024xf32, #tpu.memory_space<hbm>>
      %dma_start3A_1386 = tpu.memref_squeeze %dma_start3A_1385 : memref<1x1024xf32, #tpu.memory_space<hbm>> -> memref<1024xf32, #tpu.memory_space<hbm>>
      %dma_start3A_1387 = arith.constant 3072 : i32
      %dma_start3A_1388 = tpu.memref_slice %arg8[%dma_start3A_1378, %dma_start3A_1379, %dma_start3A_1387] : memref<2x4x4096xf32, #tpu.memory_space<vmem>> -> memref<1x1x1024xf32, #tpu.memory_space<vmem>>
      %dma_start3A_1389 = tpu.memref_squeeze %dma_start3A_1388 : memref<1x1x1024xf32, #tpu.memory_space<vmem>> -> memref<1024xf32, #tpu.memory_space<vmem>>
      tpu.enqueue_dma source(%dma_start3A_1389 : memref<1024xf32, #tpu.memory_space<vmem>>) target(%dma_start3A_1386 : memref<1024xf32, #tpu.memory_space<hbm>>) target_semaphore(%arg12 : memref<!tpu.dma_semaphore, #tpu.memory_space<semaphore_mem>>)
      %mul3A_1390 = arith.constant 4 : i32
      %mul3A_1391 = arith.muli %mul3A_1390, %add3A_1104 : i32
      %add3A_1392 = arith.constant 3 : i32
      %add3A_1393 = arith.addi %mul3A_1391, %add3A_1392 : i32
      %mul3A_1394 = arith.constant 1024 : i32
      %mul3A_1395 = arith.muli %add3A, %mul3A_1394 : i32
      %add3A_1396 = arith.constant 0 : i32
      %add3A_1397 = arith.addi %add3A_1396, %mul3A_1395 : i32
      %dma_start3A_1398 = arith.constant 1 : i32
      %dma_start3A_1399 = arith.constant 3 : i32
      %dma_start3A_1400 = arith.constant 0 : i32
      %dma_start3A_1401 = tpu.memref_slice %arg8[%dma_start3A_1398, %dma_start3A_1399, %dma_start3A_1400] : memref<2x4x4096xf32, #tpu.memory_space<vmem>> -> memref<1x1x1024xf32, #tpu.memory_space<vmem>>
      %dma_start3A_1402 = tpu.memref_squeeze %dma_start3A_1401 : memref<1x1x1024xf32, #tpu.memory_space<vmem>> -> memref<1024xf32, #tpu.memory_space<vmem>>
      %dma_start3A_1403 = tpu.memref_slice %arg4[%add3A_1393, %add3A_1397] : memref<200x131072xf32, #tpu.memory_space<hbm>> -> memref<1x1024xf32, #tpu.memory_space<hbm>>
      %dma_start3A_1404 = tpu.memref_squeeze %dma_start3A_1403 : memref<1x1024xf32, #tpu.memory_space<hbm>> -> memref<1024xf32, #tpu.memory_space<hbm>>
      %dma_start3A_1405 = tpu.memref_slice %arg4[%add3A_1393, %add3A_1397] : memref<200x131072xf32, #tpu.memory_space<hbm>> -> memref<1x1024xf32, #tpu.memory_space<hbm>>
      %dma_start3A_1406 = tpu.memref_squeeze %dma_start3A_1405 : memref<1x1024xf32, #tpu.memory_space<hbm>> -> memref<1024xf32, #tpu.memory_space<hbm>>
      %dma_start3A_1407 = arith.constant 0 : i32
      %dma_start3A_1408 = tpu.memref_slice %arg8[%dma_start3A_1398, %dma_start3A_1399, %dma_start3A_1407] : memref<2x4x4096xf32, #tpu.memory_space<vmem>> -> memref<1x1x1024xf32, #tpu.memory_space<vmem>>
      %dma_start3A_1409 = tpu.memref_squeeze %dma_start3A_1408 : memref<1x1x1024xf32, #tpu.memory_space<vmem>> -> memref<1024xf32, #tpu.memory_space<vmem>>
      tpu.enqueue_dma source(%dma_start3A_1409 : memref<1024xf32, #tpu.memory_space<vmem>>) target(%dma_start3A_1406 : memref<1024xf32, #tpu.memory_space<hbm>>) target_semaphore(%arg12 : memref<!tpu.dma_semaphore, #tpu.memory_space<semaphore_mem>>)
      %mul3A_1410 = arith.constant 4 : i32
      %mul3A_1411 = arith.muli %mul3A_1410, %add3A_1104 : i32
      %add3A_1412 = arith.constant 3 : i32
      %add3A_1413 = arith.addi %mul3A_1411, %add3A_1412 : i32
      %mul3A_1414 = arith.constant 1024 : i32
      %mul3A_1415 = arith.muli %add3A, %mul3A_1414 : i32
      %add3A_1416 = arith.constant 32768 : i32
      %add3A_1417 = arith.addi %add3A_1416, %mul3A_1415 : i32
      %dma_start3A_1418 = arith.constant 1 : i32
      %dma_start3A_1419 = arith.constant 3 : i32
      %dma_start3A_1420 = arith.constant 1024 : i32
      %dma_start3A_1421 = tpu.memref_slice %arg8[%dma_start3A_1418, %dma_start3A_1419, %dma_start3A_1420] : memref<2x4x4096xf32, #tpu.memory_space<vmem>> -> memref<1x1x1024xf32, #tpu.memory_space<vmem>>
      %dma_start3A_1422 = tpu.memref_squeeze %dma_start3A_1421 : memref<1x1x1024xf32, #tpu.memory_space<vmem>> -> memref<1024xf32, #tpu.memory_space<vmem>>
      %dma_start3A_1423 = tpu.memref_slice %arg4[%add3A_1413, %add3A_1417] : memref<200x131072xf32, #tpu.memory_space<hbm>> -> memref<1x1024xf32, #tpu.memory_space<hbm>>
      %dma_start3A_1424 = tpu.memref_squeeze %dma_start3A_1423 : memref<1x1024xf32, #tpu.memory_space<hbm>> -> memref<1024xf32, #tpu.memory_space<hbm>>
      %dma_start3A_1425 = tpu.memref_slice %arg4[%add3A_1413, %add3A_1417] : memref<200x131072xf32, #tpu.memory_space<hbm>> -> memref<1x1024xf32, #tpu.memory_space<hbm>>
      %dma_start3A_1426 = tpu.memref_squeeze %dma_start3A_1425 : memref<1x1024xf32, #tpu.memory_space<hbm>> -> memref<1024xf32, #tpu.memory_space<hbm>>
      %dma_start3A_1427 = arith.constant 1024 : i32
      %dma_start3A_1428 = tpu.memref_slice %arg8[%dma_start3A_1418, %dma_start3A_1419, %dma_start3A_1427] : memref<2x4x4096xf32, #tpu.memory_space<vmem>> -> memref<1x1x1024xf32, #tpu.memory_space<vmem>>
      %dma_start3A_1429 = tpu.memref_squeeze %dma_start3A_1428 : memref<1x1x1024xf32, #tpu.memory_space<vmem>> -> memref<1024xf32, #tpu.memory_space<vmem>>
      tpu.enqueue_dma source(%dma_start3A_1429 : memref<1024xf32, #tpu.memory_space<vmem>>) target(%dma_start3A_1426 : memref<1024xf32, #tpu.memory_space<hbm>>) target_semaphore(%arg12 : memref<!tpu.dma_semaphore, #tpu.memory_space<semaphore_mem>>)
      %mul3A_1430 = arith.constant 4 : i32
      %mul3A_1431 = arith.muli %mul3A_1430, %add3A_1104 : i32
      %add3A_1432 = arith.constant 3 : i32
      %add3A_1433 = arith.addi %mul3A_1431, %add3A_1432 : i32
      %mul3A_1434 = arith.constant 1024 : i32
      %mul3A_1435 = arith.muli %add3A, %mul3A_1434 : i32
      %add3A_1436 = arith.constant 65536 : i32
      %add3A_1437 = arith.addi %add3A_1436, %mul3A_1435 : i32
      %dma_start3A_1438 = arith.constant 1 : i32
      %dma_start3A_1439 = arith.constant 3 : i32
      %dma_start3A_1440 = arith.constant 2048 : i32
      %dma_start3A_1441 = tpu.memref_slice %arg8[%dma_start3A_1438, %dma_start3A_1439, %dma_start3A_1440] : memref<2x4x4096xf32, #tpu.memory_space<vmem>> -> memref<1x1x1024xf32, #tpu.memory_space<vmem>>
      %dma_start3A_1442 = tpu.memref_squeeze %dma_start3A_1441 : memref<1x1x1024xf32, #tpu.memory_space<vmem>> -> memref<1024xf32, #tpu.memory_space<vmem>>
      %dma_start3A_1443 = tpu.memref_slice %arg4[%add3A_1433, %add3A_1437] : memref<200x131072xf32, #tpu.memory_space<hbm>> -> memref<1x1024xf32, #tpu.memory_space<hbm>>
      %dma_start3A_1444 = tpu.memref_squeeze %dma_start3A_1443 : memref<1x1024xf32, #tpu.memory_space<hbm>> -> memref<1024xf32, #tpu.memory_space<hbm>>
      %dma_start3A_1445 = tpu.memref_slice %arg4[%add3A_1433, %add3A_1437] : memref<200x131072xf32, #tpu.memory_space<hbm>> -> memref<1x1024xf32, #tpu.memory_space<hbm>>
      %dma_start3A_1446 = tpu.memref_squeeze %dma_start3A_1445 : memref<1x1024xf32, #tpu.memory_space<hbm>> -> memref<1024xf32, #tpu.memory_space<hbm>>
      %dma_start3A_1447 = arith.constant 2048 : i32
      %dma_start3A_1448 = tpu.memref_slice %arg8[%dma_start3A_1438, %dma_start3A_1439, %dma_start3A_1447] : memref<2x4x4096xf32, #tpu.memory_space<vmem>> -> memref<1x1x1024xf32, #tpu.memory_space<vmem>>
      %dma_start3A_1449 = tpu.memref_squeeze %dma_start3A_1448 : memref<1x1x1024xf32, #tpu.memory_space<vmem>> -> memref<1024xf32, #tpu.memory_space<vmem>>
      tpu.enqueue_dma source(%dma_start3A_1449 : memref<1024xf32, #tpu.memory_space<vmem>>) target(%dma_start3A_1446 : memref<1024xf32, #tpu.memory_space<hbm>>) target_semaphore(%arg12 : memref<!tpu.dma_semaphore, #tpu.memory_space<semaphore_mem>>)
      %mul3A_1450 = arith.constant 4 : i32
      %mul3A_1451 = arith.muli %mul3A_1450, %add3A_1104 : i32
      %add3A_1452 = arith.constant 3 : i32
      %add3A_1453 = arith.addi %mul3A_1451, %add3A_1452 : i32
      %mul3A_1454 = arith.constant 1024 : i32
      %mul3A_1455 = arith.muli %add3A, %mul3A_1454 : i32
      %add3A_1456 = arith.constant 98304 : i32
      %add3A_1457 = arith.addi %add3A_1456, %mul3A_1455 : i32
      %dma_start3A_1458 = arith.constant 1 : i32
      %dma_start3A_1459 = arith.constant 3 : i32
      %dma_start3A_1460 = arith.constant 3072 : i32
      %dma_start3A_1461 = tpu.memref_slice %arg8[%dma_start3A_1458, %dma_start3A_1459, %dma_start3A_1460] : memref<2x4x4096xf32, #tpu.memory_space<vmem>> -> memref<1x1x1024xf32, #tpu.memory_space<vmem>>
      %dma_start3A_1462 = tpu.memref_squeeze %dma_start3A_1461 : memref<1x1x1024xf32, #tpu.memory_space<vmem>> -> memref<1024xf32, #tpu.memory_space<vmem>>
      %dma_start3A_1463 = tpu.memref_slice %arg4[%add3A_1453, %add3A_1457] : memref<200x131072xf32, #tpu.memory_space<hbm>> -> memref<1x1024xf32, #tpu.memory_space<hbm>>
      %dma_start3A_1464 = tpu.memref_squeeze %dma_start3A_1463 : memref<1x1024xf32, #tpu.memory_space<hbm>> -> memref<1024xf32, #tpu.memory_space<hbm>>
      %dma_start3A_1465 = tpu.memref_slice %arg4[%add3A_1453, %add3A_1457] : memref<200x131072xf32, #tpu.memory_space<hbm>> -> memref<1x1024xf32, #tpu.memory_space<hbm>>
      %dma_start3A_1466 = tpu.memref_squeeze %dma_start3A_1465 : memref<1x1024xf32, #tpu.memory_space<hbm>> -> memref<1024xf32, #tpu.memory_space<hbm>>
      %dma_start3A_1467 = arith.constant 3072 : i32
      %dma_start3A_1468 = tpu.memref_slice %arg8[%dma_start3A_1458, %dma_start3A_1459, %dma_start3A_1467] : memref<2x4x4096xf32, #tpu.memory_space<vmem>> -> memref<1x1x1024xf32, #tpu.memory_space<vmem>>
      %dma_start3A_1469 = tpu.memref_squeeze %dma_start3A_1468 : memref<1x1x1024xf32, #tpu.memory_space<vmem>> -> memref<1024xf32, #tpu.memory_space<vmem>>
      tpu.enqueue_dma source(%dma_start3A_1469 : memref<1024xf32, #tpu.memory_space<vmem>>) target(%dma_start3A_1466 : memref<1024xf32, #tpu.memory_space<hbm>>) target_semaphore(%arg12 : memref<!tpu.dma_semaphore, #tpu.memory_space<semaphore_mem>>)
    }
    %scan3A_277 = arith.constant 25 : i32
    %dma_wait3A = arith.constant 0 : i32
    %dma_wait3A_278 = arith.constant 0 : i32
    %dma_wait3A_279 = arith.constant 0 : i32
    %dma_wait3A_280 = arith.constant 0 : i32
    %dma_wait3A_281 = tpu.memref_slice %arg8[%dma_wait3A, %dma_wait3A_279, %dma_wait3A_280] : memref<2x4x4096xf32, #tpu.memory_space<vmem>> -> memref<1x4x4096xf32, #tpu.memory_space<vmem>>
    %dma_wait3A_282 = tpu.memref_squeeze %dma_wait3A_281 : memref<1x4x4096xf32, #tpu.memory_space<vmem>> -> memref<4x4096xf32, #tpu.memory_space<vmem>>
    %dma_wait3A_283 = arith.constant 0 : i32
    %dma_wait3A_284 = tpu.memref_slice %arg4[%dma_wait3A_278, %dma_wait3A_283] : memref<200x131072xf32, #tpu.memory_space<hbm>> -> memref<1x16384xf32, #tpu.memory_space<hbm>>
    %dma_wait3A_285 = tpu.memref_squeeze %dma_wait3A_284 : memref<1x16384xf32, #tpu.memory_space<hbm>> -> memref<16384xf32, #tpu.memory_space<hbm>>
    %dma_wait3A_286 = arith.constant 0 : i32
    %dma_wait3A_287 = tpu.memref_slice %arg4[%dma_wait3A_278, %dma_wait3A_286] : memref<200x131072xf32, #tpu.memory_space<hbm>> -> memref<1x16384xf32, #tpu.memory_space<hbm>>
    %dma_wait3A_288 = tpu.memref_squeeze %dma_wait3A_287 : memref<1x16384xf32, #tpu.memory_space<hbm>> -> memref<16384xf32, #tpu.memory_space<hbm>>
    %dma_wait3A_289 = arith.constant 0 : i32
    %dma_wait3A_290 = arith.constant 0 : i32
    %dma_wait3A_291 = tpu.memref_slice %arg8[%dma_wait3A, %dma_wait3A_289, %dma_wait3A_290] : memref<2x4x4096xf32, #tpu.memory_space<vmem>> -> memref<1x4x4096xf32, #tpu.memory_space<vmem>>
    %dma_wait3A_292 = tpu.memref_squeeze %dma_wait3A_291 : memref<1x4x4096xf32, #tpu.memory_space<vmem>> -> memref<4x4096xf32, #tpu.memory_space<vmem>>
    tpu.wait_dma2 semaphore(%arg11 : memref<!tpu.dma_semaphore, #tpu.memory_space<semaphore_mem>>) src(%dma_wait3A_292 : memref<4x4096xf32, #tpu.memory_space<vmem>>) dst(%dma_wait3A_288 : memref<16384xf32, #tpu.memory_space<hbm>>)
    %dma_wait3A_293 = arith.constant 1 : i32
    %dma_wait3A_294 = arith.constant 0 : i32
    %dma_wait3A_295 = arith.constant 0 : i32
    %dma_wait3A_296 = arith.constant 0 : i32
    %dma_wait3A_297 = tpu.memref_slice %arg8[%dma_wait3A_293, %dma_wait3A_295, %dma_wait3A_296] : memref<2x4x4096xf32, #tpu.memory_space<vmem>> -> memref<1x4x4096xf32, #tpu.memory_space<vmem>>
    %dma_wait3A_298 = tpu.memref_squeeze %dma_wait3A_297 : memref<1x4x4096xf32, #tpu.memory_space<vmem>> -> memref<4x4096xf32, #tpu.memory_space<vmem>>
    %dma_wait3A_299 = arith.constant 0 : i32
    %dma_wait3A_300 = tpu.memref_slice %arg4[%dma_wait3A_294, %dma_wait3A_299] : memref<200x131072xf32, #tpu.memory_space<hbm>> -> memref<1x16384xf32, #tpu.memory_space<hbm>>
    %dma_wait3A_301 = tpu.memref_squeeze %dma_wait3A_300 : memref<1x16384xf32, #tpu.memory_space<hbm>> -> memref<16384xf32, #tpu.memory_space<hbm>>
    %dma_wait3A_302 = arith.constant 0 : i32
    %dma_wait3A_303 = tpu.memref_slice %arg4[%dma_wait3A_294, %dma_wait3A_302] : memref<200x131072xf32, #tpu.memory_space<hbm>> -> memref<1x16384xf32, #tpu.memory_space<hbm>>
    %dma_wait3A_304 = tpu.memref_squeeze %dma_wait3A_303 : memref<1x16384xf32, #tpu.memory_space<hbm>> -> memref<16384xf32, #tpu.memory_space<hbm>>
    %dma_wait3A_305 = arith.constant 0 : i32
    %dma_wait3A_306 = arith.constant 0 : i32
    %dma_wait3A_307 = tpu.memref_slice %arg8[%dma_wait3A_293, %dma_wait3A_305, %dma_wait3A_306] : memref<2x4x4096xf32, #tpu.memory_space<vmem>> -> memref<1x4x4096xf32, #tpu.memory_space<vmem>>
    %dma_wait3A_308 = tpu.memref_squeeze %dma_wait3A_307 : memref<1x4x4096xf32, #tpu.memory_space<vmem>> -> memref<4x4096xf32, #tpu.memory_space<vmem>>
    tpu.wait_dma2 semaphore(%arg12 : memref<!tpu.dma_semaphore, #tpu.memory_space<semaphore_mem>>) src(%dma_wait3A_308 : memref<4x4096xf32, #tpu.memory_space<vmem>>) dst(%dma_wait3A_304 : memref<16384xf32, #tpu.memory_space<hbm>>)
    return
  }
}

</mosaic_0001>

<sc_bundles>
// kernel: kernel.3.cloned.1.call-start
scs
__scs_entry_jumppad:
0x0: {  	(pc) =	sbr.rel $0x88, $3  }
0x1: {  	(tag) =	ssettag $0x0;
	lr =	simm.s32 $0x1  }
0x2: {  	[smem:$0x3F9F] =	sst lr;
	_ =	strace $0xD0000000  }
0x3: {  	_ = 	snop  }
0x4: {  	_ = 	snop  }
0x5: {  	_ = 	snop  }
0x6: {  	_ = 	snop  }
0x7: {  	_ = 	snop  }
__scs_overlays_trampoline_lowered:
0x8: {  	[smem:$0x3FAE] =	sst s0  }
0x9: {  	[smem:$0x3FAF] =	sst s1  }
0xa: {  	[smem:$0x3FB0] =	sst s2  }
0xb: {  	[smem:$0x3FB1] =	sst s3  }
0xc: {  	[smem:$0x3FB2] =	sst s4  }
0xd: {  	[smem:$0x3FB3] =	sst s5  }
0xe: {  	[smem:$0x3FB4] =	sst s6  }
0xf: {  	[smem:$0x3FB5] =	sst s7  }
0x10: {  	[smem:$0x3FB6] =	sst s8  }
0x11: {  	[smem:$0x3FB7] =	sst s9;
	s0 =	simm.s32 @!p0 $0x0  }
0x12: {  	s1 =	sld [smem:$0x3F9D];
	s0 =	simm.s32 @p0 $0x1  }
0x13: {  	[smem:$0x3FB8] =	sst s0;
	s0 =	simm.s32 @!p1 $0x0  }
0x14: {  	s2 =	sld [smem:$0x3F9C];
	s0 =	simm.s32 @p1 $0x1  }
0x15: {  	[smem:$0x3FB9] =	sst s0;
	s0 =	simm.s32 @!p2 $0x0  }
0x16: {  	s3 =	sld [smem:$0x3FDB];
	s0 =	simm.s32 @p2 $0x1  }
0x17: {  	s4 =	simm.s32 $0x1BF5;
	[smem:$0x3FBB] =	sst s0  }
0x18: {  	s0 =	sld [smem:$0x3F9E];
	_ =	swait.ge [sflag:s4], $0x0  }
0x19: {  	s7 =	sld [smem:$0x3F9F]  }
0x1a: {  	s8 =	sadd.s32 $0xFFFFE003, lr  }
0x1b: {  	s9 =	sadd.s32 $0xFFFFFEF7, lr;
	s5 =	simm.s32 $0xFFFFFFFF;
	p2 =	slt.u32 s8, $0xFFFFF086  }
0x1c: {  	p1 =	slt.u32 s9, $0xF7A;
	s5 =	simm.s32 @!p2 $0x0  }
0x1d: {  	s5 =	simm.s32 @p1 $0x1;
	p0 =	seq.s32 s7, s2  }
0x1e: {  	s7 =	smul.u32 @!p0 $0xF7A, s2;
	p2 =	seq.s32 @!p0 s5, $0x0  }
0x1f: {  	s9 =	smul.u32 $0xF7A, s1;
	s8 =	simm.s32 @!p0 $0x1BF5;
	p2 =	por !p2, p0  }
0x20: {  	[sflag:s8] =	ssyncset.s32 @!p0 $0xFFFFF086;
	s6 =	sadd.s32 @!p0 s3, s7;
	s7 =	simm.s32 @!p0 $0x108  }
0x21: {  	s3 =	sadd.s32 s3, s9;
	s6 =	sadd.s32 @!p0 $0x88, s6;
	s7 =	simm.s32 @p2 $0x1082  }
0x22: {  	[simem:s7], [sflag:s8] =	dma.local @!p0 [hbm:s6], $0xF7A  }
0x23: {  	s9 =	sor.u32 $0xD0000000, s2;
	s6 =	simm.s32 $0x108;
	_ =	swait.ge @!p0 [sflag:s8], $0x0  }
0x24: {  	s3 =	sadd.s32 $0x88, s3;
	s6 =	simm.s32 @!p1 $0x1082;
	[sflag:s4] =	ssyncset.s32 $0xFFFFF086  }
0x25: {  	[simem:s6], [sflag:s4] =	dma.local [hbm:s3], $0xF7A  }
0x26: {  	[smem:$0x3F9F] =	sst s1;
	(tag) =	ssettag s2;
	_ =	strace s9  }
0x27: {  	s1 =	sld [smem:$0x3FAF]  }
0x28: {  	s2 =	sld [smem:$0x3FB0]  }
0x29: {  	s4 =	sld [smem:$0x3FB2]  }
0x2a: {  	p0 =	seq.s32 s5, $0x0;
	s5 =	sld [smem:$0x3FB3]  }
0x2b: {  	s6 =	sld [smem:$0x3FB4]  }
0x2c: {  	s7 =	sld [smem:$0x3FB5]  }
0x2d: {  	s3 =	simm.s32 $0x108;
	s8 =	sld [smem:$0x3FB6]  }
0x2e: {  	s3 =	simm.s32 @!p0 $0x1082;
	s9 =	sld [smem:$0x3FB7]  }
0x2f: {  	lr =	sadd.s32 s0, s3;
	s0 =	sld [smem:$0x3FAE]  }
0x30: {  	s3 =	sld [smem:$0x3FB1]  }
0x31: {  	[smem:$0x3FBA] =	sst s10  }
0x32: {  	s10 =	sld [smem:$0x3FB8];
	_ =	sdelay $0x3  }
0x33: {  	p0 =	seq.s32 s10, $0x1;
	s10 =	sld [smem:$0x3FBA];
	_ =	sdelay $0x3  }
0x34: {  	[smem:$0x3FBA] =	sst s10  }
0x35: {  	s10 =	sld [smem:$0x3FB9];
	_ =	sdelay $0x3  }
0x36: {  	p1 =	seq.s32 s10, $0x1;
	s10 =	sld [smem:$0x3FBA];
	_ =	sdelay $0x3  }
0x37: {  	[smem:$0x3FBA] =	sst s10  }
0x38: {  	s10 =	sld [smem:$0x3FBB]  }
0x39: {  	_ = 	snop;
	(pc) =	sbr.ind lr, $3  }
0x3a: {  	_ = 	snop  }
0x3b: {  	_ = 	snop  }
0x3c: {  	p2 =	seq.s32 s10, $0x1;
	s10 =	sld [smem:$0x3FBA]  }
0x3d: {  	_ =	shalt  }
0x3e: {  	_ =	shalt  }
0x3f: {  	_ =	shalt  }
0x40: {  	_ =	shalt  }
0x41: {  	_ =	shalt  }
0x42: {  	_ =	shalt  }
0x43: {  	_ =	shalt  }
0x44: {  	_ =	shalt  }
0x45: {  	_ =	shalt  }
0x46: {  	_ =	shalt  }
0x47: {  	_ =	shalt  }
0x48: {  	_ =	shalt  }
0x49: {  	_ =	shalt  }
0x4a: {  	_ =	shalt  }
0x4b: {  	_ =	shalt  }
0x4c: {  	_ =	shalt  }
0x4d: {  	_ =	shalt  }
0x4e: {  	_ =	shalt  }
0x4f: {  	_ =	shalt  }
0x50: {  	_ =	shalt  }
0x51: {  	_ =	shalt  }
0x52: {  	_ =	shalt  }
0x53: {  	_ =	shalt  }
0x54: {  	_ =	shalt  }
0x55: {  	_ =	shalt  }
0x56: {  	_ =	shalt  }
0x57: {  	_ =	shalt  }
0x58: {  	_ =	shalt  }
0x59: {  	_ =	shalt  }
0x5a: {  	_ =	shalt  }
0x5b: {  	_ =	shalt  }
0x5c: {  	_ =	shalt  }
0x5d: {  	_ =	shalt  }
0x5e: {  	_ =	shalt  }
0x5f: {  	_ =	shalt  }
0x60: {  	_ =	shalt  }
0x61: {  	_ =	shalt  }
0x62: {  	_ =	shalt  }
0x63: {  	_ =	shalt  }
0x64: {  	_ =	shalt  }
0x65: {  	_ =	shalt  }
0x66: {  	_ =	shalt  }
0x67: {  	_ =	shalt  }
0x68: {  	_ =	shalt  }
0x69: {  	_ =	shalt  }
0x6a: {  	_ =	shalt  }
0x6b: {  	_ =	shalt  }
0x6c: {  	_ =	shalt  }
0x6d: {  	_ =	shalt  }
0x6e: {  	_ =	shalt  }
0x6f: {  	_ =	shalt  }
0x70: {  	_ =	shalt  }
0x71: {  	_ =	shalt  }
0x72: {  	_ =	shalt  }
0x73: {  	_ =	shalt  }
0x74: {  	_ =	shalt  }
0x75: {  	_ =	shalt  }
0x76: {  	_ =	shalt  }
0x77: {  	_ =	shalt  }
0x78: {  	_ =	shalt  }
0x79: {  	_ =	shalt  }
0x7a: {  	_ =	shalt  }
0x7b: {  	_ =	shalt  }
0x7c: {  	_ =	shalt  }
0x7d: {  	_ =	shalt  }
0x7e: {  	_ =	shalt  }
0x7f: {  	_ =	shalt  }
0x80: {  	_ =	shalt  }
0x81: {  	_ =	shalt  }
0x82: {  	_ =	shalt  }
0x83: {  	_ =	shalt  }
0x84: {  	_ =	shalt  }
0x85: {  	_ =	shalt  }
0x86: {  	_ =	shalt  }
0x87: {  	_ =	shalt  }
.Lfunc_end0:
.L_simem_size_0:
called_computation_lowered:
.L_overlay_start_0:
0x88: {  	s2 =	sld [smem:$0x3FD9]  }
0x89: {  	s3 =	sld [smem:$0x3FFE];
	_ =	sdelay $0x1  }
0x8a: {  	s1 =	srdreg.scid  }
0x8b: {  	s0 =	sand.u32 $0x1, s1  }
0x8c: {  	s17 =	sshll.u32 s0, $0xA;
	s2 =	sadd.s32 s3, s2  }
0x8d: {  	s2 =	sadd.s32 s2, s17  }
0x8e: {  	[smem:$0x3FC6] =	sst s2  }
0x8f: {  	_ = 	snop  }
0x90: {  	s2 =	sld [smem:$0x3FD0];
	(tm) =	ssettm $0x1  }
0x91: {  	s18 =	sld [smem:$0x3FFB];
	_ =	sdelay $0x3  }
0x92: {  	_ =	strace s18  }
0x93: {  	s3 =	sld [smem:$0x3FFC];
	_ =	sdelay $0x3  }
0x94: {  	_ =	strace s3  }
0x95: {  	s3 =	sld [smem:$0x3FFD];
	_ =	sdelay $0x3  }
0x96: {  	_ =	strace s3  }
0x97: {  	_ =	strace $0x8FFFFFFF  }
0x98: {  	s19 =	sld [smem:$0x3FDB];
	_ =	sdelay $0x1  }
0x99: {  	s4 =	simm.s32 $_scs_section_size  }
0x9a: {  	s5 =	simm.s32 $_size__tile_overlayer_lowered;
	s6 =	simm.s32 $_tile_overlayer_lowered  }
0x9b: {  	s22 =	simm.s32 $0x1BFF;
	s21 =	sshll.u32 s6, $0x1;
	s3 =	sadd.s32 s4, s19  }
0x9c: {  	s7 =	simm.s32 $0x0;
	s20 =	sshll.u32 s5, $0x1;
	s5 =	sadd.s32 s21, s3  }
0x9d: {  	[timem:s7], [sflag:s22] =	dma.local [hbm:s5], s20  }
0x9e: {  	_ =	swait.ge [sflag:s22], s20  }
0x9f: {  	s4 =	ssub.s32 $0x0, s20;
	[sflag:s22] =	ssyncset.done $0x0  }
0xa0: {  	[sflag:s22] =	ssyncadd.s32 s4;
	_ =	sdelay $0x1  }
0xa1: {  	s23 =	simm.s32 $0x1B8B  }
0xa2: {  	_ =	swait.ge [sflag:s23], $0x1  }
0xa3: {  	[sflag:s23] =	ssyncset.done $0x0  }
0xa4: {  	s25 =	simm.s32 $0x1B8E;
	s24 =	sld [smem:$0x3FFE];
	[sflag:s23] =	ssyncadd.s32 $0xFFFFFFFF  }
0xa5: {  	s26 =	simm.s32 $execute0_lowered;
	[smem:$0x3FD2] =	sst s25  }
0xa6: {  	s5 =	sshll.u32 s26, $0x1;
	_ =	strace $0x80000046;
	[dreg:$0x1] =	wrdreg $0xFFFFFFFF  }
0xa7: {  	s28 =	simm.s32 $_size_execute0_lowered;
	s3 =	sadd.s32 s3, s5;
	[dreg:$0x0] =	wrdreg $0x0  }
0xa8: {  	s5 =	sshll.u32 s28, $0x1;
	[dreg:$0x2] =	wrdreg s3  }
0xa9: {  	[dreg:$0x3] =	wrdreg s5  }
0xaa: {  	[dreg:$0x4] =	wrdreg $0xC0  }
0xab: {  	_ =	task [dreg:s7], $0x5FFFF  }
0xac: {  	[dreg:$0x1] =	wrdreg $0xFFFFFFFF  }
0xad: {  	[dreg:$0x0] =	wrdreg $0x60  }
0xae: {  	[dreg:$0x2] =	wrdreg s24  }
0xaf: {  	[dreg:$0x3] =	wrdreg s2  }
0xb0: {  	[dreg:$0x4] =	wrdreg $0x9  }
0xb1: {  	_ =	task.clear_ibuf [dreg:s7], $0x5FFFF;
	_ =	strace $0x90000046  }
0xb2: {  	s29 =	simm.s32 $0x9;
	_ =	strace $0x80000048  }
0xb3: {  	_ =	swait.ge [sflag:s29], $0x1  }
0xb4: {  	[sflag:s29] =	ssyncadd.s32 $0xFFFFFFFF  }
0xb5: {  	_ =	strace $0x90000048  }
0xb6: {  	_ =	sfence  }
0xb7: {  	s30 =	sld [smem:$0x0];
	_ =	sdelay $0x2  }
0xb8: {  	s31 =	sshll.u32 s1, $0xD;
	s1 =	sshrl.u32 s1, $0x2  }
0xb9: {  	s3 =	sand.u32 $0x4000, s31;
	s1 =	sadd.s32 s1, s30  }
0xba: {  	s0 =	sor.u32 s3, s0;
	s1 =	sshll.u32 s1, $0x11  }
0xbb: {  	s0 =	sor.u32 s1, s0  }
0xbc: {  	s0 =	sadd.s32 $0x8F2B, s0  }
0xbd: {  	[sflag:s0] =	ssyncadd.remote.s32 $0x1  }
0xbe: {  	_ =	sfence.sel $0xFFFF  }
0xbf: {  	[dreg:$0x0] =	wrdreg $0xFFFFFFFF;
	(pc) =	sbr.abs _section_cstart, $3  }
0xc0: {  	[dreg:$0x1] =	wrdreg $0xFFFFFFFF  }
0xc1: {  	_ =	task.clear_ibuf [dreg:s7], $0x2FFFF;
	_ =	strace $0x9FFFFFFF  }
0xc2: {  	(tm) =	ssettm $0x7FFFFFFF  }
0xc3: {  	_ =	shalt  }
tec
execute0_lowered:
.L_overlay_start_1:
0x0: {  	(tag) =	ssettag $0x1  }
0x1: {  	s0 =	srdreg.scid;
	s2 =	stileid.u32;
	v1 =	vlaneseq.u32  }
0x2: {  	s0 =	sand.u32 $0x1, s0;
	s3 =	sshll.u32 s2, $0x1;
	v0 =	vmul.u32 $0xC8, v1  }
0x3: {  	s1 =	rddreg [dreg:$0x0];
	s5 =	sor.u32 s0, s3;
	s3 =	simm.s32 $0x0  }
0x4: {  	[smem:$0x7FF] =	sst s3;
	v2 =	vadd.s32 $0xC80, v0  }
0x5: {  	s2 =	rddreg [dreg:$0x1];
	_ =	strace $0x80000047;
	[tilespmem:$0x1FF30] =	vst v2;
	v2 =	vadd.s32 $0x1900, v0  }
0x6: {  	[tilespmem:$0x1FF40] =	vst v2;
	v2 =	vadd.s32 $0x2580, v0  }
0x7: {  	[tilespmem:$0x1FF50] =	vst v2;
	v2 =	vadd.s32 $0x3200, v0  }
0x8: {  	s12 =	simm.s32 $0x200;
	s18 =	simm.s32 $0xE800;
	[tilespmem:$0x1FF60] =	vst v2;
	v2 =	vadd.s32 $0x3E80, v0  }
0x9: {  	s15 =	simm.s32 $0x1;
	s19 =	simm.s32 $0xF800;
	s20 =	simm.s32 $0x10800;
	v32 =	vmul.u32 $0x80, v1;
	v14 =	vadd.s32 $0x4B01, v0;
	[tilespmem:$0x1FF70] =	vst v2;
	v2 =	vadd.s32 $0x4B00, v0  }
0xa: {  	s21 =	simm.s32 $0x11800;
	s14 =	simm.s32 $0x2;
	s10 =	simm.s32 $0x13800;
	v15 =	vadd.s32 $0x5781, v0;
	v16 =	vor.u32 $0x2, v0;
	[tilespmem:$0x1FF80] =	vst v2;
	v2 =	vadd.s32 $0x5780, v0  }
0xb: {  	s11 =	simm.s32 $0x14800;
	s16 =	simm.s32 $0x15800;
	s0 =	ssub.s32 $0x2, s0;
	v17 =	vadd.s32 $0xC82, v0;
	v18 =	vadd.s32 $0x1902, v0;
	[tilespmem:$0x1FF90] =	vst v2;
	v2 =	vor.u32 $0x1, v0  }
0xc: {  	s13 =	simm.s32 $0x4;
	s22 =	simm.s32 $0x0;
	s7 =	sshrl.u32 s0, $0x1;
	v19 =	vadd.s32 $0x2582, v0;
	v20 =	vadd.s32 $0x3202, v0;
	[tilespmem:$0x1FFA0] =	vst v2;
	v2 =	vadd.s32 $0xC81, v0  }
0xd: {  	s4 =	smul.u32 $0xC80, s5;
	s5 =	sshll.u32 s5, $0xA;
	v21 =	vadd.s32 $0x3E82, v0;
	v22 =	vadd.s32 $0x4B02, v0;
	s0 =	ssub.s32 s0, s7;
	[tilespmem:$0x1FFB0] =	vst v2;
	v2 =	vadd.s32 $0x1901, v0  }
0xe: {  	v23 =	vadd.s32 $0x5782, v0;
	v24 =	vor.u32 $0x3, v0;
	s7 =	sor.u32 $0x8000, s5;
	s8 =	sor.u32 $0x10000, s5;
	s9 =	sor.u32 $0x18000, s5;
	[tilespmem:$0x1FFC0] =	vst v2;
	v2 =	vadd.s32 $0x2581, v0  }
0xf: {  	v25 =	vadd.s32 $0xC83, v0;
	v26 =	vadd.s32 $0x1903, v0;
	s6 =	sadd.s32 s4, s1;
	s4 =	sadd.s32 $0xF42A00, s1;
	s0 =	smax.u32 s0, $0x1;
	[tilespmem:$0x1FFD0] =	vst v2;
	v2 =	vadd.s32 $0x3201, v0  }
0x10: {  	v27 =	vadd.s32 $0x2583, v0;
	v28 =	vadd.s32 $0x3203, v0;
	s1 =	simm.s32 $0x16000;
	s31 =	sadd.s32 $0x600, s6;
	[dreg:$0x4] =	wrdreg s0;
	[tilespmem:$0x1FFE0] =	vst v2;
	v2 =	vadd.s32 $0x3E81, v0  }
0x11: {  	v29 =	vadd.s32 $0x3E83, v0;
	v30 =	vadd.s32 $0x4B03, v0;
	v31 =	vadd.s32 $0x5783, v0;
	s6 =	simm.s32 $0x12800;
	s0 =	simm.s32 $0x16400;
	[dreg:$0x3] =	wrdreg s31;
	[tilespmem:$0x1FFF0] =	vst v2  }
.LBB2_1:
0x12: {  	[dreg:$0x5] =	wrdreg s22  }
0x13: {  	s17 =	rddreg [dreg:$0x3];
	s29 =	simm.s32 $0x5  }
0x14: {  	[tilespmem:s3], [sflag:$0x5] =	stream.linear.gather [hbm4b:s17+s3], $0x6400, $0x38;
	[tilespmem:$0x16800] =	vst v63  }
0x15: {  	_ =	swait.ge [sflag:s29], $0x6400  }
0x16: {  	[sflag:s29] =	ssyncset.done $0x0  }
0x17: {  	[sflag:s29] =	ssyncadd.s32 $0xFFFF9C00  }
0x18: {  	v1 =	vld.idx.msk [tilespmem:v0+s3+$0x0], $0xffff;
	_ =	sdelay $0x4  }
0x19: {  	[tilespmem:$0x6400] =	vst v1;
	v1 =	vld [tilespmem:$0x1FF30];
	_ =	sdelay $0x7  }
0x1a: {  	v1 =	vld.idx.msk [tilespmem:v1+s3+$0x0], $0xffff;
	_ =	sdelay $0x4  }
0x1b: {  	[tilespmem:$0x6410] =	vst v1;
	v1 =	vld [tilespmem:$0x1FF40];
	_ =	sdelay $0x7  }
0x1c: {  	v1 =	vld.idx.msk [tilespmem:v1+s3+$0x0], $0xffff;
	_ =	sdelay $0x4  }
0x1d: {  	[tilespmem:$0x6420] =	vst v1;
	v1 =	vld [tilespmem:$0x1FF50];
	_ =	sdelay $0x7  }
0x1e: {  	v1 =	vld.idx.msk [tilespmem:v1+s3+$0x0], $0xffff;
	_ =	sdelay $0x4  }
0x1f: {  	[tilespmem:$0x6430] =	vst v1;
	v1 =	vld [tilespmem:$0x1FF60];
	_ =	sdelay $0x7  }
0x20: {  	v1 =	vld.idx.msk [tilespmem:v1+s3+$0x0], $0xffff;
	_ =	sdelay $0x4  }
0x21: {  	[tilespmem:$0x6440] =	vst v1;
	v1 =	vld [tilespmem:$0x1FF70];
	_ =	sdelay $0x7  }
0x22: {  	v1 =	vld.idx.msk [tilespmem:v1+s3+$0x0], $0xffff;
	_ =	sdelay $0x4  }
0x23: {  	[tilespmem:$0x6450] =	vst v1;
	v1 =	vld [tilespmem:$0x1FF80];
	_ =	sdelay $0x7  }
0x24: {  	v1 =	vld.idx.msk [tilespmem:v1+s3+$0x0], $0xffff;
	_ =	sdelay $0x4  }
0x25: {  	[tilespmem:$0x6460] =	vst v1;
	v1 =	vld [tilespmem:$0x1FF90];
	_ =	sdelay $0x7  }
0x26: {  	v1 =	vld.idx.msk [tilespmem:v1+s3+$0x0], $0xffff;
	_ =	sdelay $0x4  }
0x27: {  	[tilespmem:$0x6470] =	vst v1;
	v1 =	vld [tilespmem:$0x1FFA0];
	_ =	sdelay $0x7  }
0x28: {  	v1 =	vld.idx.msk [tilespmem:v1+s3+$0x0], $0xffff;
	_ =	sdelay $0x4  }
0x29: {  	[tilespmem:$0x6480] =	vst v1;
	v1 =	vld [tilespmem:$0x1FFB0];
	_ =	sdelay $0x7  }
0x2a: {  	v1 =	vld.idx.msk [tilespmem:v1+s3+$0x0], $0xffff;
	_ =	sdelay $0x4  }
0x2b: {  	[tilespmem:$0x6490] =	vst v1;
	v1 =	vld [tilespmem:$0x1FFC0];
	_ =	sdelay $0x7  }
0x2c: {  	v1 =	vld.idx.msk [tilespmem:v1+s3+$0x0], $0xffff;
	_ =	sdelay $0x4  }
0x2d: {  	[tilespmem:$0x64A0] =	vst v1;
	v1 =	vld [tilespmem:$0x1FFD0];
	_ =	sdelay $0x7  }
0x2e: {  	v1 =	vld.idx.msk [tilespmem:v1+s3+$0x0], $0xffff;
	_ =	sdelay $0x4  }
0x2f: {  	[tilespmem:$0x64B0] =	vst v1;
	v1 =	vld [tilespmem:$0x1FFE0];
	_ =	sdelay $0x7  }
0x30: {  	v1 =	vld.idx.msk [tilespmem:v1+s3+$0x0], $0xffff;
	_ =	sdelay $0x4  }
0x31: {  	[tilespmem:$0x64C0] =	vst v1;
	v1 =	vld [tilespmem:$0x1FFF0];
	_ =	sdelay $0x7  }
0x32: {  	v1 =	vld.idx.msk [tilespmem:v1+s3+$0x0], $0xffff;
	_ =	sdelay $0x4  }
0x33: {  	[tilespmem:$0x64D0] =	vst v1  }
0x34: {  	v1 =	vld.idx.msk [tilespmem:v14+s3+$0x0], $0xffff;
	_ =	sdelay $0x4  }
0x35: {  	[tilespmem:$0x64E0] =	vst v1  }
0x36: {  	v1 =	vld.idx.msk [tilespmem:v15+s3+$0x0], $0xffff;
	_ =	sdelay $0x4  }
0x37: {  	[tilespmem:$0x64F0] =	vst v1  }
0x38: {  	v1 =	vld.idx.msk [tilespmem:v16+s3+$0x0], $0xffff;
	_ =	sdelay $0x4  }
0x39: {  	[tilespmem:$0x6500] =	vst v1  }
0x3a: {  	v1 =	vld.idx.msk [tilespmem:v17+s3+$0x0], $0xffff;
	_ =	sdelay $0x4  }
0x3b: {  	[tilespmem:$0x6510] =	vst v1  }
0x3c: {  	v1 =	vld.idx.msk [tilespmem:v18+s3+$0x0], $0xffff;
	_ =	sdelay $0x4  }
0x3d: {  	[tilespmem:$0x6520] =	vst v1  }
0x3e: {  	v1 =	vld.idx.msk [tilespmem:v19+s3+$0x0], $0xffff;
	_ =	sdelay $0x4  }
0x3f: {  	[tilespmem:$0x6530] =	vst v1  }
0x40: {  	v1 =	vld.idx.msk [tilespmem:v20+s3+$0x0], $0xffff;
	_ =	sdelay $0x4  }
0x41: {  	[tilespmem:$0x6540] =	vst v1  }
0x42: {  	v1 =	vld.idx.msk [tilespmem:v21+s3+$0x0], $0xffff;
	_ =	sdelay $0x4  }
0x43: {  	[tilespmem:$0x6550] =	vst v1  }
0x44: {  	v1 =	vld.idx.msk [tilespmem:v22+s3+$0x0], $0xffff;
	_ =	sdelay $0x4  }
0x45: {  	[tilespmem:$0x6560] =	vst v1  }
0x46: {  	v1 =	vld.idx.msk [tilespmem:v23+s3+$0x0], $0xffff;
	_ =	sdelay $0x4  }
0x47: {  	[tilespmem:$0x6570] =	vst v1  }
0x48: {  	v1 =	vld.idx.msk [tilespmem:v24+s3+$0x0], $0xffff;
	_ =	sdelay $0x4  }
0x49: {  	[tilespmem:$0x6580] =	vst v1  }
0x4a: {  	v1 =	vld.idx.msk [tilespmem:v25+s3+$0x0], $0xffff;
	_ =	sdelay $0x4  }
0x4b: {  	[tilespmem:$0x6590] =	vst v1  }
0x4c: {  	v1 =	vld.idx.msk [tilespmem:v26+s3+$0x0], $0xffff;
	_ =	sdelay $0x4  }
0x4d: {  	[tilespmem:$0x65A0] =	vst v1  }
0x4e: {  	v1 =	vld.idx.msk [tilespmem:v27+s3+$0x0], $0xffff;
	_ =	sdelay $0x4  }
0x4f: {  	[tilespmem:$0x65B0] =	vst v1  }
0x50: {  	v1 =	vld.idx.msk [tilespmem:v28+s3+$0x0], $0xffff;
	_ =	sdelay $0x4  }
0x51: {  	[tilespmem:$0x65C0] =	vst v1  }
0x52: {  	v1 =	vld.idx.msk [tilespmem:v29+s3+$0x0], $0xffff;
	_ =	sdelay $0x4  }
0x53: {  	[tilespmem:$0x65D0] =	vst v1  }
0x54: {  	v1 =	vld.idx.msk [tilespmem:v30+s3+$0x0], $0xffff;
	_ =	sdelay $0x4  }
0x55: {  	[tilespmem:$0x65E0] =	vst v1  }
0x56: {  	v1 =	vld.idx.msk [tilespmem:v31+s3+$0x0], $0xffff;
	_ =	sdelay $0x4  }
0x57: {  	s30 =	simm.s32 $0x6400;
	s31 =	simm.s32 $0x6800;
	s17 =	simm.s32 $0x0;
	[tilespmem:$0x65F0] =	vst v1  }
0x58: {  	[tilespmem:s31], [sflag:$0x1] =	stream.indirect.gather [hbm4b:s4+s12], $0x20, s30, s12, $0xb8;
	[tilespmem:$0x16800] =	vst v63  }
.LBB2_2:
0x59: {  	s26 =	sshll.u32 s17, $0x3  }
0x5a: {  	s22 =	sor.u32 $0x4, s26  }
0x5b: {  	v1 =	vadd.s32 s22, v0;
	_ =	sdelay $0x1  }
0x5c: {  	_ =	swait.ge [sflag:s15], $0x4000  }
0x5d: {  	[sflag:s15] =	ssyncset.done $0x0  }
0x5e: {  	[sflag:s15] =	ssyncadd.s32 $0xFFFFC000  }
0x5f: {  	s23 =	sadd.s32 $0xC84, s26;
	v1 =	vld.idx.msk [tilespmem:v1+s3+$0x0], $0xffff  }
0x60: {  	v2 =	vadd.s32 s23, v0;
	_ =	sdelay $0x3  }
0x61: {  	[tilespmem:$0x6600] =	vst v1  }
0x62: {  	s31 =	sor.u32 $0x1904, s26;
	v1 =	vld.idx.msk [tilespmem:v2+s3+$0x0], $0xffff  }
0x63: {  	v2 =	vadd.s32 s31, v0;
	_ =	sdelay $0x3  }
0x64: {  	[tilespmem:$0x6610] =	vst v1  }
0x65: {  	s24 =	sadd.s32 $0x2584, s26;
	v1 =	vld.idx.msk [tilespmem:v2+s3+$0x0], $0xffff  }
0x66: {  	v2 =	vadd.s32 s24, v0;
	_ =	sdelay $0x3  }
0x67: {  	[tilespmem:$0x6620] =	vst v1  }
0x68: {  	s25 =	sor.u32 $0x3204, s26;
	v1 =	vld.idx.msk [tilespmem:v2+s3+$0x0], $0xffff  }
0x69: {  	v2 =	vadd.s32 s25, v0;
	_ =	sdelay $0x3  }
0x6a: {  	[tilespmem:$0x6630] =	vst v1  }
0x6b: {  	s31 =	sadd.s32 $0x3E84, s26;
	v1 =	vld.idx.msk [tilespmem:v2+s3+$0x0], $0xffff  }
0x6c: {  	v2 =	vadd.s32 s31, v0;
	_ =	sdelay $0x3  }
0x6d: {  	[tilespmem:$0x6640] =	vst v1  }
0x6e: {  	s24 =	sor.u32 $0x4B04, s26;
	v1 =	vld.idx.msk [tilespmem:v2+s3+$0x0], $0xffff  }
0x6f: {  	v2 =	vadd.s32 s24, v0;
	_ =	sdelay $0x3  }
0x70: {  	[tilespmem:$0x6650] =	vst v1  }
0x71: {  	s25 =	sadd.s32 $0x5784, s26;
	v1 =	vld.idx.msk [tilespmem:v2+s3+$0x0], $0xffff  }
0x72: {  	v2 =	vadd.s32 s25, v0;
	_ =	sdelay $0x3  }
0x73: {  	[tilespmem:$0x6660] =	vst v1  }
0x74: {  	s23 =	sor.u32 $0x5, s26;
	v1 =	vld.idx.msk [tilespmem:v2+s3+$0x0], $0xffff  }
0x75: {  	v2 =	vadd.s32 s23, v0;
	_ =	sdelay $0x3  }
0x76: {  	[tilespmem:$0x6670] =	vst v1  }
0x77: {  	s24 =	sadd.s32 $0xC85, s26;
	v1 =	vld.idx.msk [tilespmem:v2+s3+$0x0], $0xffff  }
0x78: {  	v2 =	vadd.s32 s24, v0;
	_ =	sdelay $0x3  }
0x79: {  	[tilespmem:$0x6680] =	vst v1  }
0x7a: {  	s31 =	sor.u32 $0x1905, s26;
	v1 =	vld.idx.msk [tilespmem:v2+s3+$0x0], $0xffff  }
0x7b: {  	v2 =	vadd.s32 s31, v0;
	_ =	sdelay $0x3  }
0x7c: {  	[tilespmem:$0x6690] =	vst v1  }
0x7d: {  	s25 =	sadd.s32 $0x2585, s26;
	v1 =	vld.idx.msk [tilespmem:v2+s3+$0x0], $0xffff  }
0x7e: {  	v2 =	vadd.s32 s25, v0;
	_ =	sdelay $0x3  }
0x7f: {  	[tilespmem:$0x66A0] =	vst v1  }
0x80: {  	s31 =	sor.u32 $0x3205, s26;
	v1 =	vld.idx.msk [tilespmem:v2+s3+$0x0], $0xffff  }
0x81: {  	v2 =	vadd.s32 s31, v0;
	_ =	sdelay $0x3  }
0x82: {  	[tilespmem:$0x66B0] =	vst v1  }
0x83: {  	s25 =	sadd.s32 $0x3E85, s26;
	v1 =	vld.idx.msk [tilespmem:v2+s3+$0x0], $0xffff  }
0x84: {  	v2 =	vadd.s32 s25, v0;
	_ =	sdelay $0x3  }
0x85: {  	[tilespmem:$0x66C0] =	vst v1  }
0x86: {  	s31 =	sor.u32 $0x4B05, s26;
	v1 =	vld.idx.msk [tilespmem:v2+s3+$0x0], $0xffff  }
0x87: {  	v2 =	vadd.s32 s31, v0;
	_ =	sdelay $0x3  }
0x88: {  	[tilespmem:$0x66D0] =	vst v1  }
0x89: {  	s25 =	sadd.s32 $0x5785, s26;
	v1 =	vld.idx.msk [tilespmem:v2+s3+$0x0], $0xffff  }
0x8a: {  	v2 =	vadd.s32 s25, v0;
	_ =	sdelay $0x3  }
0x8b: {  	[tilespmem:$0x66E0] =	vst v1  }
0x8c: {  	s24 =	sor.u32 $0x6, s26;
	v1 =	vld.idx.msk [tilespmem:v2+s3+$0x0], $0xffff  }
0x8d: {  	v2 =	vadd.s32 s24, v0;
	_ =	sdelay $0x3  }
0x8e: {  	[tilespmem:$0x66F0] =	vst v1  }
0x8f: {  	s25 =	sadd.s32 $0xC86, s26;
	v1 =	vld.idx.msk [tilespmem:v2+s3+$0x0], $0xffff  }
0x90: {  	v2 =	vadd.s32 s25, v0;
	_ =	sdelay $0x3  }
0x91: {  	[tilespmem:$0x6700] =	vst v1  }
0x92: {  	s31 =	sor.u32 $0x1906, s26;
	v1 =	vld.idx.msk [tilespmem:v2+s3+$0x0], $0xffff  }
0x93: {  	v2 =	vadd.s32 s31, v0;
	_ =	sdelay $0x3  }
0x94: {  	[tilespmem:$0x6710] =	vst v1  }
0x95: {  	s31 =	sadd.s32 $0x2586, s26;
	v1 =	vld.idx.msk [tilespmem:v2+s3+$0x0], $0xffff  }
0x96: {  	v2 =	vadd.s32 s31, v0;
	_ =	sdelay $0x3  }
0x97: {  	[tilespmem:$0x6720] =	vst v1  }
0x98: {  	s31 =	sor.u32 $0x3206, s26;
	v1 =	vld.idx.msk [tilespmem:v2+s3+$0x0], $0xffff  }
0x99: {  	v2 =	vadd.s32 s31, v0;
	_ =	sdelay $0x3  }
0x9a: {  	[tilespmem:$0x6730] =	vst v1  }
0x9b: {  	s31 =	sadd.s32 $0x3E86, s26;
	v1 =	vld.idx.msk [tilespmem:v2+s3+$0x0], $0xffff  }
0x9c: {  	v2 =	vadd.s32 s31, v0;
	_ =	sdelay $0x3  }
0x9d: {  	[tilespmem:$0x6740] =	vst v1  }
0x9e: {  	s31 =	sor.u32 $0x4B06, s26;
	v1 =	vld.idx.msk [tilespmem:v2+s3+$0x0], $0xffff  }
0x9f: {  	v2 =	vadd.s32 s31, v0;
	_ =	sdelay $0x3  }
0xa0: {  	[tilespmem:$0x6750] =	vst v1  }
0xa1: {  	s31 =	sadd.s32 $0x5786, s26;
	v1 =	vld.idx.msk [tilespmem:v2+s3+$0x0], $0xffff  }
0xa2: {  	v2 =	vadd.s32 s31, v0;
	_ =	sdelay $0x3  }
0xa3: {  	[tilespmem:$0x6760] =	vst v1  }
0xa4: {  	s25 =	sshllo.u32 s17, $0x3;
	v1 =	vld.idx.msk [tilespmem:v2+s3+$0x0], $0xffff  }
0xa5: {  	v2 =	vadd.s32 s25, v0;
	_ =	sdelay $0x3  }
0xa6: {  	[tilespmem:$0x6770] =	vst v1  }
0xa7: {  	s28 =	sadd.s32 $0xC87, s26;
	v1 =	vld.idx.msk [tilespmem:v2+s3+$0x0], $0xffff  }
0xa8: {  	v2 =	vadd.s32 s28, v0;
	_ =	sdelay $0x3  }
0xa9: {  	[tilespmem:$0x6780] =	vst v1  }
0xaa: {  	s28 =	sor.u32 $0x1907, s26;
	v1 =	vld.idx.msk [tilespmem:v2+s3+$0x0], $0xffff  }
0xab: {  	v2 =	vadd.s32 s28, v0;
	_ =	sdelay $0x3  }
0xac: {  	[tilespmem:$0x6790] =	vst v1  }
0xad: {  	s28 =	sadd.s32 $0x2587, s26;
	v1 =	vld.idx.msk [tilespmem:v2+s3+$0x0], $0xffff  }
0xae: {  	v2 =	vadd.s32 s28, v0;
	_ =	sdelay $0x3  }
0xaf: {  	[tilespmem:$0x67A0] =	vst v1  }
0xb0: {  	s28 =	sor.u32 $0x3207, s26;
	v1 =	vld.idx.msk [tilespmem:v2+s3+$0x0], $0xffff  }
0xb1: {  	v2 =	vadd.s32 s28, v0;
	_ =	sdelay $0x3  }
0xb2: {  	[tilespmem:$0x67B0] =	vst v1  }
0xb3: {  	s28 =	sadd.s32 $0x3E87, s26;
	v1 =	vld.idx.msk [tilespmem:v2+s3+$0x0], $0xffff  }
0xb4: {  	v2 =	vadd.s32 s28, v0;
	_ =	sdelay $0x3  }
0xb5: {  	[tilespmem:$0x67C0] =	vst v1  }
0xb6: {  	s28 =	sor.u32 $0x4B07, s26;
	v1 =	vld.idx.msk [tilespmem:v2+s3+$0x0], $0xffff  }
0xb7: {  	v2 =	vadd.s32 s28, v0;
	_ =	sdelay $0x3  }
0xb8: {  	[tilespmem:$0x67D0] =	vst v1  }
0xb9: {  	s28 =	sadd.s32 $0x5787, s26;
	v1 =	vld.idx.msk [tilespmem:v2+s3+$0x0], $0xffff  }
0xba: {  	v2 =	vadd.s32 s28, v0;
	_ =	sdelay $0x3  }
0xbb: {  	[tilespmem:$0x67E0] =	vst v1  }
0xbc: {  	v1 =	vld.idx.msk [tilespmem:v2+s3+$0x0], $0xffff;
	_ =	sdelay $0x4  }
0xbd: {  	s29 =	simm.s32 $0xA800;
	p0 =	seq.s32 s17, $0x0;
	s28 =	simm.s32 $0x6600;
	[tilespmem:$0x67F0] =	vst v1  }
0xbe: {  	[tilespmem:s29], [sflag:$0x2] =	stream.indirect.gather [hbm4b:s4+s12], $0x20, s28, s12, $0xb8;
	[tilespmem:$0x16800] =	vst v63  }
0xbf: {  	s28 =	simm.s32 @!p0 $0x3  }
0xc0: {  	_ =	swait.ge @!p0 [sflag:s28], $0x4000  }
0xc1: {  	[sflag:s28] =	ssyncset.done @!p0 $0x0  }
0xc2: {  	[sflag:s28] =	ssyncadd.s32 @!p0 $0xFFFFC000;
	s28 =	simm.s32 $0x6880  }
0xc3: {  	v1 =	vld [tilespmem:s28+$0x60]  }
0xc4: {  	v2 =	vld [tilespmem:s28+$0xFFFFFFA0]  }
0xc5: {  	v3 =	vld [tilespmem:s28+$0xFFFFFFC0]  }
0xc6: {  	v33 =	vld [tilespmem:s28+$0xFFFFFFE0]  }
0xc7: {  	v42 =	vor.u32 $0x7, v32;
	v34 =	vld [tilespmem:s28+$0x0]  }
0xc8: {  	v41 =	vor.u32 $0x1, v32;
	s30 =	simm.s32 $0x6980;
	v44 =	vld [tilespmem:s28+$0xFFFFFF80]  }
0xc9: {  	v39 =	vor.u32 $0x2, v32;
	v52 =	vld [tilespmem:s30+$0x60]  }
0xca: {  	v48 =	vadd.s32 $0x8, v32;
	v38 =	vld [tilespmem:s28+$0x20];
	v1 =	vmul.f32 $5.656854150e+00, v1  }
0xcb: {  	v53 =	vor.u32 $0x7, v48;
	v43 =	vld [tilespmem:s28+$0x40];
	v2 =	vmul.f32 $5.656854150e+00, v2  }
0xcc: {  	v36 =	vor.u32 $0x3, v32;
	v7 =	vld [tilespmem:s30+$0xFFFFFFC0];
	v3 =	vmul.f32 $5.656854150e+00, v3;
	[tilespmem:v42+s18+$0x0] =	vst.idx.msk $0xffff, v1  }
0xcd: {  	v37 =	vor.u32 $0x4, v32;
	v63 =	vmul.f32 $5.656854150e+00, v44;
	[tilespmem:v41+s18+$0x0] =	vst.idx.msk $0xffff, v2;
	v2 =	vld [tilespmem:s28+$0x70]  }
0xce: {  	v35 =	vor.u32 $0x5, v32;
	v54 =	vld [tilespmem:s30+$0xFFFFFFE0];
	v52 =	vmul.f32 $5.656854150e+00, v52;
	[tilespmem:v39+s18+$0x0] =	vst.idx.msk $0xffff, v3  }
0xcf: {  	v46 =	vadd.s32 $0x807, v32;
	v1 =	vmul.f32 $5.656854150e+00, v33;
	[tilespmem:v32+s18+$0x0] =	vst.idx.msk $0xffff, v63;
	v61 =	vld [tilespmem:s28+$0xFFFFFFB0]  }
0xd0: {  	v40 =	vor.u32 $0x6, v32;
	v3 =	vmul.f32 $5.656854150e+00, v34;
	[tilespmem:v53+s18+$0x0] =	vst.idx.msk $0xffff, v52;
	v62 =	vld [tilespmem:s28+$0xFFFFFFD0]  }
0xd1: {  	v47 =	vadd.s32 $0x801, v32;
	v51 =	vld [tilespmem:s28+$0xFFFFFF90];
	[tilespmem:v36+s18+$0x0] =	vst.idx.msk $0xffff, v1;
	v1 =	vmul.f32 $5.656854150e+00, v38  }
0xd2: {  	v45 =	vadd.s32 $0x802, v32;
	[tilespmem:v37+s18+$0x0] =	vst.idx.msk $0xffff, v3;
	v49 =	vld [tilespmem:s28+$0xFFFFFFF0];
	v2 =	vmul.f32 $5.656854150e+00, v2  }
0xd3: {  	v3 =	vmul.f32 $5.656854150e+00, v43;
	v38 =	vadd.s32 $0x800, v32;
	v50 =	vld [tilespmem:s28+$0x10];
	[tilespmem:v35+s18+$0x0] =	vst.idx.msk $0xffff, v1  }
0xd4: {  	v43 =	vadd.s32 $0x803, v32;
	v33 =	vmul.f32 $5.656854150e+00, v61;
	[tilespmem:v46+s18+$0x0] =	vst.idx.msk $0xffff, v2;
	v2 =	vld [tilespmem:s30+$0xFFFFFFA0]  }
0xd5: {  	v11 =	vld [tilespmem:s30+$0x0];
	v44 =	vadd.s32 $0x804, v32;
	[tilespmem:v40+s18+$0x0] =	vst.idx.msk $0xffff, v3;
	v34 =	vmul.f32 $5.656854150e+00, v62  }
0xd6: {  	v10 =	vor.u32 $0x1, v48;
	v8 =	vld [tilespmem:s30+$0x20];
	v51 =	vmul.f32 $5.656854150e+00, v51;
	[tilespmem:v47+s18+$0x0] =	vst.idx.msk $0xffff, v33  }
0xd7: {  	v55 =	vor.u32 $0x2, v48;
	v58 =	vld [tilespmem:s30+$0x40];
	v6 =	vmul.f32 $5.656854150e+00, v49;
	[tilespmem:v45+s18+$0x0] =	vst.idx.msk $0xffff, v34  }
0xd8: {  	v56 =	vor.u32 $0x3, v48;
	v60 =	vld [tilespmem:s30+$0xFFFFFF80];
	v9 =	vmul.f32 $5.656854150e+00, v50;
	[tilespmem:v38+s18+$0x0] =	vst.idx.msk $0xffff, v51  }
0xd9: {  	v57 =	vor.u32 $0x4, v48;
	v3 =	vld [tilespmem:s28+$0x50];
	[tilespmem:v43+s18+$0x0] =	vst.idx.msk $0xffff, v6;
	v2 =	vmul.f32 $5.656854150e+00, v2  }
0xda: {  	v59 =	vor.u32 $0x5, v48;
	v1 =	vld [tilespmem:s28+$0x30];
	v49 =	vmul.f32 $5.656854150e+00, v7;
	[tilespmem:v44+s18+$0x0] =	vst.idx.msk $0xffff, v9  }
0xdb: {  	[tilespmem:v10+s18+$0x0] =	vst.idx.msk $0xffff, v2;
	v2 =	vmul.f32 $5.656854150e+00, v54  }
0xdc: {  	v53 =	vld [tilespmem:s30+$0x70];
	v9 =	vor.u32 $0x6, v48;
	[tilespmem:v55+s18+$0x0] =	vst.idx.msk $0xffff, v49;
	v10 =	vmul.f32 $5.656854150e+00, v11  }
0xdd: {  	v4 =	vld [tilespmem:s30+$0xFFFFFFB0];
	[tilespmem:v56+s18+$0x0] =	vst.idx.msk $0xffff, v2;
	v2 =	vmul.f32 $5.656854150e+00, v8  }
0xde: {  	v6 =	vadd.s32 $0x807, v48;
	v51 =	vmul.f32 $5.656854150e+00, v3;
	v3 =	vmul.f32 $5.656854150e+00, v60;
	v5 =	vld [tilespmem:s30+$0xFFFFFFD0];
	[tilespmem:v57+s18+$0x0] =	vst.idx.msk $0xffff, v10  }
0xdf: {  	v50 =	vmul.f32 $5.656854150e+00, v1;
	v1 =	vmul.f32 $5.656854150e+00, v58;
	v62 =	vld [tilespmem:s30+$0xFFFFFFF0];
	[tilespmem:v59+s18+$0x0] =	vst.idx.msk $0xffff, v2;
	v59 =	vadd.s32 $0x801, v48  }
0xe0: {  	v33 =	vadd.s32 $0x805, v32;
	[tilespmem:v48+s18+$0x0] =	vst.idx.msk $0xffff, v3;
	v57 =	vadd.s32 $0x802, v48;
	v63 =	vld [tilespmem:s30+$0x10]  }
0xe1: {  	v34 =	vadd.s32 $0x806, v32;
	v58 =	vadd.s32 $0x803, v48;
	[tilespmem:v9+s18+$0x0] =	vst.idx.msk $0xffff, v1;
	v11 =	vmul.f32 $5.656854150e+00, v53;
	v1 =	vld [tilespmem:s30+$0xFFFFFF90]  }
0xe2: {  	s28 =	simm.s32 $0x78F0;
	v49 =	vadd.s32 $0x800, v48;
	v61 =	vld [tilespmem:s30+$0x50];
	v56 =	vadd.s32 $0x804, v48;
	v3 =	vmul.f32 $5.656854150e+00, v4  }
0xe3: {  	s29 =	simm.s32 $0x8;
	v52 =	vmovc v34;
	v55 =	vadd.s32 $0x805, v48;
	v54 =	vadd.s32 $0x806, v48;
	v53 =	vmovc v33;
	[tilespmem:v6+s18+$0x0] =	vst.idx.msk $0xffff, v11;
	v2 =	vmul.f32 $5.656854150e+00, v5;
	v60 =	vld [tilespmem:s30+$0x30];
	s30 =	simm.s32 $0x6A80  }
.LBB2_3:
0xe4: {  	v4 =	vld [tilespmem:s30+$0x60];
	s29 =	sadd.s32 $0x8, s29;
	[tilespmem:v59+s18+$0x0] =	vst.idx.msk $0xffff, v3;
	v3 =	vmul.f32 $5.656854150e+00, v62  }
0xe5: {  	v48 =	vadd.s32 $0x8, v48;
	v5 =	vld [tilespmem:s30+$0xFFFFFFA0];
	p0 =	slt.u32 s29, $0x78;
	[tilespmem:v57+s18+$0x0] =	vst.idx.msk $0xffff, v2;
	v2 =	vmul.f32 $5.656854150e+00, v63  }
0xe6: {  	v6 =	vor.u32 $0x1, v48;
	v62 =	vor.u32 $0x2, v48;
	v7 =	vor.u32 $0x7, v48;
	v63 =	vld [tilespmem:s30+$0xFFFFFFC0];
	[tilespmem:v58+s18+$0x0] =	vst.idx.msk $0xffff, v3  }
0xe7: {  	v9 =	vor.u32 $0x4, v48;
	v10 =	vor.u32 $0x5, v48;
	v3 =	vor.u32 $0x3, v48;
	v8 =	vld [tilespmem:s30+$0xFFFFFFE0];
	[tilespmem:v56+s18+$0x0] =	vst.idx.msk $0xffff, v2  }
0xe8: {  	v11 =	vor.u32 $0x6, v48;
	v2 =	vld [tilespmem:s30+$0x0];
	v1 =	vmul.f32 $5.656854150e+00, v1;
	[tilespmem:v53+s18+$0x0] =	vst.idx.msk $0xffff, v50;
	v50 =	vmul.f32 $5.656854150e+00, v60;
	v53 =	vmovc v55  }
0xe9: {  	v55 =	vadd.s32 $0x800, v48;
	v60 =	vld [tilespmem:s30+$0x20];
	v4 =	vmul.f32 $5.656854150e+00, v4;
	[tilespmem:v52+s18+$0x0] =	vst.idx.msk $0xffff, v51;
	v51 =	vmul.f32 $5.656854150e+00, v61;
	v52 =	vmovc v54  }
0xea: {  	v59 =	vadd.s32 $0x801, v48;
	v57 =	vadd.s32 $0x802, v48;
	v5 =	vmul.f32 $5.656854150e+00, v5;
	v61 =	vld [tilespmem:s30+$0x40];
	[tilespmem:v49+s18+$0x0] =	vst.idx.msk $0xffff, v1;
	v49 =	vmovc v55  }
0xeb: {  	v58 =	vadd.s32 $0x803, v48;
	v56 =	vadd.s32 $0x804, v48;
	v1 =	vld [tilespmem:s30+$0xFFFFFF80];
	v63 =	vmul.f32 $5.656854150e+00, v63;
	[tilespmem:v7+s18+$0x0] =	vst.idx.msk $0xffff, v4  }
0xec: {  	v54 =	vadd.s32 $0x806, v48;
	v55 =	vadd.s32 $0x805, v48;
	[tilespmem:v6+s18+$0x0] =	vst.idx.msk $0xffff, v5;
	v4 =	vmul.f32 $5.656854150e+00, v8;
	v5 =	vld [tilespmem:s30+$0x70]  }
0xed: {  	v6 =	vld [tilespmem:s30+$0xFFFFFFB0];
	[tilespmem:v62+s18+$0x0] =	vst.idx.msk $0xffff, v63;
	v2 =	vmul.f32 $5.656854150e+00, v2  }
0xee: {  	v7 =	vld [tilespmem:s30+$0xFFFFFFD0];
	[tilespmem:v3+s18+$0x0] =	vst.idx.msk $0xffff, v4;
	v3 =	vmul.f32 $5.656854150e+00, v60;
	v4 =	vadd.s32 $0x807, v48  }
.Ltmp0:
0xef: {  	v62 =	vld [tilespmem:s30+$0xFFFFFFF0];
	[tilespmem:v9+s18+$0x0] =	vst.idx.msk $0xffff, v2;
	v2 =	vmul.f32 $5.656854150e+00, v61;
	(pc) =	sbr.rel @p0 .LBB2_3-.Ltmp0, $4  }
0xf0: {  	v1 =	vmul.f32 $5.656854150e+00, v1;
	v63 =	vld [tilespmem:s30+$0x10];
	[tilespmem:v10+s18+$0x0] =	vst.idx.msk $0xffff, v3  }
0xf1: {  	v60 =	vld [tilespmem:s30+$0x30];
	[tilespmem:v11+s18+$0x0] =	vst.idx.msk $0xffff, v2;
	v5 =	vmul.f32 $5.656854150e+00, v5  }
0xf2: {  	[tilespmem:v48+s18+$0x0] =	vst.idx.msk $0xffff, v1;
	v3 =	vmul.f32 $5.656854150e+00, v6;
	v61 =	vld [tilespmem:s30+$0x50]  }
0xf3: {  	v1 =	vld [tilespmem:s30+$0xFFFFFF90];
	v2 =	vmul.f32 $5.656854150e+00, v7;
	[tilespmem:v4+s18+$0x0] =	vst.idx.msk $0xffff, v5;
	s30 =	sadd.s32 $0x100, s30  }
0xf4: {  	_ =	sdelay $0x3  }
0xf5: {  	[tilespmem:v59+s18+$0x0] =	vst.idx.msk $0xffff, v3  }
0xf6: {  	[tilespmem:v53+s18+$0x0] =	vst.idx.msk $0xffff, v50  }
0xf7: {  	[tilespmem:v57+s18+$0x0] =	vst.idx.msk $0xffff, v2;
	v2 =	vmul.f32 $5.656854150e+00, v63  }
0xf8: {  	v3 =	vmul.f32 $5.656854150e+00, v62;
	[tilespmem:v52+s18+$0x0] =	vst.idx.msk $0xffff, v51  }
0xf9: {  	[tilespmem:v56+s18+$0x0] =	vst.idx.msk $0xffff, v2;
	v2 =	vmul.f32 $5.656854150e+00, v60  }
0xfa: {  	[tilespmem:v58+s18+$0x0] =	vst.idx.msk $0xffff, v3;
	v3 =	vmul.f32 $5.656854150e+00, v61  }
0xfb: {  	v1 =	vmul.f32 $5.656854150e+00, v1;
	[tilespmem:v55+s18+$0x0] =	vst.idx.msk $0xffff, v2  }
0xfc: {  	[tilespmem:v54+s18+$0x0] =	vst.idx.msk $0xffff, v3  }
0xfd: {  	[tilespmem:v49+s18+$0x0] =	vst.idx.msk $0xffff, v1  }
0xfe: {  	v1 =	vld [tilespmem:s28+$0xFFFFFFF0]  }
0xff: {  	v2 =	vld [tilespmem:s28+$0xFFFFFF30]  }
0x100: {  	v3 =	vld [tilespmem:s28+$0xFFFFFF50]  }
0x101: {  	v4 =	vld [tilespmem:s28+$0xFFFFFF70]  }
0x102: {  	v5 =	vld [tilespmem:s28+$0xFFFFFF90]  }
0x103: {  	v6 =	vld [tilespmem:s28+$0xFFFFFFB0]  }
0x104: {  	v7 =	vld [tilespmem:s28+$0xFFFFFFD0];
	v1 =	vmul.f32 $5.656854150e+00, v1  }
0x105: {  	s30 =	simm.s32 $0x79F0;
	v8 =	vld [tilespmem:s28+$0xFFFFFF10];
	v2 =	vmul.f32 $5.656854150e+00, v2  }
0x106: {  	v9 =	vld [tilespmem:s30+$0xFFFFFFF0];
	v3 =	vmul.f32 $5.656854150e+00, v3;
	[tilespmem:v42+s19+$0x0] =	vst.idx.msk $0xffff, v1  }
0x107: {  	[tilespmem:v41+s19+$0x0] =	vst.idx.msk $0xffff, v2;
	v1 =	vmul.f32 $5.656854150e+00, v4;
	v2 =	vld [tilespmem:s28+$0x0]  }
0x108: {  	[tilespmem:v39+s19+$0x0] =	vst.idx.msk $0xffff, v3;
	v3 =	vmul.f32 $5.656854150e+00, v5;
	v4 =	vld [tilespmem:s28+$0xFFFFFF40]  }
0x109: {  	v5 =	vld [tilespmem:s28+$0xFFFFFF60];
	[tilespmem:v36+s19+$0x0] =	vst.idx.msk $0xffff, v1  }
0x10a: {  	v60 =	vmul.f32 $5.656854150e+00, v8;
	[tilespmem:v37+s19+$0x0] =	vst.idx.msk $0xffff, v3;
	v59 =	vld [tilespmem:s28+$0xFFFFFF80]  }
0x10b: {  	v1 =	vmul.f32 $5.656854150e+00, v6;
	v61 =	vld [tilespmem:s28+$0xFFFFFFA0]  }
0x10c: {  	v62 =	vld [tilespmem:s30+$0xFFFFFF50];
	[tilespmem:v32+s19+$0x0] =	vst.idx.msk $0xffff, v60;
	v2 =	vmul.f32 $5.656854150e+00, v2  }
0x10d: {  	v11 =	vld [tilespmem:s30+$0xFFFFFF70];
	[tilespmem:v35+s19+$0x0] =	vst.idx.msk $0xffff, v1;
	v4 =	vmul.f32 $5.656854150e+00, v4  }
0x10e: {  	v48 =	vadd.s32 $0x8, v32;
	v5 =	vmul.f32 $5.656854150e+00, v5;
	[tilespmem:v46+s19+$0x0] =	vst.idx.msk $0xffff, v2;
	v2 =	vld [tilespmem:s30+$0xFFFFFF30]  }
0x10f: {  	v10 =	vor.u32 $0x7, v48;
	v52 =	vld [tilespmem:s30+$0xFFFFFFD0];
	[tilespmem:v47+s19+$0x0] =	vst.idx.msk $0xffff, v4;
	v4 =	vmul.f32 $5.656854150e+00, v59  }
0x110: {  	v63 =	vor.u32 $0x1, v48;
	v53 =	vld [tilespmem:s30+$0xFFFFFF10];
	[tilespmem:v45+s19+$0x0] =	vst.idx.msk $0xffff, v5;
	v5 =	vmul.f32 $5.656854150e+00, v61  }
0x111: {  	v56 =	vor.u32 $0x2, v48;
	v3 =	vmul.f32 $5.656854150e+00, v7;
	[tilespmem:v43+s19+$0x0] =	vst.idx.msk $0xffff, v4;
	v4 =	vld [tilespmem:s30+$0xFFFFFF90]  }
0x112: {  	v57 =	vor.u32 $0x3, v48;
	v9 =	vmul.f32 $5.656854150e+00, v9;
	[tilespmem:v44+s19+$0x0] =	vst.idx.msk $0xffff, v5;
	v5 =	vld [tilespmem:s30+$0xFFFFFFB0]  }
0x113: {  	v58 =	vor.u32 $0x4, v48;
	[tilespmem:v40+s19+$0x0] =	vst.idx.msk $0xffff, v3;
	v1 =	vld [tilespmem:s28+$0xFFFFFFC0];
	v2 =	vmul.f32 $5.656854150e+00, v2  }
0x114: {  	[tilespmem:v10+s19+$0x0] =	vst.idx.msk $0xffff, v9;
	v6 =	vmul.f32 $5.656854150e+00, v62;
	v3 =	vld [tilespmem:s28+$0xFFFFFFE0];
	v59 =	vor.u32 $0x5, v48  }
0x115: {  	v54 =	vor.u32 $0x6, v48;
	v7 =	vld [tilespmem:s28+$0xFFFFFF20];
	[tilespmem:v63+s19+$0x0] =	vst.idx.msk $0xffff, v2;
	v2 =	vmul.f32 $5.656854150e+00, v11  }
0x116: {  	v55 =	vld [tilespmem:s30+$0x0];
	[tilespmem:v56+s19+$0x0] =	vst.idx.msk $0xffff, v6;
	v4 =	vmul.f32 $5.656854150e+00, v4  }
0x117: {  	v10 =	vld [tilespmem:s30+$0xFFFFFF40];
	[tilespmem:v57+s19+$0x0] =	vst.idx.msk $0xffff, v2;
	v2 =	vmul.f32 $5.656854150e+00, v5  }
0x118: {  	v6 =	vld [tilespmem:s30+$0xFFFFFF60];
	v50 =	vmul.f32 $5.656854150e+00, v1;
	v1 =	vmul.f32 $5.656854150e+00, v52;
	v5 =	vadd.s32 $0x807, v48;
	[tilespmem:v58+s19+$0x0] =	vst.idx.msk $0xffff, v4  }
0x119: {  	v51 =	vmul.f32 $5.656854150e+00, v3;
	v3 =	vmul.f32 $5.656854150e+00, v53;
	v62 =	vld [tilespmem:s30+$0xFFFFFF80];
	[tilespmem:v59+s19+$0x0] =	vst.idx.msk $0xffff, v2;
	v59 =	vadd.s32 $0x801, v48  }
0x11a: {  	v7 =	vmul.f32 $5.656854150e+00, v7;
	[tilespmem:v54+s19+$0x0] =	vst.idx.msk $0xffff, v1;
	v57 =	vadd.s32 $0x802, v48;
	v63 =	vld [tilespmem:s30+$0xFFFFFFA0]  }
0x11b: {  	[tilespmem:v48+s19+$0x0] =	vst.idx.msk $0xffff, v3;
	v61 =	vld [tilespmem:s30+$0xFFFFFFE0];
	v4 =	vmul.f32 $5.656854150e+00, v55;
	v58 =	vadd.s32 $0x803, v48  }
0x11c: {  	v49 =	vadd.s32 $0x800, v48;
	v56 =	vadd.s32 $0x804, v48;
	s28 =	simm.s32 $0x88F0;
	[tilespmem:v38+s19+$0x0] =	vst.idx.msk $0xffff, v7;
	v1 =	vld [tilespmem:s30+$0xFFFFFF20];
	v3 =	vmul.f32 $5.656854150e+00, v10  }
0x11d: {  	s29 =	simm.s32 $0x8;
	v53 =	vmovc v33;
	v52 =	vmovc v34;
	v54 =	vadd.s32 $0x806, v48;
	v55 =	vadd.s32 $0x805, v48;
	v2 =	vmul.f32 $5.656854150e+00, v6;
	v60 =	vld [tilespmem:s30+$0xFFFFFFC0];
	s30 =	simm.s32 $0x7AF0;
	[tilespmem:v5+s19+$0x0] =	vst.idx.msk $0xffff, v4  }
.LBB2_5:
0x11e: {  	v4 =	vld [tilespmem:s30+$0xFFFFFFF0];
	s29 =	sadd.s32 $0x8, s29;
	[tilespmem:v59+s19+$0x0] =	vst.idx.msk $0xffff, v3;
	v3 =	vmul.f32 $5.656854150e+00, v62  }
0x11f: {  	v48 =	vadd.s32 $0x8, v48;
	v5 =	vld [tilespmem:s30+$0xFFFFFF30];
	p0 =	slt.u32 s29, $0x78;
	[tilespmem:v57+s19+$0x0] =	vst.idx.msk $0xffff, v2;
	v2 =	vmul.f32 $5.656854150e+00, v63  }
0x120: {  	v6 =	vor.u32 $0x1, v48;
	v7 =	vor.u32 $0x2, v48;
	v9 =	vor.u32 $0x7, v48;
	v8 =	vld [tilespmem:s30+$0xFFFFFF50];
	[tilespmem:v58+s19+$0x0] =	vst.idx.msk $0xffff, v3  }
0x121: {  	v11 =	vor.u32 $0x4, v48;
	v12 =	vor.u32 $0x5, v48;
	v3 =	vor.u32 $0x3, v48;
	v10 =	vld [tilespmem:s30+$0xFFFFFF70];
	[tilespmem:v56+s19+$0x0] =	vst.idx.msk $0xffff, v2  }
0x122: {  	v13 =	vor.u32 $0x6, v48;
	v2 =	vld [tilespmem:s30+$0xFFFFFF90];
	v1 =	vmul.f32 $5.656854150e+00, v1;
	[tilespmem:v53+s19+$0x0] =	vst.idx.msk $0xffff, v50;
	v50 =	vmul.f32 $5.656854150e+00, v60;
	v53 =	vmovc v55  }
0x123: {  	v55 =	vadd.s32 $0x800, v48;
	v60 =	vld [tilespmem:s30+$0xFFFFFFB0];
	v4 =	vmul.f32 $5.656854150e+00, v4;
	[tilespmem:v52+s19+$0x0] =	vst.idx.msk $0xffff, v51;
	v51 =	vmul.f32 $5.656854150e+00, v61;
	v52 =	vmovc v54  }
0x124: {  	v59 =	vadd.s32 $0x801, v48;
	v57 =	vadd.s32 $0x802, v48;
	v5 =	vmul.f32 $5.656854150e+00, v5;
	v61 =	vld [tilespmem:s30+$0xFFFFFFD0];
	[tilespmem:v49+s19+$0x0] =	vst.idx.msk $0xffff, v1;
	v49 =	vmovc v55  }
0x125: {  	v58 =	vadd.s32 $0x803, v48;
	v56 =	vadd.s32 $0x804, v48;
	v1 =	vld [tilespmem:s30+$0xFFFFFF10];
	v8 =	vmul.f32 $5.656854150e+00, v8;
	[tilespmem:v9+s19+$0x0] =	vst.idx.msk $0xffff, v4  }
0x126: {  	v54 =	vadd.s32 $0x806, v48;
	v55 =	vadd.s32 $0x805, v48;
	[tilespmem:v6+s19+$0x0] =	vst.idx.msk $0xffff, v5;
	v4 =	vmul.f32 $5.656854150e+00, v10;
	v5 =	vld [tilespmem:s30+$0x0]  }
0x127: {  	v6 =	vld [tilespmem:s30+$0xFFFFFF40];
	[tilespmem:v7+s19+$0x0] =	vst.idx.msk $0xffff, v8;
	v2 =	vmul.f32 $5.656854150e+00, v2  }
0x128: {  	v7 =	vld [tilespmem:s30+$0xFFFFFF60];
	[tilespmem:v3+s19+$0x0] =	vst.idx.msk $0xffff, v4;
	v3 =	vmul.f32 $5.656854150e+00, v60;
	v4 =	vadd.s32 $0x807, v48  }
.Ltmp1:
0x129: {  	v62 =	vld [tilespmem:s30+$0xFFFFFF80];
	[tilespmem:v11+s19+$0x0] =	vst.idx.msk $0xffff, v2;
	v2 =	vmul.f32 $5.656854150e+00, v61;
	(pc) =	sbr.rel @p0 .LBB2_5-.Ltmp1, $4  }
0x12a: {  	v1 =	vmul.f32 $5.656854150e+00, v1;
	v63 =	vld [tilespmem:s30+$0xFFFFFFA0];
	[tilespmem:v12+s19+$0x0] =	vst.idx.msk $0xffff, v3  }
0x12b: {  	v60 =	vld [tilespmem:s30+$0xFFFFFFC0];
	[tilespmem:v13+s19+$0x0] =	vst.idx.msk $0xffff, v2;
	v5 =	vmul.f32 $5.656854150e+00, v5  }
0x12c: {  	[tilespmem:v48+s19+$0x0] =	vst.idx.msk $0xffff, v1;
	v3 =	vmul.f32 $5.656854150e+00, v6;
	v61 =	vld [tilespmem:s30+$0xFFFFFFE0]  }
0x12d: {  	v1 =	vld [tilespmem:s30+$0xFFFFFF20];
	v2 =	vmul.f32 $5.656854150e+00, v7;
	[tilespmem:v4+s19+$0x0] =	vst.idx.msk $0xffff, v5;
	s30 =	sadd.s32 $0x100, s30  }
0x12e: {  	_ =	sdelay $0x3  }
0x12f: {  	[tilespmem:v59+s19+$0x0] =	vst.idx.msk $0xffff, v3  }
0x130: {  	[tilespmem:v53+s19+$0x0] =	vst.idx.msk $0xffff, v50  }
0x131: {  	[tilespmem:v57+s19+$0x0] =	vst.idx.msk $0xffff, v2;
	v2 =	vmul.f32 $5.656854150e+00, v63  }
0x132: {  	v3 =	vmul.f32 $5.656854150e+00, v62;
	[tilespmem:v52+s19+$0x0] =	vst.idx.msk $0xffff, v51  }
0x133: {  	[tilespmem:v56+s19+$0x0] =	vst.idx.msk $0xffff, v2;
	v2 =	vmul.f32 $5.656854150e+00, v60  }
0x134: {  	[tilespmem:v58+s19+$0x0] =	vst.idx.msk $0xffff, v3;
	v3 =	vmul.f32 $5.656854150e+00, v61  }
0x135: {  	v1 =	vmul.f32 $5.656854150e+00, v1;
	[tilespmem:v55+s19+$0x0] =	vst.idx.msk $0xffff, v2  }
0x136: {  	[tilespmem:v54+s19+$0x0] =	vst.idx.msk $0xffff, v3  }
0x137: {  	[tilespmem:v49+s19+$0x0] =	vst.idx.msk $0xffff, v1  }
0x138: {  	v1 =	vld [tilespmem:s28+$0xFFFFFFF0]  }
0x139: {  	v2 =	vld [tilespmem:s28+$0xFFFFFF30]  }
0x13a: {  	v3 =	vld [tilespmem:s28+$0xFFFFFF50]  }
0x13b: {  	v4 =	vld [tilespmem:s28+$0xFFFFFF70]  }
0x13c: {  	v5 =	vld [tilespmem:s28+$0xFFFFFF90]  }
0x13d: {  	v6 =	vld [tilespmem:s28+$0xFFFFFFB0]  }
0x13e: {  	v7 =	vld [tilespmem:s28+$0xFFFFFFD0];
	v1 =	vmul.f32 $5.656854150e+00, v1  }
0x13f: {  	s30 =	simm.s32 $0x89F0;
	v8 =	vld [tilespmem:s28+$0xFFFFFF10];
	v2 =	vmul.f32 $5.656854150e+00, v2  }
0x140: {  	v9 =	vld [tilespmem:s30+$0xFFFFFFF0];
	v3 =	vmul.f32 $5.656854150e+00, v3;
	[tilespmem:v42+s20+$0x0] =	vst.idx.msk $0xffff, v1  }
0x141: {  	[tilespmem:v41+s20+$0x0] =	vst.idx.msk $0xffff, v2;
	v1 =	vmul.f32 $5.656854150e+00, v4;
	v2 =	vld [tilespmem:s28+$0x0]  }
0x142: {  	[tilespmem:v39+s20+$0x0] =	vst.idx.msk $0xffff, v3;
	v3 =	vmul.f32 $5.656854150e+00, v5;
	v4 =	vld [tilespmem:s28+$0xFFFFFF40]  }
0x143: {  	v5 =	vld [tilespmem:s28+$0xFFFFFF60];
	[tilespmem:v36+s20+$0x0] =	vst.idx.msk $0xffff, v1  }
0x144: {  	v54 =	vmul.f32 $5.656854150e+00, v8;
	[tilespmem:v37+s20+$0x0] =	vst.idx.msk $0xffff, v3;
	v53 =	vld [tilespmem:s28+$0xFFFFFF80]  }
0x145: {  	v1 =	vmul.f32 $5.656854150e+00, v6;
	v55 =	vld [tilespmem:s28+$0xFFFFFFA0]  }
0x146: {  	v56 =	vld [tilespmem:s30+$0xFFFFFF50];
	[tilespmem:v32+s20+$0x0] =	vst.idx.msk $0xffff, v54;
	v2 =	vmul.f32 $5.656854150e+00, v2  }
0x147: {  	v11 =	vld [tilespmem:s30+$0xFFFFFF70];
	[tilespmem:v35+s20+$0x0] =	vst.idx.msk $0xffff, v1;
	v4 =	vmul.f32 $5.656854150e+00, v4  }
0x148: {  	v48 =	vadd.s32 $0x8, v32;
	v5 =	vmul.f32 $5.656854150e+00, v5;
	[tilespmem:v46+s20+$0x0] =	vst.idx.msk $0xffff, v2;
	v2 =	vld [tilespmem:s30+$0xFFFFFF30]  }
0x149: {  	v10 =	vor.u32 $0x7, v48;
	v51 =	vld [tilespmem:s30+$0xFFFFFFD0];
	[tilespmem:v47+s20+$0x0] =	vst.idx.msk $0xffff, v4;
	v4 =	vmul.f32 $5.656854150e+00, v53  }
0x14a: {  	v57 =	vor.u32 $0x1, v48;
	v52 =	vld [tilespmem:s30+$0xFFFFFF10];
	[tilespmem:v45+s20+$0x0] =	vst.idx.msk $0xffff, v5;
	v5 =	vmul.f32 $5.656854150e+00, v55  }
0x14b: {  	v12 =	vor.u32 $0x2, v48;
	v3 =	vmul.f32 $5.656854150e+00, v7;
	[tilespmem:v43+s20+$0x0] =	vst.idx.msk $0xffff, v4;
	v4 =	vld [tilespmem:s30+$0xFFFFFF90]  }
0x14c: {  	v13 =	vor.u32 $0x3, v48;
	v9 =	vmul.f32 $5.656854150e+00, v9;
	[tilespmem:v44+s20+$0x0] =	vst.idx.msk $0xffff, v5;
	v5 =	vld [tilespmem:s30+$0xFFFFFFB0]  }
0x14d: {  	v58 =	vor.u32 $0x4, v48;
	[tilespmem:v40+s20+$0x0] =	vst.idx.msk $0xffff, v3;
	v1 =	vld [tilespmem:s28+$0xFFFFFFC0];
	v2 =	vmul.f32 $5.656854150e+00, v2  }
0x14e: {  	v59 =	vor.u32 $0x5, v48;
	[tilespmem:v10+s20+$0x0] =	vst.idx.msk $0xffff, v9;
	v6 =	vmul.f32 $5.656854150e+00, v56;
	v3 =	vld [tilespmem:s28+$0xFFFFFFE0]  }
0x14f: {  	v54 =	vor.u32 $0x6, v48;
	v7 =	vld [tilespmem:s28+$0xFFFFFF20];
	[tilespmem:v57+s20+$0x0] =	vst.idx.msk $0xffff, v2;
	v2 =	vmul.f32 $5.656854150e+00, v11  }
0x150: {  	[tilespmem:v12+s20+$0x0] =	vst.idx.msk $0xffff, v6;
	v55 =	vld [tilespmem:s30+$0x0];
	v4 =	vmul.f32 $5.656854150e+00, v4  }
0x151: {  	v10 =	vld [tilespmem:s30+$0xFFFFFF40];
	[tilespmem:v13+s20+$0x0] =	vst.idx.msk $0xffff, v2;
	v2 =	vmul.f32 $5.656854150e+00, v5  }
0x152: {  	v6 =	vld [tilespmem:s30+$0xFFFFFF60];
	v50 =	vmul.f32 $5.656854150e+00, v1;
	v1 =	vmul.f32 $5.656854150e+00, v51;
	v5 =	vadd.s32 $0x807, v48;
	[tilespmem:v58+s20+$0x0] =	vst.idx.msk $0xffff, v4  }
0x153: {  	v51 =	vmul.f32 $5.656854150e+00, v3;
	v3 =	vmul.f32 $5.656854150e+00, v52;
	v62 =	vld [tilespmem:s30+$0xFFFFFF80];
	[tilespmem:v59+s20+$0x0] =	vst.idx.msk $0xffff, v2;
	v59 =	vadd.s32 $0x801, v48  }
0x154: {  	v7 =	vmul.f32 $5.656854150e+00, v7;
	[tilespmem:v54+s20+$0x0] =	vst.idx.msk $0xffff, v1;
	v57 =	vadd.s32 $0x802, v48;
	v63 =	vld [tilespmem:s30+$0xFFFFFFA0]  }
0x155: {  	[tilespmem:v48+s20+$0x0] =	vst.idx.msk $0xffff, v3;
	v61 =	vld [tilespmem:s30+$0xFFFFFFE0];
	v4 =	vmul.f32 $5.656854150e+00, v55;
	v58 =	vadd.s32 $0x803, v48  }
0x156: {  	v49 =	vadd.s32 $0x800, v48;
	v56 =	vadd.s32 $0x804, v48;
	s28 =	simm.s32 $0x98F0;
	[tilespmem:v38+s20+$0x0] =	vst.idx.msk $0xffff, v7;
	v1 =	vld [tilespmem:s30+$0xFFFFFF20];
	v3 =	vmul.f32 $5.656854150e+00, v10  }
0x157: {  	s29 =	simm.s32 $0x8;
	v53 =	vmovc v33;
	v52 =	vmovc v34;
	v54 =	vadd.s32 $0x806, v48;
	v55 =	vadd.s32 $0x805, v48;
	v2 =	vmul.f32 $5.656854150e+00, v6;
	v60 =	vld [tilespmem:s30+$0xFFFFFFC0];
	s30 =	simm.s32 $0x8AF0;
	[tilespmem:v5+s20+$0x0] =	vst.idx.msk $0xffff, v4  }
.LBB2_7:
0x158: {  	v4 =	vld [tilespmem:s30+$0xFFFFFFF0];
	s29 =	sadd.s32 $0x8, s29;
	[tilespmem:v59+s20+$0x0] =	vst.idx.msk $0xffff, v3;
	v3 =	vmul.f32 $5.656854150e+00, v62  }
0x159: {  	v48 =	vadd.s32 $0x8, v48;
	v5 =	vld [tilespmem:s30+$0xFFFFFF30];
	p0 =	slt.u32 s29, $0x78;
	[tilespmem:v57+s20+$0x0] =	vst.idx.msk $0xffff, v2;
	v2 =	vmul.f32 $5.656854150e+00, v63  }
0x15a: {  	v6 =	vor.u32 $0x1, v48;
	v7 =	vor.u32 $0x2, v48;
	v9 =	vor.u32 $0x7, v48;
	v8 =	vld [tilespmem:s30+$0xFFFFFF50];
	[tilespmem:v58+s20+$0x0] =	vst.idx.msk $0xffff, v3  }
0x15b: {  	v11 =	vor.u32 $0x4, v48;
	v12 =	vor.u32 $0x5, v48;
	v3 =	vor.u32 $0x3, v48;
	v10 =	vld [tilespmem:s30+$0xFFFFFF70];
	[tilespmem:v56+s20+$0x0] =	vst.idx.msk $0xffff, v2  }
0x15c: {  	v13 =	vor.u32 $0x6, v48;
	v2 =	vld [tilespmem:s30+$0xFFFFFF90];
	v1 =	vmul.f32 $5.656854150e+00, v1;
	[tilespmem:v53+s20+$0x0] =	vst.idx.msk $0xffff, v50;
	v50 =	vmul.f32 $5.656854150e+00, v60;
	v53 =	vmovc v55  }
0x15d: {  	v55 =	vadd.s32 $0x800, v48;
	v60 =	vld [tilespmem:s30+$0xFFFFFFB0];
	v4 =	vmul.f32 $5.656854150e+00, v4;
	[tilespmem:v52+s20+$0x0] =	vst.idx.msk $0xffff, v51;
	v51 =	vmul.f32 $5.656854150e+00, v61;
	v52 =	vmovc v54  }
0x15e: {  	v59 =	vadd.s32 $0x801, v48;
	v57 =	vadd.s32 $0x802, v48;
	v5 =	vmul.f32 $5.656854150e+00, v5;
	v61 =	vld [tilespmem:s30+$0xFFFFFFD0];
	[tilespmem:v49+s20+$0x0] =	vst.idx.msk $0xffff, v1;
	v49 =	vmovc v55  }
0x15f: {  	v58 =	vadd.s32 $0x803, v48;
	v56 =	vadd.s32 $0x804, v48;
	v1 =	vld [tilespmem:s30+$0xFFFFFF10];
	v8 =	vmul.f32 $5.656854150e+00, v8;
	[tilespmem:v9+s20+$0x0] =	vst.idx.msk $0xffff, v4  }
0x160: {  	v54 =	vadd.s32 $0x806, v48;
	v55 =	vadd.s32 $0x805, v48;
	[tilespmem:v6+s20+$0x0] =	vst.idx.msk $0xffff, v5;
	v4 =	vmul.f32 $5.656854150e+00, v10;
	v5 =	vld [tilespmem:s30+$0x0]  }
0x161: {  	v6 =	vld [tilespmem:s30+$0xFFFFFF40];
	[tilespmem:v7+s20+$0x0] =	vst.idx.msk $0xffff, v8;
	v2 =	vmul.f32 $5.656854150e+00, v2  }
0x162: {  	v7 =	vld [tilespmem:s30+$0xFFFFFF60];
	[tilespmem:v3+s20+$0x0] =	vst.idx.msk $0xffff, v4;
	v3 =	vmul.f32 $5.656854150e+00, v60;
	v4 =	vadd.s32 $0x807, v48  }
.Ltmp2:
0x163: {  	v62 =	vld [tilespmem:s30+$0xFFFFFF80];
	[tilespmem:v11+s20+$0x0] =	vst.idx.msk $0xffff, v2;
	v2 =	vmul.f32 $5.656854150e+00, v61;
	(pc) =	sbr.rel @p0 .LBB2_7-.Ltmp2, $4  }
0x164: {  	v1 =	vmul.f32 $5.656854150e+00, v1;
	v63 =	vld [tilespmem:s30+$0xFFFFFFA0];
	[tilespmem:v12+s20+$0x0] =	vst.idx.msk $0xffff, v3  }
0x165: {  	v60 =	vld [tilespmem:s30+$0xFFFFFFC0];
	[tilespmem:v13+s20+$0x0] =	vst.idx.msk $0xffff, v2;
	v5 =	vmul.f32 $5.656854150e+00, v5  }
0x166: {  	[tilespmem:v48+s20+$0x0] =	vst.idx.msk $0xffff, v1;
	v3 =	vmul.f32 $5.656854150e+00, v6;
	v61 =	vld [tilespmem:s30+$0xFFFFFFE0]  }
0x167: {  	v1 =	vld [tilespmem:s30+$0xFFFFFF20];
	v2 =	vmul.f32 $5.656854150e+00, v7;
	[tilespmem:v4+s20+$0x0] =	vst.idx.msk $0xffff, v5;
	s30 =	sadd.s32 $0x100, s30  }
0x168: {  	_ =	sdelay $0x3  }
0x169: {  	[tilespmem:v59+s20+$0x0] =	vst.idx.msk $0xffff, v3  }
0x16a: {  	[tilespmem:v53+s20+$0x0] =	vst.idx.msk $0xffff, v50  }
0x16b: {  	[tilespmem:v57+s20+$0x0] =	vst.idx.msk $0xffff, v2;
	v2 =	vmul.f32 $5.656854150e+00, v63  }
0x16c: {  	v3 =	vmul.f32 $5.656854150e+00, v62;
	[tilespmem:v52+s20+$0x0] =	vst.idx.msk $0xffff, v51  }
0x16d: {  	[tilespmem:v56+s20+$0x0] =	vst.idx.msk $0xffff, v2;
	v2 =	vmul.f32 $5.656854150e+00, v60  }
0x16e: {  	[tilespmem:v58+s20+$0x0] =	vst.idx.msk $0xffff, v3;
	v3 =	vmul.f32 $5.656854150e+00, v61  }
0x16f: {  	v1 =	vmul.f32 $5.656854150e+00, v1;
	[tilespmem:v55+s20+$0x0] =	vst.idx.msk $0xffff, v2  }
0x170: {  	[tilespmem:v54+s20+$0x0] =	vst.idx.msk $0xffff, v3  }
0x171: {  	[tilespmem:v49+s20+$0x0] =	vst.idx.msk $0xffff, v1  }
0x172: {  	v1 =	vld [tilespmem:s28+$0xFFFFFFF0]  }
0x173: {  	v2 =	vld [tilespmem:s28+$0xFFFFFF30]  }
0x174: {  	v3 =	vld [tilespmem:s28+$0xFFFFFF50]  }
0x175: {  	v4 =	vld [tilespmem:s28+$0xFFFFFF70]  }
0x176: {  	v5 =	vld [tilespmem:s28+$0xFFFFFF90]  }
0x177: {  	v6 =	vld [tilespmem:s28+$0xFFFFFFB0]  }
0x178: {  	v7 =	vld [tilespmem:s28+$0xFFFFFFD0];
	v1 =	vmul.f32 $5.656854150e+00, v1  }
0x179: {  	s29 =	simm.s32 $0x99F0;
	v8 =	vld [tilespmem:s28+$0xFFFFFF10];
	v2 =	vmul.f32 $5.656854150e+00, v2  }
0x17a: {  	v9 =	vld [tilespmem:s29+$0xFFFFFFF0];
	v3 =	vmul.f32 $5.656854150e+00, v3;
	[tilespmem:v42+s21+$0x0] =	vst.idx.msk $0xffff, v1  }
0x17b: {  	[tilespmem:v41+s21+$0x0] =	vst.idx.msk $0xffff, v2;
	v1 =	vmul.f32 $5.656854150e+00, v4;
	v2 =	vld [tilespmem:s28+$0x0]  }
0x17c: {  	[tilespmem:v39+s21+$0x0] =	vst.idx.msk $0xffff, v3;
	v3 =	vmul.f32 $5.656854150e+00, v5;
	v4 =	vld [tilespmem:s28+$0xFFFFFF40]  }
0x17d: {  	v5 =	vld [tilespmem:s28+$0xFFFFFF60];
	[tilespmem:v36+s21+$0x0] =	vst.idx.msk $0xffff, v1  }
0x17e: {  	v54 =	vmul.f32 $5.656854150e+00, v8;
	[tilespmem:v37+s21+$0x0] =	vst.idx.msk $0xffff, v3;
	v53 =	vld [tilespmem:s28+$0xFFFFFF80]  }
0x17f: {  	v1 =	vmul.f32 $5.656854150e+00, v6;
	v55 =	vld [tilespmem:s28+$0xFFFFFFA0]  }
0x180: {  	v56 =	vld [tilespmem:s29+$0xFFFFFF50];
	[tilespmem:v32+s21+$0x0] =	vst.idx.msk $0xffff, v54;
	v2 =	vmul.f32 $5.656854150e+00, v2  }
0x181: {  	v11 =	vld [tilespmem:s29+$0xFFFFFF70];
	[tilespmem:v35+s21+$0x0] =	vst.idx.msk $0xffff, v1;
	v4 =	vmul.f32 $5.656854150e+00, v4  }
0x182: {  	v48 =	vadd.s32 $0x8, v32;
	v5 =	vmul.f32 $5.656854150e+00, v5;
	[tilespmem:v46+s21+$0x0] =	vst.idx.msk $0xffff, v2;
	v2 =	vld [tilespmem:s29+$0xFFFFFF30]  }
0x183: {  	v10 =	vor.u32 $0x7, v48;
	v51 =	vld [tilespmem:s29+$0xFFFFFFD0];
	[tilespmem:v47+s21+$0x0] =	vst.idx.msk $0xffff, v4;
	v4 =	vmul.f32 $5.656854150e+00, v53  }
0x184: {  	v57 =	vor.u32 $0x1, v48;
	v52 =	vld [tilespmem:s29+$0xFFFFFF10];
	[tilespmem:v45+s21+$0x0] =	vst.idx.msk $0xffff, v5;
	v5 =	vmul.f32 $5.656854150e+00, v55  }
0x185: {  	v12 =	vor.u32 $0x2, v48;
	v3 =	vmul.f32 $5.656854150e+00, v7;
	[tilespmem:v43+s21+$0x0] =	vst.idx.msk $0xffff, v4;
	v4 =	vld [tilespmem:s29+$0xFFFFFF90]  }
0x186: {  	v13 =	vor.u32 $0x3, v48;
	v9 =	vmul.f32 $5.656854150e+00, v9;
	[tilespmem:v44+s21+$0x0] =	vst.idx.msk $0xffff, v5;
	v5 =	vld [tilespmem:s29+$0xFFFFFFB0]  }
0x187: {  	v58 =	vor.u32 $0x4, v48;
	[tilespmem:v40+s21+$0x0] =	vst.idx.msk $0xffff, v3;
	v1 =	vld [tilespmem:s28+$0xFFFFFFC0];
	v2 =	vmul.f32 $5.656854150e+00, v2  }
0x188: {  	v59 =	vor.u32 $0x5, v48;
	[tilespmem:v10+s21+$0x0] =	vst.idx.msk $0xffff, v9;
	v6 =	vmul.f32 $5.656854150e+00, v56;
	v3 =	vld [tilespmem:s28+$0xFFFFFFE0]  }
0x189: {  	v54 =	vor.u32 $0x6, v48;
	v7 =	vld [tilespmem:s28+$0xFFFFFF20];
	[tilespmem:v57+s21+$0x0] =	vst.idx.msk $0xffff, v2;
	v2 =	vmul.f32 $5.656854150e+00, v11  }
0x18a: {  	[tilespmem:v12+s21+$0x0] =	vst.idx.msk $0xffff, v6;
	v55 =	vld [tilespmem:s29+$0x0];
	v4 =	vmul.f32 $5.656854150e+00, v4  }
0x18b: {  	v10 =	vld [tilespmem:s29+$0xFFFFFF40];
	[tilespmem:v13+s21+$0x0] =	vst.idx.msk $0xffff, v2;
	v2 =	vmul.f32 $5.656854150e+00, v5  }
0x18c: {  	v6 =	vld [tilespmem:s29+$0xFFFFFF60];
	v50 =	vmul.f32 $5.656854150e+00, v1;
	v1 =	vmul.f32 $5.656854150e+00, v51;
	v5 =	vadd.s32 $0x807, v48;
	[tilespmem:v58+s21+$0x0] =	vst.idx.msk $0xffff, v4  }
0x18d: {  	v51 =	vmul.f32 $5.656854150e+00, v3;
	v3 =	vmul.f32 $5.656854150e+00, v52;
	v62 =	vld [tilespmem:s29+$0xFFFFFF80];
	[tilespmem:v59+s21+$0x0] =	vst.idx.msk $0xffff, v2;
	v59 =	vadd.s32 $0x801, v48  }
0x18e: {  	v7 =	vmul.f32 $5.656854150e+00, v7;
	[tilespmem:v54+s21+$0x0] =	vst.idx.msk $0xffff, v1;
	v57 =	vadd.s32 $0x802, v48;
	v63 =	vld [tilespmem:s29+$0xFFFFFFA0]  }
0x18f: {  	[tilespmem:v48+s21+$0x0] =	vst.idx.msk $0xffff, v3;
	v61 =	vld [tilespmem:s29+$0xFFFFFFE0];
	v4 =	vmul.f32 $5.656854150e+00, v55;
	v58 =	vadd.s32 $0x803, v48  }
0x190: {  	v49 =	vadd.s32 $0x800, v48;
	v56 =	vadd.s32 $0x804, v48;
	[tilespmem:v38+s21+$0x0] =	vst.idx.msk $0xffff, v7;
	v1 =	vld [tilespmem:s29+$0xFFFFFF20];
	v3 =	vmul.f32 $5.656854150e+00, v10  }
0x191: {  	s28 =	simm.s32 $0x8;
	v53 =	vmovc v33;
	v52 =	vmovc v34;
	v54 =	vadd.s32 $0x806, v48;
	v55 =	vadd.s32 $0x805, v48;
	v2 =	vmul.f32 $5.656854150e+00, v6;
	v60 =	vld [tilespmem:s29+$0xFFFFFFC0];
	s29 =	simm.s32 $0x9AF0;
	[tilespmem:v5+s21+$0x0] =	vst.idx.msk $0xffff, v4  }
.LBB2_9:
0x192: {  	v4 =	vld [tilespmem:s29+$0xFFFFFFF0];
	s28 =	sadd.s32 $0x8, s28;
	[tilespmem:v59+s21+$0x0] =	vst.idx.msk $0xffff, v3;
	v3 =	vmul.f32 $5.656854150e+00, v62  }
0x193: {  	v48 =	vadd.s32 $0x8, v48;
	v5 =	vld [tilespmem:s29+$0xFFFFFF30];
	p0 =	slt.u32 s28, $0x78;
	[tilespmem:v57+s21+$0x0] =	vst.idx.msk $0xffff, v2;
	v2 =	vmul.f32 $5.656854150e+00, v63  }
0x194: {  	v6 =	vor.u32 $0x1, v48;
	v7 =	vor.u32 $0x2, v48;
	v9 =	vor.u32 $0x7, v48;
	v8 =	vld [tilespmem:s29+$0xFFFFFF50];
	[tilespmem:v58+s21+$0x0] =	vst.idx.msk $0xffff, v3  }
0x195: {  	v11 =	vor.u32 $0x4, v48;
	v12 =	vor.u32 $0x5, v48;
	v3 =	vor.u32 $0x3, v48;
	v10 =	vld [tilespmem:s29+$0xFFFFFF70];
	[tilespmem:v56+s21+$0x0] =	vst.idx.msk $0xffff, v2  }
0x196: {  	v13 =	vor.u32 $0x6, v48;
	v2 =	vld [tilespmem:s29+$0xFFFFFF90];
	v1 =	vmul.f32 $5.656854150e+00, v1;
	[tilespmem:v53+s21+$0x0] =	vst.idx.msk $0xffff, v50;
	v50 =	vmul.f32 $5.656854150e+00, v60;
	v53 =	vmovc v55  }
0x197: {  	v55 =	vadd.s32 $0x800, v48;
	v60 =	vld [tilespmem:s29+$0xFFFFFFB0];
	v4 =	vmul.f32 $5.656854150e+00, v4;
	[tilespmem:v52+s21+$0x0] =	vst.idx.msk $0xffff, v51;
	v51 =	vmul.f32 $5.656854150e+00, v61;
	v52 =	vmovc v54  }
0x198: {  	v59 =	vadd.s32 $0x801, v48;
	v57 =	vadd.s32 $0x802, v48;
	v5 =	vmul.f32 $5.656854150e+00, v5;
	v61 =	vld [tilespmem:s29+$0xFFFFFFD0];
	[tilespmem:v49+s21+$0x0] =	vst.idx.msk $0xffff, v1;
	v49 =	vmovc v55  }
0x199: {  	v58 =	vadd.s32 $0x803, v48;
	v56 =	vadd.s32 $0x804, v48;
	v1 =	vld [tilespmem:s29+$0xFFFFFF10];
	v8 =	vmul.f32 $5.656854150e+00, v8;
	[tilespmem:v9+s21+$0x0] =	vst.idx.msk $0xffff, v4  }
0x19a: {  	v54 =	vadd.s32 $0x806, v48;
	v55 =	vadd.s32 $0x805, v48;
	[tilespmem:v6+s21+$0x0] =	vst.idx.msk $0xffff, v5;
	v4 =	vmul.f32 $5.656854150e+00, v10;
	v5 =	vld [tilespmem:s29+$0x0]  }
0x19b: {  	v6 =	vld [tilespmem:s29+$0xFFFFFF40];
	[tilespmem:v7+s21+$0x0] =	vst.idx.msk $0xffff, v8;
	v2 =	vmul.f32 $5.656854150e+00, v2  }
0x19c: {  	v7 =	vld [tilespmem:s29+$0xFFFFFF60];
	[tilespmem:v3+s21+$0x0] =	vst.idx.msk $0xffff, v4;
	v3 =	vmul.f32 $5.656854150e+00, v60;
	v4 =	vadd.s32 $0x807, v48  }
.Ltmp3:
0x19d: {  	v62 =	vld [tilespmem:s29+$0xFFFFFF80];
	[tilespmem:v11+s21+$0x0] =	vst.idx.msk $0xffff, v2;
	v2 =	vmul.f32 $5.656854150e+00, v61;
	(pc) =	sbr.rel @p0 .LBB2_9-.Ltmp3, $4  }
0x19e: {  	v1 =	vmul.f32 $5.656854150e+00, v1;
	v63 =	vld [tilespmem:s29+$0xFFFFFFA0];
	[tilespmem:v12+s21+$0x0] =	vst.idx.msk $0xffff, v3  }
0x19f: {  	v60 =	vld [tilespmem:s29+$0xFFFFFFC0];
	[tilespmem:v13+s21+$0x0] =	vst.idx.msk $0xffff, v2;
	v5 =	vmul.f32 $5.656854150e+00, v5  }
0x1a0: {  	[tilespmem:v48+s21+$0x0] =	vst.idx.msk $0xffff, v1;
	v3 =	vmul.f32 $5.656854150e+00, v6;
	v61 =	vld [tilespmem:s29+$0xFFFFFFE0]  }
0x1a1: {  	v1 =	vld [tilespmem:s29+$0xFFFFFF20];
	v2 =	vmul.f32 $5.656854150e+00, v7;
	[tilespmem:v4+s21+$0x0] =	vst.idx.msk $0xffff, v5;
	s29 =	sadd.s32 $0x100, s29  }
0x1a2: {  	_ =	sdelay $0x3  }
0x1a3: {  	[tilespmem:v59+s21+$0x0] =	vst.idx.msk $0xffff, v3  }
0x1a4: {  	[tilespmem:v53+s21+$0x0] =	vst.idx.msk $0xffff, v50  }
0x1a5: {  	[tilespmem:v57+s21+$0x0] =	vst.idx.msk $0xffff, v2;
	v2 =	vmul.f32 $5.656854150e+00, v63  }
0x1a6: {  	v3 =	vmul.f32 $5.656854150e+00, v62;
	[tilespmem:v52+s21+$0x0] =	vst.idx.msk $0xffff, v51  }
0x1a7: {  	[tilespmem:v56+s21+$0x0] =	vst.idx.msk $0xffff, v2;
	v2 =	vmul.f32 $5.656854150e+00, v60  }
0x1a8: {  	s28 =	sshll.u32 s17, $0x14;
	[tilespmem:v58+s21+$0x0] =	vst.idx.msk $0xffff, v3;
	v3 =	vmul.f32 $5.656854150e+00, v61  }
0x1a9: {  	s29 =	sor.u32 s5, s28;
	v1 =	vmul.f32 $5.656854150e+00, v1;
	[tilespmem:v55+s21+$0x0] =	vst.idx.msk $0xffff, v2  }
0x1aa: {  	s29 =	sshrl.u32 s29, $0x3;
	[tilespmem:v54+s21+$0x0] =	vst.idx.msk $0xffff, v3  }
0x1ab: {  	s29 =	sadd.s32 s2, s29;
	[tilespmem:v49+s21+$0x0] =	vst.idx.msk $0xffff, v1  }
0x1ac: {  	[hbm4b:s29+s3] =	stream.linear.scatter [tilespmem:s18], [sflag:$0x3], $0x400, $0x38;
	[tilespmem:$0x16800] =	vst v63  }
0x1ad: {  	s29 =	sor.u32 s7, s28  }
0x1ae: {  	s29 =	sshrl.u32 s29, $0x3  }
0x1af: {  	s30 =	simm.s32 $0xEC00;
	s29 =	sadd.s32 s2, s29  }
0x1b0: {  	[hbm4b:s29+s3] =	stream.linear.scatter [tilespmem:s30], [sflag:$0x3], $0x400, $0x38;
	[tilespmem:$0x16800] =	vst v63  }
0x1b1: {  	s29 =	sor.u32 s8, s28  }
0x1b2: {  	s29 =	sshrl.u32 s29, $0x3  }
0x1b3: {  	s31 =	simm.s32 $0xF000;
	s29 =	sadd.s32 s2, s29  }
0x1b4: {  	[hbm4b:s29+s3] =	stream.linear.scatter [tilespmem:s31], [sflag:$0x3], $0x400, $0x38;
	[tilespmem:$0x16800] =	vst v63  }
0x1b5: {  	s29 =	sor.u32 s9, s28  }
0x1b6: {  	s29 =	sshrl.u32 s29, $0x3  }
0x1b7: {  	s31 =	simm.s32 $0xF400;
	s29 =	sadd.s32 s2, s29  }
0x1b8: {  	[hbm4b:s29+s3] =	stream.linear.scatter [tilespmem:s31], [sflag:$0x3], $0x400, $0x38;
	[tilespmem:$0x16800] =	vst v63  }
0x1b9: {  	s29 =	sor.u32 $0x20000, s28  }
0x1ba: {  	s31 =	sor.u32 s5, s29  }
0x1bb: {  	s30 =	sshrl.u32 s31, $0x3  }
0x1bc: {  	s31 =	sor.u32 s7, s29;
	s30 =	sadd.s32 s2, s30  }
0x1bd: {  	[hbm4b:s30+s3] =	stream.linear.scatter [tilespmem:s19], [sflag:$0x3], $0x400, $0x38;
	[tilespmem:$0x16800] =	vst v63  }
0x1be: {  	s30 =	sshrl.u32 s31, $0x3  }
0x1bf: {  	s31 =	simm.s32 $0xFC00;
	s30 =	sadd.s32 s2, s30  }
0x1c0: {  	[hbm4b:s30+s3] =	stream.linear.scatter [tilespmem:s31], [sflag:$0x3], $0x400, $0x38;
	[tilespmem:$0x16800] =	vst v63  }
0x1c1: {  	s31 =	sor.u32 s8, s29  }
0x1c2: {  	s29 =	sor.u32 s9, s29;
	s30 =	sshrl.u32 s31, $0x3  }
0x1c3: {  	s31 =	simm.s32 $0x10000;
	s29 =	sshrl.u32 s29, $0x3;
	s30 =	sadd.s32 s2, s30  }
0x1c4: {  	[hbm4b:s30+s3] =	stream.linear.scatter [tilespmem:s31], [sflag:$0x3], $0x400, $0x38;
	[tilespmem:$0x16800] =	vst v63  }
0x1c5: {  	s29 =	sadd.s32 s2, s29;
	s31 =	simm.s32 $0x10400  }
0x1c6: {  	[hbm4b:s29+s3] =	stream.linear.scatter [tilespmem:s31], [sflag:$0x3], $0x400, $0x38;
	[tilespmem:$0x16800] =	vst v63  }
0x1c7: {  	s29 =	sor.u32 $0x40000, s28  }
0x1c8: {  	s31 =	sor.u32 s5, s29  }
0x1c9: {  	s30 =	sshrl.u32 s31, $0x3  }
0x1ca: {  	s31 =	sor.u32 s7, s29;
	s30 =	sadd.s32 s2, s30  }
0x1cb: {  	[hbm4b:s30+s3] =	stream.linear.scatter [tilespmem:s20], [sflag:$0x3], $0x400, $0x38;
	[tilespmem:$0x16800] =	vst v63  }
0x1cc: {  	s30 =	sshrl.u32 s31, $0x3  }
0x1cd: {  	s31 =	simm.s32 $0x10C00;
	s30 =	sadd.s32 s2, s30  }
0x1ce: {  	[hbm4b:s30+s3] =	stream.linear.scatter [tilespmem:s31], [sflag:$0x3], $0x400, $0x38;
	[tilespmem:$0x16800] =	vst v63  }
0x1cf: {  	s31 =	sor.u32 s8, s29  }
0x1d0: {  	s29 =	sor.u32 s9, s29;
	s30 =	sshrl.u32 s31, $0x3  }
0x1d1: {  	s31 =	simm.s32 $0x11000;
	s29 =	sshrl.u32 s29, $0x3;
	s30 =	sadd.s32 s2, s30  }
0x1d2: {  	[hbm4b:s30+s3] =	stream.linear.scatter [tilespmem:s31], [sflag:$0x3], $0x400, $0x38;
	[tilespmem:$0x16800] =	vst v63  }
0x1d3: {  	s28 =	sor.u32 $0x60000, s28;
	s29 =	sadd.s32 s2, s29;
	s31 =	simm.s32 $0x11400  }
0x1d4: {  	[hbm4b:s29+s3] =	stream.linear.scatter [tilespmem:s31], [sflag:$0x3], $0x400, $0x38;
	[tilespmem:$0x16800] =	vst v63  }
0x1d5: {  	s29 =	sor.u32 s5, s28  }
0x1d6: {  	s29 =	sshrl.u32 s29, $0x3  }
0x1d7: {  	s29 =	sadd.s32 s2, s29  }
0x1d8: {  	[hbm4b:s29+s3] =	stream.linear.scatter [tilespmem:s21], [sflag:$0x3], $0x400, $0x38;
	[tilespmem:$0x16800] =	vst v63  }
0x1d9: {  	s29 =	sor.u32 s7, s28  }
0x1da: {  	s29 =	sshrl.u32 s29, $0x3  }
0x1db: {  	s31 =	simm.s32 $0x11C00;
	s29 =	sadd.s32 s2, s29  }
0x1dc: {  	[hbm4b:s29+s3] =	stream.linear.scatter [tilespmem:s31], [sflag:$0x3], $0x400, $0x38;
	[tilespmem:$0x16800] =	vst v63  }
0x1dd: {  	s29 =	sor.u32 s8, s28  }
0x1de: {  	p0 =	seq.s32 s17, $0x18;
	s29 =	sshrl.u32 s29, $0x3  }
0x1df: {  	v1 =	vlaneseq.u32 @!p0;
	s31 =	simm.s32 $0x12000;
	s28 =	sor.u32 s9, s28;
	s29 =	sadd.s32 s2, s29  }
0x1e0: {  	v48 =	vmul.u32 @!p0 $0xC8, v1;
	[hbm4b:s29+s3] =	stream.linear.scatter [tilespmem:s31], [sflag:$0x3], $0x400, $0x38;
	[tilespmem:$0x16800] =	vst v63  }
0x1e1: {  	s28 =	sshrl.u32 s28, $0x3;
	s29 =	sadd.s32 @!p0 $0x8, s26  }
0x1e2: {  	s28 =	sadd.s32 s2, s28;
	v1 =	vadd.s32 @!p0 s29, v48;
	s29 =	simm.s32 $0x12400  }
0x1e3: {  	[hbm4b:s28+s3] =	stream.linear.scatter [tilespmem:s29], [sflag:$0x3], $0x400, $0x38;
	[tilespmem:$0x16800] =	vst v63  }
0x1e4: {  	_ =	swait.ge [sflag:s14], $0x4000  }
0x1e5: {  	[sflag:s14] =	ssyncset.done $0x0  }
0x1e6: {  	s28 =	simm.s32 @!p0 $0x0;
	[sflag:s14] =	ssyncadd.s32 $0xFFFFC000  }
0x1e7: {  	s29 =	sadd.s32 @!p0 $0xC88, s26;
	v1 =	vld.idx.msk @!p0 [tilespmem:v1+s28+$0x0], $0xffff  }
0x1e8: {  	v2 =	vadd.s32 @!p0 s29, v48;
	_ =	sdelay $0x3  }
0x1e9: {  	[tilespmem:$0x6400] =	vst @!p0 v1  }
0x1ea: {  	s29 =	sadd.s32 @!p0 $0x1908, s26;
	v1 =	vld.idx.msk @!p0 [tilespmem:v2+s28+$0x0], $0xffff  }
0x1eb: {  	v2 =	vadd.s32 @!p0 s29, v48;
	_ =	sdelay $0x3  }
0x1ec: {  	[tilespmem:$0x6410] =	vst @!p0 v1  }
0x1ed: {  	s29 =	sadd.s32 @!p0 $0x2588, s26;
	v1 =	vld.idx.msk @!p0 [tilespmem:v2+s28+$0x0], $0xffff  }
0x1ee: {  	v2 =	vadd.s32 @!p0 s29, v48;
	_ =	sdelay $0x3  }
0x1ef: {  	[tilespmem:$0x6420] =	vst @!p0 v1  }
0x1f0: {  	s29 =	sadd.s32 @!p0 $0x3208, s26;
	v1 =	vld.idx.msk @!p0 [tilespmem:v2+s28+$0x0], $0xffff  }
0x1f1: {  	v2 =	vadd.s32 @!p0 s29, v48;
	_ =	sdelay $0x3  }
0x1f2: {  	[tilespmem:$0x6430] =	vst @!p0 v1  }
0x1f3: {  	s29 =	sadd.s32 @!p0 $0x3E88, s26;
	v1 =	vld.idx.msk @!p0 [tilespmem:v2+s28+$0x0], $0xffff  }
0x1f4: {  	v2 =	vadd.s32 @!p0 s29, v48;
	_ =	sdelay $0x3  }
0x1f5: {  	[tilespmem:$0x6440] =	vst @!p0 v1  }
0x1f6: {  	s29 =	sadd.s32 @!p0 $0x4B08, s26;
	v1 =	vld.idx.msk @!p0 [tilespmem:v2+s28+$0x0], $0xffff  }
0x1f7: {  	v2 =	vadd.s32 @!p0 s29, v48;
	_ =	sdelay $0x3  }
0x1f8: {  	[tilespmem:$0x6450] =	vst @!p0 v1  }
0x1f9: {  	s29 =	sadd.s32 @!p0 $0x5788, s26;
	v1 =	vld.idx.msk @!p0 [tilespmem:v2+s28+$0x0], $0xffff  }
0x1fa: {  	v2 =	vadd.s32 @!p0 s29, v48;
	_ =	sdelay $0x3  }
0x1fb: {  	[tilespmem:$0x6460] =	vst @!p0 v1  }
0x1fc: {  	s29 =	sadd.s32 @!p0 $0x9, s26;
	v1 =	vld.idx.msk @!p0 [tilespmem:v2+s28+$0x0], $0xffff  }
0x1fd: {  	v2 =	vadd.s32 @!p0 s29, v48;
	_ =	sdelay $0x3  }
0x1fe: {  	[tilespmem:$0x6470] =	vst @!p0 v1  }
0x1ff: {  	s29 =	sadd.s32 @!p0 $0xC89, s26;
	v1 =	vld.idx.msk @!p0 [tilespmem:v2+s28+$0x0], $0xffff  }
0x200: {  	v2 =	vadd.s32 @!p0 s29, v48;
	_ =	sdelay $0x3  }
0x201: {  	[tilespmem:$0x6480] =	vst @!p0 v1  }
0x202: {  	s29 =	sadd.s32 @!p0 $0x1909, s26;
	v1 =	vld.idx.msk @!p0 [tilespmem:v2+s28+$0x0], $0xffff  }
0x203: {  	v2 =	vadd.s32 @!p0 s29, v48;
	_ =	sdelay $0x3  }
0x204: {  	[tilespmem:$0x6490] =	vst @!p0 v1  }
0x205: {  	s29 =	sadd.s32 @!p0 $0x2589, s26;
	v1 =	vld.idx.msk @!p0 [tilespmem:v2+s28+$0x0], $0xffff  }
0x206: {  	v2 =	vadd.s32 @!p0 s29, v48;
	_ =	sdelay $0x3  }
0x207: {  	[tilespmem:$0x64A0] =	vst @!p0 v1  }
0x208: {  	s29 =	sadd.s32 @!p0 $0x3209, s26;
	v1 =	vld.idx.msk @!p0 [tilespmem:v2+s28+$0x0], $0xffff  }
0x209: {  	v2 =	vadd.s32 @!p0 s29, v48;
	_ =	sdelay $0x3  }
0x20a: {  	[tilespmem:$0x64B0] =	vst @!p0 v1  }
0x20b: {  	s29 =	sadd.s32 @!p0 $0x3E89, s26;
	v1 =	vld.idx.msk @!p0 [tilespmem:v2+s28+$0x0], $0xffff  }
0x20c: {  	v2 =	vadd.s32 @!p0 s29, v48;
	_ =	sdelay $0x3  }
0x20d: {  	[tilespmem:$0x64C0] =	vst @!p0 v1  }
0x20e: {  	s29 =	sadd.s32 @!p0 $0x4B09, s26;
	v1 =	vld.idx.msk @!p0 [tilespmem:v2+s28+$0x0], $0xffff  }
0x20f: {  	v2 =	vadd.s32 @!p0 s29, v48;
	_ =	sdelay $0x3  }
0x210: {  	[tilespmem:$0x64D0] =	vst @!p0 v1  }
0x211: {  	s29 =	sadd.s32 @!p0 $0x5789, s26;
	v1 =	vld.idx.msk @!p0 [tilespmem:v2+s28+$0x0], $0xffff  }
0x212: {  	v2 =	vadd.s32 @!p0 s29, v48;
	_ =	sdelay $0x3  }
0x213: {  	[tilespmem:$0x64E0] =	vst @!p0 v1  }
0x214: {  	s29 =	sadd.s32 @!p0 $0xA, s26;
	v1 =	vld.idx.msk @!p0 [tilespmem:v2+s28+$0x0], $0xffff  }
0x215: {  	v2 =	vadd.s32 @!p0 s29, v48;
	_ =	sdelay $0x3  }
0x216: {  	[tilespmem:$0x64F0] =	vst @!p0 v1  }
0x217: {  	s29 =	sadd.s32 @!p0 $0xC8A, s26;
	v1 =	vld.idx.msk @!p0 [tilespmem:v2+s28+$0x0], $0xffff  }
0x218: {  	v2 =	vadd.s32 @!p0 s29, v48;
	_ =	sdelay $0x3  }
0x219: {  	[tilespmem:$0x6500] =	vst @!p0 v1  }
0x21a: {  	s29 =	sadd.s32 @!p0 $0x190A, s26;
	v1 =	vld.idx.msk @!p0 [tilespmem:v2+s28+$0x0], $0xffff  }
0x21b: {  	v2 =	vadd.s32 @!p0 s29, v48;
	_ =	sdelay $0x3  }
0x21c: {  	[tilespmem:$0x6510] =	vst @!p0 v1  }
0x21d: {  	s29 =	sadd.s32 @!p0 $0x258A, s26;
	v1 =	vld.idx.msk @!p0 [tilespmem:v2+s28+$0x0], $0xffff  }
0x21e: {  	v2 =	vadd.s32 @!p0 s29, v48;
	_ =	sdelay $0x3  }
0x21f: {  	[tilespmem:$0x6520] =	vst @!p0 v1  }
0x220: {  	s29 =	sadd.s32 @!p0 $0x320A, s26;
	v1 =	vld.idx.msk @!p0 [tilespmem:v2+s28+$0x0], $0xffff  }
0x221: {  	v2 =	vadd.s32 @!p0 s29, v48;
	_ =	sdelay $0x3  }
0x222: {  	[tilespmem:$0x6530] =	vst @!p0 v1  }
0x223: {  	s29 =	sadd.s32 @!p0 $0x3E8A, s26;
	v1 =	vld.idx.msk @!p0 [tilespmem:v2+s28+$0x0], $0xffff  }
0x224: {  	v2 =	vadd.s32 @!p0 s29, v48;
	_ =	sdelay $0x3  }
0x225: {  	[tilespmem:$0x6540] =	vst @!p0 v1  }
0x226: {  	s29 =	sadd.s32 @!p0 $0x4B0A, s26;
	v1 =	vld.idx.msk @!p0 [tilespmem:v2+s28+$0x0], $0xffff  }
0x227: {  	v2 =	vadd.s32 @!p0 s29, v48;
	_ =	sdelay $0x3  }
0x228: {  	[tilespmem:$0x6550] =	vst @!p0 v1  }
0x229: {  	s29 =	sadd.s32 @!p0 $0x578A, s26;
	v1 =	vld.idx.msk @!p0 [tilespmem:v2+s28+$0x0], $0xffff  }
0x22a: {  	v2 =	vadd.s32 @!p0 s29, v48;
	_ =	sdelay $0x3  }
0x22b: {  	[tilespmem:$0x6560] =	vst @!p0 v1  }
0x22c: {  	s29 =	sadd.s32 @!p0 $0xB, s26;
	v1 =	vld.idx.msk @!p0 [tilespmem:v2+s28+$0x0], $0xffff  }
0x22d: {  	v2 =	vadd.s32 @!p0 s29, v48;
	_ =	sdelay $0x3  }
0x22e: {  	[tilespmem:$0x6570] =	vst @!p0 v1  }
0x22f: {  	s29 =	sadd.s32 @!p0 $0xC8B, s26;
	v1 =	vld.idx.msk @!p0 [tilespmem:v2+s28+$0x0], $0xffff  }
0x230: {  	v2 =	vadd.s32 @!p0 s29, v48;
	_ =	sdelay $0x3  }
0x231: {  	[tilespmem:$0x6580] =	vst @!p0 v1  }
0x232: {  	s29 =	sadd.s32 @!p0 $0x190B, s26;
	v1 =	vld.idx.msk @!p0 [tilespmem:v2+s28+$0x0], $0xffff  }
0x233: {  	v2 =	vadd.s32 @!p0 s29, v48;
	_ =	sdelay $0x3  }
0x234: {  	[tilespmem:$0x6590] =	vst @!p0 v1  }
0x235: {  	s29 =	sadd.s32 @!p0 $0x258B, s26;
	v1 =	vld.idx.msk @!p0 [tilespmem:v2+s28+$0x0], $0xffff  }
0x236: {  	v2 =	vadd.s32 @!p0 s29, v48;
	_ =	sdelay $0x3  }
0x237: {  	[tilespmem:$0x65A0] =	vst @!p0 v1  }
0x238: {  	s29 =	sadd.s32 @!p0 $0x320B, s26;
	v1 =	vld.idx.msk @!p0 [tilespmem:v2+s28+$0x0], $0xffff  }
0x239: {  	v2 =	vadd.s32 @!p0 s29, v48;
	_ =	sdelay $0x3  }
0x23a: {  	[tilespmem:$0x65B0] =	vst @!p0 v1  }
0x23b: {  	s29 =	sadd.s32 @!p0 $0x3E8B, s26;
	v1 =	vld.idx.msk @!p0 [tilespmem:v2+s28+$0x0], $0xffff  }
0x23c: {  	v2 =	vadd.s32 @!p0 s29, v48;
	_ =	sdelay $0x3  }
0x23d: {  	[tilespmem:$0x65C0] =	vst @!p0 v1  }
0x23e: {  	s29 =	sadd.s32 @!p0 $0x4B0B, s26;
	v1 =	vld.idx.msk @!p0 [tilespmem:v2+s28+$0x0], $0xffff  }
0x23f: {  	v2 =	vadd.s32 @!p0 s29, v48;
	_ =	sdelay $0x3  }
0x240: {  	[tilespmem:$0x65D0] =	vst @!p0 v1  }
0x241: {  	s26 =	sadd.s32 @!p0 $0x578B, s26;
	v1 =	vld.idx.msk @!p0 [tilespmem:v2+s28+$0x0], $0xffff  }
0x242: {  	v2 =	vadd.s32 @!p0 s26, v48;
	_ =	sdelay $0x3  }
0x243: {  	[tilespmem:$0x65E0] =	vst @!p0 v1  }
0x244: {  	v1 =	vld.idx.msk @!p0 [tilespmem:v2+s28+$0x0], $0xffff;
	_ =	sdelay $0x3  }
0x245: {  	p1 =	seq.s32 @!p0 s17, $0x0  }
0x246: {  	s29 =	simm.s32 @!p0 $0x6800;
	s26 =	simm.s32 @!p0 $0x200;
	s28 =	simm.s32 @!p0 $0x6400;
	[tilespmem:$0x65F0] =	vst @!p0 v1  }
0x247: {  	[tilespmem:s29], [sflag:$0x1] =	stream.indirect.gather @!p0 [hbm4b:s4+s26], $0x20, s28, s26, $0xb8;
	[tilespmem:$0x16800] =	vst v63  }
0x248: {  	p0 =	por p0, !p1  }
0x249: {  	_ =	swait.ge @p0 [sflag:s13], $0x4000  }
0x24a: {  	[sflag:s13] =	ssyncset.done @p0 $0x0  }
0x24b: {  	s31 =	simm.s32 $0xA800;
	[sflag:s13] =	ssyncadd.s32 @p0 $0xFFFFC000  }
0x24c: {  	v1 =	vld [tilespmem:s31+$0xE0]  }
0x24d: {  	v2 =	vld [tilespmem:s31+$0x20]  }
0x24e: {  	v3 =	vld [tilespmem:s31+$0x40]  }
0x24f: {  	v4 =	vld [tilespmem:s31+$0x60]  }
0x250: {  	v5 =	vld [tilespmem:s31+$0x80]  }
0x251: {  	v6 =	vld [tilespmem:s31+$0xA0]  }
0x252: {  	v7 =	vld [tilespmem:s31+$0xC0]  }
0x253: {  	s29 =	simm.s32 $0xA900;
	v8 =	vld [tilespmem:s31+$0x0]  }
0x254: {  	v9 =	vld [tilespmem:s29+$0xE0];
	v1 =	vmul.f32 $5.656854150e+00, v1  }
0x255: {  	v62 =	vld [tilespmem:s29+$0x40];
	v2 =	vmul.f32 $5.656854150e+00, v2  }
0x256: {  	v11 =	vld [tilespmem:s29+$0x60];
	v3 =	vmul.f32 $5.656854150e+00, v3;
	[tilespmem:v42+s6+$0x0] =	vst.idx.msk $0xffff, v1  }
0x257: {  	[tilespmem:v41+s6+$0x0] =	vst.idx.msk $0xffff, v2;
	v1 =	vmul.f32 $5.656854150e+00, v4;
	v2 =	vld [tilespmem:s31+$0xF0]  }
0x258: {  	[tilespmem:v39+s6+$0x0] =	vst.idx.msk $0xffff, v3;
	v3 =	vmul.f32 $5.656854150e+00, v5;
	v4 =	vld [tilespmem:s31+$0x30]  }
0x259: {  	v60 =	vmul.f32 $5.656854150e+00, v8;
	v5 =	vld [tilespmem:s31+$0x50];
	[tilespmem:v36+s6+$0x0] =	vst.idx.msk $0xffff, v1  }
0x25a: {  	v1 =	vmul.f32 $5.656854150e+00, v6;
	[tilespmem:v37+s6+$0x0] =	vst.idx.msk $0xffff, v3;
	v59 =	vld [tilespmem:s31+$0x70]  }
0x25b: {  	[tilespmem:v32+s6+$0x0] =	vst.idx.msk $0xffff, v60;
	v3 =	vmul.f32 $5.656854150e+00, v7;
	v61 =	vld [tilespmem:s31+$0x90]  }
0x25c: {  	v57 =	vld [tilespmem:s29+$0xC0];
	[tilespmem:v35+s6+$0x0] =	vst.idx.msk $0xffff, v1;
	v2 =	vmul.f32 $5.656854150e+00, v2  }
0x25d: {  	v48 =	vadd.s32 $0x8, v32;
	[tilespmem:v40+s6+$0x0] =	vst.idx.msk $0xffff, v3;
	v1 =	vld [tilespmem:s31+$0xB0];
	v4 =	vmul.f32 $5.656854150e+00, v4  }
0x25e: {  	v10 =	vor.u32 $0x7, v48;
	v5 =	vmul.f32 $5.656854150e+00, v5;
	[tilespmem:v46+s6+$0x0] =	vst.idx.msk $0xffff, v2;
	v2 =	vld [tilespmem:s29+$0x20]  }
0x25f: {  	v12 =	vor.u32 $0x2, v48;
	v3 =	vld [tilespmem:s31+$0xD0];
	[tilespmem:v47+s6+$0x0] =	vst.idx.msk $0xffff, v4;
	v4 =	vmul.f32 $5.656854150e+00, v59  }
0x260: {  	v63 =	vor.u32 $0x1, v48;
	[tilespmem:v45+s6+$0x0] =	vst.idx.msk $0xffff, v5;
	v5 =	vmul.f32 $5.656854150e+00, v61;
	v59 =	vld [tilespmem:s29+$0x0]  }
0x261: {  	v54 =	vor.u32 $0x6, v48;
	v9 =	vmul.f32 $5.656854150e+00, v9;
	[tilespmem:v43+s6+$0x0] =	vst.idx.msk $0xffff, v4;
	v4 =	vld [tilespmem:s29+$0x80]  }
0x262: {  	v13 =	vor.u32 $0x3, v48;
	v6 =	vmul.f32 $5.656854150e+00, v62;
	[tilespmem:v44+s6+$0x0] =	vst.idx.msk $0xffff, v5;
	v5 =	vld [tilespmem:s29+$0xA0]  }
0x263: {  	v56 =	vor.u32 $0x4, v48;
	[tilespmem:v10+s6+$0x0] =	vst.idx.msk $0xffff, v9;
	v2 =	vmul.f32 $5.656854150e+00, v2  }
0x264: {  	v7 =	vld [tilespmem:s31+$0x10];
	[tilespmem:v12+s6+$0x0] =	vst.idx.msk $0xffff, v6;
	v50 =	vmul.f32 $5.656854150e+00, v1;
	v1 =	vmul.f32 $5.656854150e+00, v57  }
0x265: {  	v58 =	vor.u32 $0x5, v48;
	v55 =	vld [tilespmem:s29+$0xF0];
	[tilespmem:v63+s6+$0x0] =	vst.idx.msk $0xffff, v2;
	v2 =	vmul.f32 $5.656854150e+00, v11  }
0x266: {  	v51 =	vmul.f32 $5.656854150e+00, v3;
	[tilespmem:v54+s6+$0x0] =	vst.idx.msk $0xffff, v1;
	v4 =	vmul.f32 $5.656854150e+00, v4;
	v10 =	vld [tilespmem:s29+$0x30]  }
0x267: {  	v6 =	vld [tilespmem:s29+$0x50];
	v3 =	vmul.f32 $5.656854150e+00, v59;
	[tilespmem:v13+s6+$0x0] =	vst.idx.msk $0xffff, v2;
	v2 =	vmul.f32 $5.656854150e+00, v5;
	v5 =	vadd.s32 $0x807, v48  }
0x268: {  	v59 =	vadd.s32 $0x801, v48;
	[tilespmem:v56+s6+$0x0] =	vst.idx.msk $0xffff, v4;
	v62 =	vld [tilespmem:s29+$0x70]  }
0x269: {  	v7 =	vmul.f32 $5.656854150e+00, v7;
	v57 =	vadd.s32 $0x802, v48;
	[tilespmem:v48+s6+$0x0] =	vst.idx.msk $0xffff, v3;
	v63 =	vld [tilespmem:s29+$0x90]  }
0x26a: {  	v61 =	vld [tilespmem:s29+$0xD0];
	v4 =	vmul.f32 $5.656854150e+00, v55;
	[tilespmem:v58+s6+$0x0] =	vst.idx.msk $0xffff, v2;
	v58 =	vadd.s32 $0x803, v48  }
0x26b: {  	v49 =	vadd.s32 $0x800, v48;
	s26 =	simm.s32 $0xB800;
	[tilespmem:v38+s6+$0x0] =	vst.idx.msk $0xffff, v7;
	v1 =	vld [tilespmem:s29+$0x10];
	v56 =	vadd.s32 $0x804, v48;
	v3 =	vmul.f32 $5.656854150e+00, v10  }
0x26c: {  	v53 =	vmovc v33;
	v52 =	vmovc v34;
	s28 =	simm.s32 $0x8;
	v54 =	vadd.s32 $0x806, v48;
	v55 =	vadd.s32 $0x805, v48;
	v2 =	vmul.f32 $5.656854150e+00, v6;
	v60 =	vld [tilespmem:s29+$0xB0];
	s29 =	simm.s32 $0xAA00;
	[tilespmem:v5+s6+$0x0] =	vst.idx.msk $0xffff, v4  }
.LBB2_11:
0x26d: {  	v4 =	vld [tilespmem:s29+$0xE0];
	s28 =	sadd.s32 $0x8, s28;
	[tilespmem:v59+s6+$0x0] =	vst.idx.msk $0xffff, v3;
	v3 =	vmul.f32 $5.656854150e+00, v62  }
0x26e: {  	v48 =	vadd.s32 $0x8, v48;
	v5 =	vld [tilespmem:s29+$0x20];
	p0 =	slt.u32 s28, $0x78;
	[tilespmem:v57+s6+$0x0] =	vst.idx.msk $0xffff, v2;
	v2 =	vmul.f32 $5.656854150e+00, v63  }
0x26f: {  	v6 =	vor.u32 $0x1, v48;
	v7 =	vor.u32 $0x2, v48;
	v9 =	vor.u32 $0x7, v48;
	v8 =	vld [tilespmem:s29+$0x40];
	[tilespmem:v58+s6+$0x0] =	vst.idx.msk $0xffff, v3  }
0x270: {  	v11 =	vor.u32 $0x4, v48;
	v12 =	vor.u32 $0x5, v48;
	v3 =	vor.u32 $0x3, v48;
	v10 =	vld [tilespmem:s29+$0x60];
	[tilespmem:v56+s6+$0x0] =	vst.idx.msk $0xffff, v2  }
0x271: {  	v13 =	vor.u32 $0x6, v48;
	v2 =	vld [tilespmem:s29+$0x80];
	v1 =	vmul.f32 $5.656854150e+00, v1;
	[tilespmem:v53+s6+$0x0] =	vst.idx.msk $0xffff, v50;
	v50 =	vmul.f32 $5.656854150e+00, v60;
	v53 =	vmovc v55  }
0x272: {  	v55 =	vadd.s32 $0x800, v48;
	v60 =	vld [tilespmem:s29+$0xA0];
	v4 =	vmul.f32 $5.656854150e+00, v4;
	[tilespmem:v52+s6+$0x0] =	vst.idx.msk $0xffff, v51;
	v51 =	vmul.f32 $5.656854150e+00, v61;
	v52 =	vmovc v54  }
0x273: {  	v59 =	vadd.s32 $0x801, v48;
	v57 =	vadd.s32 $0x802, v48;
	v5 =	vmul.f32 $5.656854150e+00, v5;
	v61 =	vld [tilespmem:s29+$0xC0];
	[tilespmem:v49+s6+$0x0] =	vst.idx.msk $0xffff, v1;
	v49 =	vmovc v55  }
0x274: {  	v58 =	vadd.s32 $0x803, v48;
	v56 =	vadd.s32 $0x804, v48;
	v1 =	vld [tilespmem:s29+$0x0];
	v8 =	vmul.f32 $5.656854150e+00, v8;
	[tilespmem:v9+s6+$0x0] =	vst.idx.msk $0xffff, v4  }
0x275: {  	v54 =	vadd.s32 $0x806, v48;
	v55 =	vadd.s32 $0x805, v48;
	[tilespmem:v6+s6+$0x0] =	vst.idx.msk $0xffff, v5;
	v4 =	vmul.f32 $5.656854150e+00, v10;
	v5 =	vld [tilespmem:s29+$0xF0]  }
0x276: {  	v6 =	vld [tilespmem:s29+$0x30];
	[tilespmem:v7+s6+$0x0] =	vst.idx.msk $0xffff, v8;
	v2 =	vmul.f32 $5.656854150e+00, v2  }
0x277: {  	v7 =	vld [tilespmem:s29+$0x50];
	[tilespmem:v3+s6+$0x0] =	vst.idx.msk $0xffff, v4;
	v3 =	vmul.f32 $5.656854150e+00, v60;
	v4 =	vadd.s32 $0x807, v48  }
.Ltmp4:
0x278: {  	v62 =	vld [tilespmem:s29+$0x70];
	[tilespmem:v11+s6+$0x0] =	vst.idx.msk $0xffff, v2;
	v2 =	vmul.f32 $5.656854150e+00, v61;
	(pc) =	sbr.rel @p0 .LBB2_11-.Ltmp4, $4  }
0x279: {  	v1 =	vmul.f32 $5.656854150e+00, v1;
	v63 =	vld [tilespmem:s29+$0x90];
	[tilespmem:v12+s6+$0x0] =	vst.idx.msk $0xffff, v3  }
0x27a: {  	v60 =	vld [tilespmem:s29+$0xB0];
	[tilespmem:v13+s6+$0x0] =	vst.idx.msk $0xffff, v2;
	v5 =	vmul.f32 $5.656854150e+00, v5  }
0x27b: {  	[tilespmem:v48+s6+$0x0] =	vst.idx.msk $0xffff, v1;
	v3 =	vmul.f32 $5.656854150e+00, v6;
	v61 =	vld [tilespmem:s29+$0xD0]  }
0x27c: {  	v1 =	vld [tilespmem:s29+$0x10];
	v2 =	vmul.f32 $5.656854150e+00, v7;
	[tilespmem:v4+s6+$0x0] =	vst.idx.msk $0xffff, v5;
	s29 =	sadd.s32 $0x100, s29  }
0x27d: {  	_ =	sdelay $0x3  }
0x27e: {  	[tilespmem:v59+s6+$0x0] =	vst.idx.msk $0xffff, v3  }
0x27f: {  	[tilespmem:v53+s6+$0x0] =	vst.idx.msk $0xffff, v50  }
0x280: {  	[tilespmem:v57+s6+$0x0] =	vst.idx.msk $0xffff, v2;
	v2 =	vmul.f32 $5.656854150e+00, v63  }
0x281: {  	v3 =	vmul.f32 $5.656854150e+00, v62;
	[tilespmem:v52+s6+$0x0] =	vst.idx.msk $0xffff, v51  }
0x282: {  	[tilespmem:v56+s6+$0x0] =	vst.idx.msk $0xffff, v2;
	v2 =	vmul.f32 $5.656854150e+00, v60  }
0x283: {  	[tilespmem:v58+s6+$0x0] =	vst.idx.msk $0xffff, v3;
	v3 =	vmul.f32 $5.656854150e+00, v61  }
0x284: {  	v1 =	vmul.f32 $5.656854150e+00, v1;
	[tilespmem:v55+s6+$0x0] =	vst.idx.msk $0xffff, v2  }
0x285: {  	[tilespmem:v54+s6+$0x0] =	vst.idx.msk $0xffff, v3  }
0x286: {  	[tilespmem:v49+s6+$0x0] =	vst.idx.msk $0xffff, v1  }
0x287: {  	v1 =	vld [tilespmem:s26+$0xE0]  }
0x288: {  	v2 =	vld [tilespmem:s26+$0x20]  }
0x289: {  	v3 =	vld [tilespmem:s26+$0x40]  }
0x28a: {  	v4 =	vld [tilespmem:s26+$0x60]  }
0x28b: {  	v5 =	vld [tilespmem:s26+$0x80]  }
0x28c: {  	v6 =	vld [tilespmem:s26+$0xA0]  }
0x28d: {  	v7 =	vld [tilespmem:s26+$0xC0];
	v1 =	vmul.f32 $5.656854150e+00, v1  }
0x28e: {  	s29 =	simm.s32 $0xB900;
	v8 =	vld [tilespmem:s26+$0x0];
	v2 =	vmul.f32 $5.656854150e+00, v2  }
0x28f: {  	v9 =	vld [tilespmem:s29+$0xE0];
	v3 =	vmul.f32 $5.656854150e+00, v3;
	[tilespmem:v42+s10+$0x0] =	vst.idx.msk $0xffff, v1  }
0x290: {  	[tilespmem:v41+s10+$0x0] =	vst.idx.msk $0xffff, v2;
	v1 =	vmul.f32 $5.656854150e+00, v4;
	v2 =	vld [tilespmem:s26+$0xF0]  }
0x291: {  	[tilespmem:v39+s10+$0x0] =	vst.idx.msk $0xffff, v3;
	v3 =	vmul.f32 $5.656854150e+00, v5;
	v4 =	vld [tilespmem:s26+$0x30]  }
0x292: {  	v5 =	vld [tilespmem:s26+$0x50];
	[tilespmem:v36+s10+$0x0] =	vst.idx.msk $0xffff, v1  }
0x293: {  	v54 =	vmul.f32 $5.656854150e+00, v8;
	[tilespmem:v37+s10+$0x0] =	vst.idx.msk $0xffff, v3;
	v53 =	vld [tilespmem:s26+$0x70]  }
0x294: {  	v1 =	vmul.f32 $5.656854150e+00, v6;
	v55 =	vld [tilespmem:s26+$0x90]  }
0x295: {  	v56 =	vld [tilespmem:s29+$0x40];
	[tilespmem:v32+s10+$0x0] =	vst.idx.msk $0xffff, v54;
	v2 =	vmul.f32 $5.656854150e+00, v2  }
0x296: {  	v11 =	vld [tilespmem:s29+$0x60];
	[tilespmem:v35+s10+$0x0] =	vst.idx.msk $0xffff, v1;
	v4 =	vmul.f32 $5.656854150e+00, v4  }
0x297: {  	v48 =	vadd.s32 $0x8, v32;
	v5 =	vmul.f32 $5.656854150e+00, v5;
	[tilespmem:v46+s10+$0x0] =	vst.idx.msk $0xffff, v2;
	v2 =	vld [tilespmem:s29+$0x20]  }
0x298: {  	v10 =	vor.u32 $0x7, v48;
	v51 =	vld [tilespmem:s29+$0xC0];
	[tilespmem:v47+s10+$0x0] =	vst.idx.msk $0xffff, v4;
	v4 =	vmul.f32 $5.656854150e+00, v53  }
0x299: {  	v57 =	vor.u32 $0x1, v48;
	v52 =	vld [tilespmem:s29+$0x0];
	[tilespmem:v45+s10+$0x0] =	vst.idx.msk $0xffff, v5;
	v5 =	vmul.f32 $5.656854150e+00, v55  }
0x29a: {  	v12 =	vor.u32 $0x2, v48;
	v3 =	vmul.f32 $5.656854150e+00, v7;
	[tilespmem:v43+s10+$0x0] =	vst.idx.msk $0xffff, v4;
	v4 =	vld [tilespmem:s29+$0x80]  }
0x29b: {  	v13 =	vor.u32 $0x3, v48;
	v9 =	vmul.f32 $5.656854150e+00, v9;
	[tilespmem:v44+s10+$0x0] =	vst.idx.msk $0xffff, v5;
	v5 =	vld [tilespmem:s29+$0xA0]  }
0x29c: {  	v58 =	vor.u32 $0x4, v48;
	[tilespmem:v40+s10+$0x0] =	vst.idx.msk $0xffff, v3;
	v1 =	vld [tilespmem:s26+$0xB0];
	v2 =	vmul.f32 $5.656854150e+00, v2  }
0x29d: {  	v59 =	vor.u32 $0x5, v48;
	[tilespmem:v10+s10+$0x0] =	vst.idx.msk $0xffff, v9;
	v6 =	vmul.f32 $5.656854150e+00, v56;
	v3 =	vld [tilespmem:s26+$0xD0]  }
0x29e: {  	v54 =	vor.u32 $0x6, v48;
	v7 =	vld [tilespmem:s26+$0x10];
	[tilespmem:v57+s10+$0x0] =	vst.idx.msk $0xffff, v2;
	v2 =	vmul.f32 $5.656854150e+00, v11  }
0x29f: {  	[tilespmem:v12+s10+$0x0] =	vst.idx.msk $0xffff, v6;
	v55 =	vld [tilespmem:s29+$0xF0];
	v4 =	vmul.f32 $5.656854150e+00, v4  }
0x2a0: {  	v10 =	vld [tilespmem:s29+$0x30];
	[tilespmem:v13+s10+$0x0] =	vst.idx.msk $0xffff, v2;
	v2 =	vmul.f32 $5.656854150e+00, v5  }
0x2a1: {  	v6 =	vld [tilespmem:s29+$0x50];
	v50 =	vmul.f32 $5.656854150e+00, v1;
	v1 =	vmul.f32 $5.656854150e+00, v51;
	v5 =	vadd.s32 $0x807, v48;
	[tilespmem:v58+s10+$0x0] =	vst.idx.msk $0xffff, v4  }
0x2a2: {  	v51 =	vmul.f32 $5.656854150e+00, v3;
	v3 =	vmul.f32 $5.656854150e+00, v52;
	v62 =	vld [tilespmem:s29+$0x70];
	[tilespmem:v59+s10+$0x0] =	vst.idx.msk $0xffff, v2;
	v59 =	vadd.s32 $0x801, v48  }
0x2a3: {  	v7 =	vmul.f32 $5.656854150e+00, v7;
	[tilespmem:v54+s10+$0x0] =	vst.idx.msk $0xffff, v1;
	v57 =	vadd.s32 $0x802, v48;
	v63 =	vld [tilespmem:s29+$0x90]  }
0x2a4: {  	[tilespmem:v48+s10+$0x0] =	vst.idx.msk $0xffff, v3;
	v61 =	vld [tilespmem:s29+$0xD0];
	v4 =	vmul.f32 $5.656854150e+00, v55;
	v58 =	vadd.s32 $0x803, v48  }
0x2a5: {  	v49 =	vadd.s32 $0x800, v48;
	v56 =	vadd.s32 $0x804, v48;
	s26 =	simm.s32 $0xC800;
	[tilespmem:v38+s10+$0x0] =	vst.idx.msk $0xffff, v7;
	v1 =	vld [tilespmem:s29+$0x10];
	v3 =	vmul.f32 $5.656854150e+00, v10  }
0x2a6: {  	s28 =	simm.s32 $0x8;
	v53 =	vmovc v33;
	v52 =	vmovc v34;
	v54 =	vadd.s32 $0x806, v48;
	v55 =	vadd.s32 $0x805, v48;
	v2 =	vmul.f32 $5.656854150e+00, v6;
	v60 =	vld [tilespmem:s29+$0xB0];
	s29 =	simm.s32 $0xBA00;
	[tilespmem:v5+s10+$0x0] =	vst.idx.msk $0xffff, v4  }
.LBB2_13:
0x2a7: {  	v4 =	vld [tilespmem:s29+$0xE0];
	s28 =	sadd.s32 $0x8, s28;
	[tilespmem:v59+s10+$0x0] =	vst.idx.msk $0xffff, v3;
	v3 =	vmul.f32 $5.656854150e+00, v62  }
0x2a8: {  	v48 =	vadd.s32 $0x8, v48;
	v5 =	vld [tilespmem:s29+$0x20];
	p0 =	slt.u32 s28, $0x78;
	[tilespmem:v57+s10+$0x0] =	vst.idx.msk $0xffff, v2;
	v2 =	vmul.f32 $5.656854150e+00, v63  }
0x2a9: {  	v6 =	vor.u32 $0x1, v48;
	v7 =	vor.u32 $0x2, v48;
	v9 =	vor.u32 $0x7, v48;
	v8 =	vld [tilespmem:s29+$0x40];
	[tilespmem:v58+s10+$0x0] =	vst.idx.msk $0xffff, v3  }
0x2aa: {  	v11 =	vor.u32 $0x4, v48;
	v12 =	vor.u32 $0x5, v48;
	v3 =	vor.u32 $0x3, v48;
	v10 =	vld [tilespmem:s29+$0x60];
	[tilespmem:v56+s10+$0x0] =	vst.idx.msk $0xffff, v2  }
0x2ab: {  	v13 =	vor.u32 $0x6, v48;
	v2 =	vld [tilespmem:s29+$0x80];
	v1 =	vmul.f32 $5.656854150e+00, v1;
	[tilespmem:v53+s10+$0x0] =	vst.idx.msk $0xffff, v50;
	v50 =	vmul.f32 $5.656854150e+00, v60;
	v53 =	vmovc v55  }
0x2ac: {  	v55 =	vadd.s32 $0x800, v48;
	v60 =	vld [tilespmem:s29+$0xA0];
	v4 =	vmul.f32 $5.656854150e+00, v4;
	[tilespmem:v52+s10+$0x0] =	vst.idx.msk $0xffff, v51;
	v51 =	vmul.f32 $5.656854150e+00, v61;
	v52 =	vmovc v54  }
0x2ad: {  	v59 =	vadd.s32 $0x801, v48;
	v57 =	vadd.s32 $0x802, v48;
	v5 =	vmul.f32 $5.656854150e+00, v5;
	v61 =	vld [tilespmem:s29+$0xC0];
	[tilespmem:v49+s10+$0x0] =	vst.idx.msk $0xffff, v1;
	v49 =	vmovc v55  }
0x2ae: {  	v58 =	vadd.s32 $0x803, v48;
	v56 =	vadd.s32 $0x804, v48;
	v1 =	vld [tilespmem:s29+$0x0];
	v8 =	vmul.f32 $5.656854150e+00, v8;
	[tilespmem:v9+s10+$0x0] =	vst.idx.msk $0xffff, v4  }
0x2af: {  	v54 =	vadd.s32 $0x806, v48;
	v55 =	vadd.s32 $0x805, v48;
	[tilespmem:v6+s10+$0x0] =	vst.idx.msk $0xffff, v5;
	v4 =	vmul.f32 $5.656854150e+00, v10;
	v5 =	vld [tilespmem:s29+$0xF0]  }
0x2b0: {  	v6 =	vld [tilespmem:s29+$0x30];
	[tilespmem:v7+s10+$0x0] =	vst.idx.msk $0xffff, v8;
	v2 =	vmul.f32 $5.656854150e+00, v2  }
0x2b1: {  	v7 =	vld [tilespmem:s29+$0x50];
	[tilespmem:v3+s10+$0x0] =	vst.idx.msk $0xffff, v4;
	v3 =	vmul.f32 $5.656854150e+00, v60;
	v4 =	vadd.s32 $0x807, v48  }
.Ltmp5:
0x2b2: {  	v62 =	vld [tilespmem:s29+$0x70];
	[tilespmem:v11+s10+$0x0] =	vst.idx.msk $0xffff, v2;
	v2 =	vmul.f32 $5.656854150e+00, v61;
	(pc) =	sbr.rel @p0 .LBB2_13-.Ltmp5, $4  }
0x2b3: {  	v1 =	vmul.f32 $5.656854150e+00, v1;
	v63 =	vld [tilespmem:s29+$0x90];
	[tilespmem:v12+s10+$0x0] =	vst.idx.msk $0xffff, v3  }
0x2b4: {  	v60 =	vld [tilespmem:s29+$0xB0];
	[tilespmem:v13+s10+$0x0] =	vst.idx.msk $0xffff, v2;
	v5 =	vmul.f32 $5.656854150e+00, v5  }
0x2b5: {  	[tilespmem:v48+s10+$0x0] =	vst.idx.msk $0xffff, v1;
	v3 =	vmul.f32 $5.656854150e+00, v6;
	v61 =	vld [tilespmem:s29+$0xD0]  }
0x2b6: {  	v1 =	vld [tilespmem:s29+$0x10];
	v2 =	vmul.f32 $5.656854150e+00, v7;
	[tilespmem:v4+s10+$0x0] =	vst.idx.msk $0xffff, v5;
	s29 =	sadd.s32 $0x100, s29  }
0x2b7: {  	_ =	sdelay $0x3  }
0x2b8: {  	[tilespmem:v59+s10+$0x0] =	vst.idx.msk $0xffff, v3  }
0x2b9: {  	[tilespmem:v53+s10+$0x0] =	vst.idx.msk $0xffff, v50  }
0x2ba: {  	[tilespmem:v57+s10+$0x0] =	vst.idx.msk $0xffff, v2;
	v2 =	vmul.f32 $5.656854150e+00, v63  }
0x2bb: {  	v3 =	vmul.f32 $5.656854150e+00, v62;
	[tilespmem:v52+s10+$0x0] =	vst.idx.msk $0xffff, v51  }
0x2bc: {  	[tilespmem:v56+s10+$0x0] =	vst.idx.msk $0xffff, v2;
	v2 =	vmul.f32 $5.656854150e+00, v60  }
0x2bd: {  	[tilespmem:v58+s10+$0x0] =	vst.idx.msk $0xffff, v3;
	v3 =	vmul.f32 $5.656854150e+00, v61  }
0x2be: {  	v1 =	vmul.f32 $5.656854150e+00, v1;
	[tilespmem:v55+s10+$0x0] =	vst.idx.msk $0xffff, v2  }
0x2bf: {  	[tilespmem:v54+s10+$0x0] =	vst.idx.msk $0xffff, v3  }
0x2c0: {  	[tilespmem:v49+s10+$0x0] =	vst.idx.msk $0xffff, v1  }
0x2c1: {  	v1 =	vld [tilespmem:s26+$0xE0]  }
0x2c2: {  	v2 =	vld [tilespmem:s26+$0x20]  }
0x2c3: {  	v3 =	vld [tilespmem:s26+$0x40]  }
0x2c4: {  	v4 =	vld [tilespmem:s26+$0x60]  }
0x2c5: {  	v5 =	vld [tilespmem:s26+$0x80]  }
0x2c6: {  	v6 =	vld [tilespmem:s26+$0xA0]  }
0x2c7: {  	v7 =	vld [tilespmem:s26+$0xC0];
	v1 =	vmul.f32 $5.656854150e+00, v1  }
0x2c8: {  	s29 =	simm.s32 $0xC900;
	v8 =	vld [tilespmem:s26+$0x0];
	v2 =	vmul.f32 $5.656854150e+00, v2  }
0x2c9: {  	v9 =	vld [tilespmem:s29+$0xE0];
	v3 =	vmul.f32 $5.656854150e+00, v3;
	[tilespmem:v42+s11+$0x0] =	vst.idx.msk $0xffff, v1  }
0x2ca: {  	[tilespmem:v41+s11+$0x0] =	vst.idx.msk $0xffff, v2;
	v1 =	vmul.f32 $5.656854150e+00, v4;
	v2 =	vld [tilespmem:s26+$0xF0]  }
0x2cb: {  	[tilespmem:v39+s11+$0x0] =	vst.idx.msk $0xffff, v3;
	v3 =	vmul.f32 $5.656854150e+00, v5;
	v4 =	vld [tilespmem:s26+$0x30]  }
0x2cc: {  	v5 =	vld [tilespmem:s26+$0x50];
	[tilespmem:v36+s11+$0x0] =	vst.idx.msk $0xffff, v1  }
0x2cd: {  	v54 =	vmul.f32 $5.656854150e+00, v8;
	[tilespmem:v37+s11+$0x0] =	vst.idx.msk $0xffff, v3;
	v53 =	vld [tilespmem:s26+$0x70]  }
0x2ce: {  	v1 =	vmul.f32 $5.656854150e+00, v6;
	v55 =	vld [tilespmem:s26+$0x90]  }
0x2cf: {  	v56 =	vld [tilespmem:s29+$0x40];
	[tilespmem:v32+s11+$0x0] =	vst.idx.msk $0xffff, v54;
	v2 =	vmul.f32 $5.656854150e+00, v2  }
0x2d0: {  	v11 =	vld [tilespmem:s29+$0x60];
	[tilespmem:v35+s11+$0x0] =	vst.idx.msk $0xffff, v1;
	v4 =	vmul.f32 $5.656854150e+00, v4  }
0x2d1: {  	v48 =	vadd.s32 $0x8, v32;
	v5 =	vmul.f32 $5.656854150e+00, v5;
	[tilespmem:v46+s11+$0x0] =	vst.idx.msk $0xffff, v2;
	v2 =	vld [tilespmem:s29+$0x20]  }
0x2d2: {  	v10 =	vor.u32 $0x7, v48;
	v51 =	vld [tilespmem:s29+$0xC0];
	[tilespmem:v47+s11+$0x0] =	vst.idx.msk $0xffff, v4;
	v4 =	vmul.f32 $5.656854150e+00, v53  }
0x2d3: {  	v57 =	vor.u32 $0x1, v48;
	v52 =	vld [tilespmem:s29+$0x0];
	[tilespmem:v45+s11+$0x0] =	vst.idx.msk $0xffff, v5;
	v5 =	vmul.f32 $5.656854150e+00, v55  }
0x2d4: {  	v12 =	vor.u32 $0x2, v48;
	v3 =	vmul.f32 $5.656854150e+00, v7;
	[tilespmem:v43+s11+$0x0] =	vst.idx.msk $0xffff, v4;
	v4 =	vld [tilespmem:s29+$0x80]  }
0x2d5: {  	v13 =	vor.u32 $0x3, v48;
	v9 =	vmul.f32 $5.656854150e+00, v9;
	[tilespmem:v44+s11+$0x0] =	vst.idx.msk $0xffff, v5;
	v5 =	vld [tilespmem:s29+$0xA0]  }
0x2d6: {  	v58 =	vor.u32 $0x4, v48;
	[tilespmem:v40+s11+$0x0] =	vst.idx.msk $0xffff, v3;
	v1 =	vld [tilespmem:s26+$0xB0];
	v2 =	vmul.f32 $5.656854150e+00, v2  }
0x2d7: {  	v59 =	vor.u32 $0x5, v48;
	[tilespmem:v10+s11+$0x0] =	vst.idx.msk $0xffff, v9;
	v6 =	vmul.f32 $5.656854150e+00, v56;
	v3 =	vld [tilespmem:s26+$0xD0]  }
0x2d8: {  	v54 =	vor.u32 $0x6, v48;
	v7 =	vld [tilespmem:s26+$0x10];
	[tilespmem:v57+s11+$0x0] =	vst.idx.msk $0xffff, v2;
	v2 =	vmul.f32 $5.656854150e+00, v11  }
0x2d9: {  	[tilespmem:v12+s11+$0x0] =	vst.idx.msk $0xffff, v6;
	v55 =	vld [tilespmem:s29+$0xF0];
	v4 =	vmul.f32 $5.656854150e+00, v4  }
0x2da: {  	v10 =	vld [tilespmem:s29+$0x30];
	[tilespmem:v13+s11+$0x0] =	vst.idx.msk $0xffff, v2;
	v2 =	vmul.f32 $5.656854150e+00, v5  }
0x2db: {  	v6 =	vld [tilespmem:s29+$0x50];
	v50 =	vmul.f32 $5.656854150e+00, v1;
	v1 =	vmul.f32 $5.656854150e+00, v51;
	v5 =	vadd.s32 $0x807, v48;
	[tilespmem:v58+s11+$0x0] =	vst.idx.msk $0xffff, v4  }
0x2dc: {  	v51 =	vmul.f32 $5.656854150e+00, v3;
	v3 =	vmul.f32 $5.656854150e+00, v52;
	v62 =	vld [tilespmem:s29+$0x70];
	[tilespmem:v59+s11+$0x0] =	vst.idx.msk $0xffff, v2;
	v59 =	vadd.s32 $0x801, v48  }
0x2dd: {  	v7 =	vmul.f32 $5.656854150e+00, v7;
	[tilespmem:v54+s11+$0x0] =	vst.idx.msk $0xffff, v1;
	v57 =	vadd.s32 $0x802, v48;
	v63 =	vld [tilespmem:s29+$0x90]  }
0x2de: {  	[tilespmem:v48+s11+$0x0] =	vst.idx.msk $0xffff, v3;
	v61 =	vld [tilespmem:s29+$0xD0];
	v4 =	vmul.f32 $5.656854150e+00, v55;
	v58 =	vadd.s32 $0x803, v48  }
0x2df: {  	v49 =	vadd.s32 $0x800, v48;
	v56 =	vadd.s32 $0x804, v48;
	s26 =	simm.s32 $0xD800;
	[tilespmem:v38+s11+$0x0] =	vst.idx.msk $0xffff, v7;
	v1 =	vld [tilespmem:s29+$0x10];
	v3 =	vmul.f32 $5.656854150e+00, v10  }
0x2e0: {  	s28 =	simm.s32 $0x8;
	v53 =	vmovc v33;
	v52 =	vmovc v34;
	v54 =	vadd.s32 $0x806, v48;
	v55 =	vadd.s32 $0x805, v48;
	v2 =	vmul.f32 $5.656854150e+00, v6;
	v60 =	vld [tilespmem:s29+$0xB0];
	s29 =	simm.s32 $0xCA00;
	[tilespmem:v5+s11+$0x0] =	vst.idx.msk $0xffff, v4  }
.LBB2_15:
0x2e1: {  	v4 =	vld [tilespmem:s29+$0xE0];
	s28 =	sadd.s32 $0x8, s28;
	[tilespmem:v59+s11+$0x0] =	vst.idx.msk $0xffff, v3;
	v3 =	vmul.f32 $5.656854150e+00, v62  }
0x2e2: {  	v48 =	vadd.s32 $0x8, v48;
	v5 =	vld [tilespmem:s29+$0x20];
	p0 =	slt.u32 s28, $0x78;
	[tilespmem:v57+s11+$0x0] =	vst.idx.msk $0xffff, v2;
	v2 =	vmul.f32 $5.656854150e+00, v63  }
0x2e3: {  	v6 =	vor.u32 $0x1, v48;
	v7 =	vor.u32 $0x2, v48;
	v9 =	vor.u32 $0x7, v48;
	v8 =	vld [tilespmem:s29+$0x40];
	[tilespmem:v58+s11+$0x0] =	vst.idx.msk $0xffff, v3  }
0x2e4: {  	v11 =	vor.u32 $0x4, v48;
	v12 =	vor.u32 $0x5, v48;
	v3 =	vor.u32 $0x3, v48;
	v10 =	vld [tilespmem:s29+$0x60];
	[tilespmem:v56+s11+$0x0] =	vst.idx.msk $0xffff, v2  }
0x2e5: {  	v13 =	vor.u32 $0x6, v48;
	v2 =	vld [tilespmem:s29+$0x80];
	v1 =	vmul.f32 $5.656854150e+00, v1;
	[tilespmem:v53+s11+$0x0] =	vst.idx.msk $0xffff, v50;
	v50 =	vmul.f32 $5.656854150e+00, v60;
	v53 =	vmovc v55  }
0x2e6: {  	v55 =	vadd.s32 $0x800, v48;
	v60 =	vld [tilespmem:s29+$0xA0];
	v4 =	vmul.f32 $5.656854150e+00, v4;
	[tilespmem:v52+s11+$0x0] =	vst.idx.msk $0xffff, v51;
	v51 =	vmul.f32 $5.656854150e+00, v61;
	v52 =	vmovc v54  }
0x2e7: {  	v59 =	vadd.s32 $0x801, v48;
	v57 =	vadd.s32 $0x802, v48;
	v5 =	vmul.f32 $5.656854150e+00, v5;
	v61 =	vld [tilespmem:s29+$0xC0];
	[tilespmem:v49+s11+$0x0] =	vst.idx.msk $0xffff, v1;
	v49 =	vmovc v55  }
0x2e8: {  	v58 =	vadd.s32 $0x803, v48;
	v56 =	vadd.s32 $0x804, v48;
	v1 =	vld [tilespmem:s29+$0x0];
	v8 =	vmul.f32 $5.656854150e+00, v8;
	[tilespmem:v9+s11+$0x0] =	vst.idx.msk $0xffff, v4  }
0x2e9: {  	v54 =	vadd.s32 $0x806, v48;
	v55 =	vadd.s32 $0x805, v48;
	[tilespmem:v6+s11+$0x0] =	vst.idx.msk $0xffff, v5;
	v4 =	vmul.f32 $5.656854150e+00, v10;
	v5 =	vld [tilespmem:s29+$0xF0]  }
0x2ea: {  	v6 =	vld [tilespmem:s29+$0x30];
	[tilespmem:v7+s11+$0x0] =	vst.idx.msk $0xffff, v8;
	v2 =	vmul.f32 $5.656854150e+00, v2  }
0x2eb: {  	v7 =	vld [tilespmem:s29+$0x50];
	[tilespmem:v3+s11+$0x0] =	vst.idx.msk $0xffff, v4;
	v3 =	vmul.f32 $5.656854150e+00, v60;
	v4 =	vadd.s32 $0x807, v48  }
.Ltmp6:
0x2ec: {  	v62 =	vld [tilespmem:s29+$0x70];
	[tilespmem:v11+s11+$0x0] =	vst.idx.msk $0xffff, v2;
	v2 =	vmul.f32 $5.656854150e+00, v61;
	(pc) =	sbr.rel @p0 .LBB2_15-.Ltmp6, $4  }
0x2ed: {  	v1 =	vmul.f32 $5.656854150e+00, v1;
	v63 =	vld [tilespmem:s29+$0x90];
	[tilespmem:v12+s11+$0x0] =	vst.idx.msk $0xffff, v3  }
0x2ee: {  	v60 =	vld [tilespmem:s29+$0xB0];
	[tilespmem:v13+s11+$0x0] =	vst.idx.msk $0xffff, v2;
	v5 =	vmul.f32 $5.656854150e+00, v5  }
0x2ef: {  	[tilespmem:v48+s11+$0x0] =	vst.idx.msk $0xffff, v1;
	v3 =	vmul.f32 $5.656854150e+00, v6;
	v61 =	vld [tilespmem:s29+$0xD0]  }
0x2f0: {  	v1 =	vld [tilespmem:s29+$0x10];
	v2 =	vmul.f32 $5.656854150e+00, v7;
	[tilespmem:v4+s11+$0x0] =	vst.idx.msk $0xffff, v5;
	s29 =	sadd.s32 $0x100, s29  }
0x2f1: {  	_ =	sdelay $0x3  }
0x2f2: {  	[tilespmem:v59+s11+$0x0] =	vst.idx.msk $0xffff, v3  }
0x2f3: {  	[tilespmem:v53+s11+$0x0] =	vst.idx.msk $0xffff, v50  }
0x2f4: {  	[tilespmem:v57+s11+$0x0] =	vst.idx.msk $0xffff, v2;
	v2 =	vmul.f32 $5.656854150e+00, v63  }
0x2f5: {  	v3 =	vmul.f32 $5.656854150e+00, v62;
	[tilespmem:v52+s11+$0x0] =	vst.idx.msk $0xffff, v51  }
0x2f6: {  	[tilespmem:v56+s11+$0x0] =	vst.idx.msk $0xffff, v2;
	v2 =	vmul.f32 $5.656854150e+00, v60  }
0x2f7: {  	[tilespmem:v58+s11+$0x0] =	vst.idx.msk $0xffff, v3;
	v3 =	vmul.f32 $5.656854150e+00, v61  }
0x2f8: {  	v1 =	vmul.f32 $5.656854150e+00, v1;
	[tilespmem:v55+s11+$0x0] =	vst.idx.msk $0xffff, v2  }
0x2f9: {  	[tilespmem:v54+s11+$0x0] =	vst.idx.msk $0xffff, v3  }
0x2fa: {  	[tilespmem:v49+s11+$0x0] =	vst.idx.msk $0xffff, v1  }
0x2fb: {  	v1 =	vld [tilespmem:s26+$0xE0]  }
0x2fc: {  	v2 =	vld [tilespmem:s26+$0x20]  }
0x2fd: {  	v3 =	vld [tilespmem:s26+$0x40]  }
0x2fe: {  	v4 =	vld [tilespmem:s26+$0x60]  }
0x2ff: {  	v5 =	vld [tilespmem:s26+$0x80]  }
0x300: {  	v6 =	vld [tilespmem:s26+$0xA0]  }
0x301: {  	v7 =	vld [tilespmem:s26+$0xC0]  }
0x302: {  	s28 =	simm.s32 $0xD900;
	v8 =	vld [tilespmem:s26+$0x0]  }
0x303: {  	v9 =	vld [tilespmem:s28+$0xE0];
	v1 =	vmul.f32 $5.656854150e+00, v1  }
0x304: {  	v55 =	vld [tilespmem:s28+$0x40];
	v2 =	vmul.f32 $5.656854150e+00, v2  }
0x305: {  	v11 =	vld [tilespmem:s28+$0x60];
	v3 =	vmul.f32 $5.656854150e+00, v3;
	[tilespmem:v42+s16+$0x0] =	vst.idx.msk $0xffff, v1  }
0x306: {  	[tilespmem:v41+s16+$0x0] =	vst.idx.msk $0xffff, v2;
	v1 =	vmul.f32 $5.656854150e+00, v4;
	v2 =	vld [tilespmem:s26+$0xF0]  }
0x307: {  	[tilespmem:v39+s16+$0x0] =	vst.idx.msk $0xffff, v3;
	v3 =	vmul.f32 $5.656854150e+00, v5;
	v4 =	vld [tilespmem:s26+$0x30]  }
0x308: {  	v53 =	vmul.f32 $5.656854150e+00, v8;
	v5 =	vld [tilespmem:s26+$0x50];
	[tilespmem:v36+s16+$0x0] =	vst.idx.msk $0xffff, v1  }
0x309: {  	v1 =	vmul.f32 $5.656854150e+00, v6;
	[tilespmem:v37+s16+$0x0] =	vst.idx.msk $0xffff, v3;
	v52 =	vld [tilespmem:s26+$0x70]  }
0x30a: {  	[tilespmem:v32+s16+$0x0] =	vst.idx.msk $0xffff, v53;
	v3 =	vmul.f32 $5.656854150e+00, v7;
	v54 =	vld [tilespmem:s26+$0x90]  }
0x30b: {  	v7 =	vld [tilespmem:s26+$0x10];
	[tilespmem:v35+s16+$0x0] =	vst.idx.msk $0xffff, v1;
	v2 =	vmul.f32 $5.656854150e+00, v2  }
0x30c: {  	v58 =	vld [tilespmem:s28+$0xC0];
	[tilespmem:v40+s16+$0x0] =	vst.idx.msk $0xffff, v3;
	v4 =	vmul.f32 $5.656854150e+00, v4  }
0x30d: {  	v35 =	vadd.s32 $0x8, v32;
	v5 =	vmul.f32 $5.656854150e+00, v5;
	[tilespmem:v46+s16+$0x0] =	vst.idx.msk $0xffff, v2;
	v2 =	vld [tilespmem:s28+$0x20]  }
0x30e: {  	v60 =	vld [tilespmem:s28+$0x0];
	v10 =	vor.u32 $0x7, v35;
	[tilespmem:v47+s16+$0x0] =	vst.idx.msk $0xffff, v4;
	v4 =	vmul.f32 $5.656854150e+00, v52  }
0x30f: {  	v1 =	vld [tilespmem:s26+$0xB0];
	v56 =	vor.u32 $0x1, v35;
	[tilespmem:v45+s16+$0x0] =	vst.idx.msk $0xffff, v5;
	v5 =	vmul.f32 $5.656854150e+00, v54  }
0x310: {  	v12 =	vor.u32 $0x2, v35;
	v7 =	vmul.f32 $5.656854150e+00, v7;
	[tilespmem:v43+s16+$0x0] =	vst.idx.msk $0xffff, v4;
	v4 =	vld [tilespmem:s28+$0x80]  }
0x311: {  	v9 =	vmul.f32 $5.656854150e+00, v9;
	v13 =	vor.u32 $0x3, v35;
	[tilespmem:v44+s16+$0x0] =	vst.idx.msk $0xffff, v5;
	v5 =	vld [tilespmem:s28+$0xA0]  }
0x312: {  	v3 =	vld [tilespmem:s26+$0xD0];
	v57 =	vor.u32 $0x4, v35;
	[tilespmem:v38+s16+$0x0] =	vst.idx.msk $0xffff, v7;
	v2 =	vmul.f32 $5.656854150e+00, v2  }
0x313: {  	v6 =	vmul.f32 $5.656854150e+00, v55;
	v61 =	vor.u32 $0x6, v35;
	[tilespmem:v10+s16+$0x0] =	vst.idx.msk $0xffff, v9  }
0x314: {  	v62 =	vld [tilespmem:s28+$0xF0];
	[tilespmem:v56+s16+$0x0] =	vst.idx.msk $0xffff, v2;
	v2 =	vmul.f32 $5.656854150e+00, v11  }
0x315: {  	v59 =	vor.u32 $0x5, v35;
	[tilespmem:v12+s16+$0x0] =	vst.idx.msk $0xffff, v6;
	v37 =	vmul.f32 $5.656854150e+00, v1;
	v4 =	vmul.f32 $5.656854150e+00, v4;
	v63 =	vld [tilespmem:s28+$0x30]  }
0x316: {  	v1 =	vmul.f32 $5.656854150e+00, v58;
	v6 =	vld [tilespmem:s28+$0x50];
	[tilespmem:v13+s16+$0x0] =	vst.idx.msk $0xffff, v2;
	v2 =	vmul.f32 $5.656854150e+00, v5;
	v5 =	vadd.s32 $0x807, v35  }
0x317: {  	v38 =	vmul.f32 $5.656854150e+00, v3;
	v3 =	vmul.f32 $5.656854150e+00, v60;
	v44 =	vadd.s32 $0x801, v35;
	[tilespmem:v57+s16+$0x0] =	vst.idx.msk $0xffff, v4;
	v47 =	vld [tilespmem:s28+$0x70]  }
0x318: {  	v42 =	vadd.s32 $0x802, v35;
	[tilespmem:v61+s16+$0x0] =	vst.idx.msk $0xffff, v1;
	v48 =	vld [tilespmem:s28+$0x90]  }
0x319: {  	v43 =	vadd.s32 $0x803, v35;
	[tilespmem:v35+s16+$0x0] =	vst.idx.msk $0xffff, v3;
	v46 =	vld [tilespmem:s28+$0xD0];
	v4 =	vmul.f32 $5.656854150e+00, v62  }
0x31a: {  	v36 =	vadd.s32 $0x800, v35;
	v41 =	vadd.s32 $0x804, v35;
	v1 =	vld [tilespmem:s28+$0x10];
	[tilespmem:v59+s16+$0x0] =	vst.idx.msk $0xffff, v2;
	v3 =	vmul.f32 $5.656854150e+00, v63  }
0x31b: {  	v40 =	vadd.s32 $0x805, v35;
	s26 =	simm.s32 $0x8;
	v39 =	vadd.s32 $0x806, v35;
	v2 =	vmul.f32 $5.656854150e+00, v6;
	v45 =	vld [tilespmem:s28+$0xB0];
	s28 =	simm.s32 $0xDA00;
	[tilespmem:v5+s16+$0x0] =	vst.idx.msk $0xffff, v4  }
.LBB2_17:
0x31c: {  	v4 =	vld [tilespmem:s28+$0xE0];
	s26 =	sadd.s32 $0x8, s26;
	[tilespmem:v44+s16+$0x0] =	vst.idx.msk $0xffff, v3;
	v3 =	vmul.f32 $5.656854150e+00, v47  }
0x31d: {  	v35 =	vadd.s32 $0x8, v35;
	v5 =	vld [tilespmem:s28+$0x20];
	p0 =	slt.u32 s26, $0x78;
	[tilespmem:v42+s16+$0x0] =	vst.idx.msk $0xffff, v2;
	v2 =	vmul.f32 $5.656854150e+00, v48  }
0x31e: {  	v6 =	vor.u32 $0x1, v35;
	v7 =	vor.u32 $0x2, v35;
	v9 =	vor.u32 $0x7, v35;
	v8 =	vld [tilespmem:s28+$0x40];
	[tilespmem:v43+s16+$0x0] =	vst.idx.msk $0xffff, v3  }
0x31f: {  	v11 =	vor.u32 $0x4, v35;
	v12 =	vor.u32 $0x5, v35;
	v3 =	vor.u32 $0x3, v35;
	v10 =	vld [tilespmem:s28+$0x60];
	[tilespmem:v41+s16+$0x0] =	vst.idx.msk $0xffff, v2  }
0x320: {  	v13 =	vor.u32 $0x6, v35;
	v2 =	vld [tilespmem:s28+$0x80];
	v1 =	vmul.f32 $5.656854150e+00, v1;
	[tilespmem:v33+s16+$0x0] =	vst.idx.msk $0xffff, v37;
	v37 =	vmul.f32 $5.656854150e+00, v45;
	v33 =	vmovc v40  }
0x321: {  	v40 =	vadd.s32 $0x800, v35;
	v45 =	vld [tilespmem:s28+$0xA0];
	v4 =	vmul.f32 $5.656854150e+00, v4;
	[tilespmem:v34+s16+$0x0] =	vst.idx.msk $0xffff, v38;
	v38 =	vmul.f32 $5.656854150e+00, v46;
	v34 =	vmovc v39  }
0x322: {  	v44 =	vadd.s32 $0x801, v35;
	v42 =	vadd.s32 $0x802, v35;
	v5 =	vmul.f32 $5.656854150e+00, v5;
	v46 =	vld [tilespmem:s28+$0xC0];
	[tilespmem:v36+s16+$0x0] =	vst.idx.msk $0xffff, v1;
	v36 =	vmovc v40  }
0x323: {  	v43 =	vadd.s32 $0x803, v35;
	v41 =	vadd.s32 $0x804, v35;
	v1 =	vld [tilespmem:s28+$0x0];
	v8 =	vmul.f32 $5.656854150e+00, v8;
	[tilespmem:v9+s16+$0x0] =	vst.idx.msk $0xffff, v4  }
0x324: {  	v39 =	vadd.s32 $0x806, v35;
	v40 =	vadd.s32 $0x805, v35;
	[tilespmem:v6+s16+$0x0] =	vst.idx.msk $0xffff, v5;
	v4 =	vmul.f32 $5.656854150e+00, v10;
	v5 =	vld [tilespmem:s28+$0xF0]  }
0x325: {  	v6 =	vld [tilespmem:s28+$0x30];
	[tilespmem:v7+s16+$0x0] =	vst.idx.msk $0xffff, v8;
	v2 =	vmul.f32 $5.656854150e+00, v2  }
0x326: {  	v7 =	vld [tilespmem:s28+$0x50];
	[tilespmem:v3+s16+$0x0] =	vst.idx.msk $0xffff, v4;
	v3 =	vmul.f32 $5.656854150e+00, v45;
	v4 =	vadd.s32 $0x807, v35  }
.Ltmp7:
0x327: {  	v47 =	vld [tilespmem:s28+$0x70];
	[tilespmem:v11+s16+$0x0] =	vst.idx.msk $0xffff, v2;
	v2 =	vmul.f32 $5.656854150e+00, v46;
	(pc) =	sbr.rel @p0 .LBB2_17-.Ltmp7, $4  }
0x328: {  	v1 =	vmul.f32 $5.656854150e+00, v1;
	v48 =	vld [tilespmem:s28+$0x90];
	[tilespmem:v12+s16+$0x0] =	vst.idx.msk $0xffff, v3  }
0x329: {  	v45 =	vld [tilespmem:s28+$0xB0];
	[tilespmem:v13+s16+$0x0] =	vst.idx.msk $0xffff, v2;
	v5 =	vmul.f32 $5.656854150e+00, v5  }
0x32a: {  	[tilespmem:v35+s16+$0x0] =	vst.idx.msk $0xffff, v1;
	v3 =	vmul.f32 $5.656854150e+00, v6;
	v46 =	vld [tilespmem:s28+$0xD0]  }
0x32b: {  	v1 =	vld [tilespmem:s28+$0x10];
	v2 =	vmul.f32 $5.656854150e+00, v7;
	[tilespmem:v4+s16+$0x0] =	vst.idx.msk $0xffff, v5;
	s28 =	sadd.s32 $0x100, s28  }
0x32c: {  	_ =	sdelay $0x3  }
0x32d: {  	[tilespmem:v44+s16+$0x0] =	vst.idx.msk $0xffff, v3  }
0x32e: {  	[tilespmem:v33+s16+$0x0] =	vst.idx.msk $0xffff, v37  }
0x32f: {  	[tilespmem:v42+s16+$0x0] =	vst.idx.msk $0xffff, v2;
	v2 =	vmul.f32 $5.656854150e+00, v48  }
0x330: {  	v3 =	vmul.f32 $5.656854150e+00, v47;
	[tilespmem:v34+s16+$0x0] =	vst.idx.msk $0xffff, v38  }
0x331: {  	[tilespmem:v41+s16+$0x0] =	vst.idx.msk $0xffff, v2;
	v2 =	vmul.f32 $5.656854150e+00, v45  }
0x332: {  	s22 =	sshll.u32 s22, $0x11;
	[tilespmem:v43+s16+$0x0] =	vst.idx.msk $0xffff, v3;
	v3 =	vmul.f32 $5.656854150e+00, v46  }
0x333: {  	s26 =	sor.u32 s5, s22;
	v1 =	vmul.f32 $5.656854150e+00, v1;
	[tilespmem:v40+s16+$0x0] =	vst.idx.msk $0xffff, v2  }
0x334: {  	s26 =	sshrl.u32 s26, $0x3;
	[tilespmem:v39+s16+$0x0] =	vst.idx.msk $0xffff, v3  }
0x335: {  	s31 =	sor.u32 s7, s22;
	s26 =	sadd.s32 s2, s26;
	[tilespmem:v36+s16+$0x0] =	vst.idx.msk $0xffff, v1  }
0x336: {  	[hbm4b:s26+s3] =	stream.linear.scatter [tilespmem:s6], [sflag:$0x4], $0x400, $0x38;
	[tilespmem:$0x16800] =	vst v63  }
0x337: {  	s26 =	sshrl.u32 s31, $0x3  }
0x338: {  	s28 =	simm.s32 $0x12C00;
	s26 =	sadd.s32 s2, s26  }
0x339: {  	[hbm4b:s26+s3] =	stream.linear.scatter [tilespmem:s28], [sflag:$0x4], $0x400, $0x38;
	[tilespmem:$0x16800] =	vst v63  }
0x33a: {  	s29 =	simm.s32 $0x13000;
	s28 =	sor.u32 s8, s22  }
0x33b: {  	s31 =	sshll.u32 s23, $0x11;
	s22 =	sor.u32 s9, s22;
	s26 =	sshrl.u32 s28, $0x3  }
0x33c: {  	s23 =	sor.u32 s5, s31;
	s22 =	sshrl.u32 s22, $0x3;
	s26 =	sadd.s32 s2, s26  }
0x33d: {  	[hbm4b:s26+s3] =	stream.linear.scatter [tilespmem:s29], [sflag:$0x4], $0x400, $0x38;
	[tilespmem:$0x16800] =	vst v63  }
0x33e: {  	s30 =	simm.s32 $0x13400;
	s23 =	sshrl.u32 s23, $0x3;
	s22 =	sadd.s32 s2, s22  }
0x33f: {  	[hbm4b:s22+s3] =	stream.linear.scatter [tilespmem:s30], [sflag:$0x4], $0x400, $0x38;
	[tilespmem:$0x16800] =	vst v63  }
0x340: {  	s23 =	sadd.s32 s2, s23;
	s26 =	sor.u32 s7, s31  }
0x341: {  	[hbm4b:s23+s3] =	stream.linear.scatter [tilespmem:s10], [sflag:$0x4], $0x400, $0x38;
	[tilespmem:$0x16800] =	vst v63  }
0x342: {  	s23 =	sshrl.u32 s26, $0x3  }
0x343: {  	s28 =	simm.s32 $0x13C00;
	s29 =	sor.u32 s8, s31;
	s23 =	sadd.s32 s2, s23  }
0x344: {  	[hbm4b:s23+s3] =	stream.linear.scatter [tilespmem:s28], [sflag:$0x4], $0x400, $0x38;
	[tilespmem:$0x16800] =	vst v63  }
0x345: {  	s22 =	sor.u32 s9, s31;
	s23 =	sshrl.u32 s29, $0x3  }
0x346: {  	s30 =	simm.s32 $0x14000;
	s22 =	sshrl.u32 s22, $0x3;
	s23 =	sadd.s32 s2, s23  }
0x347: {  	[hbm4b:s23+s3] =	stream.linear.scatter [tilespmem:s30], [sflag:$0x4], $0x400, $0x38;
	[tilespmem:$0x16800] =	vst v63  }
0x348: {  	s31 =	simm.s32 $0x14400;
	s22 =	sadd.s32 s2, s22  }
0x349: {  	[hbm4b:s22+s3] =	stream.linear.scatter [tilespmem:s31], [sflag:$0x4], $0x400, $0x38;
	[tilespmem:$0x16800] =	vst v63  }
0x34a: {  	s22 =	sshll.u32 s24, $0x11  }
0x34b: {  	s26 =	sor.u32 s5, s22  }
0x34c: {  	s23 =	sshrl.u32 s26, $0x3  }
0x34d: {  	s28 =	sor.u32 s7, s22;
	s23 =	sadd.s32 s2, s23  }
0x34e: {  	[hbm4b:s23+s3] =	stream.linear.scatter [tilespmem:s11], [sflag:$0x4], $0x400, $0x38;
	[tilespmem:$0x16800] =	vst v63  }
0x34f: {  	s29 =	simm.s32 $0x14C00;
	s23 =	sshrl.u32 s28, $0x3  }
0x350: {  	s31 =	simm.s32 $0x15000;
	s30 =	sor.u32 s8, s22;
	s23 =	sadd.s32 s2, s23  }
0x351: {  	[hbm4b:s23+s3] =	stream.linear.scatter [tilespmem:s29], [sflag:$0x4], $0x400, $0x38;
	[tilespmem:$0x16800] =	vst v63  }
0x352: {  	s22 =	sor.u32 s9, s22;
	s26 =	sshll.u32 s25, $0x11;
	s23 =	sshrl.u32 s30, $0x3  }
0x353: {  	s22 =	sshrl.u32 s22, $0x3;
	s28 =	sor.u32 s5, s26;
	s23 =	sadd.s32 s2, s23  }
0x354: {  	[hbm4b:s23+s3] =	stream.linear.scatter [tilespmem:s31], [sflag:$0x4], $0x400, $0x38;
	[tilespmem:$0x16800] =	vst v63  }
0x355: {  	s24 =	simm.s32 $0x15400;
	s22 =	sadd.s32 s2, s22;
	s23 =	sshrl.u32 s28, $0x3  }
0x356: {  	[hbm4b:s22+s3] =	stream.linear.scatter [tilespmem:s24], [sflag:$0x4], $0x400, $0x38;
	[tilespmem:$0x16800] =	vst v63  }
0x357: {  	s17 =	sadd.s32 $0x1, s17;
	s29 =	sor.u32 s7, s26;
	s23 =	sadd.s32 s2, s23  }
0x358: {  	[hbm4b:s23+s3] =	stream.linear.scatter [tilespmem:s16], [sflag:$0x4], $0x400, $0x38;
	[tilespmem:$0x16800] =	vst v63  }
0x359: {  	p0 =	sne.s32 s17, $0x19;
	s23 =	sshrl.u32 s29, $0x3  }
0x35a: {  	s30 =	simm.s32 $0x15C00;
	s31 =	sor.u32 s8, s26;
	s23 =	sadd.s32 s2, s23  }
0x35b: {  	[hbm4b:s23+s3] =	stream.linear.scatter [tilespmem:s30], [sflag:$0x4], $0x400, $0x38;
	[tilespmem:$0x16800] =	vst v63  }
.Ltmp8:
0x35c: {  	s22 =	sor.u32 s9, s26;
	s23 =	sshrl.u32 s31, $0x3;
	(pc) =	sbr.rel @p0 .LBB2_2-.Ltmp8, $4  }
0x35d: {  	s22 =	sshrl.u32 s22, $0x3;
	s23 =	sadd.s32 s2, s23  }
0x35e: {  	[hbm4b:s23+s3] =	stream.linear.scatter [tilespmem:s1], [sflag:$0x4], $0x400, $0x38;
	[tilespmem:$0x16800] =	vst v63  }
0x35f: {  	s22 =	sadd.s32 s2, s22  }
0x360: {  	[hbm4b:s22+s3] =	stream.linear.scatter [tilespmem:s0], [sflag:$0x4], $0x400, $0x38;
	[tilespmem:$0x16800] =	vst v63  }
0x361: {  	s17 =	simm.s32 $0x3  }
0x362: {  	_ =	swait.ge [sflag:s17], $0x4000  }
0x363: {  	[sflag:s17] =	ssyncset.done $0x0  }
0x364: {  	[sflag:s17] =	ssyncadd.s32 $0xFFFFC000  }
0x365: {  	_ =	swait.ge [sflag:s13], $0x4000  }
0x366: {  	s22 =	rddreg [dreg:$0x5]  }
0x367: {  	s31 =	rddreg [dreg:$0x4];
	s22 =	sadd.s32 $0x1, s22  }
0x368: {  	p0 =	sne.s32 s22, s31  }
.Ltmp9:
0x369: {  	_ = 	snop;
	(pc) =	sbr.rel @p0 .LBB2_1-.Ltmp9, $3  }
0x36a: {  	_ =	sdelay $0x1  }
0x36b: {  	[sflag:s13] =	ssyncset.done $0x0  }
0x36c: {  	[sflag:s13] =	ssyncadd.s32 $0xFFFFC000  }
0x36d: {  	_ =	sfence.sel $0x180000  }
0x36e: {  	[bflag:$0x0] =	sbarrier.arrive $0xFFFF  }
0x36f: {  	_ =	strace $0x90000047  }
0x370: {  	s0 =	stileid.u32;
	[bflag:$0x2] =	sbarrier.arrive $0xFFFF  }
0x371: {  	p0 =	sne.s32 s0, $0x0;
	s0 =	rddreg [dreg:$0x2]  }
0x372: {  	s0 =	sadd.s32 @!p0 $0x100000, s0  }
0x373: {  	[sflag:s0] =	ssyncadd.tile.s32 @!p0 $0x1;
	_ =	shalt  }
.Lfunc_end2:
_tile_overlayer_lowered:
.L_overlay_start_2:
0x374: {  	(tag) =	ssettag $0x2  }
0x375: {  	s0 =	rddreg [dreg:$0x0];
	s2 =	stileid.u32  }
0x376: {  	s1 =	rddreg [dreg:$0x1];
	p0 =	sne.s32 s2, $0x0  }
0x377: {  	s3 =	rddreg [dreg:$0x2];
	[bflag:$0x3] =	sbarrier.arrive $0xFFFF;
	s2 =	simm.s32 @!p0 $0x1C05  }
0x378: {  	[timem:s3], [sflag:s2] =	dma.local @!p0 [hbm:s0], s1  }
0x379: {  	s0 =	simm.s32 @!p0 $0x5  }
0x37a: {  	_ =	swait.ge @!p0 [sflag:s0], s1  }
0x37b: {  	s1 =	ssub.s32 @!p0 $0x0, s1;
	[sflag:s0] =	ssyncset.done @!p0 $0x0  }
0x37c: {  	[sflag:s0] =	ssyncadd.s32 @!p0 s1  }
0x37d: {  	[bflag:$0x3] =	sbarrier.arrive $0xFFFF  }
0x37e: {  	_ =	shalt  }

</sc_bundles>
